<compile_context>
chip_gen: v7x
topology: tpu7x:2x2x1
jax: 0.10.2.dev20260603
libtpu: 0.0.44.dev20260713+nightly
codegen_flags: <defaults>
</compile_context>

<pallas_src>
import functools

import jax
import jax.numpy as jnp
from jax import lax
from jax.experimental import pallas as pl
from jax.experimental.pallas import tpu as pltpu
from jax.experimental.pallas import tpu_sc as plsc

N_NODES = 10000
N_EDGES = 320000
N_PAIR = 20000
D = 128

NC = 2
NS = 16
NW = NC * NS

EW = N_EDGES // NW
CH = 80
NCHUNK = EW // CH
N_PAD = 10240
RPT = N_PAD // NS

_sc_mesh = plsc.VectorSubcoreMesh(core_axis_name="c", subcore_axis_name="s")


NBUF = 3
SB = 25
NSB = NCHUNK // SB


def _seg_sum_body(x_hbm, src_hbm, dst_hbm, zfeat_hbm, zdeg_hbm,
                  agg_hbm, degw_hbm,
                  srcb_v, dstb_v,
                  rows_v0, rows_v1, rows_v2,
                  dloc_v, acc_s, sem0, sem1, sem2):
    c = lax.axis_index("c")
    s = lax.axis_index("s")
    w = c * NS + s
    rbase = s * RPT
    rows = (rows_v0, rows_v1, rows_v2)
    sems = (sem0, sem1, sem2)
    ones16 = jnp.ones((16,), jnp.float32)

    pltpu.sync_copy(zfeat_hbm, acc_s.at[pl.ds(rbase, RPT)])
    pltpu.sync_copy(zdeg_hbm, dloc_v)
    plsc.subcore_barrier()

    def sblock(g, carry):
        pltpu.sync_copy(src_hbm.at[w, g], srcb_v)
        pltpu.sync_copy(dst_hbm.at[w, g], dstb_v)
        for b in range(NBUF):
            pltpu.async_copy(x_hbm.at[srcb_v.at[b]], rows[b], sems[b])

        def body(gg, carry2):
            for b in range(NBUF):
                kk = gg * NBUF + b

                @pl.when(kk < SB)
                def _():
                    pltpu.make_async_copy(x_hbm.at[srcb_v.at[kk]],
                                          rows[b], sems[b]).wait()
                    for j in range(CH // 16):
                        idx = dstb_v[kk, pl.ds(j * 16, 16)]
                        plsc.addupdate_scatter(dloc_v, [idx], ones16)
                    pltpu.sync_copy(rows[b], acc_s.at[dstb_v.at[kk]], add=True)
                    kn = kk + NBUF

                    @pl.when(kn < SB)
                    def __():
                        pltpu.async_copy(x_hbm.at[srcb_v.at[kn]], rows[b], sems[b])

            return carry2

        lax.fori_loop(0, (SB + NBUF - 1) // NBUF, body, 0)
        return carry

    lax.fori_loop(0, NSB, sblock, 0)
    plsc.subcore_barrier()
    pltpu.sync_copy(acc_s.at[pl.ds(rbase, RPT)], agg_hbm.at[c, pl.ds(rbase, RPT)])
    pltpu.sync_copy(dloc_v, degw_hbm.at[w])


_seg_sum = pl.kernel(
    _seg_sum_body,
    out_type=[jax.ShapeDtypeStruct((NC, N_PAD, D), jnp.float32),
              jax.ShapeDtypeStruct((NW, N_PAD), jnp.float32)],
    mesh=_sc_mesh,
    scratch_types=([pltpu.VMEM((SB, CH), jnp.int32)] * 2
                   + [pltpu.VMEM((CH, D), jnp.float32)] * NBUF
                   + [pltpu.VMEM((N_PAD,), jnp.float32),
                      pltpu.VMEM_SHARED((N_PAD, D), jnp.float32)]
                   + [pltpu.SemaphoreType.DMA] * NBUF),
    compiler_params=pltpu.CompilerParams(needs_layout_passes=False),
)

PCH = 80
NPCHUNK = N_PAIR // PCH
CPW = 8
NPPAD = CPW * NW


def _pair_gather_body(h_hbm, ps_hbm, pd_hbm, ns_hbm, nd_hbm,
                      a_hbm, b_hbm,
                      ia_v, ib_v,
                      a0_v, a1_v, b0_v, b1_v, semA0, semA1, semB0, semB1):
    c = lax.axis_index("c")
    s = lax.axis_index("s")
    w = c * NS + s
    avs = (a0_v, a1_v)
    bvs = (b0_v, b1_v)
    semsA = (semA0, semA1)
    semsB = (semB0, semB1)

    for eset, (src_idx, dst_idx) in enumerate(((ps_hbm, pd_hbm), (ns_hbm, nd_hbm))):
        out_base = eset * N_PAIR
        pltpu.sync_copy(src_idx.at[pl.ds(w * CPW, CPW)], ia_v)
        pltpu.sync_copy(dst_idx.at[pl.ds(w * CPW, CPW)], ib_v)

        def issue(i, b):
            k = w * CPW + i

            @pl.when(k < NPCHUNK)
            def _():
                pltpu.async_copy(h_hbm.at[ia_v.at[i]], avs[b], semsA[b])
                pltpu.async_copy(h_hbm.at[ib_v.at[i]], bvs[b], semsB[b])

        for b in range(2):
            issue(b, b)
        for i in range(CPW):
            b = i & 1
            k = w * CPW + i

            @pl.when(k < NPCHUNK)
            def _():
                off = k * PCH
                pltpu.make_async_copy(h_hbm.at[ia_v.at[i]], avs[b], semsA[b]).wait()
                pltpu.make_async_copy(h_hbm.at[ib_v.at[i]], bvs[b], semsB[b]).wait()
                pltpu.sync_copy(avs[b], a_hbm.at[pl.ds(out_base + off, PCH)])
                pltpu.sync_copy(bvs[b], b_hbm.at[pl.ds(out_base + off, PCH)])

            if i + 2 < CPW:
                issue(i + 2, b)


_pair_gather = pl.kernel(
    _pair_gather_body,
    out_type=[jax.ShapeDtypeStruct((2 * N_PAIR, D), jnp.float32),
              jax.ShapeDtypeStruct((2 * N_PAIR, D), jnp.float32)],
    mesh=_sc_mesh,
    scratch_types=([pltpu.VMEM((CPW, PCH), jnp.int32)] * 2
                   + [pltpu.VMEM((PCH, D), jnp.float32)] * 4
                   + [pltpu.SemaphoreType.DMA] * 4),
)

BM = 2048


def _combine_body(x_ref, aggp_ref, degp_ref, ws_ref, wn_ref, b_ref, o_ref, *, relu):
    agg = aggp_ref[0] + aggp_ref[1]
    deg = jnp.sum(degp_ref[...], axis=0)[:, None]
    hn = agg / jnp.maximum(deg, 1.0)
    acc = jnp.dot(x_ref[...], ws_ref[...], preferred_element_type=jnp.float32)
    acc = acc + jnp.dot(hn, wn_ref[...], preferred_element_type=jnp.float32)
    acc = acc + b_ref[...]
    if relu:
        acc = jnp.maximum(acc, 0.0)
    o_ref[...] = acc


def _make_combine(relu):
    return pl.pallas_call(
        functools.partial(_combine_body, relu=relu),
        grid=(N_PAD // BM,),
        in_specs=[
            pl.BlockSpec((BM, D), lambda i: (i, 0)),
            pl.BlockSpec((NC, BM, D), lambda i: (0, i, 0)),
            pl.BlockSpec((NW, BM), lambda i: (0, i)),
            pl.BlockSpec((D, D), lambda i: (0, 0)),
            pl.BlockSpec((D, D), lambda i: (0, 0)),
            pl.BlockSpec((1, D), lambda i: (0, 0)),
        ],
        out_specs=pl.BlockSpec((BM, D), lambda i: (i, 0)),
        out_shape=jax.ShapeDtypeStruct((N_NODES, D), jnp.float32),
    )


_combine_relu = _make_combine(True)
_combine_lin = _make_combine(False)

BP = 4000


def _mlp_body(a_ref, b_ref, w1_ref, b1_ref, w2_ref, b2_ref, w3_ref, b3_ref, o_ref):
    e = a_ref[...] * b_ref[...]
    t = jnp.dot(e, w1_ref[...], preferred_element_type=jnp.float32) + b1_ref[...]
    t = jnp.maximum(t, 0.0)
    t = jnp.dot(t, w2_ref[...], preferred_element_type=jnp.float32) + b2_ref[...]
    t = jnp.maximum(t, 0.0)
    o_ref[...] = jnp.dot(t, w3_ref[...], preferred_element_type=jnp.float32) + b3_ref[...]


_mlp = pl.pallas_call(
    _mlp_body,
    grid=(2 * N_PAIR // BP,),
    in_specs=[
        pl.BlockSpec((BP, D), lambda i: (i, 0)),
        pl.BlockSpec((BP, D), lambda i: (i, 0)),
        pl.BlockSpec((D, D), lambda i: (0, 0)),
        pl.BlockSpec((1, D), lambda i: (0, 0)),
        pl.BlockSpec((D, D), lambda i: (0, 0)),
        pl.BlockSpec((1, D), lambda i: (0, 0)),
        pl.BlockSpec((D, 1), lambda i: (0, 0)),
        pl.BlockSpec((1, 1), lambda i: (0, 0)),
    ],
    out_specs=pl.BlockSpec((BP, 1), lambda i: (i, 0)),
    out_shape=jax.ShapeDtypeStruct((2 * N_PAIR, 1), jnp.float32),
)


def kernel(x, edge_index_l0, edge_index_l1, pos_edge_index, neg_edge_index,
           Wself0, Wneigh0, b0, Wself1, Wneigh1, b1,
           Wd1, bd1, Wd2, bd2, Wd3, bd3):
    zfeat = jnp.zeros((RPT, D), jnp.float32)
    zdeg = jnp.zeros((N_PAD,), jnp.float32)

    eshape = (NW, NSB, SB, CH)
    src0 = edge_index_l0[0].reshape(eshape)
    dst0 = edge_index_l0[1].reshape(eshape)
    src1 = edge_index_l1[0].reshape(eshape)
    dst1 = edge_index_l1[1].reshape(eshape)

    aggp0, degp0 = _seg_sum(x, src0, dst0, zfeat, zdeg)
    h1 = _combine_relu(x, aggp0, degp0, Wself0.T, Wneigh0.T, b0.reshape(1, D))
    aggp1, degp1 = _seg_sum(h1, src1, dst1, zfeat, zdeg)
    h2 = _combine_lin(h1, aggp1, degp1, Wself1.T, Wneigh1.T, b1.reshape(1, D))
    def _pad_idx(v):
        return jnp.concatenate(
            [v, jnp.zeros((NPPAD * PCH - N_PAIR,), v.dtype)]).reshape(NPPAD // NW * NW, PCH)

    a, b = _pair_gather(h2, _pad_idx(pos_edge_index[0]), _pad_idx(pos_edge_index[1]),
                        _pad_idx(neg_edge_index[0]), _pad_idx(neg_edge_index[1]))
    out = _mlp(a, b, Wd1.T, bd1.reshape(1, D), Wd2.T, bd2.reshape(1, D),
               Wd3.T, bd3.reshape(1, 1))
    return out[:N_PAIR], out[N_PAIR:]

# --- scband reference (transcript-rebuilt; emitter-appended) ---
"""Pipeline reference for scband-graph-sagemodel-11793980195325 (READ-ONLY COPY).

The authoritative reference and input builder live on the scoring server;
editing this copy changes nothing except your own understanding.
"""

import jax, jax.numpy as jnp
import numpy as np

N_NODES = 10000
N_EDGES = 320000
N_PAIR = 20000
D = 128


def setup_inputs(seed: int = 0) -> dict:
    key = jax.random.key(seed)
    ks = jax.random.split(key, 24)
    inp = {}
    inp["x"] = jax.random.normal(ks[0], (N_NODES, D), dtype=jnp.float32)
    inp["edge_index_l0"] = jax.random.randint(ks[1], (2, N_EDGES), 0, N_NODES, dtype=jnp.int32)
    inp["edge_index_l1"] = jax.random.randint(ks[2], (2, N_EDGES), 0, N_NODES, dtype=jnp.int32)
    inp["pos_edge_index"] = jax.random.randint(ks[3], (2, N_PAIR), 0, N_NODES, dtype=jnp.int32)
    inp["neg_edge_index"] = jax.random.randint(ks[4], (2, N_PAIR), 0, N_NODES, dtype=jnp.int32)
    s = 1.0 / np.sqrt(D)
    # SAGEConv layer 0 (in_feats=128 -> hidden=128) and layer 1 (hidden -> hidden)
    inp["Wself0"] = jax.random.uniform(ks[5], (D, D), jnp.float32, -s, s)
    inp["Wneigh0"] = jax.random.uniform(ks[6], (D, D), jnp.float32, -s, s)
    inp["b0"] = jnp.zeros((D,), jnp.float32)
    inp["Wself1"] = jax.random.uniform(ks[7], (D, D), jnp.float32, -s, s)
    inp["Wneigh1"] = jax.random.uniform(ks[8], (D, D), jnp.float32, -s, s)
    inp["b1"] = jnp.zeros((D,), jnp.float32)
    # EdgeDecoder MLP: D->D, D->D, D->1
    inp["Wd1"] = jax.random.uniform(ks[9], (D, D), jnp.float32, -s, s)
    inp["bd1"] = jax.random.uniform(ks[10], (D,), jnp.float32, -s, s)
    inp["Wd2"] = jax.random.uniform(ks[11], (D, D), jnp.float32, -s, s)
    inp["bd2"] = jax.random.uniform(ks[12], (D,), jnp.float32, -s, s)
    inp["Wd3"] = jax.random.uniform(ks[13], (1, D), jnp.float32, -s, s)
    inp["bd3"] = jax.random.uniform(ks[14], (1,), jnp.float32, -s, s)
    return inp


def _sage_conv_mean(h, edge_index, Wself, Wneigh, b):
    src = edge_index[0]
    dst = edge_index[1]
    msgs = jnp.take(h, src, axis=0)
    agg = jax.ops.segment_sum(msgs, dst, num_segments=h.shape[0])
    deg = jax.ops.segment_sum(jnp.ones((edge_index.shape[1],), h.dtype), dst, num_segments=h.shape[0])
    h_neigh = agg / jnp.maximum(deg, 1.0)[:, None]
    return h @ Wself.T + h_neigh @ Wneigh.T + b


def _edge_decoder(h, edge_index, Wd1, bd1, Wd2, bd2, Wd3, bd3):
    src = edge_index[0]
    dst = edge_index[1]
    e = jnp.take(h, src, axis=0) * jnp.take(h, dst, axis=0)
    e = jax.nn.relu(e @ Wd1.T + bd1)
    e = jax.nn.relu(e @ Wd2.T + bd2)
    return e @ Wd3.T + bd3


def reference(x, edge_index_l0, edge_index_l1, pos_edge_index, neg_edge_index,
              Wself0, Wneigh0, b0, Wself1, Wneigh1, b1,
              Wd1, bd1, Wd2, bd2, Wd3, bd3):
    # GraphSAGE encoder: 2 SAGEConv layers, ReLU between (not after last)
    h = _sage_conv_mean(x, edge_index_l0, Wself0, Wneigh0, b0)
    h = jax.nn.relu(h)
    h = _sage_conv_mean(h, edge_index_l1, Wself1, Wneigh1, b1)
    # EdgeDecoder on positive and negative pair graphs
    h_pos = _edge_decoder(h, pos_edge_index, Wd1, bd1, Wd2, bd2, Wd3, bd3)
    h_neg = _edge_decoder(h, neg_edge_index, Wd1, bd1, Wd2, bd2, Wd3, bd3)
    return (h_pos, h_neg)

if __name__ == "__main__":
    import jax
    _d = setup_inputs()
    print(jax.jit(kernel)(*tuple(_d.values())))

</pallas_src>

<mosaic_0001>
#map = affine_map<(d0, d1) -> (0, 0)>
module attributes {stable_mosaic.version = 14 : i64} {
  func.func @_pair_gather_body(%arg0: i32, %arg1: i32, %arg2: memref<10000x128xf32, #tpu.memory_space<hbm>>, %arg3: memref<256x80xi32, #tpu.memory_space<hbm>>, %arg4: memref<256x80xi32, #tpu.memory_space<hbm>>, %arg5: memref<256x80xi32, #tpu.memory_space<hbm>>, %arg6: memref<256x80xi32, #tpu.memory_space<hbm>>, %arg7: memref<40000x128xf32, #tpu.memory_space<hbm>>, %arg8: memref<40000x128xf32, #tpu.memory_space<hbm>>, %arg9: memref<8x80xi32, #tpu.memory_space<vmem>>, %arg10: memref<8x80xi32, #tpu.memory_space<vmem>>, %arg11: memref<80x128xf32, #tpu.memory_space<vmem>>, %arg12: memref<80x128xf32, #tpu.memory_space<vmem>>, %arg13: memref<80x128xf32, #tpu.memory_space<vmem>>, %arg14: memref<80x128xf32, #tpu.memory_space<vmem>>, %arg15: memref<!tpu.dma_semaphore, #tpu.memory_space<semaphore_mem>>, %arg16: memref<!tpu.dma_semaphore, #tpu.memory_space<semaphore_mem>>, %arg17: memref<!tpu.dma_semaphore, #tpu.memory_space<semaphore_mem>>, %arg18: memref<!tpu.dma_semaphore, #tpu.memory_space<semaphore_mem>>) attributes {dimension_semantics = [#tpu.dimension_semantics<core_parallel>, #tpu.dimension_semantics<subcore_parallel>], iteration_bounds = array<i64: 2, 16>, scalar_prefetch = 0 : i64, scratch_operands = 10 : i64, tpu.core_type = #tpu.core_type<sc_vector_subcore>, window_params = [{transform_indices = #map}, {transform_indices = #map}, {transform_indices = #map}, {transform_indices = #map}, {transform_indices = #map}, {transform_indices = #map}, {transform_indices = #map}]} {
    %mul3A = arith.constant 16 : i32
    %mul3A_0 = arith.muli %arg0, %mul3A : i32
    %add3A = arith.addi %mul3A_0, %arg1 : i32
    %mul3A_1 = arith.constant 8 : i32
    %mul3A_2 = arith.muli %add3A, %mul3A_1 : i32
    "tpu.region"() ({
      %run_scoped3A = tpu.sem_alloc : memref<!tpu.dma_semaphore, #tpu.memory_space<semaphore_mem>>
      %dma_start3A = arith.constant 0 : i32
      %dma_start3A_294 = tpu.memref_slice %arg3[%mul3A_2, %dma_start3A] : memref<256x80xi32, #tpu.memory_space<hbm>> -> memref<8x80xi32, #tpu.memory_space<hbm>>
      %dma_start3A_295 = arith.constant 0 : i32
      %dma_start3A_296 = tpu.memref_slice %arg3[%mul3A_2, %dma_start3A_295] : memref<256x80xi32, #tpu.memory_space<hbm>> -> memref<8x80xi32, #tpu.memory_space<hbm>>
      tpu.enqueue_dma source(%dma_start3A_296 : memref<8x80xi32, #tpu.memory_space<hbm>>) target(%arg9 : memref<8x80xi32, #tpu.memory_space<vmem>>) target_semaphore(%run_scoped3A : memref<!tpu.dma_semaphore, #tpu.memory_space<semaphore_mem>>)
      %dma_wait3A = arith.constant 0 : i32
      %dma_wait3A_297 = tpu.memref_slice %arg3[%mul3A_2, %dma_wait3A] : memref<256x80xi32, #tpu.memory_space<hbm>> -> memref<8x80xi32, #tpu.memory_space<hbm>>
      %dma_wait3A_298 = arith.constant 0 : i32
      %dma_wait3A_299 = tpu.memref_slice %arg3[%mul3A_2, %dma_wait3A_298] : memref<256x80xi32, #tpu.memory_space<hbm>> -> memref<8x80xi32, #tpu.memory_space<hbm>>
      tpu.wait_dma2 semaphore(%run_scoped3A : memref<!tpu.dma_semaphore, #tpu.memory_space<semaphore_mem>>) src(%dma_wait3A_299 : memref<8x80xi32, #tpu.memory_space<hbm>>) dst(%arg9 : memref<8x80xi32, #tpu.memory_space<vmem>>)
      tpu.yield
    }) : () -> ()
    %mul3A_3 = arith.constant 8 : i32
    %mul3A_4 = arith.muli %add3A, %mul3A_3 : i32
    "tpu.region"() ({
      %run_scoped3A = tpu.sem_alloc : memref<!tpu.dma_semaphore, #tpu.memory_space<semaphore_mem>>
      %dma_start3A = arith.constant 0 : i32
      %dma_start3A_294 = tpu.memref_slice %arg4[%mul3A_4, %dma_start3A] : memref<256x80xi32, #tpu.memory_space<hbm>> -> memref<8x80xi32, #tpu.memory_space<hbm>>
      %dma_start3A_295 = arith.constant 0 : i32
      %dma_start3A_296 = tpu.memref_slice %arg4[%mul3A_4, %dma_start3A_295] : memref<256x80xi32, #tpu.memory_space<hbm>> -> memref<8x80xi32, #tpu.memory_space<hbm>>
      tpu.enqueue_dma source(%dma_start3A_296 : memref<8x80xi32, #tpu.memory_space<hbm>>) target(%arg10 : memref<8x80xi32, #tpu.memory_space<vmem>>) target_semaphore(%run_scoped3A : memref<!tpu.dma_semaphore, #tpu.memory_space<semaphore_mem>>)
      %dma_wait3A = arith.constant 0 : i32
      %dma_wait3A_297 = tpu.memref_slice %arg4[%mul3A_4, %dma_wait3A] : memref<256x80xi32, #tpu.memory_space<hbm>> -> memref<8x80xi32, #tpu.memory_space<hbm>>
      %dma_wait3A_298 = arith.constant 0 : i32
      %dma_wait3A_299 = tpu.memref_slice %arg4[%mul3A_4, %dma_wait3A_298] : memref<256x80xi32, #tpu.memory_space<hbm>> -> memref<8x80xi32, #tpu.memory_space<hbm>>
      tpu.wait_dma2 semaphore(%run_scoped3A : memref<!tpu.dma_semaphore, #tpu.memory_space<semaphore_mem>>) src(%dma_wait3A_299 : memref<8x80xi32, #tpu.memory_space<hbm>>) dst(%arg10 : memref<8x80xi32, #tpu.memory_space<vmem>>)
      tpu.yield
    }) : () -> ()
    %mul3A_5 = arith.constant 8 : i32
    %mul3A_6 = arith.muli %add3A, %mul3A_5 : i32
    %add3A_7 = arith.constant 0 : i32
    %add3A_8 = arith.addi %mul3A_6, %add3A_7 : i32
    %lt3A = arith.constant 250 : i32
    %lt3A_9 = arith.cmpi slt, %add3A_8, %lt3A : i32
    %convert_element_type3A = arith.extui %lt3A_9 : i1 to i32
    %cond3A = arith.constant 0 : i32
    %cond3A_10 = arith.cmpi ne, %convert_element_type3A, %cond3A : i32
    scf.if %cond3A_10 {
      %dma_start3A = arith.constant 0 : i32
      %dma_start3A_294 = arith.constant 0 : i32
      %dma_start3A_295 = tpu.memref_slice %arg9[%dma_start3A, %dma_start3A_294] : memref<8x80xi32, #tpu.memory_space<vmem>> -> memref<1x80xi32, #tpu.memory_space<vmem>>
      %dma_start3A_296 = tpu.memref_squeeze %dma_start3A_295 : memref<1x80xi32, #tpu.memory_space<vmem>> -> memref<80xi32, #tpu.memory_space<vmem>>
      %dma_start3A_297 = arith.constant 0 : i32
      %dma_start3A_298 = arith.constant 0 : i32
      %dma_start3A_299 = tpu.memref_slice %arg2[%dma_start3A_297, %dma_start3A_298] : memref<10000x128xf32, #tpu.memory_space<hbm>> -> memref<10000x128xf32, #tpu.memory_space<hbm>>
      tpu.enqueue_indirect_dma source(%dma_start3A_299 : memref<10000x128xf32, #tpu.memory_space<hbm>>) target(%arg11 : memref<80x128xf32, #tpu.memory_space<vmem>>) offsets(%dma_start3A_296 : memref<80xi32, #tpu.memory_space<vmem>>) semaphore(%arg15 : memref<!tpu.dma_semaphore, #tpu.memory_space<semaphore_mem>>)
      %dma_start3A_300 = arith.constant 0 : i32
      %dma_start3A_301 = arith.constant 0 : i32
      %dma_start3A_302 = tpu.memref_slice %arg10[%dma_start3A_300, %dma_start3A_301] : memref<8x80xi32, #tpu.memory_space<vmem>> -> memref<1x80xi32, #tpu.memory_space<vmem>>
      %dma_start3A_303 = tpu.memref_squeeze %dma_start3A_302 : memref<1x80xi32, #tpu.memory_space<vmem>> -> memref<80xi32, #tpu.memory_space<vmem>>
      %dma_start3A_304 = arith.constant 0 : i32
      %dma_start3A_305 = arith.constant 0 : i32
      %dma_start3A_306 = tpu.memref_slice %arg2[%dma_start3A_304, %dma_start3A_305] : memref<10000x128xf32, #tpu.memory_space<hbm>> -> memref<10000x128xf32, #tpu.memory_space<hbm>>
      tpu.enqueue_indirect_dma source(%dma_start3A_306 : memref<10000x128xf32, #tpu.memory_space<hbm>>) target(%arg13 : memref<80x128xf32, #tpu.memory_space<vmem>>) offsets(%dma_start3A_303 : memref<80xi32, #tpu.memory_space<vmem>>) semaphore(%arg17 : memref<!tpu.dma_semaphore, #tpu.memory_space<semaphore_mem>>)
    } else {
    }
    %mul3A_11 = arith.constant 8 : i32
    %mul3A_12 = arith.muli %add3A, %mul3A_11 : i32
    %add3A_13 = arith.constant 1 : i32
    %add3A_14 = arith.addi %mul3A_12, %add3A_13 : i32
    %lt3A_15 = arith.constant 250 : i32
    %lt3A_16 = arith.cmpi slt, %add3A_14, %lt3A_15 : i32
    %convert_element_type3A_17 = arith.extui %lt3A_16 : i1 to i32
    %cond3A_18 = arith.constant 0 : i32
    %cond3A_19 = arith.cmpi ne, %convert_element_type3A_17, %cond3A_18 : i32
    scf.if %cond3A_19 {
      %dma_start3A = arith.constant 1 : i32
      %dma_start3A_294 = arith.constant 0 : i32
      %dma_start3A_295 = tpu.memref_slice %arg9[%dma_start3A, %dma_start3A_294] : memref<8x80xi32, #tpu.memory_space<vmem>> -> memref<1x80xi32, #tpu.memory_space<vmem>>
      %dma_start3A_296 = tpu.memref_squeeze %dma_start3A_295 : memref<1x80xi32, #tpu.memory_space<vmem>> -> memref<80xi32, #tpu.memory_space<vmem>>
      %dma_start3A_297 = arith.constant 0 : i32
      %dma_start3A_298 = arith.constant 0 : i32
      %dma_start3A_299 = tpu.memref_slice %arg2[%dma_start3A_297, %dma_start3A_298] : memref<10000x128xf32, #tpu.memory_space<hbm>> -> memref<10000x128xf32, #tpu.memory_space<hbm>>
      tpu.enqueue_indirect_dma source(%dma_start3A_299 : memref<10000x128xf32, #tpu.memory_space<hbm>>) target(%arg12 : memref<80x128xf32, #tpu.memory_space<vmem>>) offsets(%dma_start3A_296 : memref<80xi32, #tpu.memory_space<vmem>>) semaphore(%arg16 : memref<!tpu.dma_semaphore, #tpu.memory_space<semaphore_mem>>)
      %dma_start3A_300 = arith.constant 1 : i32
      %dma_start3A_301 = arith.constant 0 : i32
      %dma_start3A_302 = tpu.memref_slice %arg10[%dma_start3A_300, %dma_start3A_301] : memref<8x80xi32, #tpu.memory_space<vmem>> -> memref<1x80xi32, #tpu.memory_space<vmem>>
      %dma_start3A_303 = tpu.memref_squeeze %dma_start3A_302 : memref<1x80xi32, #tpu.memory_space<vmem>> -> memref<80xi32, #tpu.memory_space<vmem>>
      %dma_start3A_304 = arith.constant 0 : i32
      %dma_start3A_305 = arith.constant 0 : i32
      %dma_start3A_306 = tpu.memref_slice %arg2[%dma_start3A_304, %dma_start3A_305] : memref<10000x128xf32, #tpu.memory_space<hbm>> -> memref<10000x128xf32, #tpu.memory_space<hbm>>
      tpu.enqueue_indirect_dma source(%dma_start3A_306 : memref<10000x128xf32, #tpu.memory_space<hbm>>) target(%arg14 : memref<80x128xf32, #tpu.memory_space<vmem>>) offsets(%dma_start3A_303 : memref<80xi32, #tpu.memory_space<vmem>>) semaphore(%arg18 : memref<!tpu.dma_semaphore, #tpu.memory_space<semaphore_mem>>)
    } else {
    }
    %mul3A_20 = arith.constant 8 : i32
    %mul3A_21 = arith.muli %add3A, %mul3A_20 : i32
    %add3A_22 = arith.constant 0 : i32
    %add3A_23 = arith.addi %mul3A_21, %add3A_22 : i32
    %lt3A_24 = arith.constant 250 : i32
    %lt3A_25 = arith.cmpi slt, %add3A_23, %lt3A_24 : i32
    %convert_element_type3A_26 = arith.extui %lt3A_25 : i1 to i32
    %cond3A_27 = arith.constant 0 : i32
    %cond3A_28 = arith.cmpi ne, %convert_element_type3A_26, %cond3A_27 : i32
    scf.if %cond3A_28 {
      %mul3A_294 = arith.constant 80 : i32
      %mul3A_295 = arith.muli %add3A_23, %mul3A_294 : i32
      %dma_wait3A = arith.constant 0 : i32
      %dma_wait3A_296 = arith.constant 0 : i32
      %dma_wait3A_297 = tpu.memref_slice %arg9[%dma_wait3A, %dma_wait3A_296] : memref<8x80xi32, #tpu.memory_space<vmem>> -> memref<1x80xi32, #tpu.memory_space<vmem>>
      %dma_wait3A_298 = tpu.memref_squeeze %dma_wait3A_297 : memref<1x80xi32, #tpu.memory_space<vmem>> -> memref<80xi32, #tpu.memory_space<vmem>>
      %dma_wait3A_299 = arith.constant 0 : i32
      %dma_wait3A_300 = arith.constant 0 : i32
      %dma_wait3A_301 = tpu.memref_slice %arg2[%dma_wait3A_299, %dma_wait3A_300] : memref<10000x128xf32, #tpu.memory_space<hbm>> -> memref<10000x128xf32, #tpu.memory_space<hbm>>
      tpu.wait_indirect_dma semaphore(%arg15 : memref<!tpu.dma_semaphore, #tpu.memory_space<semaphore_mem>>) src(%dma_wait3A_301 : memref<10000x128xf32, #tpu.memory_space<hbm>>) dst(%arg11 : memref<80x128xf32, #tpu.memory_space<vmem>>)
      %dma_wait3A_302 = arith.constant 0 : i32
      %dma_wait3A_303 = arith.constant 0 : i32
      %dma_wait3A_304 = tpu.memref_slice %arg10[%dma_wait3A_302, %dma_wait3A_303] : memref<8x80xi32, #tpu.memory_space<vmem>> -> memref<1x80xi32, #tpu.memory_space<vmem>>
      %dma_wait3A_305 = tpu.memref_squeeze %dma_wait3A_304 : memref<1x80xi32, #tpu.memory_space<vmem>> -> memref<80xi32, #tpu.memory_space<vmem>>
      %dma_wait3A_306 = arith.constant 0 : i32
      %dma_wait3A_307 = arith.constant 0 : i32
      %dma_wait3A_308 = tpu.memref_slice %arg2[%dma_wait3A_306, %dma_wait3A_307] : memref<10000x128xf32, #tpu.memory_space<hbm>> -> memref<10000x128xf32, #tpu.memory_space<hbm>>
      tpu.wait_indirect_dma semaphore(%arg17 : memref<!tpu.dma_semaphore, #tpu.memory_space<semaphore_mem>>) src(%dma_wait3A_308 : memref<10000x128xf32, #tpu.memory_space<hbm>>) dst(%arg13 : memref<80x128xf32, #tpu.memory_space<vmem>>)
      %add3A_309 = arith.constant 0 : i32
      %add3A_310 = arith.addi %add3A_309, %mul3A_295 : i32
      "tpu.region"() ({
        %run_scoped3A = tpu.sem_alloc : memref<!tpu.dma_semaphore, #tpu.memory_space<semaphore_mem>>
        %dma_start3A = arith.constant 0 : i32
        %dma_start3A_313 = tpu.memref_slice %arg7[%add3A_310, %dma_start3A] : memref<40000x128xf32, #tpu.memory_space<hbm>> -> memref<80x128xf32, #tpu.memory_space<hbm>>
        %dma_start3A_314 = arith.constant 0 : i32
        %dma_start3A_315 = tpu.memref_slice %arg7[%add3A_310, %dma_start3A_314] : memref<40000x128xf32, #tpu.memory_space<hbm>> -> memref<80x128xf32, #tpu.memory_space<hbm>>
        tpu.enqueue_dma source(%arg11 : memref<80x128xf32, #tpu.memory_space<vmem>>) target(%dma_start3A_315 : memref<80x128xf32, #tpu.memory_space<hbm>>) target_semaphore(%run_scoped3A : memref<!tpu.dma_semaphore, #tpu.memory_space<semaphore_mem>>)
        %dma_wait3A_316 = arith.constant 0 : i32
        %dma_wait3A_317 = tpu.memref_slice %arg7[%add3A_310, %dma_wait3A_316] : memref<40000x128xf32, #tpu.memory_space<hbm>> -> memref<80x128xf32, #tpu.memory_space<hbm>>
        %dma_wait3A_318 = arith.constant 0 : i32
        %dma_wait3A_319 = tpu.memref_slice %arg7[%add3A_310, %dma_wait3A_318] : memref<40000x128xf32, #tpu.memory_space<hbm>> -> memref<80x128xf32, #tpu.memory_space<hbm>>
        tpu.wait_dma2 semaphore(%run_scoped3A : memref<!tpu.dma_semaphore, #tpu.memory_space<semaphore_mem>>) src(%arg11 : memref<80x128xf32, #tpu.memory_space<vmem>>) dst(%dma_wait3A_319 : memref<80x128xf32, #tpu.memory_space<hbm>>)
        tpu.yield
      }) : () -> ()
      %add3A_311 = arith.constant 0 : i32
      %add3A_312 = arith.addi %add3A_311, %mul3A_295 : i32
      "tpu.region"() ({
        %run_scoped3A = tpu.sem_alloc : memref<!tpu.dma_semaphore, #tpu.memory_space<semaphore_mem>>
        %dma_start3A = arith.constant 0 : i32
        %dma_start3A_313 = tpu.memref_slice %arg8[%add3A_312, %dma_start3A] : memref<40000x128xf32, #tpu.memory_space<hbm>> -> memref<80x128xf32, #tpu.memory_space<hbm>>
        %dma_start3A_314 = arith.constant 0 : i32
        %dma_start3A_315 = tpu.memref_slice %arg8[%add3A_312, %dma_start3A_314] : memref<40000x128xf32, #tpu.memory_space<hbm>> -> memref<80x128xf32, #tpu.memory_space<hbm>>
        tpu.enqueue_dma source(%arg13 : memref<80x128xf32, #tpu.memory_space<vmem>>) target(%dma_start3A_315 : memref<80x128xf32, #tpu.memory_space<hbm>>) target_semaphore(%run_scoped3A : memref<!tpu.dma_semaphore, #tpu.memory_space<semaphore_mem>>)
        %dma_wait3A_316 = arith.constant 0 : i32
        %dma_wait3A_317 = tpu.memref_slice %arg8[%add3A_312, %dma_wait3A_316] : memref<40000x128xf32, #tpu.memory_space<hbm>> -> memref<80x128xf32, #tpu.memory_space<hbm>>
        %dma_wait3A_318 = arith.constant 0 : i32
        %dma_wait3A_319 = tpu.memref_slice %arg8[%add3A_312, %dma_wait3A_318] : memref<40000x128xf32, #tpu.memory_space<hbm>> -> memref<80x128xf32, #tpu.memory_space<hbm>>
        tpu.wait_dma2 semaphore(%run_scoped3A : memref<!tpu.dma_semaphore, #tpu.memory_space<semaphore_mem>>) src(%arg13 : memref<80x128xf32, #tpu.memory_space<vmem>>) dst(%dma_wait3A_319 : memref<80x128xf32, #tpu.memory_space<hbm>>)
        tpu.yield
      }) : () -> ()
    } else {
    }
    %mul3A_29 = arith.constant 8 : i32
    %mul3A_30 = arith.muli %add3A, %mul3A_29 : i32
    %add3A_31 = arith.constant 2 : i32
    %add3A_32 = arith.addi %mul3A_30, %add3A_31 : i32
    %lt3A_33 = arith.constant 250 : i32
    %lt3A_34 = arith.cmpi slt, %add3A_32, %lt3A_33 : i32
    %convert_element_type3A_35 = arith.extui %lt3A_34 : i1 to i32
    %cond3A_36 = arith.constant 0 : i32
    %cond3A_37 = arith.cmpi ne, %convert_element_type3A_35, %cond3A_36 : i32
    scf.if %cond3A_37 {
      %dma_start3A = arith.constant 2 : i32
      %dma_start3A_294 = arith.constant 0 : i32
      %dma_start3A_295 = tpu.memref_slice %arg9[%dma_start3A, %dma_start3A_294] : memref<8x80xi32, #tpu.memory_space<vmem>> -> memref<1x80xi32, #tpu.memory_space<vmem>>
      %dma_start3A_296 = tpu.memref_squeeze %dma_start3A_295 : memref<1x80xi32, #tpu.memory_space<vmem>> -> memref<80xi32, #tpu.memory_space<vmem>>
      %dma_start3A_297 = arith.constant 0 : i32
      %dma_start3A_298 = arith.constant 0 : i32
      %dma_start3A_299 = tpu.memref_slice %arg2[%dma_start3A_297, %dma_start3A_298] : memref<10000x128xf32, #tpu.memory_space<hbm>> -> memref<10000x128xf32, #tpu.memory_space<hbm>>
      tpu.enqueue_indirect_dma source(%dma_start3A_299 : memref<10000x128xf32, #tpu.memory_space<hbm>>) target(%arg11 : memref<80x128xf32, #tpu.memory_space<vmem>>) offsets(%dma_start3A_296 : memref<80xi32, #tpu.memory_space<vmem>>) semaphore(%arg15 : memref<!tpu.dma_semaphore, #tpu.memory_space<semaphore_mem>>)
      %dma_start3A_300 = arith.constant 2 : i32
      %dma_start3A_301 = arith.constant 0 : i32
      %dma_start3A_302 = tpu.memref_slice %arg10[%dma_start3A_300, %dma_start3A_301] : memref<8x80xi32, #tpu.memory_space<vmem>> -> memref<1x80xi32, #tpu.memory_space<vmem>>
      %dma_start3A_303 = tpu.memref_squeeze %dma_start3A_302 : memref<1x80xi32, #tpu.memory_space<vmem>> -> memref<80xi32, #tpu.memory_space<vmem>>
      %dma_start3A_304 = arith.constant 0 : i32
      %dma_start3A_305 = arith.constant 0 : i32
      %dma_start3A_306 = tpu.memref_slice %arg2[%dma_start3A_304, %dma_start3A_305] : memref<10000x128xf32, #tpu.memory_space<hbm>> -> memref<10000x128xf32, #tpu.memory_space<hbm>>
      tpu.enqueue_indirect_dma source(%dma_start3A_306 : memref<10000x128xf32, #tpu.memory_space<hbm>>) target(%arg13 : memref<80x128xf32, #tpu.memory_space<vmem>>) offsets(%dma_start3A_303 : memref<80xi32, #tpu.memory_space<vmem>>) semaphore(%arg17 : memref<!tpu.dma_semaphore, #tpu.memory_space<semaphore_mem>>)
    } else {
    }
    %mul3A_38 = arith.constant 8 : i32
    %mul3A_39 = arith.muli %add3A, %mul3A_38 : i32
    %add3A_40 = arith.constant 1 : i32
    %add3A_41 = arith.addi %mul3A_39, %add3A_40 : i32
    %lt3A_42 = arith.constant 250 : i32
    %lt3A_43 = arith.cmpi slt, %add3A_41, %lt3A_42 : i32
    %convert_element_type3A_44 = arith.extui %lt3A_43 : i1 to i32
    %cond3A_45 = arith.constant 0 : i32
    %cond3A_46 = arith.cmpi ne, %convert_element_type3A_44, %cond3A_45 : i32
    scf.if %cond3A_46 {
      %mul3A_294 = arith.constant 80 : i32
      %mul3A_295 = arith.muli %add3A_41, %mul3A_294 : i32
      %dma_wait3A = arith.constant 1 : i32
      %dma_wait3A_296 = arith.constant 0 : i32
      %dma_wait3A_297 = tpu.memref_slice %arg9[%dma_wait3A, %dma_wait3A_296] : memref<8x80xi32, #tpu.memory_space<vmem>> -> memref<1x80xi32, #tpu.memory_space<vmem>>
      %dma_wait3A_298 = tpu.memref_squeeze %dma_wait3A_297 : memref<1x80xi32, #tpu.memory_space<vmem>> -> memref<80xi32, #tpu.memory_space<vmem>>
      %dma_wait3A_299 = arith.constant 0 : i32
      %dma_wait3A_300 = arith.constant 0 : i32
      %dma_wait3A_301 = tpu.memref_slice %arg2[%dma_wait3A_299, %dma_wait3A_300] : memref<10000x128xf32, #tpu.memory_space<hbm>> -> memref<10000x128xf32, #tpu.memory_space<hbm>>
      tpu.wait_indirect_dma semaphore(%arg16 : memref<!tpu.dma_semaphore, #tpu.memory_space<semaphore_mem>>) src(%dma_wait3A_301 : memref<10000x128xf32, #tpu.memory_space<hbm>>) dst(%arg12 : memref<80x128xf32, #tpu.memory_space<vmem>>)
      %dma_wait3A_302 = arith.constant 1 : i32
      %dma_wait3A_303 = arith.constant 0 : i32
      %dma_wait3A_304 = tpu.memref_slice %arg10[%dma_wait3A_302, %dma_wait3A_303] : memref<8x80xi32, #tpu.memory_space<vmem>> -> memref<1x80xi32, #tpu.memory_space<vmem>>
      %dma_wait3A_305 = tpu.memref_squeeze %dma_wait3A_304 : memref<1x80xi32, #tpu.memory_space<vmem>> -> memref<80xi32, #tpu.memory_space<vmem>>
      %dma_wait3A_306 = arith.constant 0 : i32
      %dma_wait3A_307 = arith.constant 0 : i32
      %dma_wait3A_308 = tpu.memref_slice %arg2[%dma_wait3A_306, %dma_wait3A_307] : memref<10000x128xf32, #tpu.memory_space<hbm>> -> memref<10000x128xf32, #tpu.memory_space<hbm>>
      tpu.wait_indirect_dma semaphore(%arg18 : memref<!tpu.dma_semaphore, #tpu.memory_space<semaphore_mem>>) src(%dma_wait3A_308 : memref<10000x128xf32, #tpu.memory_space<hbm>>) dst(%arg14 : memref<80x128xf32, #tpu.memory_space<vmem>>)
      %add3A_309 = arith.constant 0 : i32
      %add3A_310 = arith.addi %add3A_309, %mul3A_295 : i32
      "tpu.region"() ({
        %run_scoped3A = tpu.sem_alloc : memref<!tpu.dma_semaphore, #tpu.memory_space<semaphore_mem>>
        %dma_start3A = arith.constant 0 : i32
        %dma_start3A_313 = tpu.memref_slice %arg7[%add3A_310, %dma_start3A] : memref<40000x128xf32, #tpu.memory_space<hbm>> -> memref<80x128xf32, #tpu.memory_space<hbm>>
        %dma_start3A_314 = arith.constant 0 : i32
        %dma_start3A_315 = tpu.memref_slice %arg7[%add3A_310, %dma_start3A_314] : memref<40000x128xf32, #tpu.memory_space<hbm>> -> memref<80x128xf32, #tpu.memory_space<hbm>>
        tpu.enqueue_dma source(%arg12 : memref<80x128xf32, #tpu.memory_space<vmem>>) target(%dma_start3A_315 : memref<80x128xf32, #tpu.memory_space<hbm>>) target_semaphore(%run_scoped3A : memref<!tpu.dma_semaphore, #tpu.memory_space<semaphore_mem>>)
        %dma_wait3A_316 = arith.constant 0 : i32
        %dma_wait3A_317 = tpu.memref_slice %arg7[%add3A_310, %dma_wait3A_316] : memref<40000x128xf32, #tpu.memory_space<hbm>> -> memref<80x128xf32, #tpu.memory_space<hbm>>
        %dma_wait3A_318 = arith.constant 0 : i32
        %dma_wait3A_319 = tpu.memref_slice %arg7[%add3A_310, %dma_wait3A_318] : memref<40000x128xf32, #tpu.memory_space<hbm>> -> memref<80x128xf32, #tpu.memory_space<hbm>>
        tpu.wait_dma2 semaphore(%run_scoped3A : memref<!tpu.dma_semaphore, #tpu.memory_space<semaphore_mem>>) src(%arg12 : memref<80x128xf32, #tpu.memory_space<vmem>>) dst(%dma_wait3A_319 : memref<80x128xf32, #tpu.memory_space<hbm>>)
        tpu.yield
      }) : () -> ()
      %add3A_311 = arith.constant 0 : i32
      %add3A_312 = arith.addi %add3A_311, %mul3A_295 : i32
      "tpu.region"() ({
        %run_scoped3A = tpu.sem_alloc : memref<!tpu.dma_semaphore, #tpu.memory_space<semaphore_mem>>
        %dma_start3A = arith.constant 0 : i32
        %dma_start3A_313 = tpu.memref_slice %arg8[%add3A_312, %dma_start3A] : memref<40000x128xf32, #tpu.memory_space<hbm>> -> memref<80x128xf32, #tpu.memory_space<hbm>>
        %dma_start3A_314 = arith.constant 0 : i32
        %dma_start3A_315 = tpu.memref_slice %arg8[%add3A_312, %dma_start3A_314] : memref<40000x128xf32, #tpu.memory_space<hbm>> -> memref<80x128xf32, #tpu.memory_space<hbm>>
        tpu.enqueue_dma source(%arg14 : memref<80x128xf32, #tpu.memory_space<vmem>>) target(%dma_start3A_315 : memref<80x128xf32, #tpu.memory_space<hbm>>) target_semaphore(%run_scoped3A : memref<!tpu.dma_semaphore, #tpu.memory_space<semaphore_mem>>)
        %dma_wait3A_316 = arith.constant 0 : i32
        %dma_wait3A_317 = tpu.memref_slice %arg8[%add3A_312, %dma_wait3A_316] : memref<40000x128xf32, #tpu.memory_space<hbm>> -> memref<80x128xf32, #tpu.memory_space<hbm>>
        %dma_wait3A_318 = arith.constant 0 : i32
        %dma_wait3A_319 = tpu.memref_slice %arg8[%add3A_312, %dma_wait3A_318] : memref<40000x128xf32, #tpu.memory_space<hbm>> -> memref<80x128xf32, #tpu.memory_space<hbm>>
        tpu.wait_dma2 semaphore(%run_scoped3A : memref<!tpu.dma_semaphore, #tpu.memory_space<semaphore_mem>>) src(%arg14 : memref<80x128xf32, #tpu.memory_space<vmem>>) dst(%dma_wait3A_319 : memref<80x128xf32, #tpu.memory_space<hbm>>)
        tpu.yield
      }) : () -> ()
    } else {
    }
    %mul3A_47 = arith.constant 8 : i32
    %mul3A_48 = arith.muli %add3A, %mul3A_47 : i32
    %add3A_49 = arith.constant 3 : i32
    %add3A_50 = arith.addi %mul3A_48, %add3A_49 : i32
    %lt3A_51 = arith.constant 250 : i32
    %lt3A_52 = arith.cmpi slt, %add3A_50, %lt3A_51 : i32
    %convert_element_type3A_53 = arith.extui %lt3A_52 : i1 to i32
    %cond3A_54 = arith.constant 0 : i32
    %cond3A_55 = arith.cmpi ne, %convert_element_type3A_53, %cond3A_54 : i32
    scf.if %cond3A_55 {
      %dma_start3A = arith.constant 3 : i32
      %dma_start3A_294 = arith.constant 0 : i32
      %dma_start3A_295 = tpu.memref_slice %arg9[%dma_start3A, %dma_start3A_294] : memref<8x80xi32, #tpu.memory_space<vmem>> -> memref<1x80xi32, #tpu.memory_space<vmem>>
      %dma_start3A_296 = tpu.memref_squeeze %dma_start3A_295 : memref<1x80xi32, #tpu.memory_space<vmem>> -> memref<80xi32, #tpu.memory_space<vmem>>
      %dma_start3A_297 = arith.constant 0 : i32
      %dma_start3A_298 = arith.constant 0 : i32
      %dma_start3A_299 = tpu.memref_slice %arg2[%dma_start3A_297, %dma_start3A_298] : memref<10000x128xf32, #tpu.memory_space<hbm>> -> memref<10000x128xf32, #tpu.memory_space<hbm>>
      tpu.enqueue_indirect_dma source(%dma_start3A_299 : memref<10000x128xf32, #tpu.memory_space<hbm>>) target(%arg12 : memref<80x128xf32, #tpu.memory_space<vmem>>) offsets(%dma_start3A_296 : memref<80xi32, #tpu.memory_space<vmem>>) semaphore(%arg16 : memref<!tpu.dma_semaphore, #tpu.memory_space<semaphore_mem>>)
      %dma_start3A_300 = arith.constant 3 : i32
      %dma_start3A_301 = arith.constant 0 : i32
      %dma_start3A_302 = tpu.memref_slice %arg10[%dma_start3A_300, %dma_start3A_301] : memref<8x80xi32, #tpu.memory_space<vmem>> -> memref<1x80xi32, #tpu.memory_space<vmem>>
      %dma_start3A_303 = tpu.memref_squeeze %dma_start3A_302 : memref<1x80xi32, #tpu.memory_space<vmem>> -> memref<80xi32, #tpu.memory_space<vmem>>
      %dma_start3A_304 = arith.constant 0 : i32
      %dma_start3A_305 = arith.constant 0 : i32
      %dma_start3A_306 = tpu.memref_slice %arg2[%dma_start3A_304, %dma_start3A_305] : memref<10000x128xf32, #tpu.memory_space<hbm>> -> memref<10000x128xf32, #tpu.memory_space<hbm>>
      tpu.enqueue_indirect_dma source(%dma_start3A_306 : memref<10000x128xf32, #tpu.memory_space<hbm>>) target(%arg14 : memref<80x128xf32, #tpu.memory_space<vmem>>) offsets(%dma_start3A_303 : memref<80xi32, #tpu.memory_space<vmem>>) semaphore(%arg18 : memref<!tpu.dma_semaphore, #tpu.memory_space<semaphore_mem>>)
    } else {
    }
    %mul3A_56 = arith.constant 8 : i32
    %mul3A_57 = arith.muli %add3A, %mul3A_56 : i32
    %add3A_58 = arith.constant 2 : i32
    %add3A_59 = arith.addi %mul3A_57, %add3A_58 : i32
    %lt3A_60 = arith.constant 250 : i32
    %lt3A_61 = arith.cmpi slt, %add3A_59, %lt3A_60 : i32
    %convert_element_type3A_62 = arith.extui %lt3A_61 : i1 to i32
    %cond3A_63 = arith.constant 0 : i32
    %cond3A_64 = arith.cmpi ne, %convert_element_type3A_62, %cond3A_63 : i32
    scf.if %cond3A_64 {
      %mul3A_294 = arith.constant 80 : i32
      %mul3A_295 = arith.muli %add3A_59, %mul3A_294 : i32
      %dma_wait3A = arith.constant 2 : i32
      %dma_wait3A_296 = arith.constant 0 : i32
      %dma_wait3A_297 = tpu.memref_slice %arg9[%dma_wait3A, %dma_wait3A_296] : memref<8x80xi32, #tpu.memory_space<vmem>> -> memref<1x80xi32, #tpu.memory_space<vmem>>
      %dma_wait3A_298 = tpu.memref_squeeze %dma_wait3A_297 : memref<1x80xi32, #tpu.memory_space<vmem>> -> memref<80xi32, #tpu.memory_space<vmem>>
      %dma_wait3A_299 = arith.constant 0 : i32
      %dma_wait3A_300 = arith.constant 0 : i32
      %dma_wait3A_301 = tpu.memref_slice %arg2[%dma_wait3A_299, %dma_wait3A_300] : memref<10000x128xf32, #tpu.memory_space<hbm>> -> memref<10000x128xf32, #tpu.memory_space<hbm>>
      tpu.wait_indirect_dma semaphore(%arg15 : memref<!tpu.dma_semaphore, #tpu.memory_space<semaphore_mem>>) src(%dma_wait3A_301 : memref<10000x128xf32, #tpu.memory_space<hbm>>) dst(%arg11 : memref<80x128xf32, #tpu.memory_space<vmem>>)
      %dma_wait3A_302 = arith.constant 2 : i32
      %dma_wait3A_303 = arith.constant 0 : i32
      %dma_wait3A_304 = tpu.memref_slice %arg10[%dma_wait3A_302, %dma_wait3A_303] : memref<8x80xi32, #tpu.memory_space<vmem>> -> memref<1x80xi32, #tpu.memory_space<vmem>>
      %dma_wait3A_305 = tpu.memref_squeeze %dma_wait3A_304 : memref<1x80xi32, #tpu.memory_space<vmem>> -> memref<80xi32, #tpu.memory_space<vmem>>
      %dma_wait3A_306 = arith.constant 0 : i32
      %dma_wait3A_307 = arith.constant 0 : i32
      %dma_wait3A_308 = tpu.memref_slice %arg2[%dma_wait3A_306, %dma_wait3A_307] : memref<10000x128xf32, #tpu.memory_space<hbm>> -> memref<10000x128xf32, #tpu.memory_space<hbm>>
      tpu.wait_indirect_dma semaphore(%arg17 : memref<!tpu.dma_semaphore, #tpu.memory_space<semaphore_mem>>) src(%dma_wait3A_308 : memref<10000x128xf32, #tpu.memory_space<hbm>>) dst(%arg13 : memref<80x128xf32, #tpu.memory_space<vmem>>)
      %add3A_309 = arith.constant 0 : i32
      %add3A_310 = arith.addi %add3A_309, %mul3A_295 : i32
      "tpu.region"() ({
        %run_scoped3A = tpu.sem_alloc : memref<!tpu.dma_semaphore, #tpu.memory_space<semaphore_mem>>
        %dma_start3A = arith.constant 0 : i32
        %dma_start3A_313 = tpu.memref_slice %arg7[%add3A_310, %dma_start3A] : memref<40000x128xf32, #tpu.memory_space<hbm>> -> memref<80x128xf32, #tpu.memory_space<hbm>>
        %dma_start3A_314 = arith.constant 0 : i32
        %dma_start3A_315 = tpu.memref_slice %arg7[%add3A_310, %dma_start3A_314] : memref<40000x128xf32, #tpu.memory_space<hbm>> -> memref<80x128xf32, #tpu.memory_space<hbm>>
        tpu.enqueue_dma source(%arg11 : memref<80x128xf32, #tpu.memory_space<vmem>>) target(%dma_start3A_315 : memref<80x128xf32, #tpu.memory_space<hbm>>) target_semaphore(%run_scoped3A : memref<!tpu.dma_semaphore, #tpu.memory_space<semaphore_mem>>)
        %dma_wait3A_316 = arith.constant 0 : i32
        %dma_wait3A_317 = tpu.memref_slice %arg7[%add3A_310, %dma_wait3A_316] : memref<40000x128xf32, #tpu.memory_space<hbm>> -> memref<80x128xf32, #tpu.memory_space<hbm>>
        %dma_wait3A_318 = arith.constant 0 : i32
        %dma_wait3A_319 = tpu.memref_slice %arg7[%add3A_310, %dma_wait3A_318] : memref<40000x128xf32, #tpu.memory_space<hbm>> -> memref<80x128xf32, #tpu.memory_space<hbm>>
        tpu.wait_dma2 semaphore(%run_scoped3A : memref<!tpu.dma_semaphore, #tpu.memory_space<semaphore_mem>>) src(%arg11 : memref<80x128xf32, #tpu.memory_space<vmem>>) dst(%dma_wait3A_319 : memref<80x128xf32, #tpu.memory_space<hbm>>)
        tpu.yield
      }) : () -> ()
      %add3A_311 = arith.constant 0 : i32
      %add3A_312 = arith.addi %add3A_311, %mul3A_295 : i32
      "tpu.region"() ({
        %run_scoped3A = tpu.sem_alloc : memref<!tpu.dma_semaphore, #tpu.memory_space<semaphore_mem>>
        %dma_start3A = arith.constant 0 : i32
        %dma_start3A_313 = tpu.memref_slice %arg8[%add3A_312, %dma_start3A] : memref<40000x128xf32, #tpu.memory_space<hbm>> -> memref<80x128xf32, #tpu.memory_space<hbm>>
        %dma_start3A_314 = arith.constant 0 : i32
        %dma_start3A_315 = tpu.memref_slice %arg8[%add3A_312, %dma_start3A_314] : memref<40000x128xf32, #tpu.memory_space<hbm>> -> memref<80x128xf32, #tpu.memory_space<hbm>>
        tpu.enqueue_dma source(%arg13 : memref<80x128xf32, #tpu.memory_space<vmem>>) target(%dma_start3A_315 : memref<80x128xf32, #tpu.memory_space<hbm>>) target_semaphore(%run_scoped3A : memref<!tpu.dma_semaphore, #tpu.memory_space<semaphore_mem>>)
        %dma_wait3A_316 = arith.constant 0 : i32
        %dma_wait3A_317 = tpu.memref_slice %arg8[%add3A_312, %dma_wait3A_316] : memref<40000x128xf32, #tpu.memory_space<hbm>> -> memref<80x128xf32, #tpu.memory_space<hbm>>
        %dma_wait3A_318 = arith.constant 0 : i32
        %dma_wait3A_319 = tpu.memref_slice %arg8[%add3A_312, %dma_wait3A_318] : memref<40000x128xf32, #tpu.memory_space<hbm>> -> memref<80x128xf32, #tpu.memory_space<hbm>>
        tpu.wait_dma2 semaphore(%run_scoped3A : memref<!tpu.dma_semaphore, #tpu.memory_space<semaphore_mem>>) src(%arg13 : memref<80x128xf32, #tpu.memory_space<vmem>>) dst(%dma_wait3A_319 : memref<80x128xf32, #tpu.memory_space<hbm>>)
        tpu.yield
      }) : () -> ()
    } else {
    }
    %mul3A_65 = arith.constant 8 : i32
    %mul3A_66 = arith.muli %add3A, %mul3A_65 : i32
    %add3A_67 = arith.constant 4 : i32
    %add3A_68 = arith.addi %mul3A_66, %add3A_67 : i32
    %lt3A_69 = arith.constant 250 : i32
    %lt3A_70 = arith.cmpi slt, %add3A_68, %lt3A_69 : i32
    %convert_element_type3A_71 = arith.extui %lt3A_70 : i1 to i32
    %cond3A_72 = arith.constant 0 : i32
    %cond3A_73 = arith.cmpi ne, %convert_element_type3A_71, %cond3A_72 : i32
    scf.if %cond3A_73 {
      %dma_start3A = arith.constant 4 : i32
      %dma_start3A_294 = arith.constant 0 : i32
      %dma_start3A_295 = tpu.memref_slice %arg9[%dma_start3A, %dma_start3A_294] : memref<8x80xi32, #tpu.memory_space<vmem>> -> memref<1x80xi32, #tpu.memory_space<vmem>>
      %dma_start3A_296 = tpu.memref_squeeze %dma_start3A_295 : memref<1x80xi32, #tpu.memory_space<vmem>> -> memref<80xi32, #tpu.memory_space<vmem>>
      %dma_start3A_297 = arith.constant 0 : i32
      %dma_start3A_298 = arith.constant 0 : i32
      %dma_start3A_299 = tpu.memref_slice %arg2[%dma_start3A_297, %dma_start3A_298] : memref<10000x128xf32, #tpu.memory_space<hbm>> -> memref<10000x128xf32, #tpu.memory_space<hbm>>
      tpu.enqueue_indirect_dma source(%dma_start3A_299 : memref<10000x128xf32, #tpu.memory_space<hbm>>) target(%arg11 : memref<80x128xf32, #tpu.memory_space<vmem>>) offsets(%dma_start3A_296 : memref<80xi32, #tpu.memory_space<vmem>>) semaphore(%arg15 : memref<!tpu.dma_semaphore, #tpu.memory_space<semaphore_mem>>)
      %dma_start3A_300 = arith.constant 4 : i32
      %dma_start3A_301 = arith.constant 0 : i32
      %dma_start3A_302 = tpu.memref_slice %arg10[%dma_start3A_300, %dma_start3A_301] : memref<8x80xi32, #tpu.memory_space<vmem>> -> memref<1x80xi32, #tpu.memory_space<vmem>>
      %dma_start3A_303 = tpu.memref_squeeze %dma_start3A_302 : memref<1x80xi32, #tpu.memory_space<vmem>> -> memref<80xi32, #tpu.memory_space<vmem>>
      %dma_start3A_304 = arith.constant 0 : i32
      %dma_start3A_305 = arith.constant 0 : i32
      %dma_start3A_306 = tpu.memref_slice %arg2[%dma_start3A_304, %dma_start3A_305] : memref<10000x128xf32, #tpu.memory_space<hbm>> -> memref<10000x128xf32, #tpu.memory_space<hbm>>
      tpu.enqueue_indirect_dma source(%dma_start3A_306 : memref<10000x128xf32, #tpu.memory_space<hbm>>) target(%arg13 : memref<80x128xf32, #tpu.memory_space<vmem>>) offsets(%dma_start3A_303 : memref<80xi32, #tpu.memory_space<vmem>>) semaphore(%arg17 : memref<!tpu.dma_semaphore, #tpu.memory_space<semaphore_mem>>)
    } else {
    }
    %mul3A_74 = arith.constant 8 : i32
    %mul3A_75 = arith.muli %add3A, %mul3A_74 : i32
    %add3A_76 = arith.constant 3 : i32
    %add3A_77 = arith.addi %mul3A_75, %add3A_76 : i32
    %lt3A_78 = arith.constant 250 : i32
    %lt3A_79 = arith.cmpi slt, %add3A_77, %lt3A_78 : i32
    %convert_element_type3A_80 = arith.extui %lt3A_79 : i1 to i32
    %cond3A_81 = arith.constant 0 : i32
    %cond3A_82 = arith.cmpi ne, %convert_element_type3A_80, %cond3A_81 : i32
    scf.if %cond3A_82 {
      %mul3A_294 = arith.constant 80 : i32
      %mul3A_295 = arith.muli %add3A_77, %mul3A_294 : i32
      %dma_wait3A = arith.constant 3 : i32
      %dma_wait3A_296 = arith.constant 0 : i32
      %dma_wait3A_297 = tpu.memref_slice %arg9[%dma_wait3A, %dma_wait3A_296] : memref<8x80xi32, #tpu.memory_space<vmem>> -> memref<1x80xi32, #tpu.memory_space<vmem>>
      %dma_wait3A_298 = tpu.memref_squeeze %dma_wait3A_297 : memref<1x80xi32, #tpu.memory_space<vmem>> -> memref<80xi32, #tpu.memory_space<vmem>>
      %dma_wait3A_299 = arith.constant 0 : i32
      %dma_wait3A_300 = arith.constant 0 : i32
      %dma_wait3A_301 = tpu.memref_slice %arg2[%dma_wait3A_299, %dma_wait3A_300] : memref<10000x128xf32, #tpu.memory_space<hbm>> -> memref<10000x128xf32, #tpu.memory_space<hbm>>
      tpu.wait_indirect_dma semaphore(%arg16 : memref<!tpu.dma_semaphore, #tpu.memory_space<semaphore_mem>>) src(%dma_wait3A_301 : memref<10000x128xf32, #tpu.memory_space<hbm>>) dst(%arg12 : memref<80x128xf32, #tpu.memory_space<vmem>>)
      %dma_wait3A_302 = arith.constant 3 : i32
      %dma_wait3A_303 = arith.constant 0 : i32
      %dma_wait3A_304 = tpu.memref_slice %arg10[%dma_wait3A_302, %dma_wait3A_303] : memref<8x80xi32, #tpu.memory_space<vmem>> -> memref<1x80xi32, #tpu.memory_space<vmem>>
      %dma_wait3A_305 = tpu.memref_squeeze %dma_wait3A_304 : memref<1x80xi32, #tpu.memory_space<vmem>> -> memref<80xi32, #tpu.memory_space<vmem>>
      %dma_wait3A_306 = arith.constant 0 : i32
      %dma_wait3A_307 = arith.constant 0 : i32
      %dma_wait3A_308 = tpu.memref_slice %arg2[%dma_wait3A_306, %dma_wait3A_307] : memref<10000x128xf32, #tpu.memory_space<hbm>> -> memref<10000x128xf32, #tpu.memory_space<hbm>>
      tpu.wait_indirect_dma semaphore(%arg18 : memref<!tpu.dma_semaphore, #tpu.memory_space<semaphore_mem>>) src(%dma_wait3A_308 : memref<10000x128xf32, #tpu.memory_space<hbm>>) dst(%arg14 : memref<80x128xf32, #tpu.memory_space<vmem>>)
      %add3A_309 = arith.constant 0 : i32
      %add3A_310 = arith.addi %add3A_309, %mul3A_295 : i32
      "tpu.region"() ({
        %run_scoped3A = tpu.sem_alloc : memref<!tpu.dma_semaphore, #tpu.memory_space<semaphore_mem>>
        %dma_start3A = arith.constant 0 : i32
        %dma_start3A_313 = tpu.memref_slice %arg7[%add3A_310, %dma_start3A] : memref<40000x128xf32, #tpu.memory_space<hbm>> -> memref<80x128xf32, #tpu.memory_space<hbm>>
        %dma_start3A_314 = arith.constant 0 : i32
        %dma_start3A_315 = tpu.memref_slice %arg7[%add3A_310, %dma_start3A_314] : memref<40000x128xf32, #tpu.memory_space<hbm>> -> memref<80x128xf32, #tpu.memory_space<hbm>>
        tpu.enqueue_dma source(%arg12 : memref<80x128xf32, #tpu.memory_space<vmem>>) target(%dma_start3A_315 : memref<80x128xf32, #tpu.memory_space<hbm>>) target_semaphore(%run_scoped3A : memref<!tpu.dma_semaphore, #tpu.memory_space<semaphore_mem>>)
        %dma_wait3A_316 = arith.constant 0 : i32
        %dma_wait3A_317 = tpu.memref_slice %arg7[%add3A_310, %dma_wait3A_316] : memref<40000x128xf32, #tpu.memory_space<hbm>> -> memref<80x128xf32, #tpu.memory_space<hbm>>
        %dma_wait3A_318 = arith.constant 0 : i32
        %dma_wait3A_319 = tpu.memref_slice %arg7[%add3A_310, %dma_wait3A_318] : memref<40000x128xf32, #tpu.memory_space<hbm>> -> memref<80x128xf32, #tpu.memory_space<hbm>>
        tpu.wait_dma2 semaphore(%run_scoped3A : memref<!tpu.dma_semaphore, #tpu.memory_space<semaphore_mem>>) src(%arg12 : memref<80x128xf32, #tpu.memory_space<vmem>>) dst(%dma_wait3A_319 : memref<80x128xf32, #tpu.memory_space<hbm>>)
        tpu.yield
      }) : () -> ()
      %add3A_311 = arith.constant 0 : i32
      %add3A_312 = arith.addi %add3A_311, %mul3A_295 : i32
      "tpu.region"() ({
        %run_scoped3A = tpu.sem_alloc : memref<!tpu.dma_semaphore, #tpu.memory_space<semaphore_mem>>
        %dma_start3A = arith.constant 0 : i32
        %dma_start3A_313 = tpu.memref_slice %arg8[%add3A_312, %dma_start3A] : memref<40000x128xf32, #tpu.memory_space<hbm>> -> memref<80x128xf32, #tpu.memory_space<hbm>>
        %dma_start3A_314 = arith.constant 0 : i32
        %dma_start3A_315 = tpu.memref_slice %arg8[%add3A_312, %dma_start3A_314] : memref<40000x128xf32, #tpu.memory_space<hbm>> -> memref<80x128xf32, #tpu.memory_space<hbm>>
        tpu.enqueue_dma source(%arg14 : memref<80x128xf32, #tpu.memory_space<vmem>>) target(%dma_start3A_315 : memref<80x128xf32, #tpu.memory_space<hbm>>) target_semaphore(%run_scoped3A : memref<!tpu.dma_semaphore, #tpu.memory_space<semaphore_mem>>)
        %dma_wait3A_316 = arith.constant 0 : i32
        %dma_wait3A_317 = tpu.memref_slice %arg8[%add3A_312, %dma_wait3A_316] : memref<40000x128xf32, #tpu.memory_space<hbm>> -> memref<80x128xf32, #tpu.memory_space<hbm>>
        %dma_wait3A_318 = arith.constant 0 : i32
        %dma_wait3A_319 = tpu.memref_slice %arg8[%add3A_312, %dma_wait3A_318] : memref<40000x128xf32, #tpu.memory_space<hbm>> -> memref<80x128xf32, #tpu.memory_space<hbm>>
        tpu.wait_dma2 semaphore(%run_scoped3A : memref<!tpu.dma_semaphore, #tpu.memory_space<semaphore_mem>>) src(%arg14 : memref<80x128xf32, #tpu.memory_space<vmem>>) dst(%dma_wait3A_319 : memref<80x128xf32, #tpu.memory_space<hbm>>)
        tpu.yield
      }) : () -> ()
    } else {
    }
    %mul3A_83 = arith.constant 8 : i32
    %mul3A_84 = arith.muli %add3A, %mul3A_83 : i32
    %add3A_85 = arith.constant 5 : i32
    %add3A_86 = arith.addi %mul3A_84, %add3A_85 : i32
    %lt3A_87 = arith.constant 250 : i32
    %lt3A_88 = arith.cmpi slt, %add3A_86, %lt3A_87 : i32
    %convert_element_type3A_89 = arith.extui %lt3A_88 : i1 to i32
    %cond3A_90 = arith.constant 0 : i32
    %cond3A_91 = arith.cmpi ne, %convert_element_type3A_89, %cond3A_90 : i32
    scf.if %cond3A_91 {
      %dma_start3A = arith.constant 5 : i32
      %dma_start3A_294 = arith.constant 0 : i32
      %dma_start3A_295 = tpu.memref_slice %arg9[%dma_start3A, %dma_start3A_294] : memref<8x80xi32, #tpu.memory_space<vmem>> -> memref<1x80xi32, #tpu.memory_space<vmem>>
      %dma_start3A_296 = tpu.memref_squeeze %dma_start3A_295 : memref<1x80xi32, #tpu.memory_space<vmem>> -> memref<80xi32, #tpu.memory_space<vmem>>
      %dma_start3A_297 = arith.constant 0 : i32
      %dma_start3A_298 = arith.constant 0 : i32
      %dma_start3A_299 = tpu.memref_slice %arg2[%dma_start3A_297, %dma_start3A_298] : memref<10000x128xf32, #tpu.memory_space<hbm>> -> memref<10000x128xf32, #tpu.memory_space<hbm>>
      tpu.enqueue_indirect_dma source(%dma_start3A_299 : memref<10000x128xf32, #tpu.memory_space<hbm>>) target(%arg12 : memref<80x128xf32, #tpu.memory_space<vmem>>) offsets(%dma_start3A_296 : memref<80xi32, #tpu.memory_space<vmem>>) semaphore(%arg16 : memref<!tpu.dma_semaphore, #tpu.memory_space<semaphore_mem>>)
      %dma_start3A_300 = arith.constant 5 : i32
      %dma_start3A_301 = arith.constant 0 : i32
      %dma_start3A_302 = tpu.memref_slice %arg10[%dma_start3A_300, %dma_start3A_301] : memref<8x80xi32, #tpu.memory_space<vmem>> -> memref<1x80xi32, #tpu.memory_space<vmem>>
      %dma_start3A_303 = tpu.memref_squeeze %dma_start3A_302 : memref<1x80xi32, #tpu.memory_space<vmem>> -> memref<80xi32, #tpu.memory_space<vmem>>
      %dma_start3A_304 = arith.constant 0 : i32
      %dma_start3A_305 = arith.constant 0 : i32
      %dma_start3A_306 = tpu.memref_slice %arg2[%dma_start3A_304, %dma_start3A_305] : memref<10000x128xf32, #tpu.memory_space<hbm>> -> memref<10000x128xf32, #tpu.memory_space<hbm>>
      tpu.enqueue_indirect_dma source(%dma_start3A_306 : memref<10000x128xf32, #tpu.memory_space<hbm>>) target(%arg14 : memref<80x128xf32, #tpu.memory_space<vmem>>) offsets(%dma_start3A_303 : memref<80xi32, #tpu.memory_space<vmem>>) semaphore(%arg18 : memref<!tpu.dma_semaphore, #tpu.memory_space<semaphore_mem>>)
    } else {
    }
    %mul3A_92 = arith.constant 8 : i32
    %mul3A_93 = arith.muli %add3A, %mul3A_92 : i32
    %add3A_94 = arith.constant 4 : i32
    %add3A_95 = arith.addi %mul3A_93, %add3A_94 : i32
    %lt3A_96 = arith.constant 250 : i32
    %lt3A_97 = arith.cmpi slt, %add3A_95, %lt3A_96 : i32
    %convert_element_type3A_98 = arith.extui %lt3A_97 : i1 to i32
    %cond3A_99 = arith.constant 0 : i32
    %cond3A_100 = arith.cmpi ne, %convert_element_type3A_98, %cond3A_99 : i32
    scf.if %cond3A_100 {
      %mul3A_294 = arith.constant 80 : i32
      %mul3A_295 = arith.muli %add3A_95, %mul3A_294 : i32
      %dma_wait3A = arith.constant 4 : i32
      %dma_wait3A_296 = arith.constant 0 : i32
      %dma_wait3A_297 = tpu.memref_slice %arg9[%dma_wait3A, %dma_wait3A_296] : memref<8x80xi32, #tpu.memory_space<vmem>> -> memref<1x80xi32, #tpu.memory_space<vmem>>
      %dma_wait3A_298 = tpu.memref_squeeze %dma_wait3A_297 : memref<1x80xi32, #tpu.memory_space<vmem>> -> memref<80xi32, #tpu.memory_space<vmem>>
      %dma_wait3A_299 = arith.constant 0 : i32
      %dma_wait3A_300 = arith.constant 0 : i32
      %dma_wait3A_301 = tpu.memref_slice %arg2[%dma_wait3A_299, %dma_wait3A_300] : memref<10000x128xf32, #tpu.memory_space<hbm>> -> memref<10000x128xf32, #tpu.memory_space<hbm>>
      tpu.wait_indirect_dma semaphore(%arg15 : memref<!tpu.dma_semaphore, #tpu.memory_space<semaphore_mem>>) src(%dma_wait3A_301 : memref<10000x128xf32, #tpu.memory_space<hbm>>) dst(%arg11 : memref<80x128xf32, #tpu.memory_space<vmem>>)
      %dma_wait3A_302 = arith.constant 4 : i32
      %dma_wait3A_303 = arith.constant 0 : i32
      %dma_wait3A_304 = tpu.memref_slice %arg10[%dma_wait3A_302, %dma_wait3A_303] : memref<8x80xi32, #tpu.memory_space<vmem>> -> memref<1x80xi32, #tpu.memory_space<vmem>>
      %dma_wait3A_305 = tpu.memref_squeeze %dma_wait3A_304 : memref<1x80xi32, #tpu.memory_space<vmem>> -> memref<80xi32, #tpu.memory_space<vmem>>
      %dma_wait3A_306 = arith.constant 0 : i32
      %dma_wait3A_307 = arith.constant 0 : i32
      %dma_wait3A_308 = tpu.memref_slice %arg2[%dma_wait3A_306, %dma_wait3A_307] : memref<10000x128xf32, #tpu.memory_space<hbm>> -> memref<10000x128xf32, #tpu.memory_space<hbm>>
      tpu.wait_indirect_dma semaphore(%arg17 : memref<!tpu.dma_semaphore, #tpu.memory_space<semaphore_mem>>) src(%dma_wait3A_308 : memref<10000x128xf32, #tpu.memory_space<hbm>>) dst(%arg13 : memref<80x128xf32, #tpu.memory_space<vmem>>)
      %add3A_309 = arith.constant 0 : i32
      %add3A_310 = arith.addi %add3A_309, %mul3A_295 : i32
      "tpu.region"() ({
        %run_scoped3A = tpu.sem_alloc : memref<!tpu.dma_semaphore, #tpu.memory_space<semaphore_mem>>
        %dma_start3A = arith.constant 0 : i32
        %dma_start3A_313 = tpu.memref_slice %arg7[%add3A_310, %dma_start3A] : memref<40000x128xf32, #tpu.memory_space<hbm>> -> memref<80x128xf32, #tpu.memory_space<hbm>>
        %dma_start3A_314 = arith.constant 0 : i32
        %dma_start3A_315 = tpu.memref_slice %arg7[%add3A_310, %dma_start3A_314] : memref<40000x128xf32, #tpu.memory_space<hbm>> -> memref<80x128xf32, #tpu.memory_space<hbm>>
        tpu.enqueue_dma source(%arg11 : memref<80x128xf32, #tpu.memory_space<vmem>>) target(%dma_start3A_315 : memref<80x128xf32, #tpu.memory_space<hbm>>) target_semaphore(%run_scoped3A : memref<!tpu.dma_semaphore, #tpu.memory_space<semaphore_mem>>)
        %dma_wait3A_316 = arith.constant 0 : i32
        %dma_wait3A_317 = tpu.memref_slice %arg7[%add3A_310, %dma_wait3A_316] : memref<40000x128xf32, #tpu.memory_space<hbm>> -> memref<80x128xf32, #tpu.memory_space<hbm>>
        %dma_wait3A_318 = arith.constant 0 : i32
        %dma_wait3A_319 = tpu.memref_slice %arg7[%add3A_310, %dma_wait3A_318] : memref<40000x128xf32, #tpu.memory_space<hbm>> -> memref<80x128xf32, #tpu.memory_space<hbm>>
        tpu.wait_dma2 semaphore(%run_scoped3A : memref<!tpu.dma_semaphore, #tpu.memory_space<semaphore_mem>>) src(%arg11 : memref<80x128xf32, #tpu.memory_space<vmem>>) dst(%dma_wait3A_319 : memref<80x128xf32, #tpu.memory_space<hbm>>)
        tpu.yield
      }) : () -> ()
      %add3A_311 = arith.constant 0 : i32
      %add3A_312 = arith.addi %add3A_311, %mul3A_295 : i32
      "tpu.region"() ({
        %run_scoped3A = tpu.sem_alloc : memref<!tpu.dma_semaphore, #tpu.memory_space<semaphore_mem>>
        %dma_start3A = arith.constant 0 : i32
        %dma_start3A_313 = tpu.memref_slice %arg8[%add3A_312, %dma_start3A] : memref<40000x128xf32, #tpu.memory_space<hbm>> -> memref<80x128xf32, #tpu.memory_space<hbm>>
        %dma_start3A_314 = arith.constant 0 : i32
        %dma_start3A_315 = tpu.memref_slice %arg8[%add3A_312, %dma_start3A_314] : memref<40000x128xf32, #tpu.memory_space<hbm>> -> memref<80x128xf32, #tpu.memory_space<hbm>>
        tpu.enqueue_dma source(%arg13 : memref<80x128xf32, #tpu.memory_space<vmem>>) target(%dma_start3A_315 : memref<80x128xf32, #tpu.memory_space<hbm>>) target_semaphore(%run_scoped3A : memref<!tpu.dma_semaphore, #tpu.memory_space<semaphore_mem>>)
        %dma_wait3A_316 = arith.constant 0 : i32
        %dma_wait3A_317 = tpu.memref_slice %arg8[%add3A_312, %dma_wait3A_316] : memref<40000x128xf32, #tpu.memory_space<hbm>> -> memref<80x128xf32, #tpu.memory_space<hbm>>
        %dma_wait3A_318 = arith.constant 0 : i32
        %dma_wait3A_319 = tpu.memref_slice %arg8[%add3A_312, %dma_wait3A_318] : memref<40000x128xf32, #tpu.memory_space<hbm>> -> memref<80x128xf32, #tpu.memory_space<hbm>>
        tpu.wait_dma2 semaphore(%run_scoped3A : memref<!tpu.dma_semaphore, #tpu.memory_space<semaphore_mem>>) src(%arg13 : memref<80x128xf32, #tpu.memory_space<vmem>>) dst(%dma_wait3A_319 : memref<80x128xf32, #tpu.memory_space<hbm>>)
        tpu.yield
      }) : () -> ()
    } else {
    }
    %mul3A_101 = arith.constant 8 : i32
    %mul3A_102 = arith.muli %add3A, %mul3A_101 : i32
    %add3A_103 = arith.constant 6 : i32
    %add3A_104 = arith.addi %mul3A_102, %add3A_103 : i32
    %lt3A_105 = arith.constant 250 : i32
    %lt3A_106 = arith.cmpi slt, %add3A_104, %lt3A_105 : i32
    %convert_element_type3A_107 = arith.extui %lt3A_106 : i1 to i32
    %cond3A_108 = arith.constant 0 : i32
    %cond3A_109 = arith.cmpi ne, %convert_element_type3A_107, %cond3A_108 : i32
    scf.if %cond3A_109 {
      %dma_start3A = arith.constant 6 : i32
      %dma_start3A_294 = arith.constant 0 : i32
      %dma_start3A_295 = tpu.memref_slice %arg9[%dma_start3A, %dma_start3A_294] : memref<8x80xi32, #tpu.memory_space<vmem>> -> memref<1x80xi32, #tpu.memory_space<vmem>>
      %dma_start3A_296 = tpu.memref_squeeze %dma_start3A_295 : memref<1x80xi32, #tpu.memory_space<vmem>> -> memref<80xi32, #tpu.memory_space<vmem>>
      %dma_start3A_297 = arith.constant 0 : i32
      %dma_start3A_298 = arith.constant 0 : i32
      %dma_start3A_299 = tpu.memref_slice %arg2[%dma_start3A_297, %dma_start3A_298] : memref<10000x128xf32, #tpu.memory_space<hbm>> -> memref<10000x128xf32, #tpu.memory_space<hbm>>
      tpu.enqueue_indirect_dma source(%dma_start3A_299 : memref<10000x128xf32, #tpu.memory_space<hbm>>) target(%arg11 : memref<80x128xf32, #tpu.memory_space<vmem>>) offsets(%dma_start3A_296 : memref<80xi32, #tpu.memory_space<vmem>>) semaphore(%arg15 : memref<!tpu.dma_semaphore, #tpu.memory_space<semaphore_mem>>)
      %dma_start3A_300 = arith.constant 6 : i32
      %dma_start3A_301 = arith.constant 0 : i32
      %dma_start3A_302 = tpu.memref_slice %arg10[%dma_start3A_300, %dma_start3A_301] : memref<8x80xi32, #tpu.memory_space<vmem>> -> memref<1x80xi32, #tpu.memory_space<vmem>>
      %dma_start3A_303 = tpu.memref_squeeze %dma_start3A_302 : memref<1x80xi32, #tpu.memory_space<vmem>> -> memref<80xi32, #tpu.memory_space<vmem>>
      %dma_start3A_304 = arith.constant 0 : i32
      %dma_start3A_305 = arith.constant 0 : i32
      %dma_start3A_306 = tpu.memref_slice %arg2[%dma_start3A_304, %dma_start3A_305] : memref<10000x128xf32, #tpu.memory_space<hbm>> -> memref<10000x128xf32, #tpu.memory_space<hbm>>
      tpu.enqueue_indirect_dma source(%dma_start3A_306 : memref<10000x128xf32, #tpu.memory_space<hbm>>) target(%arg13 : memref<80x128xf32, #tpu.memory_space<vmem>>) offsets(%dma_start3A_303 : memref<80xi32, #tpu.memory_space<vmem>>) semaphore(%arg17 : memref<!tpu.dma_semaphore, #tpu.memory_space<semaphore_mem>>)
    } else {
    }
    %mul3A_110 = arith.constant 8 : i32
    %mul3A_111 = arith.muli %add3A, %mul3A_110 : i32
    %add3A_112 = arith.constant 5 : i32
    %add3A_113 = arith.addi %mul3A_111, %add3A_112 : i32
    %lt3A_114 = arith.constant 250 : i32
    %lt3A_115 = arith.cmpi slt, %add3A_113, %lt3A_114 : i32
    %convert_element_type3A_116 = arith.extui %lt3A_115 : i1 to i32
    %cond3A_117 = arith.constant 0 : i32
    %cond3A_118 = arith.cmpi ne, %convert_element_type3A_116, %cond3A_117 : i32
    scf.if %cond3A_118 {
      %mul3A_294 = arith.constant 80 : i32
      %mul3A_295 = arith.muli %add3A_113, %mul3A_294 : i32
      %dma_wait3A = arith.constant 5 : i32
      %dma_wait3A_296 = arith.constant 0 : i32
      %dma_wait3A_297 = tpu.memref_slice %arg9[%dma_wait3A, %dma_wait3A_296] : memref<8x80xi32, #tpu.memory_space<vmem>> -> memref<1x80xi32, #tpu.memory_space<vmem>>
      %dma_wait3A_298 = tpu.memref_squeeze %dma_wait3A_297 : memref<1x80xi32, #tpu.memory_space<vmem>> -> memref<80xi32, #tpu.memory_space<vmem>>
      %dma_wait3A_299 = arith.constant 0 : i32
      %dma_wait3A_300 = arith.constant 0 : i32
      %dma_wait3A_301 = tpu.memref_slice %arg2[%dma_wait3A_299, %dma_wait3A_300] : memref<10000x128xf32, #tpu.memory_space<hbm>> -> memref<10000x128xf32, #tpu.memory_space<hbm>>
      tpu.wait_indirect_dma semaphore(%arg16 : memref<!tpu.dma_semaphore, #tpu.memory_space<semaphore_mem>>) src(%dma_wait3A_301 : memref<10000x128xf32, #tpu.memory_space<hbm>>) dst(%arg12 : memref<80x128xf32, #tpu.memory_space<vmem>>)
      %dma_wait3A_302 = arith.constant 5 : i32
      %dma_wait3A_303 = arith.constant 0 : i32
      %dma_wait3A_304 = tpu.memref_slice %arg10[%dma_wait3A_302, %dma_wait3A_303] : memref<8x80xi32, #tpu.memory_space<vmem>> -> memref<1x80xi32, #tpu.memory_space<vmem>>
      %dma_wait3A_305 = tpu.memref_squeeze %dma_wait3A_304 : memref<1x80xi32, #tpu.memory_space<vmem>> -> memref<80xi32, #tpu.memory_space<vmem>>
      %dma_wait3A_306 = arith.constant 0 : i32
      %dma_wait3A_307 = arith.constant 0 : i32
      %dma_wait3A_308 = tpu.memref_slice %arg2[%dma_wait3A_306, %dma_wait3A_307] : memref<10000x128xf32, #tpu.memory_space<hbm>> -> memref<10000x128xf32, #tpu.memory_space<hbm>>
      tpu.wait_indirect_dma semaphore(%arg18 : memref<!tpu.dma_semaphore, #tpu.memory_space<semaphore_mem>>) src(%dma_wait3A_308 : memref<10000x128xf32, #tpu.memory_space<hbm>>) dst(%arg14 : memref<80x128xf32, #tpu.memory_space<vmem>>)
      %add3A_309 = arith.constant 0 : i32
      %add3A_310 = arith.addi %add3A_309, %mul3A_295 : i32
      "tpu.region"() ({
        %run_scoped3A = tpu.sem_alloc : memref<!tpu.dma_semaphore, #tpu.memory_space<semaphore_mem>>
        %dma_start3A = arith.constant 0 : i32
        %dma_start3A_313 = tpu.memref_slice %arg7[%add3A_310, %dma_start3A] : memref<40000x128xf32, #tpu.memory_space<hbm>> -> memref<80x128xf32, #tpu.memory_space<hbm>>
        %dma_start3A_314 = arith.constant 0 : i32
        %dma_start3A_315 = tpu.memref_slice %arg7[%add3A_310, %dma_start3A_314] : memref<40000x128xf32, #tpu.memory_space<hbm>> -> memref<80x128xf32, #tpu.memory_space<hbm>>
        tpu.enqueue_dma source(%arg12 : memref<80x128xf32, #tpu.memory_space<vmem>>) target(%dma_start3A_315 : memref<80x128xf32, #tpu.memory_space<hbm>>) target_semaphore(%run_scoped3A : memref<!tpu.dma_semaphore, #tpu.memory_space<semaphore_mem>>)
        %dma_wait3A_316 = arith.constant 0 : i32
        %dma_wait3A_317 = tpu.memref_slice %arg7[%add3A_310, %dma_wait3A_316] : memref<40000x128xf32, #tpu.memory_space<hbm>> -> memref<80x128xf32, #tpu.memory_space<hbm>>
        %dma_wait3A_318 = arith.constant 0 : i32
        %dma_wait3A_319 = tpu.memref_slice %arg7[%add3A_310, %dma_wait3A_318] : memref<40000x128xf32, #tpu.memory_space<hbm>> -> memref<80x128xf32, #tpu.memory_space<hbm>>
        tpu.wait_dma2 semaphore(%run_scoped3A : memref<!tpu.dma_semaphore, #tpu.memory_space<semaphore_mem>>) src(%arg12 : memref<80x128xf32, #tpu.memory_space<vmem>>) dst(%dma_wait3A_319 : memref<80x128xf32, #tpu.memory_space<hbm>>)
        tpu.yield
      }) : () -> ()
      %add3A_311 = arith.constant 0 : i32
      %add3A_312 = arith.addi %add3A_311, %mul3A_295 : i32
      "tpu.region"() ({
        %run_scoped3A = tpu.sem_alloc : memref<!tpu.dma_semaphore, #tpu.memory_space<semaphore_mem>>
        %dma_start3A = arith.constant 0 : i32
        %dma_start3A_313 = tpu.memref_slice %arg8[%add3A_312, %dma_start3A] : memref<40000x128xf32, #tpu.memory_space<hbm>> -> memref<80x128xf32, #tpu.memory_space<hbm>>
        %dma_start3A_314 = arith.constant 0 : i32
        %dma_start3A_315 = tpu.memref_slice %arg8[%add3A_312, %dma_start3A_314] : memref<40000x128xf32, #tpu.memory_space<hbm>> -> memref<80x128xf32, #tpu.memory_space<hbm>>
        tpu.enqueue_dma source(%arg14 : memref<80x128xf32, #tpu.memory_space<vmem>>) target(%dma_start3A_315 : memref<80x128xf32, #tpu.memory_space<hbm>>) target_semaphore(%run_scoped3A : memref<!tpu.dma_semaphore, #tpu.memory_space<semaphore_mem>>)
        %dma_wait3A_316 = arith.constant 0 : i32
        %dma_wait3A_317 = tpu.memref_slice %arg8[%add3A_312, %dma_wait3A_316] : memref<40000x128xf32, #tpu.memory_space<hbm>> -> memref<80x128xf32, #tpu.memory_space<hbm>>
        %dma_wait3A_318 = arith.constant 0 : i32
        %dma_wait3A_319 = tpu.memref_slice %arg8[%add3A_312, %dma_wait3A_318] : memref<40000x128xf32, #tpu.memory_space<hbm>> -> memref<80x128xf32, #tpu.memory_space<hbm>>
        tpu.wait_dma2 semaphore(%run_scoped3A : memref<!tpu.dma_semaphore, #tpu.memory_space<semaphore_mem>>) src(%arg14 : memref<80x128xf32, #tpu.memory_space<vmem>>) dst(%dma_wait3A_319 : memref<80x128xf32, #tpu.memory_space<hbm>>)
        tpu.yield
      }) : () -> ()
    } else {
    }
    %mul3A_119 = arith.constant 8 : i32
    %mul3A_120 = arith.muli %add3A, %mul3A_119 : i32
    %add3A_121 = arith.constant 7 : i32
    %add3A_122 = arith.addi %mul3A_120, %add3A_121 : i32
    %lt3A_123 = arith.constant 250 : i32
    %lt3A_124 = arith.cmpi slt, %add3A_122, %lt3A_123 : i32
    %convert_element_type3A_125 = arith.extui %lt3A_124 : i1 to i32
    %cond3A_126 = arith.constant 0 : i32
    %cond3A_127 = arith.cmpi ne, %convert_element_type3A_125, %cond3A_126 : i32
    scf.if %cond3A_127 {
      %dma_start3A = arith.constant 7 : i32
      %dma_start3A_294 = arith.constant 0 : i32
      %dma_start3A_295 = tpu.memref_slice %arg9[%dma_start3A, %dma_start3A_294] : memref<8x80xi32, #tpu.memory_space<vmem>> -> memref<1x80xi32, #tpu.memory_space<vmem>>
      %dma_start3A_296 = tpu.memref_squeeze %dma_start3A_295 : memref<1x80xi32, #tpu.memory_space<vmem>> -> memref<80xi32, #tpu.memory_space<vmem>>
      %dma_start3A_297 = arith.constant 0 : i32
      %dma_start3A_298 = arith.constant 0 : i32
      %dma_start3A_299 = tpu.memref_slice %arg2[%dma_start3A_297, %dma_start3A_298] : memref<10000x128xf32, #tpu.memory_space<hbm>> -> memref<10000x128xf32, #tpu.memory_space<hbm>>
      tpu.enqueue_indirect_dma source(%dma_start3A_299 : memref<10000x128xf32, #tpu.memory_space<hbm>>) target(%arg12 : memref<80x128xf32, #tpu.memory_space<vmem>>) offsets(%dma_start3A_296 : memref<80xi32, #tpu.memory_space<vmem>>) semaphore(%arg16 : memref<!tpu.dma_semaphore, #tpu.memory_space<semaphore_mem>>)
      %dma_start3A_300 = arith.constant 7 : i32
      %dma_start3A_301 = arith.constant 0 : i32
      %dma_start3A_302 = tpu.memref_slice %arg10[%dma_start3A_300, %dma_start3A_301] : memref<8x80xi32, #tpu.memory_space<vmem>> -> memref<1x80xi32, #tpu.memory_space<vmem>>
      %dma_start3A_303 = tpu.memref_squeeze %dma_start3A_302 : memref<1x80xi32, #tpu.memory_space<vmem>> -> memref<80xi32, #tpu.memory_space<vmem>>
      %dma_start3A_304 = arith.constant 0 : i32
      %dma_start3A_305 = arith.constant 0 : i32
      %dma_start3A_306 = tpu.memref_slice %arg2[%dma_start3A_304, %dma_start3A_305] : memref<10000x128xf32, #tpu.memory_space<hbm>> -> memref<10000x128xf32, #tpu.memory_space<hbm>>
      tpu.enqueue_indirect_dma source(%dma_start3A_306 : memref<10000x128xf32, #tpu.memory_space<hbm>>) target(%arg14 : memref<80x128xf32, #tpu.memory_space<vmem>>) offsets(%dma_start3A_303 : memref<80xi32, #tpu.memory_space<vmem>>) semaphore(%arg18 : memref<!tpu.dma_semaphore, #tpu.memory_space<semaphore_mem>>)
    } else {
    }
    %mul3A_128 = arith.constant 8 : i32
    %mul3A_129 = arith.muli %add3A, %mul3A_128 : i32
    %add3A_130 = arith.constant 6 : i32
    %add3A_131 = arith.addi %mul3A_129, %add3A_130 : i32
    %lt3A_132 = arith.constant 250 : i32
    %lt3A_133 = arith.cmpi slt, %add3A_131, %lt3A_132 : i32
    %convert_element_type3A_134 = arith.extui %lt3A_133 : i1 to i32
    %cond3A_135 = arith.constant 0 : i32
    %cond3A_136 = arith.cmpi ne, %convert_element_type3A_134, %cond3A_135 : i32
    scf.if %cond3A_136 {
      %mul3A_294 = arith.constant 80 : i32
      %mul3A_295 = arith.muli %add3A_131, %mul3A_294 : i32
      %dma_wait3A = arith.constant 6 : i32
      %dma_wait3A_296 = arith.constant 0 : i32
      %dma_wait3A_297 = tpu.memref_slice %arg9[%dma_wait3A, %dma_wait3A_296] : memref<8x80xi32, #tpu.memory_space<vmem>> -> memref<1x80xi32, #tpu.memory_space<vmem>>
      %dma_wait3A_298 = tpu.memref_squeeze %dma_wait3A_297 : memref<1x80xi32, #tpu.memory_space<vmem>> -> memref<80xi32, #tpu.memory_space<vmem>>
      %dma_wait3A_299 = arith.constant 0 : i32
      %dma_wait3A_300 = arith.constant 0 : i32
      %dma_wait3A_301 = tpu.memref_slice %arg2[%dma_wait3A_299, %dma_wait3A_300] : memref<10000x128xf32, #tpu.memory_space<hbm>> -> memref<10000x128xf32, #tpu.memory_space<hbm>>
      tpu.wait_indirect_dma semaphore(%arg15 : memref<!tpu.dma_semaphore, #tpu.memory_space<semaphore_mem>>) src(%dma_wait3A_301 : memref<10000x128xf32, #tpu.memory_space<hbm>>) dst(%arg11 : memref<80x128xf32, #tpu.memory_space<vmem>>)
      %dma_wait3A_302 = arith.constant 6 : i32
      %dma_wait3A_303 = arith.constant 0 : i32
      %dma_wait3A_304 = tpu.memref_slice %arg10[%dma_wait3A_302, %dma_wait3A_303] : memref<8x80xi32, #tpu.memory_space<vmem>> -> memref<1x80xi32, #tpu.memory_space<vmem>>
      %dma_wait3A_305 = tpu.memref_squeeze %dma_wait3A_304 : memref<1x80xi32, #tpu.memory_space<vmem>> -> memref<80xi32, #tpu.memory_space<vmem>>
      %dma_wait3A_306 = arith.constant 0 : i32
      %dma_wait3A_307 = arith.constant 0 : i32
      %dma_wait3A_308 = tpu.memref_slice %arg2[%dma_wait3A_306, %dma_wait3A_307] : memref<10000x128xf32, #tpu.memory_space<hbm>> -> memref<10000x128xf32, #tpu.memory_space<hbm>>
      tpu.wait_indirect_dma semaphore(%arg17 : memref<!tpu.dma_semaphore, #tpu.memory_space<semaphore_mem>>) src(%dma_wait3A_308 : memref<10000x128xf32, #tpu.memory_space<hbm>>) dst(%arg13 : memref<80x128xf32, #tpu.memory_space<vmem>>)
      %add3A_309 = arith.constant 0 : i32
      %add3A_310 = arith.addi %add3A_309, %mul3A_295 : i32
      "tpu.region"() ({
        %run_scoped3A = tpu.sem_alloc : memref<!tpu.dma_semaphore, #tpu.memory_space<semaphore_mem>>
        %dma_start3A = arith.constant 0 : i32
        %dma_start3A_313 = tpu.memref_slice %arg7[%add3A_310, %dma_start3A] : memref<40000x128xf32, #tpu.memory_space<hbm>> -> memref<80x128xf32, #tpu.memory_space<hbm>>
        %dma_start3A_314 = arith.constant 0 : i32
        %dma_start3A_315 = tpu.memref_slice %arg7[%add3A_310, %dma_start3A_314] : memref<40000x128xf32, #tpu.memory_space<hbm>> -> memref<80x128xf32, #tpu.memory_space<hbm>>
        tpu.enqueue_dma source(%arg11 : memref<80x128xf32, #tpu.memory_space<vmem>>) target(%dma_start3A_315 : memref<80x128xf32, #tpu.memory_space<hbm>>) target_semaphore(%run_scoped3A : memref<!tpu.dma_semaphore, #tpu.memory_space<semaphore_mem>>)
        %dma_wait3A_316 = arith.constant 0 : i32
        %dma_wait3A_317 = tpu.memref_slice %arg7[%add3A_310, %dma_wait3A_316] : memref<40000x128xf32, #tpu.memory_space<hbm>> -> memref<80x128xf32, #tpu.memory_space<hbm>>
        %dma_wait3A_318 = arith.constant 0 : i32
        %dma_wait3A_319 = tpu.memref_slice %arg7[%add3A_310, %dma_wait3A_318] : memref<40000x128xf32, #tpu.memory_space<hbm>> -> memref<80x128xf32, #tpu.memory_space<hbm>>
        tpu.wait_dma2 semaphore(%run_scoped3A : memref<!tpu.dma_semaphore, #tpu.memory_space<semaphore_mem>>) src(%arg11 : memref<80x128xf32, #tpu.memory_space<vmem>>) dst(%dma_wait3A_319 : memref<80x128xf32, #tpu.memory_space<hbm>>)
        tpu.yield
      }) : () -> ()
      %add3A_311 = arith.constant 0 : i32
      %add3A_312 = arith.addi %add3A_311, %mul3A_295 : i32
      "tpu.region"() ({
        %run_scoped3A = tpu.sem_alloc : memref<!tpu.dma_semaphore, #tpu.memory_space<semaphore_mem>>
        %dma_start3A = arith.constant 0 : i32
        %dma_start3A_313 = tpu.memref_slice %arg8[%add3A_312, %dma_start3A] : memref<40000x128xf32, #tpu.memory_space<hbm>> -> memref<80x128xf32, #tpu.memory_space<hbm>>
        %dma_start3A_314 = arith.constant 0 : i32
        %dma_start3A_315 = tpu.memref_slice %arg8[%add3A_312, %dma_start3A_314] : memref<40000x128xf32, #tpu.memory_space<hbm>> -> memref<80x128xf32, #tpu.memory_space<hbm>>
        tpu.enqueue_dma source(%arg13 : memref<80x128xf32, #tpu.memory_space<vmem>>) target(%dma_start3A_315 : memref<80x128xf32, #tpu.memory_space<hbm>>) target_semaphore(%run_scoped3A : memref<!tpu.dma_semaphore, #tpu.memory_space<semaphore_mem>>)
        %dma_wait3A_316 = arith.constant 0 : i32
        %dma_wait3A_317 = tpu.memref_slice %arg8[%add3A_312, %dma_wait3A_316] : memref<40000x128xf32, #tpu.memory_space<hbm>> -> memref<80x128xf32, #tpu.memory_space<hbm>>
        %dma_wait3A_318 = arith.constant 0 : i32
        %dma_wait3A_319 = tpu.memref_slice %arg8[%add3A_312, %dma_wait3A_318] : memref<40000x128xf32, #tpu.memory_space<hbm>> -> memref<80x128xf32, #tpu.memory_space<hbm>>
        tpu.wait_dma2 semaphore(%run_scoped3A : memref<!tpu.dma_semaphore, #tpu.memory_space<semaphore_mem>>) src(%arg13 : memref<80x128xf32, #tpu.memory_space<vmem>>) dst(%dma_wait3A_319 : memref<80x128xf32, #tpu.memory_space<hbm>>)
        tpu.yield
      }) : () -> ()
    } else {
    }
    %mul3A_137 = arith.constant 8 : i32
    %mul3A_138 = arith.muli %add3A, %mul3A_137 : i32
    %add3A_139 = arith.constant 7 : i32
    %add3A_140 = arith.addi %mul3A_138, %add3A_139 : i32
    %lt3A_141 = arith.constant 250 : i32
    %lt3A_142 = arith.cmpi slt, %add3A_140, %lt3A_141 : i32
    %convert_element_type3A_143 = arith.extui %lt3A_142 : i1 to i32
    %cond3A_144 = arith.constant 0 : i32
    %cond3A_145 = arith.cmpi ne, %convert_element_type3A_143, %cond3A_144 : i32
    scf.if %cond3A_145 {
      %mul3A_294 = arith.constant 80 : i32
      %mul3A_295 = arith.muli %add3A_140, %mul3A_294 : i32
      %dma_wait3A = arith.constant 7 : i32
      %dma_wait3A_296 = arith.constant 0 : i32
      %dma_wait3A_297 = tpu.memref_slice %arg9[%dma_wait3A, %dma_wait3A_296] : memref<8x80xi32, #tpu.memory_space<vmem>> -> memref<1x80xi32, #tpu.memory_space<vmem>>
      %dma_wait3A_298 = tpu.memref_squeeze %dma_wait3A_297 : memref<1x80xi32, #tpu.memory_space<vmem>> -> memref<80xi32, #tpu.memory_space<vmem>>
      %dma_wait3A_299 = arith.constant 0 : i32
      %dma_wait3A_300 = arith.constant 0 : i32
      %dma_wait3A_301 = tpu.memref_slice %arg2[%dma_wait3A_299, %dma_wait3A_300] : memref<10000x128xf32, #tpu.memory_space<hbm>> -> memref<10000x128xf32, #tpu.memory_space<hbm>>
      tpu.wait_indirect_dma semaphore(%arg16 : memref<!tpu.dma_semaphore, #tpu.memory_space<semaphore_mem>>) src(%dma_wait3A_301 : memref<10000x128xf32, #tpu.memory_space<hbm>>) dst(%arg12 : memref<80x128xf32, #tpu.memory_space<vmem>>)
      %dma_wait3A_302 = arith.constant 7 : i32
      %dma_wait3A_303 = arith.constant 0 : i32
      %dma_wait3A_304 = tpu.memref_slice %arg10[%dma_wait3A_302, %dma_wait3A_303] : memref<8x80xi32, #tpu.memory_space<vmem>> -> memref<1x80xi32, #tpu.memory_space<vmem>>
      %dma_wait3A_305 = tpu.memref_squeeze %dma_wait3A_304 : memref<1x80xi32, #tpu.memory_space<vmem>> -> memref<80xi32, #tpu.memory_space<vmem>>
      %dma_wait3A_306 = arith.constant 0 : i32
      %dma_wait3A_307 = arith.constant 0 : i32
      %dma_wait3A_308 = tpu.memref_slice %arg2[%dma_wait3A_306, %dma_wait3A_307] : memref<10000x128xf32, #tpu.memory_space<hbm>> -> memref<10000x128xf32, #tpu.memory_space<hbm>>
      tpu.wait_indirect_dma semaphore(%arg18 : memref<!tpu.dma_semaphore, #tpu.memory_space<semaphore_mem>>) src(%dma_wait3A_308 : memref<10000x128xf32, #tpu.memory_space<hbm>>) dst(%arg14 : memref<80x128xf32, #tpu.memory_space<vmem>>)
      %add3A_309 = arith.constant 0 : i32
      %add3A_310 = arith.addi %add3A_309, %mul3A_295 : i32
      "tpu.region"() ({
        %run_scoped3A = tpu.sem_alloc : memref<!tpu.dma_semaphore, #tpu.memory_space<semaphore_mem>>
        %dma_start3A = arith.constant 0 : i32
        %dma_start3A_313 = tpu.memref_slice %arg7[%add3A_310, %dma_start3A] : memref<40000x128xf32, #tpu.memory_space<hbm>> -> memref<80x128xf32, #tpu.memory_space<hbm>>
        %dma_start3A_314 = arith.constant 0 : i32
        %dma_start3A_315 = tpu.memref_slice %arg7[%add3A_310, %dma_start3A_314] : memref<40000x128xf32, #tpu.memory_space<hbm>> -> memref<80x128xf32, #tpu.memory_space<hbm>>
        tpu.enqueue_dma source(%arg12 : memref<80x128xf32, #tpu.memory_space<vmem>>) target(%dma_start3A_315 : memref<80x128xf32, #tpu.memory_space<hbm>>) target_semaphore(%run_scoped3A : memref<!tpu.dma_semaphore, #tpu.memory_space<semaphore_mem>>)
        %dma_wait3A_316 = arith.constant 0 : i32
        %dma_wait3A_317 = tpu.memref_slice %arg7[%add3A_310, %dma_wait3A_316] : memref<40000x128xf32, #tpu.memory_space<hbm>> -> memref<80x128xf32, #tpu.memory_space<hbm>>
        %dma_wait3A_318 = arith.constant 0 : i32
        %dma_wait3A_319 = tpu.memref_slice %arg7[%add3A_310, %dma_wait3A_318] : memref<40000x128xf32, #tpu.memory_space<hbm>> -> memref<80x128xf32, #tpu.memory_space<hbm>>
        tpu.wait_dma2 semaphore(%run_scoped3A : memref<!tpu.dma_semaphore, #tpu.memory_space<semaphore_mem>>) src(%arg12 : memref<80x128xf32, #tpu.memory_space<vmem>>) dst(%dma_wait3A_319 : memref<80x128xf32, #tpu.memory_space<hbm>>)
        tpu.yield
      }) : () -> ()
      %add3A_311 = arith.constant 0 : i32
      %add3A_312 = arith.addi %add3A_311, %mul3A_295 : i32
      "tpu.region"() ({
        %run_scoped3A = tpu.sem_alloc : memref<!tpu.dma_semaphore, #tpu.memory_space<semaphore_mem>>
        %dma_start3A = arith.constant 0 : i32
        %dma_start3A_313 = tpu.memref_slice %arg8[%add3A_312, %dma_start3A] : memref<40000x128xf32, #tpu.memory_space<hbm>> -> memref<80x128xf32, #tpu.memory_space<hbm>>
        %dma_start3A_314 = arith.constant 0 : i32
        %dma_start3A_315 = tpu.memref_slice %arg8[%add3A_312, %dma_start3A_314] : memref<40000x128xf32, #tpu.memory_space<hbm>> -> memref<80x128xf32, #tpu.memory_space<hbm>>
        tpu.enqueue_dma source(%arg14 : memref<80x128xf32, #tpu.memory_space<vmem>>) target(%dma_start3A_315 : memref<80x128xf32, #tpu.memory_space<hbm>>) target_semaphore(%run_scoped3A : memref<!tpu.dma_semaphore, #tpu.memory_space<semaphore_mem>>)
        %dma_wait3A_316 = arith.constant 0 : i32
        %dma_wait3A_317 = tpu.memref_slice %arg8[%add3A_312, %dma_wait3A_316] : memref<40000x128xf32, #tpu.memory_space<hbm>> -> memref<80x128xf32, #tpu.memory_space<hbm>>
        %dma_wait3A_318 = arith.constant 0 : i32
        %dma_wait3A_319 = tpu.memref_slice %arg8[%add3A_312, %dma_wait3A_318] : memref<40000x128xf32, #tpu.memory_space<hbm>> -> memref<80x128xf32, #tpu.memory_space<hbm>>
        tpu.wait_dma2 semaphore(%run_scoped3A : memref<!tpu.dma_semaphore, #tpu.memory_space<semaphore_mem>>) src(%arg14 : memref<80x128xf32, #tpu.memory_space<vmem>>) dst(%dma_wait3A_319 : memref<80x128xf32, #tpu.memory_space<hbm>>)
        tpu.yield
      }) : () -> ()
    } else {
    }
    %mul3A_146 = arith.constant 8 : i32
    %mul3A_147 = arith.muli %add3A, %mul3A_146 : i32
    "tpu.region"() ({
      %run_scoped3A = tpu.sem_alloc : memref<!tpu.dma_semaphore, #tpu.memory_space<semaphore_mem>>
      %dma_start3A = arith.constant 0 : i32
      %dma_start3A_294 = tpu.memref_slice %arg5[%mul3A_147, %dma_start3A] : memref<256x80xi32, #tpu.memory_space<hbm>> -> memref<8x80xi32, #tpu.memory_space<hbm>>
      %dma_start3A_295 = arith.constant 0 : i32
      %dma_start3A_296 = tpu.memref_slice %arg5[%mul3A_147, %dma_start3A_295] : memref<256x80xi32, #tpu.memory_space<hbm>> -> memref<8x80xi32, #tpu.memory_space<hbm>>
      tpu.enqueue_dma source(%dma_start3A_296 : memref<8x80xi32, #tpu.memory_space<hbm>>) target(%arg9 : memref<8x80xi32, #tpu.memory_space<vmem>>) target_semaphore(%run_scoped3A : memref<!tpu.dma_semaphore, #tpu.memory_space<semaphore_mem>>)
      %dma_wait3A = arith.constant 0 : i32
      %dma_wait3A_297 = tpu.memref_slice %arg5[%mul3A_147, %dma_wait3A] : memref<256x80xi32, #tpu.memory_space<hbm>> -> memref<8x80xi32, #tpu.memory_space<hbm>>
      %dma_wait3A_298 = arith.constant 0 : i32
      %dma_wait3A_299 = tpu.memref_slice %arg5[%mul3A_147, %dma_wait3A_298] : memref<256x80xi32, #tpu.memory_space<hbm>> -> memref<8x80xi32, #tpu.memory_space<hbm>>
      tpu.wait_dma2 semaphore(%run_scoped3A : memref<!tpu.dma_semaphore, #tpu.memory_space<semaphore_mem>>) src(%dma_wait3A_299 : memref<8x80xi32, #tpu.memory_space<hbm>>) dst(%arg9 : memref<8x80xi32, #tpu.memory_space<vmem>>)
      tpu.yield
    }) : () -> ()
    %mul3A_148 = arith.constant 8 : i32
    %mul3A_149 = arith.muli %add3A, %mul3A_148 : i32
    "tpu.region"() ({
      %run_scoped3A = tpu.sem_alloc : memref<!tpu.dma_semaphore, #tpu.memory_space<semaphore_mem>>
      %dma_start3A = arith.constant 0 : i32
      %dma_start3A_294 = tpu.memref_slice %arg6[%mul3A_149, %dma_start3A] : memref<256x80xi32, #tpu.memory_space<hbm>> -> memref<8x80xi32, #tpu.memory_space<hbm>>
      %dma_start3A_295 = arith.constant 0 : i32
      %dma_start3A_296 = tpu.memref_slice %arg6[%mul3A_149, %dma_start3A_295] : memref<256x80xi32, #tpu.memory_space<hbm>> -> memref<8x80xi32, #tpu.memory_space<hbm>>
      tpu.enqueue_dma source(%dma_start3A_296 : memref<8x80xi32, #tpu.memory_space<hbm>>) target(%arg10 : memref<8x80xi32, #tpu.memory_space<vmem>>) target_semaphore(%run_scoped3A : memref<!tpu.dma_semaphore, #tpu.memory_space<semaphore_mem>>)
      %dma_wait3A = arith.constant 0 : i32
      %dma_wait3A_297 = tpu.memref_slice %arg6[%mul3A_149, %dma_wait3A] : memref<256x80xi32, #tpu.memory_space<hbm>> -> memref<8x80xi32, #tpu.memory_space<hbm>>
      %dma_wait3A_298 = arith.constant 0 : i32
      %dma_wait3A_299 = tpu.memref_slice %arg6[%mul3A_149, %dma_wait3A_298] : memref<256x80xi32, #tpu.memory_space<hbm>> -> memref<8x80xi32, #tpu.memory_space<hbm>>
      tpu.wait_dma2 semaphore(%run_scoped3A : memref<!tpu.dma_semaphore, #tpu.memory_space<semaphore_mem>>) src(%dma_wait3A_299 : memref<8x80xi32, #tpu.memory_space<hbm>>) dst(%arg10 : memref<8x80xi32, #tpu.memory_space<vmem>>)
      tpu.yield
    }) : () -> ()
    %mul3A_150 = arith.constant 8 : i32
    %mul3A_151 = arith.muli %add3A, %mul3A_150 : i32
    %add3A_152 = arith.constant 0 : i32
    %add3A_153 = arith.addi %mul3A_151, %add3A_152 : i32
    %lt3A_154 = arith.constant 250 : i32
    %lt3A_155 = arith.cmpi slt, %add3A_153, %lt3A_154 : i32
    %convert_element_type3A_156 = arith.extui %lt3A_155 : i1 to i32
    %cond3A_157 = arith.constant 0 : i32
    %cond3A_158 = arith.cmpi ne, %convert_element_type3A_156, %cond3A_157 : i32
    scf.if %cond3A_158 {
      %dma_start3A = arith.constant 0 : i32
      %dma_start3A_294 = arith.constant 0 : i32
      %dma_start3A_295 = tpu.memref_slice %arg9[%dma_start3A, %dma_start3A_294] : memref<8x80xi32, #tpu.memory_space<vmem>> -> memref<1x80xi32, #tpu.memory_space<vmem>>
      %dma_start3A_296 = tpu.memref_squeeze %dma_start3A_295 : memref<1x80xi32, #tpu.memory_space<vmem>> -> memref<80xi32, #tpu.memory_space<vmem>>
      %dma_start3A_297 = arith.constant 0 : i32
      %dma_start3A_298 = arith.constant 0 : i32
      %dma_start3A_299 = tpu.memref_slice %arg2[%dma_start3A_297, %dma_start3A_298] : memref<10000x128xf32, #tpu.memory_space<hbm>> -> memref<10000x128xf32, #tpu.memory_space<hbm>>
      tpu.enqueue_indirect_dma source(%dma_start3A_299 : memref<10000x128xf32, #tpu.memory_space<hbm>>) target(%arg11 : memref<80x128xf32, #tpu.memory_space<vmem>>) offsets(%dma_start3A_296 : memref<80xi32, #tpu.memory_space<vmem>>) semaphore(%arg15 : memref<!tpu.dma_semaphore, #tpu.memory_space<semaphore_mem>>)
      %dma_start3A_300 = arith.constant 0 : i32
      %dma_start3A_301 = arith.constant 0 : i32
      %dma_start3A_302 = tpu.memref_slice %arg10[%dma_start3A_300, %dma_start3A_301] : memref<8x80xi32, #tpu.memory_space<vmem>> -> memref<1x80xi32, #tpu.memory_space<vmem>>
      %dma_start3A_303 = tpu.memref_squeeze %dma_start3A_302 : memref<1x80xi32, #tpu.memory_space<vmem>> -> memref<80xi32, #tpu.memory_space<vmem>>
      %dma_start3A_304 = arith.constant 0 : i32
      %dma_start3A_305 = arith.constant 0 : i32
      %dma_start3A_306 = tpu.memref_slice %arg2[%dma_start3A_304, %dma_start3A_305] : memref<10000x128xf32, #tpu.memory_space<hbm>> -> memref<10000x128xf32, #tpu.memory_space<hbm>>
      tpu.enqueue_indirect_dma source(%dma_start3A_306 : memref<10000x128xf32, #tpu.memory_space<hbm>>) target(%arg13 : memref<80x128xf32, #tpu.memory_space<vmem>>) offsets(%dma_start3A_303 : memref<80xi32, #tpu.memory_space<vmem>>) semaphore(%arg17 : memref<!tpu.dma_semaphore, #tpu.memory_space<semaphore_mem>>)
    } else {
    }
    %mul3A_159 = arith.constant 8 : i32
    %mul3A_160 = arith.muli %add3A, %mul3A_159 : i32
    %add3A_161 = arith.constant 1 : i32
    %add3A_162 = arith.addi %mul3A_160, %add3A_161 : i32
    %lt3A_163 = arith.constant 250 : i32
    %lt3A_164 = arith.cmpi slt, %add3A_162, %lt3A_163 : i32
    %convert_element_type3A_165 = arith.extui %lt3A_164 : i1 to i32
    %cond3A_166 = arith.constant 0 : i32
    %cond3A_167 = arith.cmpi ne, %convert_element_type3A_165, %cond3A_166 : i32
    scf.if %cond3A_167 {
      %dma_start3A = arith.constant 1 : i32
      %dma_start3A_294 = arith.constant 0 : i32
      %dma_start3A_295 = tpu.memref_slice %arg9[%dma_start3A, %dma_start3A_294] : memref<8x80xi32, #tpu.memory_space<vmem>> -> memref<1x80xi32, #tpu.memory_space<vmem>>
      %dma_start3A_296 = tpu.memref_squeeze %dma_start3A_295 : memref<1x80xi32, #tpu.memory_space<vmem>> -> memref<80xi32, #tpu.memory_space<vmem>>
      %dma_start3A_297 = arith.constant 0 : i32
      %dma_start3A_298 = arith.constant 0 : i32
      %dma_start3A_299 = tpu.memref_slice %arg2[%dma_start3A_297, %dma_start3A_298] : memref<10000x128xf32, #tpu.memory_space<hbm>> -> memref<10000x128xf32, #tpu.memory_space<hbm>>
      tpu.enqueue_indirect_dma source(%dma_start3A_299 : memref<10000x128xf32, #tpu.memory_space<hbm>>) target(%arg12 : memref<80x128xf32, #tpu.memory_space<vmem>>) offsets(%dma_start3A_296 : memref<80xi32, #tpu.memory_space<vmem>>) semaphore(%arg16 : memref<!tpu.dma_semaphore, #tpu.memory_space<semaphore_mem>>)
      %dma_start3A_300 = arith.constant 1 : i32
      %dma_start3A_301 = arith.constant 0 : i32
      %dma_start3A_302 = tpu.memref_slice %arg10[%dma_start3A_300, %dma_start3A_301] : memref<8x80xi32, #tpu.memory_space<vmem>> -> memref<1x80xi32, #tpu.memory_space<vmem>>
      %dma_start3A_303 = tpu.memref_squeeze %dma_start3A_302 : memref<1x80xi32, #tpu.memory_space<vmem>> -> memref<80xi32, #tpu.memory_space<vmem>>
      %dma_start3A_304 = arith.constant 0 : i32
      %dma_start3A_305 = arith.constant 0 : i32
      %dma_start3A_306 = tpu.memref_slice %arg2[%dma_start3A_304, %dma_start3A_305] : memref<10000x128xf32, #tpu.memory_space<hbm>> -> memref<10000x128xf32, #tpu.memory_space<hbm>>
      tpu.enqueue_indirect_dma source(%dma_start3A_306 : memref<10000x128xf32, #tpu.memory_space<hbm>>) target(%arg14 : memref<80x128xf32, #tpu.memory_space<vmem>>) offsets(%dma_start3A_303 : memref<80xi32, #tpu.memory_space<vmem>>) semaphore(%arg18 : memref<!tpu.dma_semaphore, #tpu.memory_space<semaphore_mem>>)
    } else {
    }
    %mul3A_168 = arith.constant 8 : i32
    %mul3A_169 = arith.muli %add3A, %mul3A_168 : i32
    %add3A_170 = arith.constant 0 : i32
    %add3A_171 = arith.addi %mul3A_169, %add3A_170 : i32
    %lt3A_172 = arith.constant 250 : i32
    %lt3A_173 = arith.cmpi slt, %add3A_171, %lt3A_172 : i32
    %convert_element_type3A_174 = arith.extui %lt3A_173 : i1 to i32
    %cond3A_175 = arith.constant 0 : i32
    %cond3A_176 = arith.cmpi ne, %convert_element_type3A_174, %cond3A_175 : i32
    scf.if %cond3A_176 {
      %mul3A_294 = arith.constant 80 : i32
      %mul3A_295 = arith.muli %add3A_171, %mul3A_294 : i32
      %dma_wait3A = arith.constant 0 : i32
      %dma_wait3A_296 = arith.constant 0 : i32
      %dma_wait3A_297 = tpu.memref_slice %arg9[%dma_wait3A, %dma_wait3A_296] : memref<8x80xi32, #tpu.memory_space<vmem>> -> memref<1x80xi32, #tpu.memory_space<vmem>>
      %dma_wait3A_298 = tpu.memref_squeeze %dma_wait3A_297 : memref<1x80xi32, #tpu.memory_space<vmem>> -> memref<80xi32, #tpu.memory_space<vmem>>
      %dma_wait3A_299 = arith.constant 0 : i32
      %dma_wait3A_300 = arith.constant 0 : i32
      %dma_wait3A_301 = tpu.memref_slice %arg2[%dma_wait3A_299, %dma_wait3A_300] : memref<10000x128xf32, #tpu.memory_space<hbm>> -> memref<10000x128xf32, #tpu.memory_space<hbm>>
      tpu.wait_indirect_dma semaphore(%arg15 : memref<!tpu.dma_semaphore, #tpu.memory_space<semaphore_mem>>) src(%dma_wait3A_301 : memref<10000x128xf32, #tpu.memory_space<hbm>>) dst(%arg11 : memref<80x128xf32, #tpu.memory_space<vmem>>)
      %dma_wait3A_302 = arith.constant 0 : i32
      %dma_wait3A_303 = arith.constant 0 : i32
      %dma_wait3A_304 = tpu.memref_slice %arg10[%dma_wait3A_302, %dma_wait3A_303] : memref<8x80xi32, #tpu.memory_space<vmem>> -> memref<1x80xi32, #tpu.memory_space<vmem>>
      %dma_wait3A_305 = tpu.memref_squeeze %dma_wait3A_304 : memref<1x80xi32, #tpu.memory_space<vmem>> -> memref<80xi32, #tpu.memory_space<vmem>>
      %dma_wait3A_306 = arith.constant 0 : i32
      %dma_wait3A_307 = arith.constant 0 : i32
      %dma_wait3A_308 = tpu.memref_slice %arg2[%dma_wait3A_306, %dma_wait3A_307] : memref<10000x128xf32, #tpu.memory_space<hbm>> -> memref<10000x128xf32, #tpu.memory_space<hbm>>
      tpu.wait_indirect_dma semaphore(%arg17 : memref<!tpu.dma_semaphore, #tpu.memory_space<semaphore_mem>>) src(%dma_wait3A_308 : memref<10000x128xf32, #tpu.memory_space<hbm>>) dst(%arg13 : memref<80x128xf32, #tpu.memory_space<vmem>>)
      %add3A_309 = arith.constant 20000 : i32
      %add3A_310 = arith.addi %add3A_309, %mul3A_295 : i32
      "tpu.region"() ({
        %run_scoped3A = tpu.sem_alloc : memref<!tpu.dma_semaphore, #tpu.memory_space<semaphore_mem>>
        %dma_start3A = arith.constant 0 : i32
        %dma_start3A_313 = tpu.memref_slice %arg7[%add3A_310, %dma_start3A] : memref<40000x128xf32, #tpu.memory_space<hbm>> -> memref<80x128xf32, #tpu.memory_space<hbm>>
        %dma_start3A_314 = arith.constant 0 : i32
        %dma_start3A_315 = tpu.memref_slice %arg7[%add3A_310, %dma_start3A_314] : memref<40000x128xf32, #tpu.memory_space<hbm>> -> memref<80x128xf32, #tpu.memory_space<hbm>>
        tpu.enqueue_dma source(%arg11 : memref<80x128xf32, #tpu.memory_space<vmem>>) target(%dma_start3A_315 : memref<80x128xf32, #tpu.memory_space<hbm>>) target_semaphore(%run_scoped3A : memref<!tpu.dma_semaphore, #tpu.memory_space<semaphore_mem>>)
        %dma_wait3A_316 = arith.constant 0 : i32
        %dma_wait3A_317 = tpu.memref_slice %arg7[%add3A_310, %dma_wait3A_316] : memref<40000x128xf32, #tpu.memory_space<hbm>> -> memref<80x128xf32, #tpu.memory_space<hbm>>
        %dma_wait3A_318 = arith.constant 0 : i32
        %dma_wait3A_319 = tpu.memref_slice %arg7[%add3A_310, %dma_wait3A_318] : memref<40000x128xf32, #tpu.memory_space<hbm>> -> memref<80x128xf32, #tpu.memory_space<hbm>>
        tpu.wait_dma2 semaphore(%run_scoped3A : memref<!tpu.dma_semaphore, #tpu.memory_space<semaphore_mem>>) src(%arg11 : memref<80x128xf32, #tpu.memory_space<vmem>>) dst(%dma_wait3A_319 : memref<80x128xf32, #tpu.memory_space<hbm>>)
        tpu.yield
      }) : () -> ()
      %add3A_311 = arith.constant 20000 : i32
      %add3A_312 = arith.addi %add3A_311, %mul3A_295 : i32
      "tpu.region"() ({
        %run_scoped3A = tpu.sem_alloc : memref<!tpu.dma_semaphore, #tpu.memory_space<semaphore_mem>>
        %dma_start3A = arith.constant 0 : i32
        %dma_start3A_313 = tpu.memref_slice %arg8[%add3A_312, %dma_start3A] : memref<40000x128xf32, #tpu.memory_space<hbm>> -> memref<80x128xf32, #tpu.memory_space<hbm>>
        %dma_start3A_314 = arith.constant 0 : i32
        %dma_start3A_315 = tpu.memref_slice %arg8[%add3A_312, %dma_start3A_314] : memref<40000x128xf32, #tpu.memory_space<hbm>> -> memref<80x128xf32, #tpu.memory_space<hbm>>
        tpu.enqueue_dma source(%arg13 : memref<80x128xf32, #tpu.memory_space<vmem>>) target(%dma_start3A_315 : memref<80x128xf32, #tpu.memory_space<hbm>>) target_semaphore(%run_scoped3A : memref<!tpu.dma_semaphore, #tpu.memory_space<semaphore_mem>>)
        %dma_wait3A_316 = arith.constant 0 : i32
        %dma_wait3A_317 = tpu.memref_slice %arg8[%add3A_312, %dma_wait3A_316] : memref<40000x128xf32, #tpu.memory_space<hbm>> -> memref<80x128xf32, #tpu.memory_space<hbm>>
        %dma_wait3A_318 = arith.constant 0 : i32
        %dma_wait3A_319 = tpu.memref_slice %arg8[%add3A_312, %dma_wait3A_318] : memref<40000x128xf32, #tpu.memory_space<hbm>> -> memref<80x128xf32, #tpu.memory_space<hbm>>
        tpu.wait_dma2 semaphore(%run_scoped3A : memref<!tpu.dma_semaphore, #tpu.memory_space<semaphore_mem>>) src(%arg13 : memref<80x128xf32, #tpu.memory_space<vmem>>) dst(%dma_wait3A_319 : memref<80x128xf32, #tpu.memory_space<hbm>>)
        tpu.yield
      }) : () -> ()
    } else {
    }
    %mul3A_177 = arith.constant 8 : i32
    %mul3A_178 = arith.muli %add3A, %mul3A_177 : i32
    %add3A_179 = arith.constant 2 : i32
    %add3A_180 = arith.addi %mul3A_178, %add3A_179 : i32
    %lt3A_181 = arith.constant 250 : i32
    %lt3A_182 = arith.cmpi slt, %add3A_180, %lt3A_181 : i32
    %convert_element_type3A_183 = arith.extui %lt3A_182 : i1 to i32
    %cond3A_184 = arith.constant 0 : i32
    %cond3A_185 = arith.cmpi ne, %convert_element_type3A_183, %cond3A_184 : i32
    scf.if %cond3A_185 {
      %dma_start3A = arith.constant 2 : i32
      %dma_start3A_294 = arith.constant 0 : i32
      %dma_start3A_295 = tpu.memref_slice %arg9[%dma_start3A, %dma_start3A_294] : memref<8x80xi32, #tpu.memory_space<vmem>> -> memref<1x80xi32, #tpu.memory_space<vmem>>
      %dma_start3A_296 = tpu.memref_squeeze %dma_start3A_295 : memref<1x80xi32, #tpu.memory_space<vmem>> -> memref<80xi32, #tpu.memory_space<vmem>>
      %dma_start3A_297 = arith.constant 0 : i32
      %dma_start3A_298 = arith.constant 0 : i32
      %dma_start3A_299 = tpu.memref_slice %arg2[%dma_start3A_297, %dma_start3A_298] : memref<10000x128xf32, #tpu.memory_space<hbm>> -> memref<10000x128xf32, #tpu.memory_space<hbm>>
      tpu.enqueue_indirect_dma source(%dma_start3A_299 : memref<10000x128xf32, #tpu.memory_space<hbm>>) target(%arg11 : memref<80x128xf32, #tpu.memory_space<vmem>>) offsets(%dma_start3A_296 : memref<80xi32, #tpu.memory_space<vmem>>) semaphore(%arg15 : memref<!tpu.dma_semaphore, #tpu.memory_space<semaphore_mem>>)
      %dma_start3A_300 = arith.constant 2 : i32
      %dma_start3A_301 = arith.constant 0 : i32
      %dma_start3A_302 = tpu.memref_slice %arg10[%dma_start3A_300, %dma_start3A_301] : memref<8x80xi32, #tpu.memory_space<vmem>> -> memref<1x80xi32, #tpu.memory_space<vmem>>
      %dma_start3A_303 = tpu.memref_squeeze %dma_start3A_302 : memref<1x80xi32, #tpu.memory_space<vmem>> -> memref<80xi32, #tpu.memory_space<vmem>>
      %dma_start3A_304 = arith.constant 0 : i32
      %dma_start3A_305 = arith.constant 0 : i32
      %dma_start3A_306 = tpu.memref_slice %arg2[%dma_start3A_304, %dma_start3A_305] : memref<10000x128xf32, #tpu.memory_space<hbm>> -> memref<10000x128xf32, #tpu.memory_space<hbm>>
      tpu.enqueue_indirect_dma source(%dma_start3A_306 : memref<10000x128xf32, #tpu.memory_space<hbm>>) target(%arg13 : memref<80x128xf32, #tpu.memory_space<vmem>>) offsets(%dma_start3A_303 : memref<80xi32, #tpu.memory_space<vmem>>) semaphore(%arg17 : memref<!tpu.dma_semaphore, #tpu.memory_space<semaphore_mem>>)
    } else {
    }
    %mul3A_186 = arith.constant 8 : i32
    %mul3A_187 = arith.muli %add3A, %mul3A_186 : i32
    %add3A_188 = arith.constant 1 : i32
    %add3A_189 = arith.addi %mul3A_187, %add3A_188 : i32
    %lt3A_190 = arith.constant 250 : i32
    %lt3A_191 = arith.cmpi slt, %add3A_189, %lt3A_190 : i32
    %convert_element_type3A_192 = arith.extui %lt3A_191 : i1 to i32
    %cond3A_193 = arith.constant 0 : i32
    %cond3A_194 = arith.cmpi ne, %convert_element_type3A_192, %cond3A_193 : i32
    scf.if %cond3A_194 {
      %mul3A_294 = arith.constant 80 : i32
      %mul3A_295 = arith.muli %add3A_189, %mul3A_294 : i32
      %dma_wait3A = arith.constant 1 : i32
      %dma_wait3A_296 = arith.constant 0 : i32
      %dma_wait3A_297 = tpu.memref_slice %arg9[%dma_wait3A, %dma_wait3A_296] : memref<8x80xi32, #tpu.memory_space<vmem>> -> memref<1x80xi32, #tpu.memory_space<vmem>>
      %dma_wait3A_298 = tpu.memref_squeeze %dma_wait3A_297 : memref<1x80xi32, #tpu.memory_space<vmem>> -> memref<80xi32, #tpu.memory_space<vmem>>
      %dma_wait3A_299 = arith.constant 0 : i32
      %dma_wait3A_300 = arith.constant 0 : i32
      %dma_wait3A_301 = tpu.memref_slice %arg2[%dma_wait3A_299, %dma_wait3A_300] : memref<10000x128xf32, #tpu.memory_space<hbm>> -> memref<10000x128xf32, #tpu.memory_space<hbm>>
      tpu.wait_indirect_dma semaphore(%arg16 : memref<!tpu.dma_semaphore, #tpu.memory_space<semaphore_mem>>) src(%dma_wait3A_301 : memref<10000x128xf32, #tpu.memory_space<hbm>>) dst(%arg12 : memref<80x128xf32, #tpu.memory_space<vmem>>)
      %dma_wait3A_302 = arith.constant 1 : i32
      %dma_wait3A_303 = arith.constant 0 : i32
      %dma_wait3A_304 = tpu.memref_slice %arg10[%dma_wait3A_302, %dma_wait3A_303] : memref<8x80xi32, #tpu.memory_space<vmem>> -> memref<1x80xi32, #tpu.memory_space<vmem>>
      %dma_wait3A_305 = tpu.memref_squeeze %dma_wait3A_304 : memref<1x80xi32, #tpu.memory_space<vmem>> -> memref<80xi32, #tpu.memory_space<vmem>>
      %dma_wait3A_306 = arith.constant 0 : i32
      %dma_wait3A_307 = arith.constant 0 : i32
      %dma_wait3A_308 = tpu.memref_slice %arg2[%dma_wait3A_306, %dma_wait3A_307] : memref<10000x128xf32, #tpu.memory_space<hbm>> -> memref<10000x128xf32, #tpu.memory_space<hbm>>
      tpu.wait_indirect_dma semaphore(%arg18 : memref<!tpu.dma_semaphore, #tpu.memory_space<semaphore_mem>>) src(%dma_wait3A_308 : memref<10000x128xf32, #tpu.memory_space<hbm>>) dst(%arg14 : memref<80x128xf32, #tpu.memory_space<vmem>>)
      %add3A_309 = arith.constant 20000 : i32
      %add3A_310 = arith.addi %add3A_309, %mul3A_295 : i32
      "tpu.region"() ({
        %run_scoped3A = tpu.sem_alloc : memref<!tpu.dma_semaphore, #tpu.memory_space<semaphore_mem>>
        %dma_start3A = arith.constant 0 : i32
        %dma_start3A_313 = tpu.memref_slice %arg7[%add3A_310, %dma_start3A] : memref<40000x128xf32, #tpu.memory_space<hbm>> -> memref<80x128xf32, #tpu.memory_space<hbm>>
        %dma_start3A_314 = arith.constant 0 : i32
        %dma_start3A_315 = tpu.memref_slice %arg7[%add3A_310, %dma_start3A_314] : memref<40000x128xf32, #tpu.memory_space<hbm>> -> memref<80x128xf32, #tpu.memory_space<hbm>>
        tpu.enqueue_dma source(%arg12 : memref<80x128xf32, #tpu.memory_space<vmem>>) target(%dma_start3A_315 : memref<80x128xf32, #tpu.memory_space<hbm>>) target_semaphore(%run_scoped3A : memref<!tpu.dma_semaphore, #tpu.memory_space<semaphore_mem>>)
        %dma_wait3A_316 = arith.constant 0 : i32
        %dma_wait3A_317 = tpu.memref_slice %arg7[%add3A_310, %dma_wait3A_316] : memref<40000x128xf32, #tpu.memory_space<hbm>> -> memref<80x128xf32, #tpu.memory_space<hbm>>
        %dma_wait3A_318 = arith.constant 0 : i32
        %dma_wait3A_319 = tpu.memref_slice %arg7[%add3A_310, %dma_wait3A_318] : memref<40000x128xf32, #tpu.memory_space<hbm>> -> memref<80x128xf32, #tpu.memory_space<hbm>>
        tpu.wait_dma2 semaphore(%run_scoped3A : memref<!tpu.dma_semaphore, #tpu.memory_space<semaphore_mem>>) src(%arg12 : memref<80x128xf32, #tpu.memory_space<vmem>>) dst(%dma_wait3A_319 : memref<80x128xf32, #tpu.memory_space<hbm>>)
        tpu.yield
      }) : () -> ()
      %add3A_311 = arith.constant 20000 : i32
      %add3A_312 = arith.addi %add3A_311, %mul3A_295 : i32
      "tpu.region"() ({
        %run_scoped3A = tpu.sem_alloc : memref<!tpu.dma_semaphore, #tpu.memory_space<semaphore_mem>>
        %dma_start3A = arith.constant 0 : i32
        %dma_start3A_313 = tpu.memref_slice %arg8[%add3A_312, %dma_start3A] : memref<40000x128xf32, #tpu.memory_space<hbm>> -> memref<80x128xf32, #tpu.memory_space<hbm>>
        %dma_start3A_314 = arith.constant 0 : i32
        %dma_start3A_315 = tpu.memref_slice %arg8[%add3A_312, %dma_start3A_314] : memref<40000x128xf32, #tpu.memory_space<hbm>> -> memref<80x128xf32, #tpu.memory_space<hbm>>
        tpu.enqueue_dma source(%arg14 : memref<80x128xf32, #tpu.memory_space<vmem>>) target(%dma_start3A_315 : memref<80x128xf32, #tpu.memory_space<hbm>>) target_semaphore(%run_scoped3A : memref<!tpu.dma_semaphore, #tpu.memory_space<semaphore_mem>>)
        %dma_wait3A_316 = arith.constant 0 : i32
        %dma_wait3A_317 = tpu.memref_slice %arg8[%add3A_312, %dma_wait3A_316] : memref<40000x128xf32, #tpu.memory_space<hbm>> -> memref<80x128xf32, #tpu.memory_space<hbm>>
        %dma_wait3A_318 = arith.constant 0 : i32
        %dma_wait3A_319 = tpu.memref_slice %arg8[%add3A_312, %dma_wait3A_318] : memref<40000x128xf32, #tpu.memory_space<hbm>> -> memref<80x128xf32, #tpu.memory_space<hbm>>
        tpu.wait_dma2 semaphore(%run_scoped3A : memref<!tpu.dma_semaphore, #tpu.memory_space<semaphore_mem>>) src(%arg14 : memref<80x128xf32, #tpu.memory_space<vmem>>) dst(%dma_wait3A_319 : memref<80x128xf32, #tpu.memory_space<hbm>>)
        tpu.yield
      }) : () -> ()
    } else {
    }
    %mul3A_195 = arith.constant 8 : i32
    %mul3A_196 = arith.muli %add3A, %mul3A_195 : i32
    %add3A_197 = arith.constant 3 : i32
    %add3A_198 = arith.addi %mul3A_196, %add3A_197 : i32
    %lt3A_199 = arith.constant 250 : i32
    %lt3A_200 = arith.cmpi slt, %add3A_198, %lt3A_199 : i32
    %convert_element_type3A_201 = arith.extui %lt3A_200 : i1 to i32
    %cond3A_202 = arith.constant 0 : i32
    %cond3A_203 = arith.cmpi ne, %convert_element_type3A_201, %cond3A_202 : i32
    scf.if %cond3A_203 {
      %dma_start3A = arith.constant 3 : i32
      %dma_start3A_294 = arith.constant 0 : i32
      %dma_start3A_295 = tpu.memref_slice %arg9[%dma_start3A, %dma_start3A_294] : memref<8x80xi32, #tpu.memory_space<vmem>> -> memref<1x80xi32, #tpu.memory_space<vmem>>
      %dma_start3A_296 = tpu.memref_squeeze %dma_start3A_295 : memref<1x80xi32, #tpu.memory_space<vmem>> -> memref<80xi32, #tpu.memory_space<vmem>>
      %dma_start3A_297 = arith.constant 0 : i32
      %dma_start3A_298 = arith.constant 0 : i32
      %dma_start3A_299 = tpu.memref_slice %arg2[%dma_start3A_297, %dma_start3A_298] : memref<10000x128xf32, #tpu.memory_space<hbm>> -> memref<10000x128xf32, #tpu.memory_space<hbm>>
      tpu.enqueue_indirect_dma source(%dma_start3A_299 : memref<10000x128xf32, #tpu.memory_space<hbm>>) target(%arg12 : memref<80x128xf32, #tpu.memory_space<vmem>>) offsets(%dma_start3A_296 : memref<80xi32, #tpu.memory_space<vmem>>) semaphore(%arg16 : memref<!tpu.dma_semaphore, #tpu.memory_space<semaphore_mem>>)
      %dma_start3A_300 = arith.constant 3 : i32
      %dma_start3A_301 = arith.constant 0 : i32
      %dma_start3A_302 = tpu.memref_slice %arg10[%dma_start3A_300, %dma_start3A_301] : memref<8x80xi32, #tpu.memory_space<vmem>> -> memref<1x80xi32, #tpu.memory_space<vmem>>
      %dma_start3A_303 = tpu.memref_squeeze %dma_start3A_302 : memref<1x80xi32, #tpu.memory_space<vmem>> -> memref<80xi32, #tpu.memory_space<vmem>>
      %dma_start3A_304 = arith.constant 0 : i32
      %dma_start3A_305 = arith.constant 0 : i32
      %dma_start3A_306 = tpu.memref_slice %arg2[%dma_start3A_304, %dma_start3A_305] : memref<10000x128xf32, #tpu.memory_space<hbm>> -> memref<10000x128xf32, #tpu.memory_space<hbm>>
      tpu.enqueue_indirect_dma source(%dma_start3A_306 : memref<10000x128xf32, #tpu.memory_space<hbm>>) target(%arg14 : memref<80x128xf32, #tpu.memory_space<vmem>>) offsets(%dma_start3A_303 : memref<80xi32, #tpu.memory_space<vmem>>) semaphore(%arg18 : memref<!tpu.dma_semaphore, #tpu.memory_space<semaphore_mem>>)
    } else {
    }
    %mul3A_204 = arith.constant 8 : i32
    %mul3A_205 = arith.muli %add3A, %mul3A_204 : i32
    %add3A_206 = arith.constant 2 : i32
    %add3A_207 = arith.addi %mul3A_205, %add3A_206 : i32
    %lt3A_208 = arith.constant 250 : i32
    %lt3A_209 = arith.cmpi slt, %add3A_207, %lt3A_208 : i32
    %convert_element_type3A_210 = arith.extui %lt3A_209 : i1 to i32
    %cond3A_211 = arith.constant 0 : i32
    %cond3A_212 = arith.cmpi ne, %convert_element_type3A_210, %cond3A_211 : i32
    scf.if %cond3A_212 {
      %mul3A_294 = arith.constant 80 : i32
      %mul3A_295 = arith.muli %add3A_207, %mul3A_294 : i32
      %dma_wait3A = arith.constant 2 : i32
      %dma_wait3A_296 = arith.constant 0 : i32
      %dma_wait3A_297 = tpu.memref_slice %arg9[%dma_wait3A, %dma_wait3A_296] : memref<8x80xi32, #tpu.memory_space<vmem>> -> memref<1x80xi32, #tpu.memory_space<vmem>>
      %dma_wait3A_298 = tpu.memref_squeeze %dma_wait3A_297 : memref<1x80xi32, #tpu.memory_space<vmem>> -> memref<80xi32, #tpu.memory_space<vmem>>
      %dma_wait3A_299 = arith.constant 0 : i32
      %dma_wait3A_300 = arith.constant 0 : i32
      %dma_wait3A_301 = tpu.memref_slice %arg2[%dma_wait3A_299, %dma_wait3A_300] : memref<10000x128xf32, #tpu.memory_space<hbm>> -> memref<10000x128xf32, #tpu.memory_space<hbm>>
      tpu.wait_indirect_dma semaphore(%arg15 : memref<!tpu.dma_semaphore, #tpu.memory_space<semaphore_mem>>) src(%dma_wait3A_301 : memref<10000x128xf32, #tpu.memory_space<hbm>>) dst(%arg11 : memref<80x128xf32, #tpu.memory_space<vmem>>)
      %dma_wait3A_302 = arith.constant 2 : i32
      %dma_wait3A_303 = arith.constant 0 : i32
      %dma_wait3A_304 = tpu.memref_slice %arg10[%dma_wait3A_302, %dma_wait3A_303] : memref<8x80xi32, #tpu.memory_space<vmem>> -> memref<1x80xi32, #tpu.memory_space<vmem>>
      %dma_wait3A_305 = tpu.memref_squeeze %dma_wait3A_304 : memref<1x80xi32, #tpu.memory_space<vmem>> -> memref<80xi32, #tpu.memory_space<vmem>>
      %dma_wait3A_306 = arith.constant 0 : i32
      %dma_wait3A_307 = arith.constant 0 : i32
      %dma_wait3A_308 = tpu.memref_slice %arg2[%dma_wait3A_306, %dma_wait3A_307] : memref<10000x128xf32, #tpu.memory_space<hbm>> -> memref<10000x128xf32, #tpu.memory_space<hbm>>
      tpu.wait_indirect_dma semaphore(%arg17 : memref<!tpu.dma_semaphore, #tpu.memory_space<semaphore_mem>>) src(%dma_wait3A_308 : memref<10000x128xf32, #tpu.memory_space<hbm>>) dst(%arg13 : memref<80x128xf32, #tpu.memory_space<vmem>>)
      %add3A_309 = arith.constant 20000 : i32
      %add3A_310 = arith.addi %add3A_309, %mul3A_295 : i32
      "tpu.region"() ({
        %run_scoped3A = tpu.sem_alloc : memref<!tpu.dma_semaphore, #tpu.memory_space<semaphore_mem>>
        %dma_start3A = arith.constant 0 : i32
        %dma_start3A_313 = tpu.memref_slice %arg7[%add3A_310, %dma_start3A] : memref<40000x128xf32, #tpu.memory_space<hbm>> -> memref<80x128xf32, #tpu.memory_space<hbm>>
        %dma_start3A_314 = arith.constant 0 : i32
        %dma_start3A_315 = tpu.memref_slice %arg7[%add3A_310, %dma_start3A_314] : memref<40000x128xf32, #tpu.memory_space<hbm>> -> memref<80x128xf32, #tpu.memory_space<hbm>>
        tpu.enqueue_dma source(%arg11 : memref<80x128xf32, #tpu.memory_space<vmem>>) target(%dma_start3A_315 : memref<80x128xf32, #tpu.memory_space<hbm>>) target_semaphore(%run_scoped3A : memref<!tpu.dma_semaphore, #tpu.memory_space<semaphore_mem>>)
        %dma_wait3A_316 = arith.constant 0 : i32
        %dma_wait3A_317 = tpu.memref_slice %arg7[%add3A_310, %dma_wait3A_316] : memref<40000x128xf32, #tpu.memory_space<hbm>> -> memref<80x128xf32, #tpu.memory_space<hbm>>
        %dma_wait3A_318 = arith.constant 0 : i32
        %dma_wait3A_319 = tpu.memref_slice %arg7[%add3A_310, %dma_wait3A_318] : memref<40000x128xf32, #tpu.memory_space<hbm>> -> memref<80x128xf32, #tpu.memory_space<hbm>>
        tpu.wait_dma2 semaphore(%run_scoped3A : memref<!tpu.dma_semaphore, #tpu.memory_space<semaphore_mem>>) src(%arg11 : memref<80x128xf32, #tpu.memory_space<vmem>>) dst(%dma_wait3A_319 : memref<80x128xf32, #tpu.memory_space<hbm>>)
        tpu.yield
      }) : () -> ()
      %add3A_311 = arith.constant 20000 : i32
      %add3A_312 = arith.addi %add3A_311, %mul3A_295 : i32
      "tpu.region"() ({
        %run_scoped3A = tpu.sem_alloc : memref<!tpu.dma_semaphore, #tpu.memory_space<semaphore_mem>>
        %dma_start3A = arith.constant 0 : i32
        %dma_start3A_313 = tpu.memref_slice %arg8[%add3A_312, %dma_start3A] : memref<40000x128xf32, #tpu.memory_space<hbm>> -> memref<80x128xf32, #tpu.memory_space<hbm>>
        %dma_start3A_314 = arith.constant 0 : i32
        %dma_start3A_315 = tpu.memref_slice %arg8[%add3A_312, %dma_start3A_314] : memref<40000x128xf32, #tpu.memory_space<hbm>> -> memref<80x128xf32, #tpu.memory_space<hbm>>
        tpu.enqueue_dma source(%arg13 : memref<80x128xf32, #tpu.memory_space<vmem>>) target(%dma_start3A_315 : memref<80x128xf32, #tpu.memory_space<hbm>>) target_semaphore(%run_scoped3A : memref<!tpu.dma_semaphore, #tpu.memory_space<semaphore_mem>>)
        %dma_wait3A_316 = arith.constant 0 : i32
        %dma_wait3A_317 = tpu.memref_slice %arg8[%add3A_312, %dma_wait3A_316] : memref<40000x128xf32, #tpu.memory_space<hbm>> -> memref<80x128xf32, #tpu.memory_space<hbm>>
        %dma_wait3A_318 = arith.constant 0 : i32
        %dma_wait3A_319 = tpu.memref_slice %arg8[%add3A_312, %dma_wait3A_318] : memref<40000x128xf32, #tpu.memory_space<hbm>> -> memref<80x128xf32, #tpu.memory_space<hbm>>
        tpu.wait_dma2 semaphore(%run_scoped3A : memref<!tpu.dma_semaphore, #tpu.memory_space<semaphore_mem>>) src(%arg13 : memref<80x128xf32, #tpu.memory_space<vmem>>) dst(%dma_wait3A_319 : memref<80x128xf32, #tpu.memory_space<hbm>>)
        tpu.yield
      }) : () -> ()
    } else {
    }
    %mul3A_213 = arith.constant 8 : i32
    %mul3A_214 = arith.muli %add3A, %mul3A_213 : i32
    %add3A_215 = arith.constant 4 : i32
    %add3A_216 = arith.addi %mul3A_214, %add3A_215 : i32
    %lt3A_217 = arith.constant 250 : i32
    %lt3A_218 = arith.cmpi slt, %add3A_216, %lt3A_217 : i32
    %convert_element_type3A_219 = arith.extui %lt3A_218 : i1 to i32
    %cond3A_220 = arith.constant 0 : i32
    %cond3A_221 = arith.cmpi ne, %convert_element_type3A_219, %cond3A_220 : i32
    scf.if %cond3A_221 {
      %dma_start3A = arith.constant 4 : i32
      %dma_start3A_294 = arith.constant 0 : i32
      %dma_start3A_295 = tpu.memref_slice %arg9[%dma_start3A, %dma_start3A_294] : memref<8x80xi32, #tpu.memory_space<vmem>> -> memref<1x80xi32, #tpu.memory_space<vmem>>
      %dma_start3A_296 = tpu.memref_squeeze %dma_start3A_295 : memref<1x80xi32, #tpu.memory_space<vmem>> -> memref<80xi32, #tpu.memory_space<vmem>>
      %dma_start3A_297 = arith.constant 0 : i32
      %dma_start3A_298 = arith.constant 0 : i32
      %dma_start3A_299 = tpu.memref_slice %arg2[%dma_start3A_297, %dma_start3A_298] : memref<10000x128xf32, #tpu.memory_space<hbm>> -> memref<10000x128xf32, #tpu.memory_space<hbm>>
      tpu.enqueue_indirect_dma source(%dma_start3A_299 : memref<10000x128xf32, #tpu.memory_space<hbm>>) target(%arg11 : memref<80x128xf32, #tpu.memory_space<vmem>>) offsets(%dma_start3A_296 : memref<80xi32, #tpu.memory_space<vmem>>) semaphore(%arg15 : memref<!tpu.dma_semaphore, #tpu.memory_space<semaphore_mem>>)
      %dma_start3A_300 = arith.constant 4 : i32
      %dma_start3A_301 = arith.constant 0 : i32
      %dma_start3A_302 = tpu.memref_slice %arg10[%dma_start3A_300, %dma_start3A_301] : memref<8x80xi32, #tpu.memory_space<vmem>> -> memref<1x80xi32, #tpu.memory_space<vmem>>
      %dma_start3A_303 = tpu.memref_squeeze %dma_start3A_302 : memref<1x80xi32, #tpu.memory_space<vmem>> -> memref<80xi32, #tpu.memory_space<vmem>>
      %dma_start3A_304 = arith.constant 0 : i32
      %dma_start3A_305 = arith.constant 0 : i32
      %dma_start3A_306 = tpu.memref_slice %arg2[%dma_start3A_304, %dma_start3A_305] : memref<10000x128xf32, #tpu.memory_space<hbm>> -> memref<10000x128xf32, #tpu.memory_space<hbm>>
      tpu.enqueue_indirect_dma source(%dma_start3A_306 : memref<10000x128xf32, #tpu.memory_space<hbm>>) target(%arg13 : memref<80x128xf32, #tpu.memory_space<vmem>>) offsets(%dma_start3A_303 : memref<80xi32, #tpu.memory_space<vmem>>) semaphore(%arg17 : memref<!tpu.dma_semaphore, #tpu.memory_space<semaphore_mem>>)
    } else {
    }
    %mul3A_222 = arith.constant 8 : i32
    %mul3A_223 = arith.muli %add3A, %mul3A_222 : i32
    %add3A_224 = arith.constant 3 : i32
    %add3A_225 = arith.addi %mul3A_223, %add3A_224 : i32
    %lt3A_226 = arith.constant 250 : i32
    %lt3A_227 = arith.cmpi slt, %add3A_225, %lt3A_226 : i32
    %convert_element_type3A_228 = arith.extui %lt3A_227 : i1 to i32
    %cond3A_229 = arith.constant 0 : i32
    %cond3A_230 = arith.cmpi ne, %convert_element_type3A_228, %cond3A_229 : i32
    scf.if %cond3A_230 {
      %mul3A_294 = arith.constant 80 : i32
      %mul3A_295 = arith.muli %add3A_225, %mul3A_294 : i32
      %dma_wait3A = arith.constant 3 : i32
      %dma_wait3A_296 = arith.constant 0 : i32
      %dma_wait3A_297 = tpu.memref_slice %arg9[%dma_wait3A, %dma_wait3A_296] : memref<8x80xi32, #tpu.memory_space<vmem>> -> memref<1x80xi32, #tpu.memory_space<vmem>>
      %dma_wait3A_298 = tpu.memref_squeeze %dma_wait3A_297 : memref<1x80xi32, #tpu.memory_space<vmem>> -> memref<80xi32, #tpu.memory_space<vmem>>
      %dma_wait3A_299 = arith.constant 0 : i32
      %dma_wait3A_300 = arith.constant 0 : i32
      %dma_wait3A_301 = tpu.memref_slice %arg2[%dma_wait3A_299, %dma_wait3A_300] : memref<10000x128xf32, #tpu.memory_space<hbm>> -> memref<10000x128xf32, #tpu.memory_space<hbm>>
      tpu.wait_indirect_dma semaphore(%arg16 : memref<!tpu.dma_semaphore, #tpu.memory_space<semaphore_mem>>) src(%dma_wait3A_301 : memref<10000x128xf32, #tpu.memory_space<hbm>>) dst(%arg12 : memref<80x128xf32, #tpu.memory_space<vmem>>)
      %dma_wait3A_302 = arith.constant 3 : i32
      %dma_wait3A_303 = arith.constant 0 : i32
      %dma_wait3A_304 = tpu.memref_slice %arg10[%dma_wait3A_302, %dma_wait3A_303] : memref<8x80xi32, #tpu.memory_space<vmem>> -> memref<1x80xi32, #tpu.memory_space<vmem>>
      %dma_wait3A_305 = tpu.memref_squeeze %dma_wait3A_304 : memref<1x80xi32, #tpu.memory_space<vmem>> -> memref<80xi32, #tpu.memory_space<vmem>>
      %dma_wait3A_306 = arith.constant 0 : i32
      %dma_wait3A_307 = arith.constant 0 : i32
      %dma_wait3A_308 = tpu.memref_slice %arg2[%dma_wait3A_306, %dma_wait3A_307] : memref<10000x128xf32, #tpu.memory_space<hbm>> -> memref<10000x128xf32, #tpu.memory_space<hbm>>
      tpu.wait_indirect_dma semaphore(%arg18 : memref<!tpu.dma_semaphore, #tpu.memory_space<semaphore_mem>>) src(%dma_wait3A_308 : memref<10000x128xf32, #tpu.memory_space<hbm>>) dst(%arg14 : memref<80x128xf32, #tpu.memory_space<vmem>>)
      %add3A_309 = arith.constant 20000 : i32
      %add3A_310 = arith.addi %add3A_309, %mul3A_295 : i32
      "tpu.region"() ({
        %run_scoped3A = tpu.sem_alloc : memref<!tpu.dma_semaphore, #tpu.memory_space<semaphore_mem>>
        %dma_start3A = arith.constant 0 : i32
        %dma_start3A_313 = tpu.memref_slice %arg7[%add3A_310, %dma_start3A] : memref<40000x128xf32, #tpu.memory_space<hbm>> -> memref<80x128xf32, #tpu.memory_space<hbm>>
        %dma_start3A_314 = arith.constant 0 : i32
        %dma_start3A_315 = tpu.memref_slice %arg7[%add3A_310, %dma_start3A_314] : memref<40000x128xf32, #tpu.memory_space<hbm>> -> memref<80x128xf32, #tpu.memory_space<hbm>>
        tpu.enqueue_dma source(%arg12 : memref<80x128xf32, #tpu.memory_space<vmem>>) target(%dma_start3A_315 : memref<80x128xf32, #tpu.memory_space<hbm>>) target_semaphore(%run_scoped3A : memref<!tpu.dma_semaphore, #tpu.memory_space<semaphore_mem>>)
        %dma_wait3A_316 = arith.constant 0 : i32
        %dma_wait3A_317 = tpu.memref_slice %arg7[%add3A_310, %dma_wait3A_316] : memref<40000x128xf32, #tpu.memory_space<hbm>> -> memref<80x128xf32, #tpu.memory_space<hbm>>
        %dma_wait3A_318 = arith.constant 0 : i32
        %dma_wait3A_319 = tpu.memref_slice %arg7[%add3A_310, %dma_wait3A_318] : memref<40000x128xf32, #tpu.memory_space<hbm>> -> memref<80x128xf32, #tpu.memory_space<hbm>>
        tpu.wait_dma2 semaphore(%run_scoped3A : memref<!tpu.dma_semaphore, #tpu.memory_space<semaphore_mem>>) src(%arg12 : memref<80x128xf32, #tpu.memory_space<vmem>>) dst(%dma_wait3A_319 : memref<80x128xf32, #tpu.memory_space<hbm>>)
        tpu.yield
      }) : () -> ()
      %add3A_311 = arith.constant 20000 : i32
      %add3A_312 = arith.addi %add3A_311, %mul3A_295 : i32
      "tpu.region"() ({
        %run_scoped3A = tpu.sem_alloc : memref<!tpu.dma_semaphore, #tpu.memory_space<semaphore_mem>>
        %dma_start3A = arith.constant 0 : i32
        %dma_start3A_313 = tpu.memref_slice %arg8[%add3A_312, %dma_start3A] : memref<40000x128xf32, #tpu.memory_space<hbm>> -> memref<80x128xf32, #tpu.memory_space<hbm>>
        %dma_start3A_314 = arith.constant 0 : i32
        %dma_start3A_315 = tpu.memref_slice %arg8[%add3A_312, %dma_start3A_314] : memref<40000x128xf32, #tpu.memory_space<hbm>> -> memref<80x128xf32, #tpu.memory_space<hbm>>
        tpu.enqueue_dma source(%arg14 : memref<80x128xf32, #tpu.memory_space<vmem>>) target(%dma_start3A_315 : memref<80x128xf32, #tpu.memory_space<hbm>>) target_semaphore(%run_scoped3A : memref<!tpu.dma_semaphore, #tpu.memory_space<semaphore_mem>>)
        %dma_wait3A_316 = arith.constant 0 : i32
        %dma_wait3A_317 = tpu.memref_slice %arg8[%add3A_312, %dma_wait3A_316] : memref<40000x128xf32, #tpu.memory_space<hbm>> -> memref<80x128xf32, #tpu.memory_space<hbm>>
        %dma_wait3A_318 = arith.constant 0 : i32
        %dma_wait3A_319 = tpu.memref_slice %arg8[%add3A_312, %dma_wait3A_318] : memref<40000x128xf32, #tpu.memory_space<hbm>> -> memref<80x128xf32, #tpu.memory_space<hbm>>
        tpu.wait_dma2 semaphore(%run_scoped3A : memref<!tpu.dma_semaphore, #tpu.memory_space<semaphore_mem>>) src(%arg14 : memref<80x128xf32, #tpu.memory_space<vmem>>) dst(%dma_wait3A_319 : memref<80x128xf32, #tpu.memory_space<hbm>>)
        tpu.yield
      }) : () -> ()
    } else {
    }
    %mul3A_231 = arith.constant 8 : i32
    %mul3A_232 = arith.muli %add3A, %mul3A_231 : i32
    %add3A_233 = arith.constant 5 : i32
    %add3A_234 = arith.addi %mul3A_232, %add3A_233 : i32
    %lt3A_235 = arith.constant 250 : i32
    %lt3A_236 = arith.cmpi slt, %add3A_234, %lt3A_235 : i32
    %convert_element_type3A_237 = arith.extui %lt3A_236 : i1 to i32
    %cond3A_238 = arith.constant 0 : i32
    %cond3A_239 = arith.cmpi ne, %convert_element_type3A_237, %cond3A_238 : i32
    scf.if %cond3A_239 {
      %dma_start3A = arith.constant 5 : i32
      %dma_start3A_294 = arith.constant 0 : i32
      %dma_start3A_295 = tpu.memref_slice %arg9[%dma_start3A, %dma_start3A_294] : memref<8x80xi32, #tpu.memory_space<vmem>> -> memref<1x80xi32, #tpu.memory_space<vmem>>
      %dma_start3A_296 = tpu.memref_squeeze %dma_start3A_295 : memref<1x80xi32, #tpu.memory_space<vmem>> -> memref<80xi32, #tpu.memory_space<vmem>>
      %dma_start3A_297 = arith.constant 0 : i32
      %dma_start3A_298 = arith.constant 0 : i32
      %dma_start3A_299 = tpu.memref_slice %arg2[%dma_start3A_297, %dma_start3A_298] : memref<10000x128xf32, #tpu.memory_space<hbm>> -> memref<10000x128xf32, #tpu.memory_space<hbm>>
      tpu.enqueue_indirect_dma source(%dma_start3A_299 : memref<10000x128xf32, #tpu.memory_space<hbm>>) target(%arg12 : memref<80x128xf32, #tpu.memory_space<vmem>>) offsets(%dma_start3A_296 : memref<80xi32, #tpu.memory_space<vmem>>) semaphore(%arg16 : memref<!tpu.dma_semaphore, #tpu.memory_space<semaphore_mem>>)
      %dma_start3A_300 = arith.constant 5 : i32
      %dma_start3A_301 = arith.constant 0 : i32
      %dma_start3A_302 = tpu.memref_slice %arg10[%dma_start3A_300, %dma_start3A_301] : memref<8x80xi32, #tpu.memory_space<vmem>> -> memref<1x80xi32, #tpu.memory_space<vmem>>
      %dma_start3A_303 = tpu.memref_squeeze %dma_start3A_302 : memref<1x80xi32, #tpu.memory_space<vmem>> -> memref<80xi32, #tpu.memory_space<vmem>>
      %dma_start3A_304 = arith.constant 0 : i32
      %dma_start3A_305 = arith.constant 0 : i32
      %dma_start3A_306 = tpu.memref_slice %arg2[%dma_start3A_304, %dma_start3A_305] : memref<10000x128xf32, #tpu.memory_space<hbm>> -> memref<10000x128xf32, #tpu.memory_space<hbm>>
      tpu.enqueue_indirect_dma source(%dma_start3A_306 : memref<10000x128xf32, #tpu.memory_space<hbm>>) target(%arg14 : memref<80x128xf32, #tpu.memory_space<vmem>>) offsets(%dma_start3A_303 : memref<80xi32, #tpu.memory_space<vmem>>) semaphore(%arg18 : memref<!tpu.dma_semaphore, #tpu.memory_space<semaphore_mem>>)
    } else {
    }
    %mul3A_240 = arith.constant 8 : i32
    %mul3A_241 = arith.muli %add3A, %mul3A_240 : i32
    %add3A_242 = arith.constant 4 : i32
    %add3A_243 = arith.addi %mul3A_241, %add3A_242 : i32
    %lt3A_244 = arith.constant 250 : i32
    %lt3A_245 = arith.cmpi slt, %add3A_243, %lt3A_244 : i32
    %convert_element_type3A_246 = arith.extui %lt3A_245 : i1 to i32
    %cond3A_247 = arith.constant 0 : i32
    %cond3A_248 = arith.cmpi ne, %convert_element_type3A_246, %cond3A_247 : i32
    scf.if %cond3A_248 {
      %mul3A_294 = arith.constant 80 : i32
      %mul3A_295 = arith.muli %add3A_243, %mul3A_294 : i32
      %dma_wait3A = arith.constant 4 : i32
      %dma_wait3A_296 = arith.constant 0 : i32
      %dma_wait3A_297 = tpu.memref_slice %arg9[%dma_wait3A, %dma_wait3A_296] : memref<8x80xi32, #tpu.memory_space<vmem>> -> memref<1x80xi32, #tpu.memory_space<vmem>>
      %dma_wait3A_298 = tpu.memref_squeeze %dma_wait3A_297 : memref<1x80xi32, #tpu.memory_space<vmem>> -> memref<80xi32, #tpu.memory_space<vmem>>
      %dma_wait3A_299 = arith.constant 0 : i32
      %dma_wait3A_300 = arith.constant 0 : i32
      %dma_wait3A_301 = tpu.memref_slice %arg2[%dma_wait3A_299, %dma_wait3A_300] : memref<10000x128xf32, #tpu.memory_space<hbm>> -> memref<10000x128xf32, #tpu.memory_space<hbm>>
      tpu.wait_indirect_dma semaphore(%arg15 : memref<!tpu.dma_semaphore, #tpu.memory_space<semaphore_mem>>) src(%dma_wait3A_301 : memref<10000x128xf32, #tpu.memory_space<hbm>>) dst(%arg11 : memref<80x128xf32, #tpu.memory_space<vmem>>)
      %dma_wait3A_302 = arith.constant 4 : i32
      %dma_wait3A_303 = arith.constant 0 : i32
      %dma_wait3A_304 = tpu.memref_slice %arg10[%dma_wait3A_302, %dma_wait3A_303] : memref<8x80xi32, #tpu.memory_space<vmem>> -> memref<1x80xi32, #tpu.memory_space<vmem>>
      %dma_wait3A_305 = tpu.memref_squeeze %dma_wait3A_304 : memref<1x80xi32, #tpu.memory_space<vmem>> -> memref<80xi32, #tpu.memory_space<vmem>>
      %dma_wait3A_306 = arith.constant 0 : i32
      %dma_wait3A_307 = arith.constant 0 : i32
      %dma_wait3A_308 = tpu.memref_slice %arg2[%dma_wait3A_306, %dma_wait3A_307] : memref<10000x128xf32, #tpu.memory_space<hbm>> -> memref<10000x128xf32, #tpu.memory_space<hbm>>
      tpu.wait_indirect_dma semaphore(%arg17 : memref<!tpu.dma_semaphore, #tpu.memory_space<semaphore_mem>>) src(%dma_wait3A_308 : memref<10000x128xf32, #tpu.memory_space<hbm>>) dst(%arg13 : memref<80x128xf32, #tpu.memory_space<vmem>>)
      %add3A_309 = arith.constant 20000 : i32
      %add3A_310 = arith.addi %add3A_309, %mul3A_295 : i32
      "tpu.region"() ({
        %run_scoped3A = tpu.sem_alloc : memref<!tpu.dma_semaphore, #tpu.memory_space<semaphore_mem>>
        %dma_start3A = arith.constant 0 : i32
        %dma_start3A_313 = tpu.memref_slice %arg7[%add3A_310, %dma_start3A] : memref<40000x128xf32, #tpu.memory_space<hbm>> -> memref<80x128xf32, #tpu.memory_space<hbm>>
        %dma_start3A_314 = arith.constant 0 : i32
        %dma_start3A_315 = tpu.memref_slice %arg7[%add3A_310, %dma_start3A_314] : memref<40000x128xf32, #tpu.memory_space<hbm>> -> memref<80x128xf32, #tpu.memory_space<hbm>>
        tpu.enqueue_dma source(%arg11 : memref<80x128xf32, #tpu.memory_space<vmem>>) target(%dma_start3A_315 : memref<80x128xf32, #tpu.memory_space<hbm>>) target_semaphore(%run_scoped3A : memref<!tpu.dma_semaphore, #tpu.memory_space<semaphore_mem>>)
        %dma_wait3A_316 = arith.constant 0 : i32
        %dma_wait3A_317 = tpu.memref_slice %arg7[%add3A_310, %dma_wait3A_316] : memref<40000x128xf32, #tpu.memory_space<hbm>> -> memref<80x128xf32, #tpu.memory_space<hbm>>
        %dma_wait3A_318 = arith.constant 0 : i32
        %dma_wait3A_319 = tpu.memref_slice %arg7[%add3A_310, %dma_wait3A_318] : memref<40000x128xf32, #tpu.memory_space<hbm>> -> memref<80x128xf32, #tpu.memory_space<hbm>>
        tpu.wait_dma2 semaphore(%run_scoped3A : memref<!tpu.dma_semaphore, #tpu.memory_space<semaphore_mem>>) src(%arg11 : memref<80x128xf32, #tpu.memory_space<vmem>>) dst(%dma_wait3A_319 : memref<80x128xf32, #tpu.memory_space<hbm>>)
        tpu.yield
      }) : () -> ()
      %add3A_311 = arith.constant 20000 : i32
      %add3A_312 = arith.addi %add3A_311, %mul3A_295 : i32
      "tpu.region"() ({
        %run_scoped3A = tpu.sem_alloc : memref<!tpu.dma_semaphore, #tpu.memory_space<semaphore_mem>>
        %dma_start3A = arith.constant 0 : i32
        %dma_start3A_313 = tpu.memref_slice %arg8[%add3A_312, %dma_start3A] : memref<40000x128xf32, #tpu.memory_space<hbm>> -> memref<80x128xf32, #tpu.memory_space<hbm>>
        %dma_start3A_314 = arith.constant 0 : i32
        %dma_start3A_315 = tpu.memref_slice %arg8[%add3A_312, %dma_start3A_314] : memref<40000x128xf32, #tpu.memory_space<hbm>> -> memref<80x128xf32, #tpu.memory_space<hbm>>
        tpu.enqueue_dma source(%arg13 : memref<80x128xf32, #tpu.memory_space<vmem>>) target(%dma_start3A_315 : memref<80x128xf32, #tpu.memory_space<hbm>>) target_semaphore(%run_scoped3A : memref<!tpu.dma_semaphore, #tpu.memory_space<semaphore_mem>>)
        %dma_wait3A_316 = arith.constant 0 : i32
        %dma_wait3A_317 = tpu.memref_slice %arg8[%add3A_312, %dma_wait3A_316] : memref<40000x128xf32, #tpu.memory_space<hbm>> -> memref<80x128xf32, #tpu.memory_space<hbm>>
        %dma_wait3A_318 = arith.constant 0 : i32
        %dma_wait3A_319 = tpu.memref_slice %arg8[%add3A_312, %dma_wait3A_318] : memref<40000x128xf32, #tpu.memory_space<hbm>> -> memref<80x128xf32, #tpu.memory_space<hbm>>
        tpu.wait_dma2 semaphore(%run_scoped3A : memref<!tpu.dma_semaphore, #tpu.memory_space<semaphore_mem>>) src(%arg13 : memref<80x128xf32, #tpu.memory_space<vmem>>) dst(%dma_wait3A_319 : memref<80x128xf32, #tpu.memory_space<hbm>>)
        tpu.yield
      }) : () -> ()
    } else {
    }
    %mul3A_249 = arith.constant 8 : i32
    %mul3A_250 = arith.muli %add3A, %mul3A_249 : i32
    %add3A_251 = arith.constant 6 : i32
    %add3A_252 = arith.addi %mul3A_250, %add3A_251 : i32
    %lt3A_253 = arith.constant 250 : i32
    %lt3A_254 = arith.cmpi slt, %add3A_252, %lt3A_253 : i32
    %convert_element_type3A_255 = arith.extui %lt3A_254 : i1 to i32
    %cond3A_256 = arith.constant 0 : i32
    %cond3A_257 = arith.cmpi ne, %convert_element_type3A_255, %cond3A_256 : i32
    scf.if %cond3A_257 {
      %dma_start3A = arith.constant 6 : i32
      %dma_start3A_294 = arith.constant 0 : i32
      %dma_start3A_295 = tpu.memref_slice %arg9[%dma_start3A, %dma_start3A_294] : memref<8x80xi32, #tpu.memory_space<vmem>> -> memref<1x80xi32, #tpu.memory_space<vmem>>
      %dma_start3A_296 = tpu.memref_squeeze %dma_start3A_295 : memref<1x80xi32, #tpu.memory_space<vmem>> -> memref<80xi32, #tpu.memory_space<vmem>>
      %dma_start3A_297 = arith.constant 0 : i32
      %dma_start3A_298 = arith.constant 0 : i32
      %dma_start3A_299 = tpu.memref_slice %arg2[%dma_start3A_297, %dma_start3A_298] : memref<10000x128xf32, #tpu.memory_space<hbm>> -> memref<10000x128xf32, #tpu.memory_space<hbm>>
      tpu.enqueue_indirect_dma source(%dma_start3A_299 : memref<10000x128xf32, #tpu.memory_space<hbm>>) target(%arg11 : memref<80x128xf32, #tpu.memory_space<vmem>>) offsets(%dma_start3A_296 : memref<80xi32, #tpu.memory_space<vmem>>) semaphore(%arg15 : memref<!tpu.dma_semaphore, #tpu.memory_space<semaphore_mem>>)
      %dma_start3A_300 = arith.constant 6 : i32
      %dma_start3A_301 = arith.constant 0 : i32
      %dma_start3A_302 = tpu.memref_slice %arg10[%dma_start3A_300, %dma_start3A_301] : memref<8x80xi32, #tpu.memory_space<vmem>> -> memref<1x80xi32, #tpu.memory_space<vmem>>
      %dma_start3A_303 = tpu.memref_squeeze %dma_start3A_302 : memref<1x80xi32, #tpu.memory_space<vmem>> -> memref<80xi32, #tpu.memory_space<vmem>>
      %dma_start3A_304 = arith.constant 0 : i32
      %dma_start3A_305 = arith.constant 0 : i32
      %dma_start3A_306 = tpu.memref_slice %arg2[%dma_start3A_304, %dma_start3A_305] : memref<10000x128xf32, #tpu.memory_space<hbm>> -> memref<10000x128xf32, #tpu.memory_space<hbm>>
      tpu.enqueue_indirect_dma source(%dma_start3A_306 : memref<10000x128xf32, #tpu.memory_space<hbm>>) target(%arg13 : memref<80x128xf32, #tpu.memory_space<vmem>>) offsets(%dma_start3A_303 : memref<80xi32, #tpu.memory_space<vmem>>) semaphore(%arg17 : memref<!tpu.dma_semaphore, #tpu.memory_space<semaphore_mem>>)
    } else {
    }
    %mul3A_258 = arith.constant 8 : i32
    %mul3A_259 = arith.muli %add3A, %mul3A_258 : i32
    %add3A_260 = arith.constant 5 : i32
    %add3A_261 = arith.addi %mul3A_259, %add3A_260 : i32
    %lt3A_262 = arith.constant 250 : i32
    %lt3A_263 = arith.cmpi slt, %add3A_261, %lt3A_262 : i32
    %convert_element_type3A_264 = arith.extui %lt3A_263 : i1 to i32
    %cond3A_265 = arith.constant 0 : i32
    %cond3A_266 = arith.cmpi ne, %convert_element_type3A_264, %cond3A_265 : i32
    scf.if %cond3A_266 {
      %mul3A_294 = arith.constant 80 : i32
      %mul3A_295 = arith.muli %add3A_261, %mul3A_294 : i32
      %dma_wait3A = arith.constant 5 : i32
      %dma_wait3A_296 = arith.constant 0 : i32
      %dma_wait3A_297 = tpu.memref_slice %arg9[%dma_wait3A, %dma_wait3A_296] : memref<8x80xi32, #tpu.memory_space<vmem>> -> memref<1x80xi32, #tpu.memory_space<vmem>>
      %dma_wait3A_298 = tpu.memref_squeeze %dma_wait3A_297 : memref<1x80xi32, #tpu.memory_space<vmem>> -> memref<80xi32, #tpu.memory_space<vmem>>
      %dma_wait3A_299 = arith.constant 0 : i32
      %dma_wait3A_300 = arith.constant 0 : i32
      %dma_wait3A_301 = tpu.memref_slice %arg2[%dma_wait3A_299, %dma_wait3A_300] : memref<10000x128xf32, #tpu.memory_space<hbm>> -> memref<10000x128xf32, #tpu.memory_space<hbm>>
      tpu.wait_indirect_dma semaphore(%arg16 : memref<!tpu.dma_semaphore, #tpu.memory_space<semaphore_mem>>) src(%dma_wait3A_301 : memref<10000x128xf32, #tpu.memory_space<hbm>>) dst(%arg12 : memref<80x128xf32, #tpu.memory_space<vmem>>)
      %dma_wait3A_302 = arith.constant 5 : i32
      %dma_wait3A_303 = arith.constant 0 : i32
      %dma_wait3A_304 = tpu.memref_slice %arg10[%dma_wait3A_302, %dma_wait3A_303] : memref<8x80xi32, #tpu.memory_space<vmem>> -> memref<1x80xi32, #tpu.memory_space<vmem>>
      %dma_wait3A_305 = tpu.memref_squeeze %dma_wait3A_304 : memref<1x80xi32, #tpu.memory_space<vmem>> -> memref<80xi32, #tpu.memory_space<vmem>>
      %dma_wait3A_306 = arith.constant 0 : i32
      %dma_wait3A_307 = arith.constant 0 : i32
      %dma_wait3A_308 = tpu.memref_slice %arg2[%dma_wait3A_306, %dma_wait3A_307] : memref<10000x128xf32, #tpu.memory_space<hbm>> -> memref<10000x128xf32, #tpu.memory_space<hbm>>
      tpu.wait_indirect_dma semaphore(%arg18 : memref<!tpu.dma_semaphore, #tpu.memory_space<semaphore_mem>>) src(%dma_wait3A_308 : memref<10000x128xf32, #tpu.memory_space<hbm>>) dst(%arg14 : memref<80x128xf32, #tpu.memory_space<vmem>>)
      %add3A_309 = arith.constant 20000 : i32
      %add3A_310 = arith.addi %add3A_309, %mul3A_295 : i32
      "tpu.region"() ({
        %run_scoped3A = tpu.sem_alloc : memref<!tpu.dma_semaphore, #tpu.memory_space<semaphore_mem>>
        %dma_start3A = arith.constant 0 : i32
        %dma_start3A_313 = tpu.memref_slice %arg7[%add3A_310, %dma_start3A] : memref<40000x128xf32, #tpu.memory_space<hbm>> -> memref<80x128xf32, #tpu.memory_space<hbm>>
        %dma_start3A_314 = arith.constant 0 : i32
        %dma_start3A_315 = tpu.memref_slice %arg7[%add3A_310, %dma_start3A_314] : memref<40000x128xf32, #tpu.memory_space<hbm>> -> memref<80x128xf32, #tpu.memory_space<hbm>>
        tpu.enqueue_dma source(%arg12 : memref<80x128xf32, #tpu.memory_space<vmem>>) target(%dma_start3A_315 : memref<80x128xf32, #tpu.memory_space<hbm>>) target_semaphore(%run_scoped3A : memref<!tpu.dma_semaphore, #tpu.memory_space<semaphore_mem>>)
        %dma_wait3A_316 = arith.constant 0 : i32
        %dma_wait3A_317 = tpu.memref_slice %arg7[%add3A_310, %dma_wait3A_316] : memref<40000x128xf32, #tpu.memory_space<hbm>> -> memref<80x128xf32, #tpu.memory_space<hbm>>
        %dma_wait3A_318 = arith.constant 0 : i32
        %dma_wait3A_319 = tpu.memref_slice %arg7[%add3A_310, %dma_wait3A_318] : memref<40000x128xf32, #tpu.memory_space<hbm>> -> memref<80x128xf32, #tpu.memory_space<hbm>>
        tpu.wait_dma2 semaphore(%run_scoped3A : memref<!tpu.dma_semaphore, #tpu.memory_space<semaphore_mem>>) src(%arg12 : memref<80x128xf32, #tpu.memory_space<vmem>>) dst(%dma_wait3A_319 : memref<80x128xf32, #tpu.memory_space<hbm>>)
        tpu.yield
      }) : () -> ()
      %add3A_311 = arith.constant 20000 : i32
      %add3A_312 = arith.addi %add3A_311, %mul3A_295 : i32
      "tpu.region"() ({
        %run_scoped3A = tpu.sem_alloc : memref<!tpu.dma_semaphore, #tpu.memory_space<semaphore_mem>>
        %dma_start3A = arith.constant 0 : i32
        %dma_start3A_313 = tpu.memref_slice %arg8[%add3A_312, %dma_start3A] : memref<40000x128xf32, #tpu.memory_space<hbm>> -> memref<80x128xf32, #tpu.memory_space<hbm>>
        %dma_start3A_314 = arith.constant 0 : i32
        %dma_start3A_315 = tpu.memref_slice %arg8[%add3A_312, %dma_start3A_314] : memref<40000x128xf32, #tpu.memory_space<hbm>> -> memref<80x128xf32, #tpu.memory_space<hbm>>
        tpu.enqueue_dma source(%arg14 : memref<80x128xf32, #tpu.memory_space<vmem>>) target(%dma_start3A_315 : memref<80x128xf32, #tpu.memory_space<hbm>>) target_semaphore(%run_scoped3A : memref<!tpu.dma_semaphore, #tpu.memory_space<semaphore_mem>>)
        %dma_wait3A_316 = arith.constant 0 : i32
        %dma_wait3A_317 = tpu.memref_slice %arg8[%add3A_312, %dma_wait3A_316] : memref<40000x128xf32, #tpu.memory_space<hbm>> -> memref<80x128xf32, #tpu.memory_space<hbm>>
        %dma_wait3A_318 = arith.constant 0 : i32
        %dma_wait3A_319 = tpu.memref_slice %arg8[%add3A_312, %dma_wait3A_318] : memref<40000x128xf32, #tpu.memory_space<hbm>> -> memref<80x128xf32, #tpu.memory_space<hbm>>
        tpu.wait_dma2 semaphore(%run_scoped3A : memref<!tpu.dma_semaphore, #tpu.memory_space<semaphore_mem>>) src(%arg14 : memref<80x128xf32, #tpu.memory_space<vmem>>) dst(%dma_wait3A_319 : memref<80x128xf32, #tpu.memory_space<hbm>>)
        tpu.yield
      }) : () -> ()
    } else {
    }
    %mul3A_267 = arith.constant 8 : i32
    %mul3A_268 = arith.muli %add3A, %mul3A_267 : i32
    %add3A_269 = arith.constant 7 : i32
    %add3A_270 = arith.addi %mul3A_268, %add3A_269 : i32
    %lt3A_271 = arith.constant 250 : i32
    %lt3A_272 = arith.cmpi slt, %add3A_270, %lt3A_271 : i32
    %convert_element_type3A_273 = arith.extui %lt3A_272 : i1 to i32
    %cond3A_274 = arith.constant 0 : i32
    %cond3A_275 = arith.cmpi ne, %convert_element_type3A_273, %cond3A_274 : i32
    scf.if %cond3A_275 {
      %dma_start3A = arith.constant 7 : i32
      %dma_start3A_294 = arith.constant 0 : i32
      %dma_start3A_295 = tpu.memref_slice %arg9[%dma_start3A, %dma_start3A_294] : memref<8x80xi32, #tpu.memory_space<vmem>> -> memref<1x80xi32, #tpu.memory_space<vmem>>
      %dma_start3A_296 = tpu.memref_squeeze %dma_start3A_295 : memref<1x80xi32, #tpu.memory_space<vmem>> -> memref<80xi32, #tpu.memory_space<vmem>>
      %dma_start3A_297 = arith.constant 0 : i32
      %dma_start3A_298 = arith.constant 0 : i32
      %dma_start3A_299 = tpu.memref_slice %arg2[%dma_start3A_297, %dma_start3A_298] : memref<10000x128xf32, #tpu.memory_space<hbm>> -> memref<10000x128xf32, #tpu.memory_space<hbm>>
      tpu.enqueue_indirect_dma source(%dma_start3A_299 : memref<10000x128xf32, #tpu.memory_space<hbm>>) target(%arg12 : memref<80x128xf32, #tpu.memory_space<vmem>>) offsets(%dma_start3A_296 : memref<80xi32, #tpu.memory_space<vmem>>) semaphore(%arg16 : memref<!tpu.dma_semaphore, #tpu.memory_space<semaphore_mem>>)
      %dma_start3A_300 = arith.constant 7 : i32
      %dma_start3A_301 = arith.constant 0 : i32
      %dma_start3A_302 = tpu.memref_slice %arg10[%dma_start3A_300, %dma_start3A_301] : memref<8x80xi32, #tpu.memory_space<vmem>> -> memref<1x80xi32, #tpu.memory_space<vmem>>
      %dma_start3A_303 = tpu.memref_squeeze %dma_start3A_302 : memref<1x80xi32, #tpu.memory_space<vmem>> -> memref<80xi32, #tpu.memory_space<vmem>>
      %dma_start3A_304 = arith.constant 0 : i32
      %dma_start3A_305 = arith.constant 0 : i32
      %dma_start3A_306 = tpu.memref_slice %arg2[%dma_start3A_304, %dma_start3A_305] : memref<10000x128xf32, #tpu.memory_space<hbm>> -> memref<10000x128xf32, #tpu.memory_space<hbm>>
      tpu.enqueue_indirect_dma source(%dma_start3A_306 : memref<10000x128xf32, #tpu.memory_space<hbm>>) target(%arg14 : memref<80x128xf32, #tpu.memory_space<vmem>>) offsets(%dma_start3A_303 : memref<80xi32, #tpu.memory_space<vmem>>) semaphore(%arg18 : memref<!tpu.dma_semaphore, #tpu.memory_space<semaphore_mem>>)
    } else {
    }
    %mul3A_276 = arith.constant 8 : i32
    %mul3A_277 = arith.muli %add3A, %mul3A_276 : i32
    %add3A_278 = arith.constant 6 : i32
    %add3A_279 = arith.addi %mul3A_277, %add3A_278 : i32
    %lt3A_280 = arith.constant 250 : i32
    %lt3A_281 = arith.cmpi slt, %add3A_279, %lt3A_280 : i32
    %convert_element_type3A_282 = arith.extui %lt3A_281 : i1 to i32
    %cond3A_283 = arith.constant 0 : i32
    %cond3A_284 = arith.cmpi ne, %convert_element_type3A_282, %cond3A_283 : i32
    scf.if %cond3A_284 {
      %mul3A_294 = arith.constant 80 : i32
      %mul3A_295 = arith.muli %add3A_279, %mul3A_294 : i32
      %dma_wait3A = arith.constant 6 : i32
      %dma_wait3A_296 = arith.constant 0 : i32
      %dma_wait3A_297 = tpu.memref_slice %arg9[%dma_wait3A, %dma_wait3A_296] : memref<8x80xi32, #tpu.memory_space<vmem>> -> memref<1x80xi32, #tpu.memory_space<vmem>>
      %dma_wait3A_298 = tpu.memref_squeeze %dma_wait3A_297 : memref<1x80xi32, #tpu.memory_space<vmem>> -> memref<80xi32, #tpu.memory_space<vmem>>
      %dma_wait3A_299 = arith.constant 0 : i32
      %dma_wait3A_300 = arith.constant 0 : i32
      %dma_wait3A_301 = tpu.memref_slice %arg2[%dma_wait3A_299, %dma_wait3A_300] : memref<10000x128xf32, #tpu.memory_space<hbm>> -> memref<10000x128xf32, #tpu.memory_space<hbm>>
      tpu.wait_indirect_dma semaphore(%arg15 : memref<!tpu.dma_semaphore, #tpu.memory_space<semaphore_mem>>) src(%dma_wait3A_301 : memref<10000x128xf32, #tpu.memory_space<hbm>>) dst(%arg11 : memref<80x128xf32, #tpu.memory_space<vmem>>)
      %dma_wait3A_302 = arith.constant 6 : i32
      %dma_wait3A_303 = arith.constant 0 : i32
      %dma_wait3A_304 = tpu.memref_slice %arg10[%dma_wait3A_302, %dma_wait3A_303] : memref<8x80xi32, #tpu.memory_space<vmem>> -> memref<1x80xi32, #tpu.memory_space<vmem>>
      %dma_wait3A_305 = tpu.memref_squeeze %dma_wait3A_304 : memref<1x80xi32, #tpu.memory_space<vmem>> -> memref<80xi32, #tpu.memory_space<vmem>>
      %dma_wait3A_306 = arith.constant 0 : i32
      %dma_wait3A_307 = arith.constant 0 : i32
      %dma_wait3A_308 = tpu.memref_slice %arg2[%dma_wait3A_306, %dma_wait3A_307] : memref<10000x128xf32, #tpu.memory_space<hbm>> -> memref<10000x128xf32, #tpu.memory_space<hbm>>
      tpu.wait_indirect_dma semaphore(%arg17 : memref<!tpu.dma_semaphore, #tpu.memory_space<semaphore_mem>>) src(%dma_wait3A_308 : memref<10000x128xf32, #tpu.memory_space<hbm>>) dst(%arg13 : memref<80x128xf32, #tpu.memory_space<vmem>>)
      %add3A_309 = arith.constant 20000 : i32
      %add3A_310 = arith.addi %add3A_309, %mul3A_295 : i32
      "tpu.region"() ({
        %run_scoped3A = tpu.sem_alloc : memref<!tpu.dma_semaphore, #tpu.memory_space<semaphore_mem>>
        %dma_start3A = arith.constant 0 : i32
        %dma_start3A_313 = tpu.memref_slice %arg7[%add3A_310, %dma_start3A] : memref<40000x128xf32, #tpu.memory_space<hbm>> -> memref<80x128xf32, #tpu.memory_space<hbm>>
        %dma_start3A_314 = arith.constant 0 : i32
        %dma_start3A_315 = tpu.memref_slice %arg7[%add3A_310, %dma_start3A_314] : memref<40000x128xf32, #tpu.memory_space<hbm>> -> memref<80x128xf32, #tpu.memory_space<hbm>>
        tpu.enqueue_dma source(%arg11 : memref<80x128xf32, #tpu.memory_space<vmem>>) target(%dma_start3A_315 : memref<80x128xf32, #tpu.memory_space<hbm>>) target_semaphore(%run_scoped3A : memref<!tpu.dma_semaphore, #tpu.memory_space<semaphore_mem>>)
        %dma_wait3A_316 = arith.constant 0 : i32
        %dma_wait3A_317 = tpu.memref_slice %arg7[%add3A_310, %dma_wait3A_316] : memref<40000x128xf32, #tpu.memory_space<hbm>> -> memref<80x128xf32, #tpu.memory_space<hbm>>
        %dma_wait3A_318 = arith.constant 0 : i32
        %dma_wait3A_319 = tpu.memref_slice %arg7[%add3A_310, %dma_wait3A_318] : memref<40000x128xf32, #tpu.memory_space<hbm>> -> memref<80x128xf32, #tpu.memory_space<hbm>>
        tpu.wait_dma2 semaphore(%run_scoped3A : memref<!tpu.dma_semaphore, #tpu.memory_space<semaphore_mem>>) src(%arg11 : memref<80x128xf32, #tpu.memory_space<vmem>>) dst(%dma_wait3A_319 : memref<80x128xf32, #tpu.memory_space<hbm>>)
        tpu.yield
      }) : () -> ()
      %add3A_311 = arith.constant 20000 : i32
      %add3A_312 = arith.addi %add3A_311, %mul3A_295 : i32
      "tpu.region"() ({
        %run_scoped3A = tpu.sem_alloc : memref<!tpu.dma_semaphore, #tpu.memory_space<semaphore_mem>>
        %dma_start3A = arith.constant 0 : i32
        %dma_start3A_313 = tpu.memref_slice %arg8[%add3A_312, %dma_start3A] : memref<40000x128xf32, #tpu.memory_space<hbm>> -> memref<80x128xf32, #tpu.memory_space<hbm>>
        %dma_start3A_314 = arith.constant 0 : i32
        %dma_start3A_315 = tpu.memref_slice %arg8[%add3A_312, %dma_start3A_314] : memref<40000x128xf32, #tpu.memory_space<hbm>> -> memref<80x128xf32, #tpu.memory_space<hbm>>
        tpu.enqueue_dma source(%arg13 : memref<80x128xf32, #tpu.memory_space<vmem>>) target(%dma_start3A_315 : memref<80x128xf32, #tpu.memory_space<hbm>>) target_semaphore(%run_scoped3A : memref<!tpu.dma_semaphore, #tpu.memory_space<semaphore_mem>>)
        %dma_wait3A_316 = arith.constant 0 : i32
        %dma_wait3A_317 = tpu.memref_slice %arg8[%add3A_312, %dma_wait3A_316] : memref<40000x128xf32, #tpu.memory_space<hbm>> -> memref<80x128xf32, #tpu.memory_space<hbm>>
        %dma_wait3A_318 = arith.constant 0 : i32
        %dma_wait3A_319 = tpu.memref_slice %arg8[%add3A_312, %dma_wait3A_318] : memref<40000x128xf32, #tpu.memory_space<hbm>> -> memref<80x128xf32, #tpu.memory_space<hbm>>
        tpu.wait_dma2 semaphore(%run_scoped3A : memref<!tpu.dma_semaphore, #tpu.memory_space<semaphore_mem>>) src(%arg13 : memref<80x128xf32, #tpu.memory_space<vmem>>) dst(%dma_wait3A_319 : memref<80x128xf32, #tpu.memory_space<hbm>>)
        tpu.yield
      }) : () -> ()
    } else {
    }
    %mul3A_285 = arith.constant 8 : i32
    %mul3A_286 = arith.muli %add3A, %mul3A_285 : i32
    %add3A_287 = arith.constant 7 : i32
    %add3A_288 = arith.addi %mul3A_286, %add3A_287 : i32
    %lt3A_289 = arith.constant 250 : i32
    %lt3A_290 = arith.cmpi slt, %add3A_288, %lt3A_289 : i32
    %convert_element_type3A_291 = arith.extui %lt3A_290 : i1 to i32
    %cond3A_292 = arith.constant 0 : i32
    %cond3A_293 = arith.cmpi ne, %convert_element_type3A_291, %cond3A_292 : i32
    scf.if %cond3A_293 {
      %mul3A_294 = arith.constant 80 : i32
      %mul3A_295 = arith.muli %add3A_288, %mul3A_294 : i32
      %dma_wait3A = arith.constant 7 : i32
      %dma_wait3A_296 = arith.constant 0 : i32
      %dma_wait3A_297 = tpu.memref_slice %arg9[%dma_wait3A, %dma_wait3A_296] : memref<8x80xi32, #tpu.memory_space<vmem>> -> memref<1x80xi32, #tpu.memory_space<vmem>>
      %dma_wait3A_298 = tpu.memref_squeeze %dma_wait3A_297 : memref<1x80xi32, #tpu.memory_space<vmem>> -> memref<80xi32, #tpu.memory_space<vmem>>
      %dma_wait3A_299 = arith.constant 0 : i32
      %dma_wait3A_300 = arith.constant 0 : i32
      %dma_wait3A_301 = tpu.memref_slice %arg2[%dma_wait3A_299, %dma_wait3A_300] : memref<10000x128xf32, #tpu.memory_space<hbm>> -> memref<10000x128xf32, #tpu.memory_space<hbm>>
      tpu.wait_indirect_dma semaphore(%arg16 : memref<!tpu.dma_semaphore, #tpu.memory_space<semaphore_mem>>) src(%dma_wait3A_301 : memref<10000x128xf32, #tpu.memory_space<hbm>>) dst(%arg12 : memref<80x128xf32, #tpu.memory_space<vmem>>)
      %dma_wait3A_302 = arith.constant 7 : i32
      %dma_wait3A_303 = arith.constant 0 : i32
      %dma_wait3A_304 = tpu.memref_slice %arg10[%dma_wait3A_302, %dma_wait3A_303] : memref<8x80xi32, #tpu.memory_space<vmem>> -> memref<1x80xi32, #tpu.memory_space<vmem>>
      %dma_wait3A_305 = tpu.memref_squeeze %dma_wait3A_304 : memref<1x80xi32, #tpu.memory_space<vmem>> -> memref<80xi32, #tpu.memory_space<vmem>>
      %dma_wait3A_306 = arith.constant 0 : i32
      %dma_wait3A_307 = arith.constant 0 : i32
      %dma_wait3A_308 = tpu.memref_slice %arg2[%dma_wait3A_306, %dma_wait3A_307] : memref<10000x128xf32, #tpu.memory_space<hbm>> -> memref<10000x128xf32, #tpu.memory_space<hbm>>
      tpu.wait_indirect_dma semaphore(%arg18 : memref<!tpu.dma_semaphore, #tpu.memory_space<semaphore_mem>>) src(%dma_wait3A_308 : memref<10000x128xf32, #tpu.memory_space<hbm>>) dst(%arg14 : memref<80x128xf32, #tpu.memory_space<vmem>>)
      %add3A_309 = arith.constant 20000 : i32
      %add3A_310 = arith.addi %add3A_309, %mul3A_295 : i32
      "tpu.region"() ({
        %run_scoped3A = tpu.sem_alloc : memref<!tpu.dma_semaphore, #tpu.memory_space<semaphore_mem>>
        %dma_start3A = arith.constant 0 : i32
        %dma_start3A_313 = tpu.memref_slice %arg7[%add3A_310, %dma_start3A] : memref<40000x128xf32, #tpu.memory_space<hbm>> -> memref<80x128xf32, #tpu.memory_space<hbm>>
        %dma_start3A_314 = arith.constant 0 : i32
        %dma_start3A_315 = tpu.memref_slice %arg7[%add3A_310, %dma_start3A_314] : memref<40000x128xf32, #tpu.memory_space<hbm>> -> memref<80x128xf32, #tpu.memory_space<hbm>>
        tpu.enqueue_dma source(%arg12 : memref<80x128xf32, #tpu.memory_space<vmem>>) target(%dma_start3A_315 : memref<80x128xf32, #tpu.memory_space<hbm>>) target_semaphore(%run_scoped3A : memref<!tpu.dma_semaphore, #tpu.memory_space<semaphore_mem>>)
        %dma_wait3A_316 = arith.constant 0 : i32
        %dma_wait3A_317 = tpu.memref_slice %arg7[%add3A_310, %dma_wait3A_316] : memref<40000x128xf32, #tpu.memory_space<hbm>> -> memref<80x128xf32, #tpu.memory_space<hbm>>
        %dma_wait3A_318 = arith.constant 0 : i32
        %dma_wait3A_319 = tpu.memref_slice %arg7[%add3A_310, %dma_wait3A_318] : memref<40000x128xf32, #tpu.memory_space<hbm>> -> memref<80x128xf32, #tpu.memory_space<hbm>>
        tpu.wait_dma2 semaphore(%run_scoped3A : memref<!tpu.dma_semaphore, #tpu.memory_space<semaphore_mem>>) src(%arg12 : memref<80x128xf32, #tpu.memory_space<vmem>>) dst(%dma_wait3A_319 : memref<80x128xf32, #tpu.memory_space<hbm>>)
        tpu.yield
      }) : () -> ()
      %add3A_311 = arith.constant 20000 : i32
      %add3A_312 = arith.addi %add3A_311, %mul3A_295 : i32
      "tpu.region"() ({
        %run_scoped3A = tpu.sem_alloc : memref<!tpu.dma_semaphore, #tpu.memory_space<semaphore_mem>>
        %dma_start3A = arith.constant 0 : i32
        %dma_start3A_313 = tpu.memref_slice %arg8[%add3A_312, %dma_start3A] : memref<40000x128xf32, #tpu.memory_space<hbm>> -> memref<80x128xf32, #tpu.memory_space<hbm>>
        %dma_start3A_314 = arith.constant 0 : i32
        %dma_start3A_315 = tpu.memref_slice %arg8[%add3A_312, %dma_start3A_314] : memref<40000x128xf32, #tpu.memory_space<hbm>> -> memref<80x128xf32, #tpu.memory_space<hbm>>
        tpu.enqueue_dma source(%arg14 : memref<80x128xf32, #tpu.memory_space<vmem>>) target(%dma_start3A_315 : memref<80x128xf32, #tpu.memory_space<hbm>>) target_semaphore(%run_scoped3A : memref<!tpu.dma_semaphore, #tpu.memory_space<semaphore_mem>>)
        %dma_wait3A_316 = arith.constant 0 : i32
        %dma_wait3A_317 = tpu.memref_slice %arg8[%add3A_312, %dma_wait3A_316] : memref<40000x128xf32, #tpu.memory_space<hbm>> -> memref<80x128xf32, #tpu.memory_space<hbm>>
        %dma_wait3A_318 = arith.constant 0 : i32
        %dma_wait3A_319 = tpu.memref_slice %arg8[%add3A_312, %dma_wait3A_318] : memref<40000x128xf32, #tpu.memory_space<hbm>> -> memref<80x128xf32, #tpu.memory_space<hbm>>
        tpu.wait_dma2 semaphore(%run_scoped3A : memref<!tpu.dma_semaphore, #tpu.memory_space<semaphore_mem>>) src(%arg14 : memref<80x128xf32, #tpu.memory_space<vmem>>) dst(%dma_wait3A_319 : memref<80x128xf32, #tpu.memory_space<hbm>>)
        tpu.yield
      }) : () -> ()
    } else {
    }
    return
  }
}

#map = affine_map<(d0, d1) -> (0, 0)>
#map1 = affine_map<(d0, d1) -> (0, 0, 0, 0)>
#map2 = affine_map<(d0, d1) -> (0)>
#map3 = affine_map<(d0, d1) -> (0, 0, 0)>
module attributes {stable_mosaic.version = 14 : i64} {
  func.func @_seg_sum_body(%arg0: i32, %arg1: i32, %arg2: memref<10000x128xf32, #tpu.memory_space<hbm>>, %arg3: memref<32x5x25x80xi32, #tpu.memory_space<hbm>>, %arg4: memref<32x5x25x80xi32, #tpu.memory_space<hbm>>, %arg5: memref<640x128xf32, #tpu.memory_space<hbm>>, %arg6: memref<10240xf32, #tpu.memory_space<hbm>>, %arg7: memref<2x10240x128xf32, #tpu.memory_space<hbm>>, %arg8: memref<32x10240xf32, #tpu.memory_space<hbm>>, %arg9: memref<25x80xi32, #tpu.memory_space<vmem>>, %arg10: memref<25x80xi32, #tpu.memory_space<vmem>>, %arg11: memref<80x128xf32, #tpu.memory_space<vmem>>, %arg12: memref<80x128xf32, #tpu.memory_space<vmem>>, %arg13: memref<80x128xf32, #tpu.memory_space<vmem>>, %arg14: memref<10240xf32, #tpu.memory_space<vmem>>, %arg15: memref<10240x128xf32, #tpu.memory_space<vmem_shared>>, %arg16: memref<!tpu.dma_semaphore, #tpu.memory_space<semaphore_mem>>, %arg17: memref<!tpu.dma_semaphore, #tpu.memory_space<semaphore_mem>>, %arg18: memref<!tpu.dma_semaphore, #tpu.memory_space<semaphore_mem>>) attributes {dimension_semantics = [#tpu.dimension_semantics<core_parallel>, #tpu.dimension_semantics<subcore_parallel>], iteration_bounds = array<i64: 2, 16>, scalar_prefetch = 0 : i64, scratch_operands = 10 : i64, tpu.core_type = #tpu.core_type<sc_vector_subcore>, window_params = [{transform_indices = #map}, {transform_indices = #map1}, {transform_indices = #map1}, {transform_indices = #map}, {transform_indices = #map2}, {transform_indices = #map3}, {transform_indices = #map}]} {
    %mul3A = arith.constant 16 : i32
    %mul3A_0 = arith.muli %arg0, %mul3A : i32
    %add3A = arith.addi %mul3A_0, %arg1 : i32
    %mul3A_1 = arith.constant 640 : i32
    %mul3A_2 = arith.muli %arg1, %mul3A_1 : i32
    %broadcast_in_dim3A = arith.constant 1.000000e+00 : f32
    %broadcast_in_dim3A_3 = vector.broadcast %broadcast_in_dim3A : f32 to vector<16xf32>
    "tpu.region"() ({
      %run_scoped3A = tpu.sem_alloc : memref<!tpu.dma_semaphore, #tpu.memory_space<semaphore_mem>>
      %dma_start3A = arith.constant 0 : i32
      %dma_start3A_10 = tpu.memref_slice %arg15[%mul3A_2, %dma_start3A] : memref<10240x128xf32, #tpu.memory_space<vmem_shared>> -> memref<640x128xf32, #tpu.memory_space<vmem_shared>>
      tpu.enqueue_dma source(%arg5 : memref<640x128xf32, #tpu.memory_space<hbm>>) target(%dma_start3A_10 : memref<640x128xf32, #tpu.memory_space<vmem_shared>>) target_semaphore(%run_scoped3A : memref<!tpu.dma_semaphore, #tpu.memory_space<semaphore_mem>>)
      %dma_wait3A = arith.constant 0 : i32
      %dma_wait3A_11 = tpu.memref_slice %arg15[%mul3A_2, %dma_wait3A] : memref<10240x128xf32, #tpu.memory_space<vmem_shared>> -> memref<640x128xf32, #tpu.memory_space<vmem_shared>>
      tpu.wait_dma2 semaphore(%run_scoped3A : memref<!tpu.dma_semaphore, #tpu.memory_space<semaphore_mem>>) src(%arg5 : memref<640x128xf32, #tpu.memory_space<hbm>>) dst(%dma_wait3A_11 : memref<640x128xf32, #tpu.memory_space<vmem_shared>>)
      tpu.yield
    }) : () -> ()
    "tpu.region"() ({
      %run_scoped3A = tpu.sem_alloc : memref<!tpu.dma_semaphore, #tpu.memory_space<semaphore_mem>>
      tpu.enqueue_dma source(%arg6 : memref<10240xf32, #tpu.memory_space<hbm>>) target(%arg14 : memref<10240xf32, #tpu.memory_space<vmem>>) target_semaphore(%run_scoped3A : memref<!tpu.dma_semaphore, #tpu.memory_space<semaphore_mem>>)
      tpu.wait_dma2 semaphore(%run_scoped3A : memref<!tpu.dma_semaphore, #tpu.memory_space<semaphore_mem>>) src(%arg6 : memref<10240xf32, #tpu.memory_space<hbm>>) dst(%arg14 : memref<10240xf32, #tpu.memory_space<vmem>>)
      tpu.yield
    }) : () -> ()
    %barrier3A = arith.constant 0 : index
    tpu.barrier barrier_id(%barrier3A)
    %scan3A = arith.constant 0 : i32
    %scan3A_4 = arith.constant 0 : i32
    %scan3A_5 = arith.constant 5 : i32
    %scan3A_6 = arith.addi %scan3A_4, %scan3A_5 : i32
    %scan3A_7 = arith.constant 1 : i32
    scf.for %scan3A_10 = %scan3A_4 to %scan3A_6 step %scan3A_7  : i32 {
      "tpu.region"() ({
        %run_scoped3A = tpu.sem_alloc : memref<!tpu.dma_semaphore, #tpu.memory_space<semaphore_mem>>
        %dma_start3A_37 = arith.constant 0 : i32
        %dma_start3A_38 = arith.constant 0 : i32
        %dma_start3A_39 = tpu.memref_slice %arg3[%add3A, %scan3A_10, %dma_start3A_37, %dma_start3A_38] : memref<32x5x25x80xi32, #tpu.memory_space<hbm>> -> memref<1x1x25x80xi32, #tpu.memory_space<hbm>>
        %dma_start3A_40 = tpu.memref_squeeze %dma_start3A_39 : memref<1x1x25x80xi32, #tpu.memory_space<hbm>> -> memref<25x80xi32, #tpu.memory_space<hbm>>
        %dma_start3A_41 = arith.constant 0 : i32
        %dma_start3A_42 = arith.constant 0 : i32
        %dma_start3A_43 = tpu.memref_slice %arg3[%add3A, %scan3A_10, %dma_start3A_41, %dma_start3A_42] : memref<32x5x25x80xi32, #tpu.memory_space<hbm>> -> memref<1x1x25x80xi32, #tpu.memory_space<hbm>>
        %dma_start3A_44 = tpu.memref_squeeze %dma_start3A_43 : memref<1x1x25x80xi32, #tpu.memory_space<hbm>> -> memref<25x80xi32, #tpu.memory_space<hbm>>
        tpu.enqueue_dma source(%dma_start3A_44 : memref<25x80xi32, #tpu.memory_space<hbm>>) target(%arg9 : memref<25x80xi32, #tpu.memory_space<vmem>>) target_semaphore(%run_scoped3A : memref<!tpu.dma_semaphore, #tpu.memory_space<semaphore_mem>>)
        %dma_wait3A = arith.constant 0 : i32
        %dma_wait3A_45 = arith.constant 0 : i32
        %dma_wait3A_46 = tpu.memref_slice %arg3[%add3A, %scan3A_10, %dma_wait3A, %dma_wait3A_45] : memref<32x5x25x80xi32, #tpu.memory_space<hbm>> -> memref<1x1x25x80xi32, #tpu.memory_space<hbm>>
        %dma_wait3A_47 = tpu.memref_squeeze %dma_wait3A_46 : memref<1x1x25x80xi32, #tpu.memory_space<hbm>> -> memref<25x80xi32, #tpu.memory_space<hbm>>
        %dma_wait3A_48 = arith.constant 0 : i32
        %dma_wait3A_49 = arith.constant 0 : i32
        %dma_wait3A_50 = tpu.memref_slice %arg3[%add3A, %scan3A_10, %dma_wait3A_48, %dma_wait3A_49] : memref<32x5x25x80xi32, #tpu.memory_space<hbm>> -> memref<1x1x25x80xi32, #tpu.memory_space<hbm>>
        %dma_wait3A_51 = tpu.memref_squeeze %dma_wait3A_50 : memref<1x1x25x80xi32, #tpu.memory_space<hbm>> -> memref<25x80xi32, #tpu.memory_space<hbm>>
        tpu.wait_dma2 semaphore(%run_scoped3A : memref<!tpu.dma_semaphore, #tpu.memory_space<semaphore_mem>>) src(%dma_wait3A_51 : memref<25x80xi32, #tpu.memory_space<hbm>>) dst(%arg9 : memref<25x80xi32, #tpu.memory_space<vmem>>)
        tpu.yield
      }) : () -> ()
      "tpu.region"() ({
        %run_scoped3A = tpu.sem_alloc : memref<!tpu.dma_semaphore, #tpu.memory_space<semaphore_mem>>
        %dma_start3A_37 = arith.constant 0 : i32
        %dma_start3A_38 = arith.constant 0 : i32
        %dma_start3A_39 = tpu.memref_slice %arg4[%add3A, %scan3A_10, %dma_start3A_37, %dma_start3A_38] : memref<32x5x25x80xi32, #tpu.memory_space<hbm>> -> memref<1x1x25x80xi32, #tpu.memory_space<hbm>>
        %dma_start3A_40 = tpu.memref_squeeze %dma_start3A_39 : memref<1x1x25x80xi32, #tpu.memory_space<hbm>> -> memref<25x80xi32, #tpu.memory_space<hbm>>
        %dma_start3A_41 = arith.constant 0 : i32
        %dma_start3A_42 = arith.constant 0 : i32
        %dma_start3A_43 = tpu.memref_slice %arg4[%add3A, %scan3A_10, %dma_start3A_41, %dma_start3A_42] : memref<32x5x25x80xi32, #tpu.memory_space<hbm>> -> memref<1x1x25x80xi32, #tpu.memory_space<hbm>>
        %dma_start3A_44 = tpu.memref_squeeze %dma_start3A_43 : memref<1x1x25x80xi32, #tpu.memory_space<hbm>> -> memref<25x80xi32, #tpu.memory_space<hbm>>
        tpu.enqueue_dma source(%dma_start3A_44 : memref<25x80xi32, #tpu.memory_space<hbm>>) target(%arg10 : memref<25x80xi32, #tpu.memory_space<vmem>>) target_semaphore(%run_scoped3A : memref<!tpu.dma_semaphore, #tpu.memory_space<semaphore_mem>>)
        %dma_wait3A = arith.constant 0 : i32
        %dma_wait3A_45 = arith.constant 0 : i32
        %dma_wait3A_46 = tpu.memref_slice %arg4[%add3A, %scan3A_10, %dma_wait3A, %dma_wait3A_45] : memref<32x5x25x80xi32, #tpu.memory_space<hbm>> -> memref<1x1x25x80xi32, #tpu.memory_space<hbm>>
        %dma_wait3A_47 = tpu.memref_squeeze %dma_wait3A_46 : memref<1x1x25x80xi32, #tpu.memory_space<hbm>> -> memref<25x80xi32, #tpu.memory_space<hbm>>
        %dma_wait3A_48 = arith.constant 0 : i32
        %dma_wait3A_49 = arith.constant 0 : i32
        %dma_wait3A_50 = tpu.memref_slice %arg4[%add3A, %scan3A_10, %dma_wait3A_48, %dma_wait3A_49] : memref<32x5x25x80xi32, #tpu.memory_space<hbm>> -> memref<1x1x25x80xi32, #tpu.memory_space<hbm>>
        %dma_wait3A_51 = tpu.memref_squeeze %dma_wait3A_50 : memref<1x1x25x80xi32, #tpu.memory_space<hbm>> -> memref<25x80xi32, #tpu.memory_space<hbm>>
        tpu.wait_dma2 semaphore(%run_scoped3A : memref<!tpu.dma_semaphore, #tpu.memory_space<semaphore_mem>>) src(%dma_wait3A_51 : memref<25x80xi32, #tpu.memory_space<hbm>>) dst(%arg10 : memref<25x80xi32, #tpu.memory_space<vmem>>)
        tpu.yield
      }) : () -> ()
      %dma_start3A = arith.constant 0 : i32
      %dma_start3A_11 = arith.constant 0 : i32
      %dma_start3A_12 = tpu.memref_slice %arg9[%dma_start3A, %dma_start3A_11] : memref<25x80xi32, #tpu.memory_space<vmem>> -> memref<1x80xi32, #tpu.memory_space<vmem>>
      %dma_start3A_13 = tpu.memref_squeeze %dma_start3A_12 : memref<1x80xi32, #tpu.memory_space<vmem>> -> memref<80xi32, #tpu.memory_space<vmem>>
      %dma_start3A_14 = arith.constant 0 : i32
      %dma_start3A_15 = arith.constant 0 : i32
      %dma_start3A_16 = tpu.memref_slice %arg2[%dma_start3A_14, %dma_start3A_15] : memref<10000x128xf32, #tpu.memory_space<hbm>> -> memref<10000x128xf32, #tpu.memory_space<hbm>>
      tpu.enqueue_indirect_dma source(%dma_start3A_16 : memref<10000x128xf32, #tpu.memory_space<hbm>>) target(%arg11 : memref<80x128xf32, #tpu.memory_space<vmem>>) offsets(%dma_start3A_13 : memref<80xi32, #tpu.memory_space<vmem>>) semaphore(%arg16 : memref<!tpu.dma_semaphore, #tpu.memory_space<semaphore_mem>>)
      %dma_start3A_17 = arith.constant 1 : i32
      %dma_start3A_18 = arith.constant 0 : i32
      %dma_start3A_19 = tpu.memref_slice %arg9[%dma_start3A_17, %dma_start3A_18] : memref<25x80xi32, #tpu.memory_space<vmem>> -> memref<1x80xi32, #tpu.memory_space<vmem>>
      %dma_start3A_20 = tpu.memref_squeeze %dma_start3A_19 : memref<1x80xi32, #tpu.memory_space<vmem>> -> memref<80xi32, #tpu.memory_space<vmem>>
      %dma_start3A_21 = arith.constant 0 : i32
      %dma_start3A_22 = arith.constant 0 : i32
      %dma_start3A_23 = tpu.memref_slice %arg2[%dma_start3A_21, %dma_start3A_22] : memref<10000x128xf32, #tpu.memory_space<hbm>> -> memref<10000x128xf32, #tpu.memory_space<hbm>>
      tpu.enqueue_indirect_dma source(%dma_start3A_23 : memref<10000x128xf32, #tpu.memory_space<hbm>>) target(%arg12 : memref<80x128xf32, #tpu.memory_space<vmem>>) offsets(%dma_start3A_20 : memref<80xi32, #tpu.memory_space<vmem>>) semaphore(%arg17 : memref<!tpu.dma_semaphore, #tpu.memory_space<semaphore_mem>>)
      %dma_start3A_24 = arith.constant 2 : i32
      %dma_start3A_25 = arith.constant 0 : i32
      %dma_start3A_26 = tpu.memref_slice %arg9[%dma_start3A_24, %dma_start3A_25] : memref<25x80xi32, #tpu.memory_space<vmem>> -> memref<1x80xi32, #tpu.memory_space<vmem>>
      %dma_start3A_27 = tpu.memref_squeeze %dma_start3A_26 : memref<1x80xi32, #tpu.memory_space<vmem>> -> memref<80xi32, #tpu.memory_space<vmem>>
      %dma_start3A_28 = arith.constant 0 : i32
      %dma_start3A_29 = arith.constant 0 : i32
      %dma_start3A_30 = tpu.memref_slice %arg2[%dma_start3A_28, %dma_start3A_29] : memref<10000x128xf32, #tpu.memory_space<hbm>> -> memref<10000x128xf32, #tpu.memory_space<hbm>>
      tpu.enqueue_indirect_dma source(%dma_start3A_30 : memref<10000x128xf32, #tpu.memory_space<hbm>>) target(%arg13 : memref<80x128xf32, #tpu.memory_space<vmem>>) offsets(%dma_start3A_27 : memref<80xi32, #tpu.memory_space<vmem>>) semaphore(%arg18 : memref<!tpu.dma_semaphore, #tpu.memory_space<semaphore_mem>>)
      %scan3A_31 = arith.constant 0 : i32
      %scan3A_32 = arith.constant 0 : i32
      %scan3A_33 = arith.constant 9 : i32
      %scan3A_34 = arith.addi %scan3A_32, %scan3A_33 : i32
      %scan3A_35 = arith.constant 1 : i32
      scf.for %scan3A_37 = %scan3A_32 to %scan3A_34 step %scan3A_35  : i32 {
        %mul3A_38 = arith.constant 3 : i32
        %mul3A_39 = arith.muli %scan3A_37, %mul3A_38 : i32
        %add3A_40 = arith.constant 0 : i32
        %add3A_41 = arith.addi %mul3A_39, %add3A_40 : i32
        %lt3A = arith.constant 25 : i32
        %lt3A_42 = arith.cmpi slt, %add3A_41, %lt3A : i32
        %convert_element_type3A = arith.extui %lt3A_42 : i1 to i32
        %cond3A = arith.constant 0 : i32
        %cond3A_43 = arith.cmpi ne, %convert_element_type3A, %cond3A : i32
        scf.if %cond3A_43 {
          %dma_wait3A = arith.constant 0 : i32
          %dma_wait3A_62 = tpu.memref_slice %arg9[%add3A_41, %dma_wait3A] : memref<25x80xi32, #tpu.memory_space<vmem>> -> memref<1x80xi32, #tpu.memory_space<vmem>>
          %dma_wait3A_63 = tpu.memref_squeeze %dma_wait3A_62 : memref<1x80xi32, #tpu.memory_space<vmem>> -> memref<80xi32, #tpu.memory_space<vmem>>
          %dma_wait3A_64 = arith.constant 0 : i32
          %dma_wait3A_65 = arith.constant 0 : i32
          %dma_wait3A_66 = tpu.memref_slice %arg2[%dma_wait3A_64, %dma_wait3A_65] : memref<10000x128xf32, #tpu.memory_space<hbm>> -> memref<10000x128xf32, #tpu.memory_space<hbm>>
          tpu.wait_indirect_dma semaphore(%arg16 : memref<!tpu.dma_semaphore, #tpu.memory_space<semaphore_mem>>) src(%dma_wait3A_66 : memref<10000x128xf32, #tpu.memory_space<hbm>>) dst(%arg11 : memref<80x128xf32, #tpu.memory_space<vmem>>)
          %get3A = arith.index_cast %add3A_41 : i32 to index
          %get3A_67 = arith.constant 0 : index
          %get3A_68 = tpu.vector_load %arg10[%get3A, %get3A_67] {strides = array<i32>} : memref<25x80xi32, #tpu.memory_space<vmem>>, vector<16xi32>,
          tpu.vector_store_idx %arg14[%get3A_68], %broadcast_in_dim3A_3 {add = true} : memref<10240xf32, #tpu.memory_space<vmem>>[vector<16xi32>], vector<16xf32>,
          %get3A_69 = arith.index_cast %add3A_41 : i32 to index
          %get3A_70 = arith.constant 16 : index
          %get3A_71 = tpu.vector_load %arg10[%get3A_69, %get3A_70] {strides = array<i32>} : memref<25x80xi32, #tpu.memory_space<vmem>>, vector<16xi32>,
          tpu.vector_store_idx %arg14[%get3A_71], %broadcast_in_dim3A_3 {add = true} : memref<10240xf32, #tpu.memory_space<vmem>>[vector<16xi32>], vector<16xf32>,
          %get3A_72 = arith.index_cast %add3A_41 : i32 to index
          %get3A_73 = arith.constant 32 : index
          %get3A_74 = tpu.vector_load %arg10[%get3A_72, %get3A_73] {strides = array<i32>} : memref<25x80xi32, #tpu.memory_space<vmem>>, vector<16xi32>,
          tpu.vector_store_idx %arg14[%get3A_74], %broadcast_in_dim3A_3 {add = true} : memref<10240xf32, #tpu.memory_space<vmem>>[vector<16xi32>], vector<16xf32>,
          %get3A_75 = arith.index_cast %add3A_41 : i32 to index
          %get3A_76 = arith.constant 48 : index
          %get3A_77 = tpu.vector_load %arg10[%get3A_75, %get3A_76] {strides = array<i32>} : memref<25x80xi32, #tpu.memory_space<vmem>>, vector<16xi32>,
          tpu.vector_store_idx %arg14[%get3A_77], %broadcast_in_dim3A_3 {add = true} : memref<10240xf32, #tpu.memory_space<vmem>>[vector<16xi32>], vector<16xf32>,
          %get3A_78 = arith.index_cast %add3A_41 : i32 to index
          %get3A_79 = arith.constant 64 : index
          %get3A_80 = tpu.vector_load %arg10[%get3A_78, %get3A_79] {strides = array<i32>} : memref<25x80xi32, #tpu.memory_space<vmem>>, vector<16xi32>,
          tpu.vector_store_idx %arg14[%get3A_80], %broadcast_in_dim3A_3 {add = true} : memref<10240xf32, #tpu.memory_space<vmem>>[vector<16xi32>], vector<16xf32>,
          "tpu.region"() ({
            %run_scoped3A = tpu.sem_alloc : memref<!tpu.dma_semaphore, #tpu.memory_space<semaphore_mem>>
            %dma_start3A_88 = arith.constant 0 : i32
            %dma_start3A_89 = tpu.memref_slice %arg10[%add3A_41, %dma_start3A_88] : memref<25x80xi32, #tpu.memory_space<vmem>> -> memref<1x80xi32, #tpu.memory_space<vmem>>
            %dma_start3A_90 = tpu.memref_squeeze %dma_start3A_89 : memref<1x80xi32, #tpu.memory_space<vmem>> -> memref<80xi32, #tpu.memory_space<vmem>>
            %dma_start3A_91 = arith.constant 0 : i32
            %dma_start3A_92 = arith.constant 0 : i32
            %dma_start3A_93 = tpu.memref_slice %arg15[%dma_start3A_91, %dma_start3A_92] : memref<10240x128xf32, #tpu.memory_space<vmem_shared>> -> memref<10240x128xf32, #tpu.memory_space<vmem_shared>>
            tpu.enqueue_indirect_dma source(%arg11 : memref<80x128xf32, #tpu.memory_space<vmem>>) target(%dma_start3A_93 : memref<10240x128xf32, #tpu.memory_space<vmem_shared>>) offsets(%dma_start3A_90 : memref<80xi32, #tpu.memory_space<vmem>>) semaphore(%run_scoped3A : memref<!tpu.dma_semaphore, #tpu.memory_space<semaphore_mem>>) {add = true}
            %dma_wait3A_94 = arith.constant 0 : i32
            %dma_wait3A_95 = tpu.memref_slice %arg10[%add3A_41, %dma_wait3A_94] : memref<25x80xi32, #tpu.memory_space<vmem>> -> memref<1x80xi32, #tpu.memory_space<vmem>>
            %dma_wait3A_96 = tpu.memref_squeeze %dma_wait3A_95 : memref<1x80xi32, #tpu.memory_space<vmem>> -> memref<80xi32, #tpu.memory_space<vmem>>
            %dma_wait3A_97 = arith.constant 0 : i32
            %dma_wait3A_98 = arith.constant 0 : i32
            %dma_wait3A_99 = tpu.memref_slice %arg15[%dma_wait3A_97, %dma_wait3A_98] : memref<10240x128xf32, #tpu.memory_space<vmem_shared>> -> memref<10240x128xf32, #tpu.memory_space<vmem_shared>>
            tpu.wait_indirect_dma semaphore(%run_scoped3A : memref<!tpu.dma_semaphore, #tpu.memory_space<semaphore_mem>>) src(%arg11 : memref<80x128xf32, #tpu.memory_space<vmem>>) dst(%dma_wait3A_99 : memref<10240x128xf32, #tpu.memory_space<vmem_shared>>)
            tpu.yield
          }) : () -> ()
          %add3A_81 = arith.constant 3 : i32
          %add3A_82 = arith.addi %add3A_41, %add3A_81 : i32
          %lt3A_83 = arith.constant 25 : i32
          %lt3A_84 = arith.cmpi slt, %add3A_82, %lt3A_83 : i32
          %convert_element_type3A_85 = arith.extui %lt3A_84 : i1 to i32
          %cond3A_86 = arith.constant 0 : i32
          %cond3A_87 = arith.cmpi ne, %convert_element_type3A_85, %cond3A_86 : i32
          scf.if %cond3A_87 {
            %dma_start3A_88 = arith.constant 0 : i32
            %dma_start3A_89 = tpu.memref_slice %arg9[%add3A_82, %dma_start3A_88] : memref<25x80xi32, #tpu.memory_space<vmem>> -> memref<1x80xi32, #tpu.memory_space<vmem>>
            %dma_start3A_90 = tpu.memref_squeeze %dma_start3A_89 : memref<1x80xi32, #tpu.memory_space<vmem>> -> memref<80xi32, #tpu.memory_space<vmem>>
            %dma_start3A_91 = arith.constant 0 : i32
            %dma_start3A_92 = arith.constant 0 : i32
            %dma_start3A_93 = tpu.memref_slice %arg2[%dma_start3A_91, %dma_start3A_92] : memref<10000x128xf32, #tpu.memory_space<hbm>> -> memref<10000x128xf32, #tpu.memory_space<hbm>>
            tpu.enqueue_indirect_dma source(%dma_start3A_93 : memref<10000x128xf32, #tpu.memory_space<hbm>>) target(%arg11 : memref<80x128xf32, #tpu.memory_space<vmem>>) offsets(%dma_start3A_90 : memref<80xi32, #tpu.memory_space<vmem>>) semaphore(%arg16 : memref<!tpu.dma_semaphore, #tpu.memory_space<semaphore_mem>>)
          } else {
          }
        } else {
        }
        %mul3A_44 = arith.constant 3 : i32
        %mul3A_45 = arith.muli %scan3A_37, %mul3A_44 : i32
        %add3A_46 = arith.constant 1 : i32
        %add3A_47 = arith.addi %mul3A_45, %add3A_46 : i32
        %lt3A_48 = arith.constant 25 : i32
        %lt3A_49 = arith.cmpi slt, %add3A_47, %lt3A_48 : i32
        %convert_element_type3A_50 = arith.extui %lt3A_49 : i1 to i32
        %cond3A_51 = arith.constant 0 : i32
        %cond3A_52 = arith.cmpi ne, %convert_element_type3A_50, %cond3A_51 : i32
        scf.if %cond3A_52 {
          %dma_wait3A = arith.constant 0 : i32
          %dma_wait3A_62 = tpu.memref_slice %arg9[%add3A_47, %dma_wait3A] : memref<25x80xi32, #tpu.memory_space<vmem>> -> memref<1x80xi32, #tpu.memory_space<vmem>>
          %dma_wait3A_63 = tpu.memref_squeeze %dma_wait3A_62 : memref<1x80xi32, #tpu.memory_space<vmem>> -> memref<80xi32, #tpu.memory_space<vmem>>
          %dma_wait3A_64 = arith.constant 0 : i32
          %dma_wait3A_65 = arith.constant 0 : i32
          %dma_wait3A_66 = tpu.memref_slice %arg2[%dma_wait3A_64, %dma_wait3A_65] : memref<10000x128xf32, #tpu.memory_space<hbm>> -> memref<10000x128xf32, #tpu.memory_space<hbm>>
          tpu.wait_indirect_dma semaphore(%arg17 : memref<!tpu.dma_semaphore, #tpu.memory_space<semaphore_mem>>) src(%dma_wait3A_66 : memref<10000x128xf32, #tpu.memory_space<hbm>>) dst(%arg12 : memref<80x128xf32, #tpu.memory_space<vmem>>)
          %get3A = arith.index_cast %add3A_47 : i32 to index
          %get3A_67 = arith.constant 0 : index
          %get3A_68 = tpu.vector_load %arg10[%get3A, %get3A_67] {strides = array<i32>} : memref<25x80xi32, #tpu.memory_space<vmem>>, vector<16xi32>,
          tpu.vector_store_idx %arg14[%get3A_68], %broadcast_in_dim3A_3 {add = true} : memref<10240xf32, #tpu.memory_space<vmem>>[vector<16xi32>], vector<16xf32>,
          %get3A_69 = arith.index_cast %add3A_47 : i32 to index
          %get3A_70 = arith.constant 16 : index
          %get3A_71 = tpu.vector_load %arg10[%get3A_69, %get3A_70] {strides = array<i32>} : memref<25x80xi32, #tpu.memory_space<vmem>>, vector<16xi32>,
          tpu.vector_store_idx %arg14[%get3A_71], %broadcast_in_dim3A_3 {add = true} : memref<10240xf32, #tpu.memory_space<vmem>>[vector<16xi32>], vector<16xf32>,
          %get3A_72 = arith.index_cast %add3A_47 : i32 to index
          %get3A_73 = arith.constant 32 : index
          %get3A_74 = tpu.vector_load %arg10[%get3A_72, %get3A_73] {strides = array<i32>} : memref<25x80xi32, #tpu.memory_space<vmem>>, vector<16xi32>,
          tpu.vector_store_idx %arg14[%get3A_74], %broadcast_in_dim3A_3 {add = true} : memref<10240xf32, #tpu.memory_space<vmem>>[vector<16xi32>], vector<16xf32>,
          %get3A_75 = arith.index_cast %add3A_47 : i32 to index
          %get3A_76 = arith.constant 48 : index
          %get3A_77 = tpu.vector_load %arg10[%get3A_75, %get3A_76] {strides = array<i32>} : memref<25x80xi32, #tpu.memory_space<vmem>>, vector<16xi32>,
          tpu.vector_store_idx %arg14[%get3A_77], %broadcast_in_dim3A_3 {add = true} : memref<10240xf32, #tpu.memory_space<vmem>>[vector<16xi32>], vector<16xf32>,
          %get3A_78 = arith.index_cast %add3A_47 : i32 to index
          %get3A_79 = arith.constant 64 : index
          %get3A_80 = tpu.vector_load %arg10[%get3A_78, %get3A_79] {strides = array<i32>} : memref<25x80xi32, #tpu.memory_space<vmem>>, vector<16xi32>,
          tpu.vector_store_idx %arg14[%get3A_80], %broadcast_in_dim3A_3 {add = true} : memref<10240xf32, #tpu.memory_space<vmem>>[vector<16xi32>], vector<16xf32>,
          "tpu.region"() ({
            %run_scoped3A = tpu.sem_alloc : memref<!tpu.dma_semaphore, #tpu.memory_space<semaphore_mem>>
            %dma_start3A_88 = arith.constant 0 : i32
            %dma_start3A_89 = tpu.memref_slice %arg10[%add3A_47, %dma_start3A_88] : memref<25x80xi32, #tpu.memory_space<vmem>> -> memref<1x80xi32, #tpu.memory_space<vmem>>
            %dma_start3A_90 = tpu.memref_squeeze %dma_start3A_89 : memref<1x80xi32, #tpu.memory_space<vmem>> -> memref<80xi32, #tpu.memory_space<vmem>>
            %dma_start3A_91 = arith.constant 0 : i32
            %dma_start3A_92 = arith.constant 0 : i32
            %dma_start3A_93 = tpu.memref_slice %arg15[%dma_start3A_91, %dma_start3A_92] : memref<10240x128xf32, #tpu.memory_space<vmem_shared>> -> memref<10240x128xf32, #tpu.memory_space<vmem_shared>>
            tpu.enqueue_indirect_dma source(%arg12 : memref<80x128xf32, #tpu.memory_space<vmem>>) target(%dma_start3A_93 : memref<10240x128xf32, #tpu.memory_space<vmem_shared>>) offsets(%dma_start3A_90 : memref<80xi32, #tpu.memory_space<vmem>>) semaphore(%run_scoped3A : memref<!tpu.dma_semaphore, #tpu.memory_space<semaphore_mem>>) {add = true}
            %dma_wait3A_94 = arith.constant 0 : i32
            %dma_wait3A_95 = tpu.memref_slice %arg10[%add3A_47, %dma_wait3A_94] : memref<25x80xi32, #tpu.memory_space<vmem>> -> memref<1x80xi32, #tpu.memory_space<vmem>>
            %dma_wait3A_96 = tpu.memref_squeeze %dma_wait3A_95 : memref<1x80xi32, #tpu.memory_space<vmem>> -> memref<80xi32, #tpu.memory_space<vmem>>
            %dma_wait3A_97 = arith.constant 0 : i32
            %dma_wait3A_98 = arith.constant 0 : i32
            %dma_wait3A_99 = tpu.memref_slice %arg15[%dma_wait3A_97, %dma_wait3A_98] : memref<10240x128xf32, #tpu.memory_space<vmem_shared>> -> memref<10240x128xf32, #tpu.memory_space<vmem_shared>>
            tpu.wait_indirect_dma semaphore(%run_scoped3A : memref<!tpu.dma_semaphore, #tpu.memory_space<semaphore_mem>>) src(%arg12 : memref<80x128xf32, #tpu.memory_space<vmem>>) dst(%dma_wait3A_99 : memref<10240x128xf32, #tpu.memory_space<vmem_shared>>)
            tpu.yield
          }) : () -> ()
          %add3A_81 = arith.constant 3 : i32
          %add3A_82 = arith.addi %add3A_47, %add3A_81 : i32
          %lt3A_83 = arith.constant 25 : i32
          %lt3A_84 = arith.cmpi slt, %add3A_82, %lt3A_83 : i32
          %convert_element_type3A_85 = arith.extui %lt3A_84 : i1 to i32
          %cond3A_86 = arith.constant 0 : i32
          %cond3A_87 = arith.cmpi ne, %convert_element_type3A_85, %cond3A_86 : i32
          scf.if %cond3A_87 {
            %dma_start3A_88 = arith.constant 0 : i32
            %dma_start3A_89 = tpu.memref_slice %arg9[%add3A_82, %dma_start3A_88] : memref<25x80xi32, #tpu.memory_space<vmem>> -> memref<1x80xi32, #tpu.memory_space<vmem>>
            %dma_start3A_90 = tpu.memref_squeeze %dma_start3A_89 : memref<1x80xi32, #tpu.memory_space<vmem>> -> memref<80xi32, #tpu.memory_space<vmem>>
            %dma_start3A_91 = arith.constant 0 : i32
            %dma_start3A_92 = arith.constant 0 : i32
            %dma_start3A_93 = tpu.memref_slice %arg2[%dma_start3A_91, %dma_start3A_92] : memref<10000x128xf32, #tpu.memory_space<hbm>> -> memref<10000x128xf32, #tpu.memory_space<hbm>>
            tpu.enqueue_indirect_dma source(%dma_start3A_93 : memref<10000x128xf32, #tpu.memory_space<hbm>>) target(%arg12 : memref<80x128xf32, #tpu.memory_space<vmem>>) offsets(%dma_start3A_90 : memref<80xi32, #tpu.memory_space<vmem>>) semaphore(%arg17 : memref<!tpu.dma_semaphore, #tpu.memory_space<semaphore_mem>>)
          } else {
          }
        } else {
        }
        %mul3A_53 = arith.constant 3 : i32
        %mul3A_54 = arith.muli %scan3A_37, %mul3A_53 : i32
        %add3A_55 = arith.constant 2 : i32
        %add3A_56 = arith.addi %mul3A_54, %add3A_55 : i32
        %lt3A_57 = arith.constant 25 : i32
        %lt3A_58 = arith.cmpi slt, %add3A_56, %lt3A_57 : i32
        %convert_element_type3A_59 = arith.extui %lt3A_58 : i1 to i32
        %cond3A_60 = arith.constant 0 : i32
        %cond3A_61 = arith.cmpi ne, %convert_element_type3A_59, %cond3A_60 : i32
        scf.if %cond3A_61 {
          %dma_wait3A = arith.constant 0 : i32
          %dma_wait3A_62 = tpu.memref_slice %arg9[%add3A_56, %dma_wait3A] : memref<25x80xi32, #tpu.memory_space<vmem>> -> memref<1x80xi32, #tpu.memory_space<vmem>>
          %dma_wait3A_63 = tpu.memref_squeeze %dma_wait3A_62 : memref<1x80xi32, #tpu.memory_space<vmem>> -> memref<80xi32, #tpu.memory_space<vmem>>
          %dma_wait3A_64 = arith.constant 0 : i32
          %dma_wait3A_65 = arith.constant 0 : i32
          %dma_wait3A_66 = tpu.memref_slice %arg2[%dma_wait3A_64, %dma_wait3A_65] : memref<10000x128xf32, #tpu.memory_space<hbm>> -> memref<10000x128xf32, #tpu.memory_space<hbm>>
          tpu.wait_indirect_dma semaphore(%arg18 : memref<!tpu.dma_semaphore, #tpu.memory_space<semaphore_mem>>) src(%dma_wait3A_66 : memref<10000x128xf32, #tpu.memory_space<hbm>>) dst(%arg13 : memref<80x128xf32, #tpu.memory_space<vmem>>)
          %get3A = arith.index_cast %add3A_56 : i32 to index
          %get3A_67 = arith.constant 0 : index
          %get3A_68 = tpu.vector_load %arg10[%get3A, %get3A_67] {strides = array<i32>} : memref<25x80xi32, #tpu.memory_space<vmem>>, vector<16xi32>,
          tpu.vector_store_idx %arg14[%get3A_68], %broadcast_in_dim3A_3 {add = true} : memref<10240xf32, #tpu.memory_space<vmem>>[vector<16xi32>], vector<16xf32>,
          %get3A_69 = arith.index_cast %add3A_56 : i32 to index
          %get3A_70 = arith.constant 16 : index
          %get3A_71 = tpu.vector_load %arg10[%get3A_69, %get3A_70] {strides = array<i32>} : memref<25x80xi32, #tpu.memory_space<vmem>>, vector<16xi32>,
          tpu.vector_store_idx %arg14[%get3A_71], %broadcast_in_dim3A_3 {add = true} : memref<10240xf32, #tpu.memory_space<vmem>>[vector<16xi32>], vector<16xf32>,
          %get3A_72 = arith.index_cast %add3A_56 : i32 to index
          %get3A_73 = arith.constant 32 : index
          %get3A_74 = tpu.vector_load %arg10[%get3A_72, %get3A_73] {strides = array<i32>} : memref<25x80xi32, #tpu.memory_space<vmem>>, vector<16xi32>,
          tpu.vector_store_idx %arg14[%get3A_74], %broadcast_in_dim3A_3 {add = true} : memref<10240xf32, #tpu.memory_space<vmem>>[vector<16xi32>], vector<16xf32>,
          %get3A_75 = arith.index_cast %add3A_56 : i32 to index
          %get3A_76 = arith.constant 48 : index
          %get3A_77 = tpu.vector_load %arg10[%get3A_75, %get3A_76] {strides = array<i32>} : memref<25x80xi32, #tpu.memory_space<vmem>>, vector<16xi32>,
          tpu.vector_store_idx %arg14[%get3A_77], %broadcast_in_dim3A_3 {add = true} : memref<10240xf32, #tpu.memory_space<vmem>>[vector<16xi32>], vector<16xf32>,
          %get3A_78 = arith.index_cast %add3A_56 : i32 to index
          %get3A_79 = arith.constant 64 : index
          %get3A_80 = tpu.vector_load %arg10[%get3A_78, %get3A_79] {strides = array<i32>} : memref<25x80xi32, #tpu.memory_space<vmem>>, vector<16xi32>,
          tpu.vector_store_idx %arg14[%get3A_80], %broadcast_in_dim3A_3 {add = true} : memref<10240xf32, #tpu.memory_space<vmem>>[vector<16xi32>], vector<16xf32>,
          "tpu.region"() ({
            %run_scoped3A = tpu.sem_alloc : memref<!tpu.dma_semaphore, #tpu.memory_space<semaphore_mem>>
            %dma_start3A_88 = arith.constant 0 : i32
            %dma_start3A_89 = tpu.memref_slice %arg10[%add3A_56, %dma_start3A_88] : memref<25x80xi32, #tpu.memory_space<vmem>> -> memref<1x80xi32, #tpu.memory_space<vmem>>
            %dma_start3A_90 = tpu.memref_squeeze %dma_start3A_89 : memref<1x80xi32, #tpu.memory_space<vmem>> -> memref<80xi32, #tpu.memory_space<vmem>>
            %dma_start3A_91 = arith.constant 0 : i32
            %dma_start3A_92 = arith.constant 0 : i32
            %dma_start3A_93 = tpu.memref_slice %arg15[%dma_start3A_91, %dma_start3A_92] : memref<10240x128xf32, #tpu.memory_space<vmem_shared>> -> memref<10240x128xf32, #tpu.memory_space<vmem_shared>>
            tpu.enqueue_indirect_dma source(%arg13 : memref<80x128xf32, #tpu.memory_space<vmem>>) target(%dma_start3A_93 : memref<10240x128xf32, #tpu.memory_space<vmem_shared>>) offsets(%dma_start3A_90 : memref<80xi32, #tpu.memory_space<vmem>>) semaphore(%run_scoped3A : memref<!tpu.dma_semaphore, #tpu.memory_space<semaphore_mem>>) {add = true}
            %dma_wait3A_94 = arith.constant 0 : i32
            %dma_wait3A_95 = tpu.memref_slice %arg10[%add3A_56, %dma_wait3A_94] : memref<25x80xi32, #tpu.memory_space<vmem>> -> memref<1x80xi32, #tpu.memory_space<vmem>>
            %dma_wait3A_96 = tpu.memref_squeeze %dma_wait3A_95 : memref<1x80xi32, #tpu.memory_space<vmem>> -> memref<80xi32, #tpu.memory_space<vmem>>
            %dma_wait3A_97 = arith.constant 0 : i32
            %dma_wait3A_98 = arith.constant 0 : i32
            %dma_wait3A_99 = tpu.memref_slice %arg15[%dma_wait3A_97, %dma_wait3A_98] : memref<10240x128xf32, #tpu.memory_space<vmem_shared>> -> memref<10240x128xf32, #tpu.memory_space<vmem_shared>>
            tpu.wait_indirect_dma semaphore(%run_scoped3A : memref<!tpu.dma_semaphore, #tpu.memory_space<semaphore_mem>>) src(%arg13 : memref<80x128xf32, #tpu.memory_space<vmem>>) dst(%dma_wait3A_99 : memref<10240x128xf32, #tpu.memory_space<vmem_shared>>)
            tpu.yield
          }) : () -> ()
          %add3A_81 = arith.constant 3 : i32
          %add3A_82 = arith.addi %add3A_56, %add3A_81 : i32
          %lt3A_83 = arith.constant 25 : i32
          %lt3A_84 = arith.cmpi slt, %add3A_82, %lt3A_83 : i32
          %convert_element_type3A_85 = arith.extui %lt3A_84 : i1 to i32
          %cond3A_86 = arith.constant 0 : i32
          %cond3A_87 = arith.cmpi ne, %convert_element_type3A_85, %cond3A_86 : i32
          scf.if %cond3A_87 {
            %dma_start3A_88 = arith.constant 0 : i32
            %dma_start3A_89 = tpu.memref_slice %arg9[%add3A_82, %dma_start3A_88] : memref<25x80xi32, #tpu.memory_space<vmem>> -> memref<1x80xi32, #tpu.memory_space<vmem>>
            %dma_start3A_90 = tpu.memref_squeeze %dma_start3A_89 : memref<1x80xi32, #tpu.memory_space<vmem>> -> memref<80xi32, #tpu.memory_space<vmem>>
            %dma_start3A_91 = arith.constant 0 : i32
            %dma_start3A_92 = arith.constant 0 : i32
            %dma_start3A_93 = tpu.memref_slice %arg2[%dma_start3A_91, %dma_start3A_92] : memref<10000x128xf32, #tpu.memory_space<hbm>> -> memref<10000x128xf32, #tpu.memory_space<hbm>>
            tpu.enqueue_indirect_dma source(%dma_start3A_93 : memref<10000x128xf32, #tpu.memory_space<hbm>>) target(%arg13 : memref<80x128xf32, #tpu.memory_space<vmem>>) offsets(%dma_start3A_90 : memref<80xi32, #tpu.memory_space<vmem>>) semaphore(%arg18 : memref<!tpu.dma_semaphore, #tpu.memory_space<semaphore_mem>>)
          } else {
          }
        } else {
        }
      }
      %scan3A_36 = arith.constant 9 : i32
    }
    %scan3A_8 = arith.constant 5 : i32
    %barrier3A_9 = arith.constant 0 : index
    tpu.barrier barrier_id(%barrier3A_9)
    "tpu.region"() ({
      %run_scoped3A = tpu.sem_alloc : memref<!tpu.dma_semaphore, #tpu.memory_space<semaphore_mem>>
      %dma_start3A = arith.constant 0 : i32
      %dma_start3A_10 = tpu.memref_slice %arg7[%arg0, %mul3A_2, %dma_start3A] : memref<2x10240x128xf32, #tpu.memory_space<hbm>> -> memref<1x640x128xf32, #tpu.memory_space<hbm>>
      %dma_start3A_11 = tpu.memref_squeeze %dma_start3A_10 : memref<1x640x128xf32, #tpu.memory_space<hbm>> -> memref<640x128xf32, #tpu.memory_space<hbm>>
      %dma_start3A_12 = arith.constant 0 : i32
      %dma_start3A_13 = tpu.memref_slice %arg15[%mul3A_2, %dma_start3A_12] : memref<10240x128xf32, #tpu.memory_space<vmem_shared>> -> memref<640x128xf32, #tpu.memory_space<vmem_shared>>
      tpu.enqueue_dma source(%dma_start3A_13 : memref<640x128xf32, #tpu.memory_space<vmem_shared>>) target(%dma_start3A_11 : memref<640x128xf32, #tpu.memory_space<hbm>>) target_semaphore(%run_scoped3A : memref<!tpu.dma_semaphore, #tpu.memory_space<semaphore_mem>>)
      %dma_wait3A = arith.constant 0 : i32
      %dma_wait3A_14 = tpu.memref_slice %arg7[%arg0, %mul3A_2, %dma_wait3A] : memref<2x10240x128xf32, #tpu.memory_space<hbm>> -> memref<1x640x128xf32, #tpu.memory_space<hbm>>
      %dma_wait3A_15 = tpu.memref_squeeze %dma_wait3A_14 : memref<1x640x128xf32, #tpu.memory_space<hbm>> -> memref<640x128xf32, #tpu.memory_space<hbm>>
      %dma_wait3A_16 = arith.constant 0 : i32
      %dma_wait3A_17 = tpu.memref_slice %arg15[%mul3A_2, %dma_wait3A_16] : memref<10240x128xf32, #tpu.memory_space<vmem_shared>> -> memref<640x128xf32, #tpu.memory_space<vmem_shared>>
      tpu.wait_dma2 semaphore(%run_scoped3A : memref<!tpu.dma_semaphore, #tpu.memory_space<semaphore_mem>>) src(%dma_wait3A_17 : memref<640x128xf32, #tpu.memory_space<vmem_shared>>) dst(%dma_wait3A_15 : memref<640x128xf32, #tpu.memory_space<hbm>>)
      tpu.yield
    }) : () -> ()
    "tpu.region"() ({
      %run_scoped3A = tpu.sem_alloc : memref<!tpu.dma_semaphore, #tpu.memory_space<semaphore_mem>>
      %dma_start3A = arith.constant 0 : i32
      %dma_start3A_10 = tpu.memref_slice %arg8[%add3A, %dma_start3A] : memref<32x10240xf32, #tpu.memory_space<hbm>> -> memref<1x10240xf32, #tpu.memory_space<hbm>>
      %dma_start3A_11 = tpu.memref_squeeze %dma_start3A_10 : memref<1x10240xf32, #tpu.memory_space<hbm>> -> memref<10240xf32, #tpu.memory_space<hbm>>
      %dma_start3A_12 = arith.constant 0 : i32
      %dma_start3A_13 = tpu.memref_slice %arg8[%add3A, %dma_start3A_12] : memref<32x10240xf32, #tpu.memory_space<hbm>> -> memref<1x10240xf32, #tpu.memory_space<hbm>>
      %dma_start3A_14 = tpu.memref_squeeze %dma_start3A_13 : memref<1x10240xf32, #tpu.memory_space<hbm>> -> memref<10240xf32, #tpu.memory_space<hbm>>
      tpu.enqueue_dma source(%arg14 : memref<10240xf32, #tpu.memory_space<vmem>>) target(%dma_start3A_14 : memref<10240xf32, #tpu.memory_space<hbm>>) target_semaphore(%run_scoped3A : memref<!tpu.dma_semaphore, #tpu.memory_space<semaphore_mem>>)
      %dma_wait3A = arith.constant 0 : i32
      %dma_wait3A_15 = tpu.memref_slice %arg8[%add3A, %dma_wait3A] : memref<32x10240xf32, #tpu.memory_space<hbm>> -> memref<1x10240xf32, #tpu.memory_space<hbm>>
      %dma_wait3A_16 = tpu.memref_squeeze %dma_wait3A_15 : memref<1x10240xf32, #tpu.memory_space<hbm>> -> memref<10240xf32, #tpu.memory_space<hbm>>
      %dma_wait3A_17 = arith.constant 0 : i32
      %dma_wait3A_18 = tpu.memref_slice %arg8[%add3A, %dma_wait3A_17] : memref<32x10240xf32, #tpu.memory_space<hbm>> -> memref<1x10240xf32, #tpu.memory_space<hbm>>
      %dma_wait3A_19 = tpu.memref_squeeze %dma_wait3A_18 : memref<1x10240xf32, #tpu.memory_space<hbm>> -> memref<10240xf32, #tpu.memory_space<hbm>>
      tpu.wait_dma2 semaphore(%run_scoped3A : memref<!tpu.dma_semaphore, #tpu.memory_space<semaphore_mem>>) src(%arg14 : memref<10240xf32, #tpu.memory_space<vmem>>) dst(%dma_wait3A_19 : memref<10240xf32, #tpu.memory_space<hbm>>)
      tpu.yield
    }) : () -> ()
    return
  }
}

#map = affine_map<(d0, d1) -> (0, 0)>
#map1 = affine_map<(d0, d1) -> (0, 0, 0, 0)>
#map2 = affine_map<(d0, d1) -> (0)>
#map3 = affine_map<(d0, d1) -> (0, 0, 0)>
module attributes {stable_mosaic.version = 14 : i64} {
  func.func @_seg_sum_body(%arg0: i32, %arg1: i32, %arg2: memref<10000x128xf32, #tpu.memory_space<hbm>>, %arg3: memref<32x5x25x80xi32, #tpu.memory_space<hbm>>, %arg4: memref<32x5x25x80xi32, #tpu.memory_space<hbm>>, %arg5: memref<640x128xf32, #tpu.memory_space<hbm>>, %arg6: memref<10240xf32, #tpu.memory_space<hbm>>, %arg7: memref<2x10240x128xf32, #tpu.memory_space<hbm>>, %arg8: memref<32x10240xf32, #tpu.memory_space<hbm>>, %arg9: memref<25x80xi32, #tpu.memory_space<vmem>>, %arg10: memref<25x80xi32, #tpu.memory_space<vmem>>, %arg11: memref<80x128xf32, #tpu.memory_space<vmem>>, %arg12: memref<80x128xf32, #tpu.memory_space<vmem>>, %arg13: memref<80x128xf32, #tpu.memory_space<vmem>>, %arg14: memref<10240xf32, #tpu.memory_space<vmem>>, %arg15: memref<10240x128xf32, #tpu.memory_space<vmem_shared>>, %arg16: memref<!tpu.dma_semaphore, #tpu.memory_space<semaphore_mem>>, %arg17: memref<!tpu.dma_semaphore, #tpu.memory_space<semaphore_mem>>, %arg18: memref<!tpu.dma_semaphore, #tpu.memory_space<semaphore_mem>>) attributes {dimension_semantics = [#tpu.dimension_semantics<core_parallel>, #tpu.dimension_semantics<subcore_parallel>], iteration_bounds = array<i64: 2, 16>, scalar_prefetch = 0 : i64, scratch_operands = 10 : i64, tpu.core_type = #tpu.core_type<sc_vector_subcore>, window_params = [{transform_indices = #map}, {transform_indices = #map1}, {transform_indices = #map1}, {transform_indices = #map}, {transform_indices = #map2}, {transform_indices = #map3}, {transform_indices = #map}]} {
    %mul3A = arith.constant 16 : i32
    %mul3A_0 = arith.muli %arg0, %mul3A : i32
    %add3A = arith.addi %mul3A_0, %arg1 : i32
    %mul3A_1 = arith.constant 640 : i32
    %mul3A_2 = arith.muli %arg1, %mul3A_1 : i32
    %broadcast_in_dim3A = arith.constant 1.000000e+00 : f32
    %broadcast_in_dim3A_3 = vector.broadcast %broadcast_in_dim3A : f32 to vector<16xf32>
    "tpu.region"() ({
      %run_scoped3A = tpu.sem_alloc : memref<!tpu.dma_semaphore, #tpu.memory_space<semaphore_mem>>
      %dma_start3A = arith.constant 0 : i32
      %dma_start3A_10 = tpu.memref_slice %arg15[%mul3A_2, %dma_start3A] : memref<10240x128xf32, #tpu.memory_space<vmem_shared>> -> memref<640x128xf32, #tpu.memory_space<vmem_shared>>
      tpu.enqueue_dma source(%arg5 : memref<640x128xf32, #tpu.memory_space<hbm>>) target(%dma_start3A_10 : memref<640x128xf32, #tpu.memory_space<vmem_shared>>) target_semaphore(%run_scoped3A : memref<!tpu.dma_semaphore, #tpu.memory_space<semaphore_mem>>)
      %dma_wait3A = arith.constant 0 : i32
      %dma_wait3A_11 = tpu.memref_slice %arg15[%mul3A_2, %dma_wait3A] : memref<10240x128xf32, #tpu.memory_space<vmem_shared>> -> memref<640x128xf32, #tpu.memory_space<vmem_shared>>
      tpu.wait_dma2 semaphore(%run_scoped3A : memref<!tpu.dma_semaphore, #tpu.memory_space<semaphore_mem>>) src(%arg5 : memref<640x128xf32, #tpu.memory_space<hbm>>) dst(%dma_wait3A_11 : memref<640x128xf32, #tpu.memory_space<vmem_shared>>)
      tpu.yield
    }) : () -> ()
    "tpu.region"() ({
      %run_scoped3A = tpu.sem_alloc : memref<!tpu.dma_semaphore, #tpu.memory_space<semaphore_mem>>
      tpu.enqueue_dma source(%arg6 : memref<10240xf32, #tpu.memory_space<hbm>>) target(%arg14 : memref<10240xf32, #tpu.memory_space<vmem>>) target_semaphore(%run_scoped3A : memref<!tpu.dma_semaphore, #tpu.memory_space<semaphore_mem>>)
      tpu.wait_dma2 semaphore(%run_scoped3A : memref<!tpu.dma_semaphore, #tpu.memory_space<semaphore_mem>>) src(%arg6 : memref<10240xf32, #tpu.memory_space<hbm>>) dst(%arg14 : memref<10240xf32, #tpu.memory_space<vmem>>)
      tpu.yield
    }) : () -> ()
    %barrier3A = arith.constant 0 : index
    tpu.barrier barrier_id(%barrier3A)
    %scan3A = arith.constant 0 : i32
    %scan3A_4 = arith.constant 0 : i32
    %scan3A_5 = arith.constant 5 : i32
    %scan3A_6 = arith.addi %scan3A_4, %scan3A_5 : i32
    %scan3A_7 = arith.constant 1 : i32
    scf.for %scan3A_10 = %scan3A_4 to %scan3A_6 step %scan3A_7  : i32 {
      "tpu.region"() ({
        %run_scoped3A = tpu.sem_alloc : memref<!tpu.dma_semaphore, #tpu.memory_space<semaphore_mem>>
        %dma_start3A_37 = arith.constant 0 : i32
        %dma_start3A_38 = arith.constant 0 : i32
        %dma_start3A_39 = tpu.memref_slice %arg3[%add3A, %scan3A_10, %dma_start3A_37, %dma_start3A_38] : memref<32x5x25x80xi32, #tpu.memory_space<hbm>> -> memref<1x1x25x80xi32, #tpu.memory_space<hbm>>
        %dma_start3A_40 = tpu.memref_squeeze %dma_start3A_39 : memref<1x1x25x80xi32, #tpu.memory_space<hbm>> -> memref<25x80xi32, #tpu.memory_space<hbm>>
        %dma_start3A_41 = arith.constant 0 : i32
        %dma_start3A_42 = arith.constant 0 : i32
        %dma_start3A_43 = tpu.memref_slice %arg3[%add3A, %scan3A_10, %dma_start3A_41, %dma_start3A_42] : memref<32x5x25x80xi32, #tpu.memory_space<hbm>> -> memref<1x1x25x80xi32, #tpu.memory_space<hbm>>
        %dma_start3A_44 = tpu.memref_squeeze %dma_start3A_43 : memref<1x1x25x80xi32, #tpu.memory_space<hbm>> -> memref<25x80xi32, #tpu.memory_space<hbm>>
        tpu.enqueue_dma source(%dma_start3A_44 : memref<25x80xi32, #tpu.memory_space<hbm>>) target(%arg9 : memref<25x80xi32, #tpu.memory_space<vmem>>) target_semaphore(%run_scoped3A : memref<!tpu.dma_semaphore, #tpu.memory_space<semaphore_mem>>)
        %dma_wait3A = arith.constant 0 : i32
        %dma_wait3A_45 = arith.constant 0 : i32
        %dma_wait3A_46 = tpu.memref_slice %arg3[%add3A, %scan3A_10, %dma_wait3A, %dma_wait3A_45] : memref<32x5x25x80xi32, #tpu.memory_space<hbm>> -> memref<1x1x25x80xi32, #tpu.memory_space<hbm>>
        %dma_wait3A_47 = tpu.memref_squeeze %dma_wait3A_46 : memref<1x1x25x80xi32, #tpu.memory_space<hbm>> -> memref<25x80xi32, #tpu.memory_space<hbm>>
        %dma_wait3A_48 = arith.constant 0 : i32
        %dma_wait3A_49 = arith.constant 0 : i32
        %dma_wait3A_50 = tpu.memref_slice %arg3[%add3A, %scan3A_10, %dma_wait3A_48, %dma_wait3A_49] : memref<32x5x25x80xi32, #tpu.memory_space<hbm>> -> memref<1x1x25x80xi32, #tpu.memory_space<hbm>>
        %dma_wait3A_51 = tpu.memref_squeeze %dma_wait3A_50 : memref<1x1x25x80xi32, #tpu.memory_space<hbm>> -> memref<25x80xi32, #tpu.memory_space<hbm>>
        tpu.wait_dma2 semaphore(%run_scoped3A : memref<!tpu.dma_semaphore, #tpu.memory_space<semaphore_mem>>) src(%dma_wait3A_51 : memref<25x80xi32, #tpu.memory_space<hbm>>) dst(%arg9 : memref<25x80xi32, #tpu.memory_space<vmem>>)
        tpu.yield
      }) : () -> ()
      "tpu.region"() ({
        %run_scoped3A = tpu.sem_alloc : memref<!tpu.dma_semaphore, #tpu.memory_space<semaphore_mem>>
        %dma_start3A_37 = arith.constant 0 : i32
        %dma_start3A_38 = arith.constant 0 : i32
        %dma_start3A_39 = tpu.memref_slice %arg4[%add3A, %scan3A_10, %dma_start3A_37, %dma_start3A_38] : memref<32x5x25x80xi32, #tpu.memory_space<hbm>> -> memref<1x1x25x80xi32, #tpu.memory_space<hbm>>
        %dma_start3A_40 = tpu.memref_squeeze %dma_start3A_39 : memref<1x1x25x80xi32, #tpu.memory_space<hbm>> -> memref<25x80xi32, #tpu.memory_space<hbm>>
        %dma_start3A_41 = arith.constant 0 : i32
        %dma_start3A_42 = arith.constant 0 : i32
        %dma_start3A_43 = tpu.memref_slice %arg4[%add3A, %scan3A_10, %dma_start3A_41, %dma_start3A_42] : memref<32x5x25x80xi32, #tpu.memory_space<hbm>> -> memref<1x1x25x80xi32, #tpu.memory_space<hbm>>
        %dma_start3A_44 = tpu.memref_squeeze %dma_start3A_43 : memref<1x1x25x80xi32, #tpu.memory_space<hbm>> -> memref<25x80xi32, #tpu.memory_space<hbm>>
        tpu.enqueue_dma source(%dma_start3A_44 : memref<25x80xi32, #tpu.memory_space<hbm>>) target(%arg10 : memref<25x80xi32, #tpu.memory_space<vmem>>) target_semaphore(%run_scoped3A : memref<!tpu.dma_semaphore, #tpu.memory_space<semaphore_mem>>)
        %dma_wait3A = arith.constant 0 : i32
        %dma_wait3A_45 = arith.constant 0 : i32
        %dma_wait3A_46 = tpu.memref_slice %arg4[%add3A, %scan3A_10, %dma_wait3A, %dma_wait3A_45] : memref<32x5x25x80xi32, #tpu.memory_space<hbm>> -> memref<1x1x25x80xi32, #tpu.memory_space<hbm>>
        %dma_wait3A_47 = tpu.memref_squeeze %dma_wait3A_46 : memref<1x1x25x80xi32, #tpu.memory_space<hbm>> -> memref<25x80xi32, #tpu.memory_space<hbm>>
        %dma_wait3A_48 = arith.constant 0 : i32
        %dma_wait3A_49 = arith.constant 0 : i32
        %dma_wait3A_50 = tpu.memref_slice %arg4[%add3A, %scan3A_10, %dma_wait3A_48, %dma_wait3A_49] : memref<32x5x25x80xi32, #tpu.memory_space<hbm>> -> memref<1x1x25x80xi32, #tpu.memory_space<hbm>>
        %dma_wait3A_51 = tpu.memref_squeeze %dma_wait3A_50 : memref<1x1x25x80xi32, #tpu.memory_space<hbm>> -> memref<25x80xi32, #tpu.memory_space<hbm>>
        tpu.wait_dma2 semaphore(%run_scoped3A : memref<!tpu.dma_semaphore, #tpu.memory_space<semaphore_mem>>) src(%dma_wait3A_51 : memref<25x80xi32, #tpu.memory_space<hbm>>) dst(%arg10 : memref<25x80xi32, #tpu.memory_space<vmem>>)
        tpu.yield
      }) : () -> ()
      %dma_start3A = arith.constant 0 : i32
      %dma_start3A_11 = arith.constant 0 : i32
      %dma_start3A_12 = tpu.memref_slice %arg9[%dma_start3A, %dma_start3A_11] : memref<25x80xi32, #tpu.memory_space<vmem>> -> memref<1x80xi32, #tpu.memory_space<vmem>>
      %dma_start3A_13 = tpu.memref_squeeze %dma_start3A_12 : memref<1x80xi32, #tpu.memory_space<vmem>> -> memref<80xi32, #tpu.memory_space<vmem>>
      %dma_start3A_14 = arith.constant 0 : i32
      %dma_start3A_15 = arith.constant 0 : i32
      %dma_start3A_16 = tpu.memref_slice %arg2[%dma_start3A_14, %dma_start3A_15] : memref<10000x128xf32, #tpu.memory_space<hbm>> -> memref<10000x128xf32, #tpu.memory_space<hbm>>
      tpu.enqueue_indirect_dma source(%dma_start3A_16 : memref<10000x128xf32, #tpu.memory_space<hbm>>) target(%arg11 : memref<80x128xf32, #tpu.memory_space<vmem>>) offsets(%dma_start3A_13 : memref<80xi32, #tpu.memory_space<vmem>>) semaphore(%arg16 : memref<!tpu.dma_semaphore, #tpu.memory_space<semaphore_mem>>)
      %dma_start3A_17 = arith.constant 1 : i32
      %dma_start3A_18 = arith.constant 0 : i32
      %dma_start3A_19 = tpu.memref_slice %arg9[%dma_start3A_17, %dma_start3A_18] : memref<25x80xi32, #tpu.memory_space<vmem>> -> memref<1x80xi32, #tpu.memory_space<vmem>>
      %dma_start3A_20 = tpu.memref_squeeze %dma_start3A_19 : memref<1x80xi32, #tpu.memory_space<vmem>> -> memref<80xi32, #tpu.memory_space<vmem>>
      %dma_start3A_21 = arith.constant 0 : i32
      %dma_start3A_22 = arith.constant 0 : i32
      %dma_start3A_23 = tpu.memref_slice %arg2[%dma_start3A_21, %dma_start3A_22] : memref<10000x128xf32, #tpu.memory_space<hbm>> -> memref<10000x128xf32, #tpu.memory_space<hbm>>
      tpu.enqueue_indirect_dma source(%dma_start3A_23 : memref<10000x128xf32, #tpu.memory_space<hbm>>) target(%arg12 : memref<80x128xf32, #tpu.memory_space<vmem>>) offsets(%dma_start3A_20 : memref<80xi32, #tpu.memory_space<vmem>>) semaphore(%arg17 : memref<!tpu.dma_semaphore, #tpu.memory_space<semaphore_mem>>)
      %dma_start3A_24 = arith.constant 2 : i32
      %dma_start3A_25 = arith.constant 0 : i32
      %dma_start3A_26 = tpu.memref_slice %arg9[%dma_start3A_24, %dma_start3A_25] : memref<25x80xi32, #tpu.memory_space<vmem>> -> memref<1x80xi32, #tpu.memory_space<vmem>>
      %dma_start3A_27 = tpu.memref_squeeze %dma_start3A_26 : memref<1x80xi32, #tpu.memory_space<vmem>> -> memref<80xi32, #tpu.memory_space<vmem>>
      %dma_start3A_28 = arith.constant 0 : i32
      %dma_start3A_29 = arith.constant 0 : i32
      %dma_start3A_30 = tpu.memref_slice %arg2[%dma_start3A_28, %dma_start3A_29] : memref<10000x128xf32, #tpu.memory_space<hbm>> -> memref<10000x128xf32, #tpu.memory_space<hbm>>
      tpu.enqueue_indirect_dma source(%dma_start3A_30 : memref<10000x128xf32, #tpu.memory_space<hbm>>) target(%arg13 : memref<80x128xf32, #tpu.memory_space<vmem>>) offsets(%dma_start3A_27 : memref<80xi32, #tpu.memory_space<vmem>>) semaphore(%arg18 : memref<!tpu.dma_semaphore, #tpu.memory_space<semaphore_mem>>)
      %scan3A_31 = arith.constant 0 : i32
      %scan3A_32 = arith.constant 0 : i32
      %scan3A_33 = arith.constant 9 : i32
      %scan3A_34 = arith.addi %scan3A_32, %scan3A_33 : i32
      %scan3A_35 = arith.constant 1 : i32
      scf.for %scan3A_37 = %scan3A_32 to %scan3A_34 step %scan3A_35  : i32 {
        %mul3A_38 = arith.constant 3 : i32
        %mul3A_39 = arith.muli %scan3A_37, %mul3A_38 : i32
        %add3A_40 = arith.constant 0 : i32
        %add3A_41 = arith.addi %mul3A_39, %add3A_40 : i32
        %lt3A = arith.constant 25 : i32
        %lt3A_42 = arith.cmpi slt, %add3A_41, %lt3A : i32
        %convert_element_type3A = arith.extui %lt3A_42 : i1 to i32
        %cond3A = arith.constant 0 : i32
        %cond3A_43 = arith.cmpi ne, %convert_element_type3A, %cond3A : i32
        scf.if %cond3A_43 {
          %dma_wait3A = arith.constant 0 : i32
          %dma_wait3A_62 = tpu.memref_slice %arg9[%add3A_41, %dma_wait3A] : memref<25x80xi32, #tpu.memory_space<vmem>> -> memref<1x80xi32, #tpu.memory_space<vmem>>
          %dma_wait3A_63 = tpu.memref_squeeze %dma_wait3A_62 : memref<1x80xi32, #tpu.memory_space<vmem>> -> memref<80xi32, #tpu.memory_space<vmem>>
          %dma_wait3A_64 = arith.constant 0 : i32
          %dma_wait3A_65 = arith.constant 0 : i32
          %dma_wait3A_66 = tpu.memref_slice %arg2[%dma_wait3A_64, %dma_wait3A_65] : memref<10000x128xf32, #tpu.memory_space<hbm>> -> memref<10000x128xf32, #tpu.memory_space<hbm>>
          tpu.wait_indirect_dma semaphore(%arg16 : memref<!tpu.dma_semaphore, #tpu.memory_space<semaphore_mem>>) src(%dma_wait3A_66 : memref<10000x128xf32, #tpu.memory_space<hbm>>) dst(%arg11 : memref<80x128xf32, #tpu.memory_space<vmem>>)
          %get3A = arith.index_cast %add3A_41 : i32 to index
          %get3A_67 = arith.constant 0 : index
          %get3A_68 = tpu.vector_load %arg10[%get3A, %get3A_67] {strides = array<i32>} : memref<25x80xi32, #tpu.memory_space<vmem>>, vector<16xi32>,
          tpu.vector_store_idx %arg14[%get3A_68], %broadcast_in_dim3A_3 {add = true} : memref<10240xf32, #tpu.memory_space<vmem>>[vector<16xi32>], vector<16xf32>,
          %get3A_69 = arith.index_cast %add3A_41 : i32 to index
          %get3A_70 = arith.constant 16 : index
          %get3A_71 = tpu.vector_load %arg10[%get3A_69, %get3A_70] {strides = array<i32>} : memref<25x80xi32, #tpu.memory_space<vmem>>, vector<16xi32>,
          tpu.vector_store_idx %arg14[%get3A_71], %broadcast_in_dim3A_3 {add = true} : memref<10240xf32, #tpu.memory_space<vmem>>[vector<16xi32>], vector<16xf32>,
          %get3A_72 = arith.index_cast %add3A_41 : i32 to index
          %get3A_73 = arith.constant 32 : index
          %get3A_74 = tpu.vector_load %arg10[%get3A_72, %get3A_73] {strides = array<i32>} : memref<25x80xi32, #tpu.memory_space<vmem>>, vector<16xi32>,
          tpu.vector_store_idx %arg14[%get3A_74], %broadcast_in_dim3A_3 {add = true} : memref<10240xf32, #tpu.memory_space<vmem>>[vector<16xi32>], vector<16xf32>,
          %get3A_75 = arith.index_cast %add3A_41 : i32 to index
          %get3A_76 = arith.constant 48 : index
          %get3A_77 = tpu.vector_load %arg10[%get3A_75, %get3A_76] {strides = array<i32>} : memref<25x80xi32, #tpu.memory_space<vmem>>, vector<16xi32>,
          tpu.vector_store_idx %arg14[%get3A_77], %broadcast_in_dim3A_3 {add = true} : memref<10240xf32, #tpu.memory_space<vmem>>[vector<16xi32>], vector<16xf32>,
          %get3A_78 = arith.index_cast %add3A_41 : i32 to index
          %get3A_79 = arith.constant 64 : index
          %get3A_80 = tpu.vector_load %arg10[%get3A_78, %get3A_79] {strides = array<i32>} : memref<25x80xi32, #tpu.memory_space<vmem>>, vector<16xi32>,
          tpu.vector_store_idx %arg14[%get3A_80], %broadcast_in_dim3A_3 {add = true} : memref<10240xf32, #tpu.memory_space<vmem>>[vector<16xi32>], vector<16xf32>,
          "tpu.region"() ({
            %run_scoped3A = tpu.sem_alloc : memref<!tpu.dma_semaphore, #tpu.memory_space<semaphore_mem>>
            %dma_start3A_88 = arith.constant 0 : i32
            %dma_start3A_89 = tpu.memref_slice %arg10[%add3A_41, %dma_start3A_88] : memref<25x80xi32, #tpu.memory_space<vmem>> -> memref<1x80xi32, #tpu.memory_space<vmem>>
            %dma_start3A_90 = tpu.memref_squeeze %dma_start3A_89 : memref<1x80xi32, #tpu.memory_space<vmem>> -> memref<80xi32, #tpu.memory_space<vmem>>
            %dma_start3A_91 = arith.constant 0 : i32
            %dma_start3A_92 = arith.constant 0 : i32
            %dma_start3A_93 = tpu.memref_slice %arg15[%dma_start3A_91, %dma_start3A_92] : memref<10240x128xf32, #tpu.memory_space<vmem_shared>> -> memref<10240x128xf32, #tpu.memory_space<vmem_shared>>
            tpu.enqueue_indirect_dma source(%arg11 : memref<80x128xf32, #tpu.memory_space<vmem>>) target(%dma_start3A_93 : memref<10240x128xf32, #tpu.memory_space<vmem_shared>>) offsets(%dma_start3A_90 : memref<80xi32, #tpu.memory_space<vmem>>) semaphore(%run_scoped3A : memref<!tpu.dma_semaphore, #tpu.memory_space<semaphore_mem>>) {add = true}
            %dma_wait3A_94 = arith.constant 0 : i32
            %dma_wait3A_95 = tpu.memref_slice %arg10[%add3A_41, %dma_wait3A_94] : memref<25x80xi32, #tpu.memory_space<vmem>> -> memref<1x80xi32, #tpu.memory_space<vmem>>
            %dma_wait3A_96 = tpu.memref_squeeze %dma_wait3A_95 : memref<1x80xi32, #tpu.memory_space<vmem>> -> memref<80xi32, #tpu.memory_space<vmem>>
            %dma_wait3A_97 = arith.constant 0 : i32
            %dma_wait3A_98 = arith.constant 0 : i32
            %dma_wait3A_99 = tpu.memref_slice %arg15[%dma_wait3A_97, %dma_wait3A_98] : memref<10240x128xf32, #tpu.memory_space<vmem_shared>> -> memref<10240x128xf32, #tpu.memory_space<vmem_shared>>
            tpu.wait_indirect_dma semaphore(%run_scoped3A : memref<!tpu.dma_semaphore, #tpu.memory_space<semaphore_mem>>) src(%arg11 : memref<80x128xf32, #tpu.memory_space<vmem>>) dst(%dma_wait3A_99 : memref<10240x128xf32, #tpu.memory_space<vmem_shared>>)
            tpu.yield
          }) : () -> ()
          %add3A_81 = arith.constant 3 : i32
          %add3A_82 = arith.addi %add3A_41, %add3A_81 : i32
          %lt3A_83 = arith.constant 25 : i32
          %lt3A_84 = arith.cmpi slt, %add3A_82, %lt3A_83 : i32
          %convert_element_type3A_85 = arith.extui %lt3A_84 : i1 to i32
          %cond3A_86 = arith.constant 0 : i32
          %cond3A_87 = arith.cmpi ne, %convert_element_type3A_85, %cond3A_86 : i32
          scf.if %cond3A_87 {
            %dma_start3A_88 = arith.constant 0 : i32
            %dma_start3A_89 = tpu.memref_slice %arg9[%add3A_82, %dma_start3A_88] : memref<25x80xi32, #tpu.memory_space<vmem>> -> memref<1x80xi32, #tpu.memory_space<vmem>>
            %dma_start3A_90 = tpu.memref_squeeze %dma_start3A_89 : memref<1x80xi32, #tpu.memory_space<vmem>> -> memref<80xi32, #tpu.memory_space<vmem>>
            %dma_start3A_91 = arith.constant 0 : i32
            %dma_start3A_92 = arith.constant 0 : i32
            %dma_start3A_93 = tpu.memref_slice %arg2[%dma_start3A_91, %dma_start3A_92] : memref<10000x128xf32, #tpu.memory_space<hbm>> -> memref<10000x128xf32, #tpu.memory_space<hbm>>
            tpu.enqueue_indirect_dma source(%dma_start3A_93 : memref<10000x128xf32, #tpu.memory_space<hbm>>) target(%arg11 : memref<80x128xf32, #tpu.memory_space<vmem>>) offsets(%dma_start3A_90 : memref<80xi32, #tpu.memory_space<vmem>>) semaphore(%arg16 : memref<!tpu.dma_semaphore, #tpu.memory_space<semaphore_mem>>)
          } else {
          }
        } else {
        }
        %mul3A_44 = arith.constant 3 : i32
        %mul3A_45 = arith.muli %scan3A_37, %mul3A_44 : i32
        %add3A_46 = arith.constant 1 : i32
        %add3A_47 = arith.addi %mul3A_45, %add3A_46 : i32
        %lt3A_48 = arith.constant 25 : i32
        %lt3A_49 = arith.cmpi slt, %add3A_47, %lt3A_48 : i32
        %convert_element_type3A_50 = arith.extui %lt3A_49 : i1 to i32
        %cond3A_51 = arith.constant 0 : i32
        %cond3A_52 = arith.cmpi ne, %convert_element_type3A_50, %cond3A_51 : i32
        scf.if %cond3A_52 {
          %dma_wait3A = arith.constant 0 : i32
          %dma_wait3A_62 = tpu.memref_slice %arg9[%add3A_47, %dma_wait3A] : memref<25x80xi32, #tpu.memory_space<vmem>> -> memref<1x80xi32, #tpu.memory_space<vmem>>
          %dma_wait3A_63 = tpu.memref_squeeze %dma_wait3A_62 : memref<1x80xi32, #tpu.memory_space<vmem>> -> memref<80xi32, #tpu.memory_space<vmem>>
          %dma_wait3A_64 = arith.constant 0 : i32
          %dma_wait3A_65 = arith.constant 0 : i32
          %dma_wait3A_66 = tpu.memref_slice %arg2[%dma_wait3A_64, %dma_wait3A_65] : memref<10000x128xf32, #tpu.memory_space<hbm>> -> memref<10000x128xf32, #tpu.memory_space<hbm>>
          tpu.wait_indirect_dma semaphore(%arg17 : memref<!tpu.dma_semaphore, #tpu.memory_space<semaphore_mem>>) src(%dma_wait3A_66 : memref<10000x128xf32, #tpu.memory_space<hbm>>) dst(%arg12 : memref<80x128xf32, #tpu.memory_space<vmem>>)
          %get3A = arith.index_cast %add3A_47 : i32 to index
          %get3A_67 = arith.constant 0 : index
          %get3A_68 = tpu.vector_load %arg10[%get3A, %get3A_67] {strides = array<i32>} : memref<25x80xi32, #tpu.memory_space<vmem>>, vector<16xi32>,
          tpu.vector_store_idx %arg14[%get3A_68], %broadcast_in_dim3A_3 {add = true} : memref<10240xf32, #tpu.memory_space<vmem>>[vector<16xi32>], vector<16xf32>,
          %get3A_69 = arith.index_cast %add3A_47 : i32 to index
          %get3A_70 = arith.constant 16 : index
          %get3A_71 = tpu.vector_load %arg10[%get3A_69, %get3A_70] {strides = array<i32>} : memref<25x80xi32, #tpu.memory_space<vmem>>, vector<16xi32>,
          tpu.vector_store_idx %arg14[%get3A_71], %broadcast_in_dim3A_3 {add = true} : memref<10240xf32, #tpu.memory_space<vmem>>[vector<16xi32>], vector<16xf32>,
          %get3A_72 = arith.index_cast %add3A_47 : i32 to index
          %get3A_73 = arith.constant 32 : index
          %get3A_74 = tpu.vector_load %arg10[%get3A_72, %get3A_73] {strides = array<i32>} : memref<25x80xi32, #tpu.memory_space<vmem>>, vector<16xi32>,
          tpu.vector_store_idx %arg14[%get3A_74], %broadcast_in_dim3A_3 {add = true} : memref<10240xf32, #tpu.memory_space<vmem>>[vector<16xi32>], vector<16xf32>,
          %get3A_75 = arith.index_cast %add3A_47 : i32 to index
          %get3A_76 = arith.constant 48 : index
          %get3A_77 = tpu.vector_load %arg10[%get3A_75, %get3A_76] {strides = array<i32>} : memref<25x80xi32, #tpu.memory_space<vmem>>, vector<16xi32>,
          tpu.vector_store_idx %arg14[%get3A_77], %broadcast_in_dim3A_3 {add = true} : memref<10240xf32, #tpu.memory_space<vmem>>[vector<16xi32>], vector<16xf32>,
          %get3A_78 = arith.index_cast %add3A_47 : i32 to index
          %get3A_79 = arith.constant 64 : index
          %get3A_80 = tpu.vector_load %arg10[%get3A_78, %get3A_79] {strides = array<i32>} : memref<25x80xi32, #tpu.memory_space<vmem>>, vector<16xi32>,
          tpu.vector_store_idx %arg14[%get3A_80], %broadcast_in_dim3A_3 {add = true} : memref<10240xf32, #tpu.memory_space<vmem>>[vector<16xi32>], vector<16xf32>,
          "tpu.region"() ({
            %run_scoped3A = tpu.sem_alloc : memref<!tpu.dma_semaphore, #tpu.memory_space<semaphore_mem>>
            %dma_start3A_88 = arith.constant 0 : i32
            %dma_start3A_89 = tpu.memref_slice %arg10[%add3A_47, %dma_start3A_88] : memref<25x80xi32, #tpu.memory_space<vmem>> -> memref<1x80xi32, #tpu.memory_space<vmem>>
            %dma_start3A_90 = tpu.memref_squeeze %dma_start3A_89 : memref<1x80xi32, #tpu.memory_space<vmem>> -> memref<80xi32, #tpu.memory_space<vmem>>
            %dma_start3A_91 = arith.constant 0 : i32
            %dma_start3A_92 = arith.constant 0 : i32
            %dma_start3A_93 = tpu.memref_slice %arg15[%dma_start3A_91, %dma_start3A_92] : memref<10240x128xf32, #tpu.memory_space<vmem_shared>> -> memref<10240x128xf32, #tpu.memory_space<vmem_shared>>
            tpu.enqueue_indirect_dma source(%arg12 : memref<80x128xf32, #tpu.memory_space<vmem>>) target(%dma_start3A_93 : memref<10240x128xf32, #tpu.memory_space<vmem_shared>>) offsets(%dma_start3A_90 : memref<80xi32, #tpu.memory_space<vmem>>) semaphore(%run_scoped3A : memref<!tpu.dma_semaphore, #tpu.memory_space<semaphore_mem>>) {add = true}
            %dma_wait3A_94 = arith.constant 0 : i32
            %dma_wait3A_95 = tpu.memref_slice %arg10[%add3A_47, %dma_wait3A_94] : memref<25x80xi32, #tpu.memory_space<vmem>> -> memref<1x80xi32, #tpu.memory_space<vmem>>
            %dma_wait3A_96 = tpu.memref_squeeze %dma_wait3A_95 : memref<1x80xi32, #tpu.memory_space<vmem>> -> memref<80xi32, #tpu.memory_space<vmem>>
            %dma_wait3A_97 = arith.constant 0 : i32
            %dma_wait3A_98 = arith.constant 0 : i32
            %dma_wait3A_99 = tpu.memref_slice %arg15[%dma_wait3A_97, %dma_wait3A_98] : memref<10240x128xf32, #tpu.memory_space<vmem_shared>> -> memref<10240x128xf32, #tpu.memory_space<vmem_shared>>
            tpu.wait_indirect_dma semaphore(%run_scoped3A : memref<!tpu.dma_semaphore, #tpu.memory_space<semaphore_mem>>) src(%arg12 : memref<80x128xf32, #tpu.memory_space<vmem>>) dst(%dma_wait3A_99 : memref<10240x128xf32, #tpu.memory_space<vmem_shared>>)
            tpu.yield
          }) : () -> ()
          %add3A_81 = arith.constant 3 : i32
          %add3A_82 = arith.addi %add3A_47, %add3A_81 : i32
          %lt3A_83 = arith.constant 25 : i32
          %lt3A_84 = arith.cmpi slt, %add3A_82, %lt3A_83 : i32
          %convert_element_type3A_85 = arith.extui %lt3A_84 : i1 to i32
          %cond3A_86 = arith.constant 0 : i32
          %cond3A_87 = arith.cmpi ne, %convert_element_type3A_85, %cond3A_86 : i32
          scf.if %cond3A_87 {
            %dma_start3A_88 = arith.constant 0 : i32
            %dma_start3A_89 = tpu.memref_slice %arg9[%add3A_82, %dma_start3A_88] : memref<25x80xi32, #tpu.memory_space<vmem>> -> memref<1x80xi32, #tpu.memory_space<vmem>>
            %dma_start3A_90 = tpu.memref_squeeze %dma_start3A_89 : memref<1x80xi32, #tpu.memory_space<vmem>> -> memref<80xi32, #tpu.memory_space<vmem>>
            %dma_start3A_91 = arith.constant 0 : i32
            %dma_start3A_92 = arith.constant 0 : i32
            %dma_start3A_93 = tpu.memref_slice %arg2[%dma_start3A_91, %dma_start3A_92] : memref<10000x128xf32, #tpu.memory_space<hbm>> -> memref<10000x128xf32, #tpu.memory_space<hbm>>
            tpu.enqueue_indirect_dma source(%dma_start3A_93 : memref<10000x128xf32, #tpu.memory_space<hbm>>) target(%arg12 : memref<80x128xf32, #tpu.memory_space<vmem>>) offsets(%dma_start3A_90 : memref<80xi32, #tpu.memory_space<vmem>>) semaphore(%arg17 : memref<!tpu.dma_semaphore, #tpu.memory_space<semaphore_mem>>)
          } else {
          }
        } else {
        }
        %mul3A_53 = arith.constant 3 : i32
        %mul3A_54 = arith.muli %scan3A_37, %mul3A_53 : i32
        %add3A_55 = arith.constant 2 : i32
        %add3A_56 = arith.addi %mul3A_54, %add3A_55 : i32
        %lt3A_57 = arith.constant 25 : i32
        %lt3A_58 = arith.cmpi slt, %add3A_56, %lt3A_57 : i32
        %convert_element_type3A_59 = arith.extui %lt3A_58 : i1 to i32
        %cond3A_60 = arith.constant 0 : i32
        %cond3A_61 = arith.cmpi ne, %convert_element_type3A_59, %cond3A_60 : i32
        scf.if %cond3A_61 {
          %dma_wait3A = arith.constant 0 : i32
          %dma_wait3A_62 = tpu.memref_slice %arg9[%add3A_56, %dma_wait3A] : memref<25x80xi32, #tpu.memory_space<vmem>> -> memref<1x80xi32, #tpu.memory_space<vmem>>
          %dma_wait3A_63 = tpu.memref_squeeze %dma_wait3A_62 : memref<1x80xi32, #tpu.memory_space<vmem>> -> memref<80xi32, #tpu.memory_space<vmem>>
          %dma_wait3A_64 = arith.constant 0 : i32
          %dma_wait3A_65 = arith.constant 0 : i32
          %dma_wait3A_66 = tpu.memref_slice %arg2[%dma_wait3A_64, %dma_wait3A_65] : memref<10000x128xf32, #tpu.memory_space<hbm>> -> memref<10000x128xf32, #tpu.memory_space<hbm>>
          tpu.wait_indirect_dma semaphore(%arg18 : memref<!tpu.dma_semaphore, #tpu.memory_space<semaphore_mem>>) src(%dma_wait3A_66 : memref<10000x128xf32, #tpu.memory_space<hbm>>) dst(%arg13 : memref<80x128xf32, #tpu.memory_space<vmem>>)
          %get3A = arith.index_cast %add3A_56 : i32 to index
          %get3A_67 = arith.constant 0 : index
          %get3A_68 = tpu.vector_load %arg10[%get3A, %get3A_67] {strides = array<i32>} : memref<25x80xi32, #tpu.memory_space<vmem>>, vector<16xi32>,
          tpu.vector_store_idx %arg14[%get3A_68], %broadcast_in_dim3A_3 {add = true} : memref<10240xf32, #tpu.memory_space<vmem>>[vector<16xi32>], vector<16xf32>,
          %get3A_69 = arith.index_cast %add3A_56 : i32 to index
          %get3A_70 = arith.constant 16 : index
          %get3A_71 = tpu.vector_load %arg10[%get3A_69, %get3A_70] {strides = array<i32>} : memref<25x80xi32, #tpu.memory_space<vmem>>, vector<16xi32>,
          tpu.vector_store_idx %arg14[%get3A_71], %broadcast_in_dim3A_3 {add = true} : memref<10240xf32, #tpu.memory_space<vmem>>[vector<16xi32>], vector<16xf32>,
          %get3A_72 = arith.index_cast %add3A_56 : i32 to index
          %get3A_73 = arith.constant 32 : index
          %get3A_74 = tpu.vector_load %arg10[%get3A_72, %get3A_73] {strides = array<i32>} : memref<25x80xi32, #tpu.memory_space<vmem>>, vector<16xi32>,
          tpu.vector_store_idx %arg14[%get3A_74], %broadcast_in_dim3A_3 {add = true} : memref<10240xf32, #tpu.memory_space<vmem>>[vector<16xi32>], vector<16xf32>,
          %get3A_75 = arith.index_cast %add3A_56 : i32 to index
          %get3A_76 = arith.constant 48 : index
          %get3A_77 = tpu.vector_load %arg10[%get3A_75, %get3A_76] {strides = array<i32>} : memref<25x80xi32, #tpu.memory_space<vmem>>, vector<16xi32>,
          tpu.vector_store_idx %arg14[%get3A_77], %broadcast_in_dim3A_3 {add = true} : memref<10240xf32, #tpu.memory_space<vmem>>[vector<16xi32>], vector<16xf32>,
          %get3A_78 = arith.index_cast %add3A_56 : i32 to index
          %get3A_79 = arith.constant 64 : index
          %get3A_80 = tpu.vector_load %arg10[%get3A_78, %get3A_79] {strides = array<i32>} : memref<25x80xi32, #tpu.memory_space<vmem>>, vector<16xi32>,
          tpu.vector_store_idx %arg14[%get3A_80], %broadcast_in_dim3A_3 {add = true} : memref<10240xf32, #tpu.memory_space<vmem>>[vector<16xi32>], vector<16xf32>,
          "tpu.region"() ({
            %run_scoped3A = tpu.sem_alloc : memref<!tpu.dma_semaphore, #tpu.memory_space<semaphore_mem>>
            %dma_start3A_88 = arith.constant 0 : i32
            %dma_start3A_89 = tpu.memref_slice %arg10[%add3A_56, %dma_start3A_88] : memref<25x80xi32, #tpu.memory_space<vmem>> -> memref<1x80xi32, #tpu.memory_space<vmem>>
            %dma_start3A_90 = tpu.memref_squeeze %dma_start3A_89 : memref<1x80xi32, #tpu.memory_space<vmem>> -> memref<80xi32, #tpu.memory_space<vmem>>
            %dma_start3A_91 = arith.constant 0 : i32
            %dma_start3A_92 = arith.constant 0 : i32
            %dma_start3A_93 = tpu.memref_slice %arg15[%dma_start3A_91, %dma_start3A_92] : memref<10240x128xf32, #tpu.memory_space<vmem_shared>> -> memref<10240x128xf32, #tpu.memory_space<vmem_shared>>
            tpu.enqueue_indirect_dma source(%arg13 : memref<80x128xf32, #tpu.memory_space<vmem>>) target(%dma_start3A_93 : memref<10240x128xf32, #tpu.memory_space<vmem_shared>>) offsets(%dma_start3A_90 : memref<80xi32, #tpu.memory_space<vmem>>) semaphore(%run_scoped3A : memref<!tpu.dma_semaphore, #tpu.memory_space<semaphore_mem>>) {add = true}
            %dma_wait3A_94 = arith.constant 0 : i32
            %dma_wait3A_95 = tpu.memref_slice %arg10[%add3A_56, %dma_wait3A_94] : memref<25x80xi32, #tpu.memory_space<vmem>> -> memref<1x80xi32, #tpu.memory_space<vmem>>
            %dma_wait3A_96 = tpu.memref_squeeze %dma_wait3A_95 : memref<1x80xi32, #tpu.memory_space<vmem>> -> memref<80xi32, #tpu.memory_space<vmem>>
            %dma_wait3A_97 = arith.constant 0 : i32
            %dma_wait3A_98 = arith.constant 0 : i32
            %dma_wait3A_99 = tpu.memref_slice %arg15[%dma_wait3A_97, %dma_wait3A_98] : memref<10240x128xf32, #tpu.memory_space<vmem_shared>> -> memref<10240x128xf32, #tpu.memory_space<vmem_shared>>
            tpu.wait_indirect_dma semaphore(%run_scoped3A : memref<!tpu.dma_semaphore, #tpu.memory_space<semaphore_mem>>) src(%arg13 : memref<80x128xf32, #tpu.memory_space<vmem>>) dst(%dma_wait3A_99 : memref<10240x128xf32, #tpu.memory_space<vmem_shared>>)
            tpu.yield
          }) : () -> ()
          %add3A_81 = arith.constant 3 : i32
          %add3A_82 = arith.addi %add3A_56, %add3A_81 : i32
          %lt3A_83 = arith.constant 25 : i32
          %lt3A_84 = arith.cmpi slt, %add3A_82, %lt3A_83 : i32
          %convert_element_type3A_85 = arith.extui %lt3A_84 : i1 to i32
          %cond3A_86 = arith.constant 0 : i32
          %cond3A_87 = arith.cmpi ne, %convert_element_type3A_85, %cond3A_86 : i32
          scf.if %cond3A_87 {
            %dma_start3A_88 = arith.constant 0 : i32
            %dma_start3A_89 = tpu.memref_slice %arg9[%add3A_82, %dma_start3A_88] : memref<25x80xi32, #tpu.memory_space<vmem>> -> memref<1x80xi32, #tpu.memory_space<vmem>>
            %dma_start3A_90 = tpu.memref_squeeze %dma_start3A_89 : memref<1x80xi32, #tpu.memory_space<vmem>> -> memref<80xi32, #tpu.memory_space<vmem>>
            %dma_start3A_91 = arith.constant 0 : i32
            %dma_start3A_92 = arith.constant 0 : i32
            %dma_start3A_93 = tpu.memref_slice %arg2[%dma_start3A_91, %dma_start3A_92] : memref<10000x128xf32, #tpu.memory_space<hbm>> -> memref<10000x128xf32, #tpu.memory_space<hbm>>
            tpu.enqueue_indirect_dma source(%dma_start3A_93 : memref<10000x128xf32, #tpu.memory_space<hbm>>) target(%arg13 : memref<80x128xf32, #tpu.memory_space<vmem>>) offsets(%dma_start3A_90 : memref<80xi32, #tpu.memory_space<vmem>>) semaphore(%arg18 : memref<!tpu.dma_semaphore, #tpu.memory_space<semaphore_mem>>)
          } else {
          }
        } else {
        }
      }
      %scan3A_36 = arith.constant 9 : i32
    }
    %scan3A_8 = arith.constant 5 : i32
    %barrier3A_9 = arith.constant 0 : index
    tpu.barrier barrier_id(%barrier3A_9)
    "tpu.region"() ({
      %run_scoped3A = tpu.sem_alloc : memref<!tpu.dma_semaphore, #tpu.memory_space<semaphore_mem>>
      %dma_start3A = arith.constant 0 : i32
      %dma_start3A_10 = tpu.memref_slice %arg7[%arg0, %mul3A_2, %dma_start3A] : memref<2x10240x128xf32, #tpu.memory_space<hbm>> -> memref<1x640x128xf32, #tpu.memory_space<hbm>>
      %dma_start3A_11 = tpu.memref_squeeze %dma_start3A_10 : memref<1x640x128xf32, #tpu.memory_space<hbm>> -> memref<640x128xf32, #tpu.memory_space<hbm>>
      %dma_start3A_12 = arith.constant 0 : i32
      %dma_start3A_13 = tpu.memref_slice %arg15[%mul3A_2, %dma_start3A_12] : memref<10240x128xf32, #tpu.memory_space<vmem_shared>> -> memref<640x128xf32, #tpu.memory_space<vmem_shared>>
      tpu.enqueue_dma source(%dma_start3A_13 : memref<640x128xf32, #tpu.memory_space<vmem_shared>>) target(%dma_start3A_11 : memref<640x128xf32, #tpu.memory_space<hbm>>) target_semaphore(%run_scoped3A : memref<!tpu.dma_semaphore, #tpu.memory_space<semaphore_mem>>)
      %dma_wait3A = arith.constant 0 : i32
      %dma_wait3A_14 = tpu.memref_slice %arg7[%arg0, %mul3A_2, %dma_wait3A] : memref<2x10240x128xf32, #tpu.memory_space<hbm>> -> memref<1x640x128xf32, #tpu.memory_space<hbm>>
      %dma_wait3A_15 = tpu.memref_squeeze %dma_wait3A_14 : memref<1x640x128xf32, #tpu.memory_space<hbm>> -> memref<640x128xf32, #tpu.memory_space<hbm>>
      %dma_wait3A_16 = arith.constant 0 : i32
      %dma_wait3A_17 = tpu.memref_slice %arg15[%mul3A_2, %dma_wait3A_16] : memref<10240x128xf32, #tpu.memory_space<vmem_shared>> -> memref<640x128xf32, #tpu.memory_space<vmem_shared>>
      tpu.wait_dma2 semaphore(%run_scoped3A : memref<!tpu.dma_semaphore, #tpu.memory_space<semaphore_mem>>) src(%dma_wait3A_17 : memref<640x128xf32, #tpu.memory_space<vmem_shared>>) dst(%dma_wait3A_15 : memref<640x128xf32, #tpu.memory_space<hbm>>)
      tpu.yield
    }) : () -> ()
    "tpu.region"() ({
      %run_scoped3A = tpu.sem_alloc : memref<!tpu.dma_semaphore, #tpu.memory_space<semaphore_mem>>
      %dma_start3A = arith.constant 0 : i32
      %dma_start3A_10 = tpu.memref_slice %arg8[%add3A, %dma_start3A] : memref<32x10240xf32, #tpu.memory_space<hbm>> -> memref<1x10240xf32, #tpu.memory_space<hbm>>
      %dma_start3A_11 = tpu.memref_squeeze %dma_start3A_10 : memref<1x10240xf32, #tpu.memory_space<hbm>> -> memref<10240xf32, #tpu.memory_space<hbm>>
      %dma_start3A_12 = arith.constant 0 : i32
      %dma_start3A_13 = tpu.memref_slice %arg8[%add3A, %dma_start3A_12] : memref<32x10240xf32, #tpu.memory_space<hbm>> -> memref<1x10240xf32, #tpu.memory_space<hbm>>
      %dma_start3A_14 = tpu.memref_squeeze %dma_start3A_13 : memref<1x10240xf32, #tpu.memory_space<hbm>> -> memref<10240xf32, #tpu.memory_space<hbm>>
      tpu.enqueue_dma source(%arg14 : memref<10240xf32, #tpu.memory_space<vmem>>) target(%dma_start3A_14 : memref<10240xf32, #tpu.memory_space<hbm>>) target_semaphore(%run_scoped3A : memref<!tpu.dma_semaphore, #tpu.memory_space<semaphore_mem>>)
      %dma_wait3A = arith.constant 0 : i32
      %dma_wait3A_15 = tpu.memref_slice %arg8[%add3A, %dma_wait3A] : memref<32x10240xf32, #tpu.memory_space<hbm>> -> memref<1x10240xf32, #tpu.memory_space<hbm>>
      %dma_wait3A_16 = tpu.memref_squeeze %dma_wait3A_15 : memref<1x10240xf32, #tpu.memory_space<hbm>> -> memref<10240xf32, #tpu.memory_space<hbm>>
      %dma_wait3A_17 = arith.constant 0 : i32
      %dma_wait3A_18 = tpu.memref_slice %arg8[%add3A, %dma_wait3A_17] : memref<32x10240xf32, #tpu.memory_space<hbm>> -> memref<1x10240xf32, #tpu.memory_space<hbm>>
      %dma_wait3A_19 = tpu.memref_squeeze %dma_wait3A_18 : memref<1x10240xf32, #tpu.memory_space<hbm>> -> memref<10240xf32, #tpu.memory_space<hbm>>
      tpu.wait_dma2 semaphore(%run_scoped3A : memref<!tpu.dma_semaphore, #tpu.memory_space<semaphore_mem>>) src(%arg14 : memref<10240xf32, #tpu.memory_space<vmem>>) dst(%dma_wait3A_19 : memref<10240xf32, #tpu.memory_space<hbm>>)
      tpu.yield
    }) : () -> ()
    return
  }
}

module attributes {stable_mosaic.version = 14 : i64} {
  func.func @_combine_body(%arg0: i32, %arg1: memref<2048x128xf32, #tpu.memory_space<vmem>>, %arg2: memref<2x2048x128xf32, #tpu.memory_space<vmem>>, %arg3: memref<32x2048xf32, #tpu.memory_space<vmem>>, %arg4: memref<128x128xf32, #tpu.memory_space<vmem>>, %arg5: memref<128x128xf32, #tpu.memory_space<vmem>>, %arg6: memref<1x128xf32, #tpu.memory_space<vmem>>, %arg7: memref<2048x128xf32, #tpu.memory_space<vmem>>) attributes {dimension_semantics = [#tpu.dimension_semantics<arbitrary>], iteration_bounds = array<i64: 5>, scalar_prefetch = 0 : i64, scratch_operands = 0 : i64, tpu.core_type = #tpu.core_type<tc>, window_params = [{transform_indices = @transform_0, window_bounds = array<i64: 2048, 128>}, {transform_indices = @transform_1, window_bounds = array<i64: 2, 2048, 128>}, {transform_indices = @transform_2, window_bounds = array<i64: 32, 2048>}, {pipeline_mode = #tpu.pipeline_mode<synchronous>, transform_indices = @transform_3, window_bounds = array<i64: 128, 128>}, {pipeline_mode = #tpu.pipeline_mode<synchronous>, transform_indices = @transform_4, window_bounds = array<i64: 128, 128>}, {pipeline_mode = #tpu.pipeline_mode<synchronous>, transform_indices = @transform_5, window_bounds = array<i64: 1, 128>}, {transform_indices = @transform_6, window_bounds = array<i64: 2048, 128>}]} {
    %get3A = arith.constant 0 : index
    %get3A_0 = arith.constant 0 : index
    %get3A_1 = arith.constant 0 : index
    %get3A_2 = vector.load %arg2[%get3A, %get3A_0, %get3A_1] : memref<2x2048x128xf32, #tpu.memory_space<vmem>>, vector<1x2048x128xf32>
    %get3A_3 = vector.shape_cast %get3A_2 : vector<1x2048x128xf32> to vector<2048x128xf32>
    %get3A_4 = arith.constant 1 : index
    %get3A_5 = arith.constant 0 : index
    %get3A_6 = arith.constant 0 : index
    %get3A_7 = vector.load %arg2[%get3A_4, %get3A_5, %get3A_6] : memref<2x2048x128xf32, #tpu.memory_space<vmem>>, vector<1x2048x128xf32>
    %get3A_8 = vector.shape_cast %get3A_7 : vector<1x2048x128xf32> to vector<2048x128xf32>
    %add3A = arith.addf %get3A_3, %get3A_8 : vector<2048x128xf32>
    %get3A_9 = arith.constant 0 : index
    %get3A_10 = arith.constant 0 : index
    %get3A_11 = vector.load %arg3[%get3A_9, %get3A_10] : memref<32x2048xf32, #tpu.memory_space<vmem>>, vector<32x2048xf32>
    %reduce_sum3A = arith.constant dense<0.000000e+00> : vector<2048xf32>
    %reduce_sum3A_12 = vector.multi_reduction <add>, %get3A_11, %reduce_sum3A [0] : vector<32x2048xf32> to vector<2048xf32>
    %broadcast_in_dim3A = vector.shape_cast %reduce_sum3A_12 : vector<2048xf32> to vector<2048x1xf32>
    %max3A = arith.constant 1.000000e+00 : f32
    %max3A_13 = vector.broadcast %max3A : f32 to vector<2048x1xf32>
    %max3A_14 = arith.maximumf %broadcast_in_dim3A, %max3A_13 : vector<2048x1xf32>
    %div3A = vector.broadcast %max3A_14 : vector<2048x1xf32> to vector<2048x128xf32>
    %div3A_15 = arith.divf %add3A, %div3A : vector<2048x128xf32>
    %get3A_16 = arith.constant 0 : index
    %get3A_17 = arith.constant 0 : index
    %get3A_18 = vector.load %arg1[%get3A_16, %get3A_17] : memref<2048x128xf32, #tpu.memory_space<vmem>>, vector<2048x128xf32>
    %get3A_19 = arith.constant 0 : index
    %get3A_20 = arith.constant 0 : index
    %get3A_21 = vector.load %arg4[%get3A_19, %get3A_20] : memref<128x128xf32, #tpu.memory_space<vmem>>, vector<128x128xf32>
    %dot_general3A = arith.constant dense<0.000000e+00> : vector<2048x128xf32>
    %dot_general3A_22 = tpu.matmul %get3A_18, %get3A_21, %dot_general3A {dimension_numbers = #tpu.dot_dimension_numbers<[1], [0], [0], [1], [0, 0, 1, 1], [], []>, transpose_lhs_hint = false} : vector<2048x128xf32>, vector<128x128xf32>, vector<2048x128xf32> -> vector<2048x128xf32>
    %get3A_23 = arith.constant 0 : index
    %get3A_24 = arith.constant 0 : index
    %get3A_25 = vector.load %arg5[%get3A_23, %get3A_24] : memref<128x128xf32, #tpu.memory_space<vmem>>, vector<128x128xf32>
    %dot_general3A_26 = arith.constant dense<0.000000e+00> : vector<2048x128xf32>
    %dot_general3A_27 = tpu.matmul %div3A_15, %get3A_25, %dot_general3A_26 {dimension_numbers = #tpu.dot_dimension_numbers<[1], [0], [0], [1], [0, 0, 1, 1], [], []>, transpose_lhs_hint = false} : vector<2048x128xf32>, vector<128x128xf32>, vector<2048x128xf32> -> vector<2048x128xf32>
    %add3A_28 = arith.addf %dot_general3A_22, %dot_general3A_27 : vector<2048x128xf32>
    %get3A_29 = arith.constant 0 : index
    %get3A_30 = arith.constant 0 : index
    %get3A_31 = vector.load %arg6[%get3A_29, %get3A_30] : memref<1x128xf32, #tpu.memory_space<vmem>>, vector<1x128xf32>
    %add3A_32 = vector.broadcast %get3A_31 : vector<1x128xf32> to vector<2048x128xf32>
    %add3A_33 = arith.addf %add3A_28, %add3A_32 : vector<2048x128xf32>
    %max3A_34 = arith.constant 0.000000e+00 : f32
    %max3A_35 = vector.broadcast %max3A_34 : f32 to vector<2048x128xf32>
    %max3A_36 = arith.maximumf %add3A_33, %max3A_35 : vector<2048x128xf32>
    %swap3A = arith.constant 0 : index
    %swap3A_37 = arith.constant 0 : index
    %swap3A_38 = vector.load %arg7[%swap3A, %swap3A_37] : memref<2048x128xf32, #tpu.memory_space<vmem>>, vector<2048x128xf32>
    tpu.vector_store %arg7[%swap3A, %swap3A_37], %max3A_36 {strides = array<i32>} : memref<2048x128xf32, #tpu.memory_space<vmem>>, vector<2048x128xf32>,
    return
  }
  func.func @transform_0(%arg0: i32) -> (i32, i32) {
    %c0_i32 = arith.constant 0 : i32
    %c0_i32_0 = arith.constant 0 : i32
    return %arg0, %c0_i32 : i32, i32
  }
  func.func @transform_1(%arg0: i32) -> (i32, i32, i32) {
    %c0_i32 = arith.constant 0 : i32
    %c0_i32_0 = arith.constant 0 : i32
    %c0_i32_1 = arith.constant 0 : i32
    return %c0_i32, %arg0, %c0_i32_0 : i32, i32, i32
  }
  func.func @transform_2(%arg0: i32) -> (i32, i32) {
    %c0_i32 = arith.constant 0 : i32
    %c0_i32_0 = arith.constant 0 : i32
    return %c0_i32, %arg0 : i32, i32
  }
  func.func @transform_3(%arg0: i32) -> (i32, i32) {
    %c0_i32 = arith.constant 0 : i32
    %c0_i32_0 = arith.constant 0 : i32
    %c0_i32_1 = arith.constant 0 : i32
    return %c0_i32, %c0_i32_0 : i32, i32
  }
  func.func @transform_4(%arg0: i32) -> (i32, i32) {
    %c0_i32 = arith.constant 0 : i32
    %c0_i32_0 = arith.constant 0 : i32
    %c0_i32_1 = arith.constant 0 : i32
    return %c0_i32, %c0_i32_0 : i32, i32
  }
  func.func @transform_5(%arg0: i32) -> (i32, i32) {
    %c0_i32 = arith.constant 0 : i32
    %c0_i32_0 = arith.constant 0 : i32
    %c0_i32_1 = arith.constant 0 : i32
    return %c0_i32, %c0_i32_0 : i32, i32
  }
  func.func @transform_6(%arg0: i32) -> (i32, i32) {
    %c0_i32 = arith.constant 0 : i32
    %c0_i32_0 = arith.constant 0 : i32
    return %arg0, %c0_i32 : i32, i32
  }
}

module attributes {stable_mosaic.version = 14 : i64} {
  func.func @_combine_body(%arg0: i32, %arg1: memref<2048x128xf32, #tpu.memory_space<vmem>>, %arg2: memref<2x2048x128xf32, #tpu.memory_space<vmem>>, %arg3: memref<32x2048xf32, #tpu.memory_space<vmem>>, %arg4: memref<128x128xf32, #tpu.memory_space<vmem>>, %arg5: memref<128x128xf32, #tpu.memory_space<vmem>>, %arg6: memref<1x128xf32, #tpu.memory_space<vmem>>, %arg7: memref<2048x128xf32, #tpu.memory_space<vmem>>) attributes {dimension_semantics = [#tpu.dimension_semantics<arbitrary>], iteration_bounds = array<i64: 5>, scalar_prefetch = 0 : i64, scratch_operands = 0 : i64, tpu.core_type = #tpu.core_type<tc>, window_params = [{transform_indices = @transform_0, window_bounds = array<i64: 2048, 128>}, {transform_indices = @transform_1, window_bounds = array<i64: 2, 2048, 128>}, {transform_indices = @transform_2, window_bounds = array<i64: 32, 2048>}, {pipeline_mode = #tpu.pipeline_mode<synchronous>, transform_indices = @transform_3, window_bounds = array<i64: 128, 128>}, {pipeline_mode = #tpu.pipeline_mode<synchronous>, transform_indices = @transform_4, window_bounds = array<i64: 128, 128>}, {pipeline_mode = #tpu.pipeline_mode<synchronous>, transform_indices = @transform_5, window_bounds = array<i64: 1, 128>}, {transform_indices = @transform_6, window_bounds = array<i64: 2048, 128>}]} {
    %get3A = arith.constant 0 : index
    %get3A_0 = arith.constant 0 : index
    %get3A_1 = arith.constant 0 : index
    %get3A_2 = vector.load %arg2[%get3A, %get3A_0, %get3A_1] : memref<2x2048x128xf32, #tpu.memory_space<vmem>>, vector<1x2048x128xf32>
    %get3A_3 = vector.shape_cast %get3A_2 : vector<1x2048x128xf32> to vector<2048x128xf32>
    %get3A_4 = arith.constant 1 : index
    %get3A_5 = arith.constant 0 : index
    %get3A_6 = arith.constant 0 : index
    %get3A_7 = vector.load %arg2[%get3A_4, %get3A_5, %get3A_6] : memref<2x2048x128xf32, #tpu.memory_space<vmem>>, vector<1x2048x128xf32>
    %get3A_8 = vector.shape_cast %get3A_7 : vector<1x2048x128xf32> to vector<2048x128xf32>
    %add3A = arith.addf %get3A_3, %get3A_8 : vector<2048x128xf32>
    %get3A_9 = arith.constant 0 : index
    %get3A_10 = arith.constant 0 : index
    %get3A_11 = vector.load %arg3[%get3A_9, %get3A_10] : memref<32x2048xf32, #tpu.memory_space<vmem>>, vector<32x2048xf32>
    %reduce_sum3A = arith.constant dense<0.000000e+00> : vector<2048xf32>
    %reduce_sum3A_12 = vector.multi_reduction <add>, %get3A_11, %reduce_sum3A [0] : vector<32x2048xf32> to vector<2048xf32>
    %broadcast_in_dim3A = vector.shape_cast %reduce_sum3A_12 : vector<2048xf32> to vector<2048x1xf32>
    %max3A = arith.constant 1.000000e+00 : f32
    %max3A_13 = vector.broadcast %max3A : f32 to vector<2048x1xf32>
    %max3A_14 = arith.maximumf %broadcast_in_dim3A, %max3A_13 : vector<2048x1xf32>
    %div3A = vector.broadcast %max3A_14 : vector<2048x1xf32> to vector<2048x128xf32>
    %div3A_15 = arith.divf %add3A, %div3A : vector<2048x128xf32>
    %get3A_16 = arith.constant 0 : index
    %get3A_17 = arith.constant 0 : index
    %get3A_18 = vector.load %arg1[%get3A_16, %get3A_17] : memref<2048x128xf32, #tpu.memory_space<vmem>>, vector<2048x128xf32>
    %get3A_19 = arith.constant 0 : index
    %get3A_20 = arith.constant 0 : index
    %get3A_21 = vector.load %arg4[%get3A_19, %get3A_20] : memref<128x128xf32, #tpu.memory_space<vmem>>, vector<128x128xf32>
    %dot_general3A = arith.constant dense<0.000000e+00> : vector<2048x128xf32>
    %dot_general3A_22 = tpu.matmul %get3A_18, %get3A_21, %dot_general3A {dimension_numbers = #tpu.dot_dimension_numbers<[1], [0], [0], [1], [0, 0, 1, 1], [], []>, transpose_lhs_hint = false} : vector<2048x128xf32>, vector<128x128xf32>, vector<2048x128xf32> -> vector<2048x128xf32>
    %get3A_23 = arith.constant 0 : index
    %get3A_24 = arith.constant 0 : index
    %get3A_25 = vector.load %arg5[%get3A_23, %get3A_24] : memref<128x128xf32, #tpu.memory_space<vmem>>, vector<128x128xf32>
    %dot_general3A_26 = arith.constant dense<0.000000e+00> : vector<2048x128xf32>
    %dot_general3A_27 = tpu.matmul %div3A_15, %get3A_25, %dot_general3A_26 {dimension_numbers = #tpu.dot_dimension_numbers<[1], [0], [0], [1], [0, 0, 1, 1], [], []>, transpose_lhs_hint = false} : vector<2048x128xf32>, vector<128x128xf32>, vector<2048x128xf32> -> vector<2048x128xf32>
    %add3A_28 = arith.addf %dot_general3A_22, %dot_general3A_27 : vector<2048x128xf32>
    %get3A_29 = arith.constant 0 : index
    %get3A_30 = arith.constant 0 : index
    %get3A_31 = vector.load %arg6[%get3A_29, %get3A_30] : memref<1x128xf32, #tpu.memory_space<vmem>>, vector<1x128xf32>
    %add3A_32 = vector.broadcast %get3A_31 : vector<1x128xf32> to vector<2048x128xf32>
    %add3A_33 = arith.addf %add3A_28, %add3A_32 : vector<2048x128xf32>
    %swap3A = arith.constant 0 : index
    %swap3A_34 = arith.constant 0 : index
    %swap3A_35 = vector.load %arg7[%swap3A, %swap3A_34] : memref<2048x128xf32, #tpu.memory_space<vmem>>, vector<2048x128xf32>
    tpu.vector_store %arg7[%swap3A, %swap3A_34], %add3A_33 {strides = array<i32>} : memref<2048x128xf32, #tpu.memory_space<vmem>>, vector<2048x128xf32>,
    return
  }
  func.func @transform_0(%arg0: i32) -> (i32, i32) {
    %c0_i32 = arith.constant 0 : i32
    %c0_i32_0 = arith.constant 0 : i32
    return %arg0, %c0_i32 : i32, i32
  }
  func.func @transform_1(%arg0: i32) -> (i32, i32, i32) {
    %c0_i32 = arith.constant 0 : i32
    %c0_i32_0 = arith.constant 0 : i32
    %c0_i32_1 = arith.constant 0 : i32
    return %c0_i32, %arg0, %c0_i32_0 : i32, i32, i32
  }
  func.func @transform_2(%arg0: i32) -> (i32, i32) {
    %c0_i32 = arith.constant 0 : i32
    %c0_i32_0 = arith.constant 0 : i32
    return %c0_i32, %arg0 : i32, i32
  }
  func.func @transform_3(%arg0: i32) -> (i32, i32) {
    %c0_i32 = arith.constant 0 : i32
    %c0_i32_0 = arith.constant 0 : i32
    %c0_i32_1 = arith.constant 0 : i32
    return %c0_i32, %c0_i32_0 : i32, i32
  }
  func.func @transform_4(%arg0: i32) -> (i32, i32) {
    %c0_i32 = arith.constant 0 : i32
    %c0_i32_0 = arith.constant 0 : i32
    %c0_i32_1 = arith.constant 0 : i32
    return %c0_i32, %c0_i32_0 : i32, i32
  }
  func.func @transform_5(%arg0: i32) -> (i32, i32) {
    %c0_i32 = arith.constant 0 : i32
    %c0_i32_0 = arith.constant 0 : i32
    %c0_i32_1 = arith.constant 0 : i32
    return %c0_i32, %c0_i32_0 : i32, i32
  }
  func.func @transform_6(%arg0: i32) -> (i32, i32) {
    %c0_i32 = arith.constant 0 : i32
    %c0_i32_0 = arith.constant 0 : i32
    return %arg0, %c0_i32 : i32, i32
  }
}

module attributes {stable_mosaic.version = 14 : i64} {
  func.func @_mlp_body(%arg0: i32, %arg1: memref<4000x128xf32, #tpu.memory_space<vmem>>, %arg2: memref<4000x128xf32, #tpu.memory_space<vmem>>, %arg3: memref<128x128xf32, #tpu.memory_space<vmem>>, %arg4: memref<1x128xf32, #tpu.memory_space<vmem>>, %arg5: memref<128x128xf32, #tpu.memory_space<vmem>>, %arg6: memref<1x128xf32, #tpu.memory_space<vmem>>, %arg7: memref<128x1xf32, #tpu.memory_space<vmem>>, %arg8: memref<1x1xf32, #tpu.memory_space<vmem>>, %arg9: memref<4000x1xf32, #tpu.memory_space<vmem>>) attributes {dimension_semantics = [#tpu.dimension_semantics<arbitrary>], iteration_bounds = array<i64: 10>, scalar_prefetch = 0 : i64, scratch_operands = 0 : i64, tpu.core_type = #tpu.core_type<tc>, window_params = [{transform_indices = @transform_0, window_bounds = array<i64: 4000, 128>}, {transform_indices = @transform_1, window_bounds = array<i64: 4000, 128>}, {pipeline_mode = #tpu.pipeline_mode<synchronous>, transform_indices = @transform_2, window_bounds = array<i64: 128, 128>}, {pipeline_mode = #tpu.pipeline_mode<synchronous>, transform_indices = @transform_3, window_bounds = array<i64: 1, 128>}, {pipeline_mode = #tpu.pipeline_mode<synchronous>, transform_indices = @transform_4, window_bounds = array<i64: 128, 128>}, {pipeline_mode = #tpu.pipeline_mode<synchronous>, transform_indices = @transform_5, window_bounds = array<i64: 1, 128>}, {pipeline_mode = #tpu.pipeline_mode<synchronous>, transform_indices = @transform_6, window_bounds = array<i64: 128, 1>}, {pipeline_mode = #tpu.pipeline_mode<synchronous>, transform_indices = @transform_7, window_bounds = array<i64: 1, 1>}, {transform_indices = @transform_8, window_bounds = array<i64: 4000, 1>}]} {
    %get3A = arith.constant 0 : index
    %get3A_0 = arith.constant 0 : index
    %get3A_1 = vector.load %arg1[%get3A, %get3A_0] : memref<4000x128xf32, #tpu.memory_space<vmem>>, vector<4000x128xf32>
    %get3A_2 = arith.constant 0 : index
    %get3A_3 = arith.constant 0 : index
    %get3A_4 = vector.load %arg2[%get3A_2, %get3A_3] : memref<4000x128xf32, #tpu.memory_space<vmem>>, vector<4000x128xf32>
    %mul3A = arith.mulf %get3A_1, %get3A_4 : vector<4000x128xf32>
    %get3A_5 = arith.constant 0 : index
    %get3A_6 = arith.constant 0 : index
    %get3A_7 = vector.load %arg3[%get3A_5, %get3A_6] : memref<128x128xf32, #tpu.memory_space<vmem>>, vector<128x128xf32>
    %dot_general3A = arith.constant dense<0.000000e+00> : vector<4000x128xf32>
    %dot_general3A_8 = tpu.matmul %mul3A, %get3A_7, %dot_general3A {dimension_numbers = #tpu.dot_dimension_numbers<[1], [0], [0], [1], [0, 0, 1, 1], [], []>, transpose_lhs_hint = false} : vector<4000x128xf32>, vector<128x128xf32>, vector<4000x128xf32> -> vector<4000x128xf32>
    %get3A_9 = arith.constant 0 : index
    %get3A_10 = arith.constant 0 : index
    %get3A_11 = vector.load %arg4[%get3A_9, %get3A_10] : memref<1x128xf32, #tpu.memory_space<vmem>>, vector<1x128xf32>
    %add3A = vector.broadcast %get3A_11 : vector<1x128xf32> to vector<4000x128xf32>
    %add3A_12 = arith.addf %dot_general3A_8, %add3A : vector<4000x128xf32>
    %max3A = arith.constant 0.000000e+00 : f32
    %max3A_13 = vector.broadcast %max3A : f32 to vector<4000x128xf32>
    %max3A_14 = arith.maximumf %add3A_12, %max3A_13 : vector<4000x128xf32>
    %get3A_15 = arith.constant 0 : index
    %get3A_16 = arith.constant 0 : index
    %get3A_17 = vector.load %arg5[%get3A_15, %get3A_16] : memref<128x128xf32, #tpu.memory_space<vmem>>, vector<128x128xf32>
    %dot_general3A_18 = arith.constant dense<0.000000e+00> : vector<4000x128xf32>
    %dot_general3A_19 = tpu.matmul %max3A_14, %get3A_17, %dot_general3A_18 {dimension_numbers = #tpu.dot_dimension_numbers<[1], [0], [0], [1], [0, 0, 1, 1], [], []>, transpose_lhs_hint = false} : vector<4000x128xf32>, vector<128x128xf32>, vector<4000x128xf32> -> vector<4000x128xf32>
    %get3A_20 = arith.constant 0 : index
    %get3A_21 = arith.constant 0 : index
    %get3A_22 = vector.load %arg6[%get3A_20, %get3A_21] : memref<1x128xf32, #tpu.memory_space<vmem>>, vector<1x128xf32>
    %add3A_23 = vector.broadcast %get3A_22 : vector<1x128xf32> to vector<4000x128xf32>
    %add3A_24 = arith.addf %dot_general3A_19, %add3A_23 : vector<4000x128xf32>
    %max3A_25 = arith.constant 0.000000e+00 : f32
    %max3A_26 = vector.broadcast %max3A_25 : f32 to vector<4000x128xf32>
    %max3A_27 = arith.maximumf %add3A_24, %max3A_26 : vector<4000x128xf32>
    %get3A_28 = arith.constant 0 : index
    %get3A_29 = arith.constant 0 : index
    %get3A_30 = vector.load %arg7[%get3A_28, %get3A_29] : memref<128x1xf32, #tpu.memory_space<vmem>>, vector<128x1xf32>
    %dot_general3A_31 = arith.constant dense<0.000000e+00> : vector<4000x1xf32>
    %dot_general3A_32 = tpu.matmul %max3A_27, %get3A_30, %dot_general3A_31 {dimension_numbers = #tpu.dot_dimension_numbers<[1], [0], [0], [1], [0, 0, 1, 1], [], []>, transpose_lhs_hint = false} : vector<4000x128xf32>, vector<128x1xf32>, vector<4000x1xf32> -> vector<4000x1xf32>
    %get3A_33 = arith.constant 0 : index
    %get3A_34 = arith.constant 0 : index
    %get3A_35 = vector.load %arg8[%get3A_33, %get3A_34] : memref<1x1xf32, #tpu.memory_space<vmem>>, vector<1x1xf32>
    %add3A_36 = vector.broadcast %get3A_35 : vector<1x1xf32> to vector<4000x1xf32>
    %add3A_37 = arith.addf %dot_general3A_32, %add3A_36 : vector<4000x1xf32>
    %swap3A = arith.constant 0 : index
    %swap3A_38 = arith.constant 0 : index
    %swap3A_39 = vector.load %arg9[%swap3A, %swap3A_38] : memref<4000x1xf32, #tpu.memory_space<vmem>>, vector<4000x1xf32>
    tpu.vector_store %arg9[%swap3A, %swap3A_38], %add3A_37 {strides = array<i32>} : memref<4000x1xf32, #tpu.memory_space<vmem>>, vector<4000x1xf32>,
    return
  }
  func.func @transform_0(%arg0: i32) -> (i32, i32) {
    %c0_i32 = arith.constant 0 : i32
    %c0_i32_0 = arith.constant 0 : i32
    return %arg0, %c0_i32 : i32, i32
  }
  func.func @transform_1(%arg0: i32) -> (i32, i32) {
    %c0_i32 = arith.constant 0 : i32
    %c0_i32_0 = arith.constant 0 : i32
    return %arg0, %c0_i32 : i32, i32
  }
  func.func @transform_2(%arg0: i32) -> (i32, i32) {
    %c0_i32 = arith.constant 0 : i32
    %c0_i32_0 = arith.constant 0 : i32
    %c0_i32_1 = arith.constant 0 : i32
    return %c0_i32, %c0_i32_0 : i32, i32
  }
  func.func @transform_3(%arg0: i32) -> (i32, i32) {
    %c0_i32 = arith.constant 0 : i32
    %c0_i32_0 = arith.constant 0 : i32
    %c0_i32_1 = arith.constant 0 : i32
    return %c0_i32, %c0_i32_0 : i32, i32
  }
  func.func @transform_4(%arg0: i32) -> (i32, i32) {
    %c0_i32 = arith.constant 0 : i32
    %c0_i32_0 = arith.constant 0 : i32
    %c0_i32_1 = arith.constant 0 : i32
    return %c0_i32, %c0_i32_0 : i32, i32
  }
  func.func @transform_5(%arg0: i32) -> (i32, i32) {
    %c0_i32 = arith.constant 0 : i32
    %c0_i32_0 = arith.constant 0 : i32
    %c0_i32_1 = arith.constant 0 : i32
    return %c0_i32, %c0_i32_0 : i32, i32
  }
  func.func @transform_6(%arg0: i32) -> (i32, i32) {
    %c0_i32 = arith.constant 0 : i32
    %c0_i32_0 = arith.constant 0 : i32
    %c0_i32_1 = arith.constant 0 : i32
    return %c0_i32, %c0_i32_0 : i32, i32
  }
  func.func @transform_7(%arg0: i32) -> (i32, i32) {
    %c0_i32 = arith.constant 0 : i32
    %c0_i32_0 = arith.constant 0 : i32
    %c0_i32_1 = arith.constant 0 : i32
    return %c0_i32, %c0_i32_0 : i32, i32
  }
  func.func @transform_8(%arg0: i32) -> (i32, i32) {
    %c0_i32 = arith.constant 0 : i32
    %c0_i32_0 = arith.constant 0 : i32
    return %arg0, %c0_i32 : i32, i32
  }
}

</mosaic_0001>

<sc_bundles>
// kernel: kernel.11.cloned.1.call-start
scs
__scs_entry_jumppad:
0x0: {  	(pc) =	sbr.rel $0x88, $3  }
0x1: {  	(tag) =	ssettag $0x0;
	lr =	simm.s32 $0x1  }
0x2: {  	[smem:$0x3F90] =	sst lr;
	_ =	strace $0xD0000000  }
0x3: {  	_ = 	snop  }
0x4: {  	_ = 	snop  }
0x5: {  	_ = 	snop  }
0x6: {  	_ = 	snop  }
0x7: {  	_ = 	snop  }
__scs_overlays_trampoline_lowered:
0x8: {  	[smem:$0x3F9F] =	sst s0  }
0x9: {  	[smem:$0x3FA0] =	sst s1  }
0xa: {  	[smem:$0x3FA1] =	sst s2  }
0xb: {  	[smem:$0x3FA2] =	sst s3  }
0xc: {  	[smem:$0x3FA3] =	sst s4  }
0xd: {  	[smem:$0x3FA4] =	sst s5  }
0xe: {  	[smem:$0x3FA5] =	sst s6  }
0xf: {  	[smem:$0x3FA6] =	sst s7  }
0x10: {  	[smem:$0x3FA7] =	sst s8  }
0x11: {  	[smem:$0x3FA8] =	sst s9;
	s0 =	simm.s32 @!p0 $0x0  }
0x12: {  	s1 =	sld [smem:$0x3F8E];
	s0 =	simm.s32 @p0 $0x1  }
0x13: {  	[smem:$0x3FA9] =	sst s0;
	s0 =	simm.s32 @!p1 $0x0  }
0x14: {  	s2 =	sld [smem:$0x3F8D];
	s0 =	simm.s32 @p1 $0x1  }
0x15: {  	[smem:$0x3FAA] =	sst s0;
	s0 =	simm.s32 @!p2 $0x0  }
0x16: {  	s3 =	sld [smem:$0x3FDB];
	s0 =	simm.s32 @p2 $0x1  }
0x17: {  	s4 =	simm.s32 $0x1BF5;
	[smem:$0x3FAC] =	sst s0  }
0x18: {  	s0 =	sld [smem:$0x3F8F];
	_ =	swait.ge [sflag:s4], $0x0  }
0x19: {  	s7 =	sld [smem:$0x3F90]  }
0x1a: {  	s8 =	sadd.s32 $0xFFFFE003, lr  }
0x1b: {  	s9 =	sadd.s32 $0xFFFFFEF7, lr;
	s5 =	simm.s32 $0xFFFFFFFF;
	p2 =	slt.u32 s8, $0xFFFFF086  }
0x1c: {  	p1 =	slt.u32 s9, $0xF7A;
	s5 =	simm.s32 @!p2 $0x0  }
0x1d: {  	s5 =	simm.s32 @p1 $0x1;
	p0 =	seq.s32 s7, s2  }
0x1e: {  	s7 =	smul.u32 @!p0 $0xF7A, s2;
	p2 =	seq.s32 @!p0 s5, $0x0  }
0x1f: {  	s9 =	smul.u32 $0xF7A, s1;
	s8 =	simm.s32 @!p0 $0x1BF5;
	p2 =	por !p2, p0  }
0x20: {  	[sflag:s8] =	ssyncset.s32 @!p0 $0xFFFFF086;
	s6 =	sadd.s32 @!p0 s3, s7;
	s7 =	simm.s32 @!p0 $0x108  }
0x21: {  	s3 =	sadd.s32 s3, s9;
	s6 =	sadd.s32 @!p0 $0x88, s6;
	s7 =	simm.s32 @p2 $0x1082  }
0x22: {  	[simem:s7], [sflag:s8] =	dma.local @!p0 [hbm:s6], $0xF7A  }
0x23: {  	s9 =	sor.u32 $0xD0000000, s2;
	s6 =	simm.s32 $0x108;
	_ =	swait.ge @!p0 [sflag:s8], $0x0  }
0x24: {  	s3 =	sadd.s32 $0x88, s3;
	s6 =	simm.s32 @!p1 $0x1082;
	[sflag:s4] =	ssyncset.s32 $0xFFFFF086  }
0x25: {  	[simem:s6], [sflag:s4] =	dma.local [hbm:s3], $0xF7A  }
0x26: {  	[smem:$0x3F90] =	sst s1;
	(tag) =	ssettag s2;
	_ =	strace s9  }
0x27: {  	s1 =	sld [smem:$0x3FA0]  }
0x28: {  	s2 =	sld [smem:$0x3FA1]  }
0x29: {  	s4 =	sld [smem:$0x3FA3]  }
0x2a: {  	p0 =	seq.s32 s5, $0x0;
	s5 =	sld [smem:$0x3FA4]  }
0x2b: {  	s6 =	sld [smem:$0x3FA5]  }
0x2c: {  	s7 =	sld [smem:$0x3FA6]  }
0x2d: {  	s3 =	simm.s32 $0x108;
	s8 =	sld [smem:$0x3FA7]  }
0x2e: {  	s3 =	simm.s32 @!p0 $0x1082;
	s9 =	sld [smem:$0x3FA8]  }
0x2f: {  	lr =	sadd.s32 s0, s3;
	s0 =	sld [smem:$0x3F9F]  }
0x30: {  	s3 =	sld [smem:$0x3FA2]  }
0x31: {  	[smem:$0x3FAB] =	sst s10  }
0x32: {  	s10 =	sld [smem:$0x3FA9];
	_ =	sdelay $0x3  }
0x33: {  	p0 =	seq.s32 s10, $0x1;
	s10 =	sld [smem:$0x3FAB];
	_ =	sdelay $0x3  }
0x34: {  	[smem:$0x3FAB] =	sst s10  }
0x35: {  	s10 =	sld [smem:$0x3FAA];
	_ =	sdelay $0x3  }
0x36: {  	p1 =	seq.s32 s10, $0x1;
	s10 =	sld [smem:$0x3FAB];
	_ =	sdelay $0x3  }
0x37: {  	[smem:$0x3FAB] =	sst s10  }
0x38: {  	s10 =	sld [smem:$0x3FAC]  }
0x39: {  	_ = 	snop;
	(pc) =	sbr.ind lr, $3  }
0x3a: {  	_ = 	snop  }
0x3b: {  	_ = 	snop  }
0x3c: {  	p2 =	seq.s32 s10, $0x1;
	s10 =	sld [smem:$0x3FAB]  }
0x3d: {  	_ =	shalt  }
0x3e: {  	_ =	shalt  }
0x3f: {  	_ =	shalt  }
0x40: {  	_ =	shalt  }
0x41: {  	_ =	shalt  }
0x42: {  	_ =	shalt  }
0x43: {  	_ =	shalt  }
0x44: {  	_ =	shalt  }
0x45: {  	_ =	shalt  }
0x46: {  	_ =	shalt  }
0x47: {  	_ =	shalt  }
0x48: {  	_ =	shalt  }
0x49: {  	_ =	shalt  }
0x4a: {  	_ =	shalt  }
0x4b: {  	_ =	shalt  }
0x4c: {  	_ =	shalt  }
0x4d: {  	_ =	shalt  }
0x4e: {  	_ =	shalt  }
0x4f: {  	_ =	shalt  }
0x50: {  	_ =	shalt  }
0x51: {  	_ =	shalt  }
0x52: {  	_ =	shalt  }
0x53: {  	_ =	shalt  }
0x54: {  	_ =	shalt  }
0x55: {  	_ =	shalt  }
0x56: {  	_ =	shalt  }
0x57: {  	_ =	shalt  }
0x58: {  	_ =	shalt  }
0x59: {  	_ =	shalt  }
0x5a: {  	_ =	shalt  }
0x5b: {  	_ =	shalt  }
0x5c: {  	_ =	shalt  }
0x5d: {  	_ =	shalt  }
0x5e: {  	_ =	shalt  }
0x5f: {  	_ =	shalt  }
0x60: {  	_ =	shalt  }
0x61: {  	_ =	shalt  }
0x62: {  	_ =	shalt  }
0x63: {  	_ =	shalt  }
0x64: {  	_ =	shalt  }
0x65: {  	_ =	shalt  }
0x66: {  	_ =	shalt  }
0x67: {  	_ =	shalt  }
0x68: {  	_ =	shalt  }
0x69: {  	_ =	shalt  }
0x6a: {  	_ =	shalt  }
0x6b: {  	_ =	shalt  }
0x6c: {  	_ =	shalt  }
0x6d: {  	_ =	shalt  }
0x6e: {  	_ =	shalt  }
0x6f: {  	_ =	shalt  }
0x70: {  	_ =	shalt  }
0x71: {  	_ =	shalt  }
0x72: {  	_ =	shalt  }
0x73: {  	_ =	shalt  }
0x74: {  	_ =	shalt  }
0x75: {  	_ =	shalt  }
0x76: {  	_ =	shalt  }
0x77: {  	_ =	shalt  }
0x78: {  	_ =	shalt  }
0x79: {  	_ =	shalt  }
0x7a: {  	_ =	shalt  }
0x7b: {  	_ =	shalt  }
0x7c: {  	_ =	shalt  }
0x7d: {  	_ =	shalt  }
0x7e: {  	_ =	shalt  }
0x7f: {  	_ =	shalt  }
0x80: {  	_ =	shalt  }
0x81: {  	_ =	shalt  }
0x82: {  	_ =	shalt  }
0x83: {  	_ =	shalt  }
0x84: {  	_ =	shalt  }
0x85: {  	_ =	shalt  }
0x86: {  	_ =	shalt  }
0x87: {  	_ =	shalt  }
.Lfunc_end0:
.L_simem_size_0:
called_computation.1_lowered:
.L_overlay_start_0:
0x88: {  	s2 =	sld [smem:$0x3FD9]  }
0x89: {  	s3 =	sld [smem:$0x3FFE];
	_ =	sdelay $0x1  }
0x8a: {  	s1 =	srdreg.scid  }
0x8b: {  	s0 =	sand.u32 $0x1, s1  }
0x8c: {  	s14 =	sshll.u32 s0, $0xA;
	s2 =	sadd.s32 s3, s2  }
0x8d: {  	s2 =	sadd.s32 s2, s14  }
0x8e: {  	[smem:$0x3FB7] =	sst s2  }
0x8f: {  	_ = 	snop  }
0x90: {  	s2 =	sld [smem:$0x3FD0];
	_ =	sdelay $0x2  }
0x91: {  	s15 =	simm.s32 $0xA;
	s4 =	simm.s32 $0x10  }
0x92: {  	[smem:s4], [sflag:s15] =	dma.local [hbm:s2], $0x1  }
0x93: {  	_ =	swait.eq [sflag:s15], $0x1  }
0x94: {  	[sflag:s15] =	ssyncset.done $0x0  }
0x95: {  	[sflag:s15] =	ssyncadd.s32 $0xFFFFFFFF  }
0x96: {  	s16 =	sld [smem:$0x11];
	(tm) =	ssettm $0x1  }
0x97: {  	s17 =	sld [smem:$0x3FFB];
	_ =	sdelay $0x3  }
0x98: {  	_ =	strace s17  }
0x99: {  	s3 =	sld [smem:$0x3FFC];
	_ =	sdelay $0x3  }
0x9a: {  	_ =	strace s3  }
0x9b: {  	s3 =	sld [smem:$0x3FFD];
	_ =	sdelay $0x3  }
0x9c: {  	_ =	strace s3  }
0x9d: {  	_ =	strace $0x8FFFFFFF  }
0x9e: {  	s18 =	sld [smem:$0x3FDB];
	_ =	sdelay $0x1  }
0x9f: {  	s19 =	simm.s32 $_scs_section_size  }
0xa0: {  	s5 =	simm.s32 $_size__tile_overlayer_lowered;
	s6 =	simm.s32 $_tile_overlayer_lowered  }
0xa1: {  	s22 =	simm.s32 $0x1BFF;
	s21 =	sshll.u32 s6, $0x1;
	s3 =	sadd.s32 s19, s18  }
0xa2: {  	s7 =	simm.s32 $0x0;
	s20 =	sshll.u32 s5, $0x1;
	s5 =	sadd.s32 s21, s3  }
0xa3: {  	[timem:s7], [sflag:s22] =	dma.local [hbm:s5], s20  }
0xa4: {  	_ =	swait.ge [sflag:s22], s20  }
0xa5: {  	s4 =	ssub.s32 $0x0, s20;
	[sflag:s22] =	ssyncset.done $0x0  }
0xa6: {  	[sflag:s22] =	ssyncadd.s32 s4;
	_ =	sdelay $0x1  }
0xa7: {  	s23 =	simm.s32 $0x1B8B  }
0xa8: {  	_ =	swait.ge [sflag:s23], $0x1  }
0xa9: {  	[sflag:s23] =	ssyncset.done $0x0  }
0xaa: {  	s25 =	simm.s32 $0x1B8E;
	s24 =	sld [smem:$0x3FFE];
	[sflag:s23] =	ssyncadd.s32 $0xFFFFFFFF  }
0xab: {  	s26 =	simm.s32 $execute0_lowered;
	[smem:$0x3FD2] =	sst s25  }
0xac: {  	s5 =	sshll.u32 s26, $0x1;
	_ =	strace $0x80000049;
	[dreg:$0x1] =	wrdreg $0xFFFFFFFF  }
0xad: {  	s28 =	simm.s32 $_size_execute0_lowered;
	s3 =	sadd.s32 s3, s5;
	[dreg:$0x0] =	wrdreg $0x0  }
0xae: {  	s5 =	sshll.u32 s28, $0x1;
	[dreg:$0x2] =	wrdreg s3  }
0xaf: {  	[dreg:$0x3] =	wrdreg s5  }
0xb0: {  	[dreg:$0x4] =	wrdreg $0xC0  }
0xb1: {  	_ =	task [dreg:s7], $0x5FFFF  }
0xb2: {  	[dreg:$0x1] =	wrdreg $0xFFFFFFFF  }
0xb3: {  	[dreg:$0x0] =	wrdreg $0x60  }
0xb4: {  	[dreg:$0x2] =	wrdreg s24  }
0xb5: {  	[dreg:$0x3] =	wrdreg s16  }
0xb6: {  	[dreg:$0x4] =	wrdreg $0xC0000  }
0xb7: {  	[dreg:$0x5] =	wrdreg $0x9  }
0xb8: {  	_ =	task.clear_ibuf [dreg:s7], $0x6FFFF;
	_ =	strace $0x90000049  }
0xb9: {  	s29 =	simm.s32 $0x9;
	_ =	strace $0x8000004B  }
0xba: {  	_ =	swait.ge [sflag:s29], $0x1  }
0xbb: {  	[sflag:s29] =	ssyncadd.s32 $0xFFFFFFFF  }
0xbc: {  	_ =	strace $0x9000004B  }
0xbd: {  	_ =	sfence  }
0xbe: {  	s30 =	sld [smem:$0x0];
	_ =	sdelay $0x2  }
0xbf: {  	s31 =	sshll.u32 s1, $0xD;
	s1 =	sshrl.u32 s1, $0x2  }
0xc0: {  	s3 =	sand.u32 $0x4000, s31;
	s1 =	sadd.s32 s1, s30  }
0xc1: {  	s0 =	sor.u32 s3, s0;
	s1 =	sshll.u32 s1, $0x11  }
0xc2: {  	s0 =	sor.u32 s1, s0  }
0xc3: {  	s0 =	sadd.s32 $0x8F2B, s0  }
0xc4: {  	[sflag:s0] =	ssyncadd.remote.s32 $0x1  }
0xc5: {  	_ =	sfence.sel $0xFFFF  }
0xc6: {  	[dreg:$0x0] =	wrdreg $0xFFFFFFFF;
	(pc) =	sbr.abs _section_cstart, $3  }
0xc7: {  	[dreg:$0x1] =	wrdreg $0xFFFFFFFF  }
0xc8: {  	_ =	task.clear_ibuf [dreg:s7], $0x2FFFF;
	_ =	strace $0x9FFFFFFF  }
0xc9: {  	(tm) =	ssettm $0x7FFFFFFF  }
tec
execute0_lowered:
.L_overlay_start_1:
0x0: {  	(tag) =	ssettag $0x1  }
0x1: {  	s0 =	rddreg [dreg:$0x0]  }
0x2: {  	s2 =	rddreg [dreg:$0x2];
	s3 =	simm.s32 $0x0  }
0x3: {  	s4 =	srdreg.scid;
	s1 =	stileid.u32;
	s16 =	simm.s32 $0x9800  }
0x4: {  	s17 =	simm.s32 $0x1000;
	s18 =	simm.s32 $0x50;
	s19 =	simm.s32 $0x2000  }
0x5: {  	s28 =	simm.s32 $0x1C00;
	s29 =	simm.s32 $0x400;
	s30 =	simm.s32 $0x0  }
0x6: {  	[smem:$0x7FF] =	sst s3;
	s9 =	sand.u32 $0x1, s4;
	s5 =	sadd.s32 $0x2600, s0  }
0x7: {  	s12 =	smul.u32 $0x14000, s1;
	s7 =	sadd.s32 $0x86E00, s0;
	s14 =	sshll.u32 s1, $0x7  }
0x8: {  	s21 =	smul.u32 $0x50000, s1;
	s31 =	sshll.u32 s1, $0x6;
	_ =	strace $0x8000004A  }
0x9: {  	s6 =	sshll.u32 s9, $0x4;
	s10 =	smul.u32 $0x140000, s9;
	s20 =	sand.u32 $0x380, s14  }
0xa: {  	s9 =	ssub.s32 $0x2, s9;
	s11 =	sor.u32 s1, s6;
	s6 =	sadd.s32 $0x9AE00, s0  }
0xb: {  	s24 =	sshrl.u32 s9, $0x1;
	s25 =	sshrl.u32 s21, $0x2;
	s21 =	simm.s32 $0x4800  }
0xc: {  	s8 =	sshrl.u32 s11, $0x3;
	s10 =	sadd.s32 s12, s10;
	s26 =	ssub.s32 s9, s24  }
0xd: {  	s15 =	sadd.s32 s25, s2;
	s9 =	sor.u32 $0x1C04, s31;
	s24 =	simm.s32 $0x1  }
0xe: {  	s25 =	simm.s32 $0x2;
	s13 =	smul.u32 $0x14000, s8;
	s8 =	sadd.s32 $0x2A600, s0  }
0xf: {  	s10 =	sshrl.u32 s10, $0x3;
	s14 =	sshrl.u32 s15, $0x3;
	s15 =	simm.s32 $0x4  }
0x10: {  	s22 =	sadd.s32 s10, s0;
	s10 =	smul.u32 $0x5000, s11;
	s12 =	sor.u32 s20, s13  }
0x11: {  	s11 =	sadd.s32 $0x2CE00, s22;
	s13 =	smax.u32 s26, $0x1;
	s23 =	sshrl.u32 s12, $0x3  }
0x12: {  	s20 =	simm.s32 $0x80;
	s22 =	simm.s32 $0x100;
	s0 =	sadd.s32 s23, s0  }
0x13: {  	v0 =	vimm.f32 $1.000000000e+00;
	s26 =	simm.s32 $0x3;
	s23 =	simm.s32 $0x7000;
	s12 =	sadd.s32 $0x7CE00, s0  }
.LBB2_1:
0x14: {  	[spmem:s14], [sflag:s9] =	dma.local [hbm:s8], $0x2800  }
0x15: {  	_ =	swait.ge [sflag:s15], $0x2800  }
0x16: {  	[sflag:s15] =	ssyncset.done $0x0  }
0x17: {  	[sflag:s15] =	ssyncadd.s32 $0xFFFFD800  }
0x18: {  	s0 =	rddreg [dreg:$0x1]  }
0x19: {  	[tilespmem:s16], [sflag:$0x4] =	stream.linear.gather [hbm4b:s0+s3], $0x2800, $0x38;
	v63 =	vld [tilespmem:$0x0]  }
0x1a: {  	_ =	swait.ge [sflag:s15], $0x2800  }
0x1b: {  	[sflag:s15] =	ssyncset.done $0x0  }
0x1c: {  	[sflag:s15] =	ssyncadd.s32 $0xFFFFD800  }
0x1d: {  	s31 =	simm.s32 $0x0;
	[bflag:$0x0] =	sbarrier.arrive $0xFFFF  }
.LBB2_2:
0x1e: {  	s0 =	sshll.u32 s31, $0xC  }
0x1f: {  	s0 =	sadd.s32 s10, s0  }
0x20: {  	s4 =	sshrl.u32 s0, $0x3  }
0x21: {  	s0 =	simm.s32 $0x0;
	s1 =	sadd.s32 s6, s4  }
0x22: {  	[tilespmem:s0], [sflag:$0x4] =	stream.linear.gather [hbm4b:s1+s0], $0xC80, $0x38;
	v63 =	vld [tilespmem:$0x0]  }
0x23: {  	_ =	swait.ge [sflag:s15], $0xC80  }
0x24: {  	[sflag:s15] =	ssyncset.done $0x0  }
0x25: {  	s4 =	sadd.s32 s7, s4;
	[sflag:s15] =	ssyncadd.s32 $0xFFFFF380  }
0x26: {  	[tilespmem:s17], [sflag:$0x4] =	stream.linear.gather [hbm4b:s4+s0], $0xC80, $0x38;
	v63 =	vld [tilespmem:$0x0]  }
0x27: {  	_ =	swait.ge [sflag:s15], $0xC80  }
0x28: {  	[sflag:s15] =	ssyncset.done $0x0  }
0x29: {  	[sflag:s15] =	ssyncadd.s32 $0xFFFFF380  }
0x2a: {  	[tilespmem:s19], [sflag:$0x1] =	stream.indirect.gather [hbm4b:s5+s18], $0x80, s0, s18, $0xb8;
	v63 =	vld [tilespmem:$0x0]  }
0x2b: {  	_ = 	snop  }
0x2c: {  	[tilespmem:s21], [sflag:$0x2] =	stream.indirect.gather [hbm4b:s5+s18], $0x80, s20, s18, $0xb8;
	v63 =	vld [tilespmem:$0x0]  }
0x2d: {  	_ = 	snop  }
0x2e: {  	[tilespmem:s23], [sflag:$0x3] =	stream.indirect.gather [hbm4b:s5+s18], $0x80, s22, s18, $0xb8;
	v63 =	vld [tilespmem:$0x0]  }
.LBB2_3:
0x2f: {  	_ =	swait.ge [sflag:s24], $0x2800  }
0x30: {  	[sflag:s24] =	ssyncset.done $0x0  }
0x31: {  	s1 =	sshra.s32 s0, $0x2;
	[sflag:s24] =	ssyncadd.s32 $0xFFFFD800  }
0x32: {  	v1 =	vld [tilespmem:s1+$0x1000];
	_ =	sdelay $0x7  }
0x33: {  	[tilespmem:v1+s16+$0x0] =	vst.idx.add.f32.msk $0xffff, v0  }
0x34: {  	v1 =	vld [tilespmem:s1+$0x1010];
	_ =	sdelay $0x7  }
0x35: {  	[tilespmem:v1+s16+$0x0] =	vst.idx.add.f32.msk $0xffff, v0  }
0x36: {  	v1 =	vld [tilespmem:s1+$0x1020];
	_ =	sdelay $0x7  }
0x37: {  	[tilespmem:v1+s16+$0x0] =	vst.idx.add.f32.msk $0xffff, v0  }
0x38: {  	v1 =	vld [tilespmem:s1+$0x1030];
	_ =	sdelay $0x7  }
0x39: {  	[tilespmem:v1+s16+$0x0] =	vst.idx.add.f32.msk $0xffff, v0  }
0x3a: {  	v1 =	vld [tilespmem:s1+$0x1040];
	_ =	sdelay $0x7  }
0x3b: {  	s4 =	sadd.s32 $0x1000, s1;
	[tilespmem:v1+s16+$0x0] =	vst.idx.add.f32.msk $0xffff, v0  }
0x3c: {  	[spmem:s2] =	stream.indirect.scatter.add.f32 [tilespmem:s19], [sflag:$0x4], $0x80, s4, s18, $0xb8;
	v63 =	vld [tilespmem:$0x0]  }
0x3d: {  	_ =	swait.ge [sflag:s15], $0x2800  }
0x3e: {  	[sflag:s15] =	ssyncset.done $0x0  }
0x3f: {  	s4 =	sadd.s32 $0x180, s1;
	[sflag:s15] =	ssyncadd.s32 $0xFFFFD800  }
0x40: {  	[tilespmem:s19], [sflag:$0x1] =	stream.indirect.gather [hbm4b:s5+s18], $0x80, s4, s18, $0xb8;
	v63 =	vld [tilespmem:$0x0]  }
0x41: {  	_ =	swait.ge [sflag:s25], $0x2800  }
0x42: {  	[sflag:s25] =	ssyncset.done $0x0  }
0x43: {  	[sflag:s25] =	ssyncadd.s32 $0xFFFFD800  }
0x44: {  	v1 =	vld [tilespmem:s1+$0x1080];
	_ =	sdelay $0x7  }
0x45: {  	[tilespmem:v1+s16+$0x0] =	vst.idx.add.f32.msk $0xffff, v0  }
0x46: {  	v1 =	vld [tilespmem:s1+$0x1090];
	_ =	sdelay $0x7  }
0x47: {  	[tilespmem:v1+s16+$0x0] =	vst.idx.add.f32.msk $0xffff, v0  }
0x48: {  	v1 =	vld [tilespmem:s1+$0x10A0];
	_ =	sdelay $0x7  }
0x49: {  	[tilespmem:v1+s16+$0x0] =	vst.idx.add.f32.msk $0xffff, v0  }
0x4a: {  	v1 =	vld [tilespmem:s1+$0x10B0];
	_ =	sdelay $0x7  }
0x4b: {  	[tilespmem:v1+s16+$0x0] =	vst.idx.add.f32.msk $0xffff, v0  }
0x4c: {  	v1 =	vld [tilespmem:s1+$0x10C0];
	_ =	sdelay $0x7  }
0x4d: {  	s4 =	sadd.s32 $0x1080, s1;
	[tilespmem:v1+s16+$0x0] =	vst.idx.add.f32.msk $0xffff, v0  }
0x4e: {  	[spmem:s2] =	stream.indirect.scatter.add.f32 [tilespmem:s21], [sflag:$0x4], $0x80, s4, s18, $0xb8;
	v63 =	vld [tilespmem:$0x0]  }
0x4f: {  	_ =	swait.ge [sflag:s15], $0x2800  }
0x50: {  	[sflag:s15] =	ssyncset.done $0x0  }
0x51: {  	s4 =	sadd.s32 $0x200, s1;
	[sflag:s15] =	ssyncadd.s32 $0xFFFFD800  }
0x52: {  	[tilespmem:s21], [sflag:$0x2] =	stream.indirect.gather [hbm4b:s5+s18], $0x80, s4, s18, $0xb8;
	v63 =	vld [tilespmem:$0x0]  }
0x53: {  	_ =	swait.ge [sflag:s26], $0x2800  }
0x54: {  	[sflag:s26] =	ssyncset.done $0x0  }
0x55: {  	[sflag:s26] =	ssyncadd.s32 $0xFFFFD800  }
0x56: {  	v1 =	vld [tilespmem:s1+$0x1100];
	_ =	sdelay $0x7  }
0x57: {  	[tilespmem:v1+s16+$0x0] =	vst.idx.add.f32.msk $0xffff, v0  }
0x58: {  	v1 =	vld [tilespmem:s1+$0x1110];
	_ =	sdelay $0x7  }
0x59: {  	[tilespmem:v1+s16+$0x0] =	vst.idx.add.f32.msk $0xffff, v0  }
0x5a: {  	v1 =	vld [tilespmem:s1+$0x1120];
	_ =	sdelay $0x7  }
0x5b: {  	[tilespmem:v1+s16+$0x0] =	vst.idx.add.f32.msk $0xffff, v0  }
0x5c: {  	v1 =	vld [tilespmem:s1+$0x1130];
	_ =	sdelay $0x7  }
0x5d: {  	[tilespmem:v1+s16+$0x0] =	vst.idx.add.f32.msk $0xffff, v0  }
0x5e: {  	v1 =	vld [tilespmem:s1+$0x1140];
	_ =	sdelay $0x6  }
0x5f: {  	s0 =	sadd.s32 $0x600, s0  }
0x60: {  	p0 =	sne.s32 s0, $0x2A00;
	s4 =	sadd.s32 $0x1100, s1;
	[tilespmem:v1+s16+$0x0] =	vst.idx.add.f32.msk $0xffff, v0  }
0x61: {  	[spmem:s2] =	stream.indirect.scatter.add.f32 [tilespmem:s23], [sflag:$0x4], $0x80, s4, s18, $0xb8;
	v63 =	vld [tilespmem:$0x0]  }
.Ltmp0:
0x62: {  	_ = 	snop;
	(pc) =	sbr.rel @p0 .LBB2_3-.Ltmp0, $4  }
0x63: {  	_ =	swait.ge [sflag:s15], $0x2800  }
0x64: {  	[sflag:s15] =	ssyncset.done $0x0  }
0x65: {  	s1 =	sadd.s32 $0x280, s1;
	[sflag:s15] =	ssyncadd.s32 $0xFFFFD800  }
0x66: {  	[tilespmem:s23], [sflag:$0x3] =	stream.indirect.gather [hbm4b:s5+s18], $0x80, s1, s18, $0xb8;
	v63 =	vld [tilespmem:$0x0]  }
0x67: {  	_ =	swait.ge [sflag:s24], $0x2800  }
0x68: {  	[sflag:s24] =	ssyncset.done $0x0  }
0x69: {  	s0 =	sshra.s32 s0, $0x2;
	[sflag:s24] =	ssyncadd.s32 $0xFFFFD800  }
0x6a: {  	v1 =	vld [tilespmem:s0+$0x1000];
	_ =	sdelay $0x7  }
0x6b: {  	[tilespmem:v1+s16+$0x0] =	vst.idx.add.f32.msk $0xffff, v0  }
0x6c: {  	v1 =	vld [tilespmem:s0+$0x1010];
	_ =	sdelay $0x7  }
0x6d: {  	[tilespmem:v1+s16+$0x0] =	vst.idx.add.f32.msk $0xffff, v0  }
0x6e: {  	v1 =	vld [tilespmem:s0+$0x1020];
	_ =	sdelay $0x7  }
0x6f: {  	[tilespmem:v1+s16+$0x0] =	vst.idx.add.f32.msk $0xffff, v0  }
0x70: {  	v1 =	vld [tilespmem:s0+$0x1030];
	_ =	sdelay $0x7  }
0x71: {  	[tilespmem:v1+s16+$0x0] =	vst.idx.add.f32.msk $0xffff, v0  }
0x72: {  	v1 =	vld [tilespmem:s0+$0x1040];
	_ =	sdelay $0x7  }
0x73: {  	s1 =	sadd.s32 $0x1000, s0;
	[tilespmem:v1+s16+$0x0] =	vst.idx.add.f32.msk $0xffff, v0  }
0x74: {  	[spmem:s2] =	stream.indirect.scatter.add.f32 [tilespmem:s19], [sflag:$0x4], $0x80, s1, s18, $0xb8;
	v63 =	vld [tilespmem:$0x0]  }
0x75: {  	_ =	swait.ge [sflag:s15], $0x2800  }
0x76: {  	[sflag:s15] =	ssyncset.done $0x0  }
0x77: {  	s4 =	sadd.s32 $0x180, s0;
	[sflag:s15] =	ssyncadd.s32 $0xFFFFD800  }
0x78: {  	[tilespmem:s19], [sflag:$0x1] =	stream.indirect.gather [hbm4b:s5+s18], $0x80, s4, s18, $0xb8;
	v63 =	vld [tilespmem:$0x0]  }
0x79: {  	_ =	swait.ge [sflag:s25], $0x2800  }
0x7a: {  	[sflag:s25] =	ssyncset.done $0x0  }
0x7b: {  	[sflag:s25] =	ssyncadd.s32 $0xFFFFD800  }
0x7c: {  	v1 =	vld [tilespmem:s0+$0x1080];
	_ =	sdelay $0x7  }
0x7d: {  	[tilespmem:v1+s16+$0x0] =	vst.idx.add.f32.msk $0xffff, v0  }
0x7e: {  	v1 =	vld [tilespmem:s0+$0x1090];
	_ =	sdelay $0x7  }
0x7f: {  	[tilespmem:v1+s16+$0x0] =	vst.idx.add.f32.msk $0xffff, v0  }
0x80: {  	v1 =	vld [tilespmem:s0+$0x10A0];
	_ =	sdelay $0x7  }
0x81: {  	[tilespmem:v1+s16+$0x0] =	vst.idx.add.f32.msk $0xffff, v0  }
0x82: {  	v1 =	vld [tilespmem:s0+$0x10B0];
	_ =	sdelay $0x7  }
0x83: {  	[tilespmem:v1+s16+$0x0] =	vst.idx.add.f32.msk $0xffff, v0  }
0x84: {  	v1 =	vld [tilespmem:s0+$0x10C0];
	_ =	sdelay $0x7  }
0x85: {  	s4 =	sadd.s32 $0x1080, s0;
	[tilespmem:v1+s16+$0x0] =	vst.idx.add.f32.msk $0xffff, v0  }
0x86: {  	[spmem:s2] =	stream.indirect.scatter.add.f32 [tilespmem:s21], [sflag:$0x4], $0x80, s4, s18, $0xb8;
	v63 =	vld [tilespmem:$0x0]  }
0x87: {  	_ =	swait.ge [sflag:s15], $0x2800  }
0x88: {  	[sflag:s15] =	ssyncset.done $0x0  }
0x89: {  	[sflag:s15] =	ssyncadd.s32 $0xFFFFD800  }
0x8a: {  	_ =	swait.ge [sflag:s26], $0x2800  }
0x8b: {  	[sflag:s26] =	ssyncset.done $0x0  }
0x8c: {  	[sflag:s26] =	ssyncadd.s32 $0xFFFFD800  }
0x8d: {  	v1 =	vld [tilespmem:s0+$0x1100];
	_ =	sdelay $0x7  }
0x8e: {  	[tilespmem:v1+s16+$0x0] =	vst.idx.add.f32.msk $0xffff, v0  }
0x8f: {  	v1 =	vld [tilespmem:s0+$0x1110];
	_ =	sdelay $0x7  }
0x90: {  	[tilespmem:v1+s16+$0x0] =	vst.idx.add.f32.msk $0xffff, v0  }
0x91: {  	v1 =	vld [tilespmem:s0+$0x1120];
	_ =	sdelay $0x7  }
0x92: {  	[tilespmem:v1+s16+$0x0] =	vst.idx.add.f32.msk $0xffff, v0  }
0x93: {  	v1 =	vld [tilespmem:s0+$0x1130];
	_ =	sdelay $0x7  }
0x94: {  	[tilespmem:v1+s16+$0x0] =	vst.idx.add.f32.msk $0xffff, v0  }
0x95: {  	v1 =	vld [tilespmem:s0+$0x1140];
	_ =	sdelay $0x7  }
0x96: {  	s0 =	sadd.s32 $0x1100, s0;
	[tilespmem:v1+s16+$0x0] =	vst.idx.add.f32.msk $0xffff, v0  }
0x97: {  	[spmem:s2] =	stream.indirect.scatter.add.f32 [tilespmem:s23], [sflag:$0x4], $0x80, s0, s18, $0xb8;
	v63 =	vld [tilespmem:$0x0]  }
0x98: {  	_ =	swait.ge [sflag:s15], $0x2800  }
0x99: {  	[sflag:s15] =	ssyncset.done $0x0  }
0x9a: {  	[sflag:s15] =	ssyncadd.s32 $0xFFFFD800  }
0x9b: {  	_ =	swait.ge [sflag:s24], $0x2800  }
0x9c: {  	[sflag:s24] =	ssyncset.done $0x0  }
0x9d: {  	[sflag:s24] =	ssyncadd.s32 $0xFFFFD800  }
0x9e: {  	v1 =	vld [tilespmem:$0x1C00];
	_ =	sdelay $0x7  }
0x9f: {  	[tilespmem:v1+s16+$0x0] =	vst.idx.add.f32.msk $0xffff, v0  }
0xa0: {  	v1 =	vld [tilespmem:$0x1C10];
	_ =	sdelay $0x7  }
0xa1: {  	[tilespmem:v1+s16+$0x0] =	vst.idx.add.f32.msk $0xffff, v0  }
0xa2: {  	v1 =	vld [tilespmem:$0x1C20];
	_ =	sdelay $0x7  }
0xa3: {  	[tilespmem:v1+s16+$0x0] =	vst.idx.add.f32.msk $0xffff, v0  }
0xa4: {  	v1 =	vld [tilespmem:$0x1C30];
	_ =	sdelay $0x7  }
0xa5: {  	[tilespmem:v1+s16+$0x0] =	vst.idx.add.f32.msk $0xffff, v0  }
0xa6: {  	v1 =	vld [tilespmem:$0x1C40];
	_ =	sdelay $0x5  }
0xa7: {  	s31 =	sadd.s32 $0x1, s31  }
0xa8: {  	p0 =	sne.s32 s31, $0x5  }
.Ltmp1:
0xa9: {  	[tilespmem:v1+s16+$0x0] =	vst.idx.add.f32.msk $0xffff, v0;
	(pc) =	sbr.rel @p0 .LBB2_2-.Ltmp1, $4  }
0xaa: {  	[spmem:s2] =	stream.indirect.scatter.add.f32 [tilespmem:s19], [sflag:$0x4], $0x80, s28, s18, $0xb8;
	v63 =	vld [tilespmem:$0x0]  }
0xab: {  	_ =	swait.ge [sflag:s15], $0x2800  }
0xac: {  	[sflag:s15] =	ssyncset.done $0x0  }
0xad: {  	[sflag:s15] =	ssyncadd.s32 $0xFFFFD800  }
0xae: {  	[bflag:$0x0] =	sbarrier.arrive $0xFFFF  }
0xaf: {  	[hbm:s11], [sflag:s9] =	dma.local [spmem:s14], $0x2800  }
0xb0: {  	s30 =	sadd.s32 $0x1, s30;
	_ =	swait.ge [sflag:s15], $0x2800  }
0xb1: {  	p0 =	sne.s32 s30, s13;
	[sflag:s15] =	ssyncset.done $0x0  }
.Ltmp2:
0xb2: {  	[sflag:s15] =	ssyncadd.s32 $0xFFFFD800;
	(pc) =	sbr.rel @p0 .LBB2_1-.Ltmp2, $4  }
0xb3: {  	[hbm4b:s12+s20] =	stream.strided.scatter [tilespmem:s16], [sflag:$0x4], $0x2800, s29, s20, $0x38;
	v63 =	vld [tilespmem:$0x0]  }
0xb4: {  	_ =	swait.ge [sflag:s15], $0x2800  }
0xb5: {  	[sflag:s15] =	ssyncset.done $0x0  }
0xb6: {  	[sflag:s15] =	ssyncadd.s32 $0xFFFFD800  }
0xb7: {  	_ =	sfence.sel $0x180000  }
0xb8: {  	[bflag:$0x0] =	sbarrier.arrive $0xFFFF  }
0xb9: {  	_ =	strace $0x9000004A  }
0xba: {  	s0 =	stileid.u32;
	[bflag:$0x2] =	sbarrier.arrive $0xFFFF  }
0xbb: {  	p0 =	sne.s32 s0, $0x0;
	s0 =	rddreg [dreg:$0x3]  }
0xbc: {  	s0 =	sadd.s32 @!p0 $0x100000, s0  }
0xbd: {  	[sflag:s0] =	ssyncadd.tile.s32 @!p0 $0x1;
	_ =	shalt  }
.Lfunc_end2:
_tile_overlayer_lowered:
.L_overlay_start_2:
0xbe: {  	(tag) =	ssettag $0x2  }
0xbf: {  	s0 =	rddreg [dreg:$0x0];
	s2 =	stileid.u32  }
0xc0: {  	s1 =	rddreg [dreg:$0x1];
	p0 =	sne.s32 s2, $0x0  }
0xc1: {  	s3 =	rddreg [dreg:$0x2];
	[bflag:$0x3] =	sbarrier.arrive $0xFFFF;
	s2 =	simm.s32 @!p0 $0x1C04  }
0xc2: {  	[timem:s3], [sflag:s2] =	dma.local @!p0 [hbm:s0], s1  }
0xc3: {  	s0 =	simm.s32 @!p0 $0x4  }
0xc4: {  	_ =	swait.ge @!p0 [sflag:s0], s1  }
0xc5: {  	s1 =	ssub.s32 @!p0 $0x0, s1;
	[sflag:s0] =	ssyncset.done @!p0 $0x0  }
0xc6: {  	[sflag:s0] =	ssyncadd.s32 @!p0 s1  }
0xc7: {  	[bflag:$0x3] =	sbarrier.arrive $0xFFFF  }
0xc8: {  	_ =	shalt  }

// kernel: kernel.14.cloned.1.call-start
scs
__scs_entry_jumppad:
0x0: {  	(pc) =	sbr.rel $0x88, $3  }
0x1: {  	(tag) =	ssettag $0x0;
	lr =	simm.s32 $0x1  }
0x2: {  	[smem:$0x3F90] =	sst lr;
	_ =	strace $0xD0000000  }
0x3: {  	_ = 	snop  }
0x4: {  	_ = 	snop  }
0x5: {  	_ = 	snop  }
0x6: {  	_ = 	snop  }
0x7: {  	_ = 	snop  }
__scs_overlays_trampoline_lowered:
0x8: {  	[smem:$0x3F9F] =	sst s0  }
0x9: {  	[smem:$0x3FA0] =	sst s1  }
0xa: {  	[smem:$0x3FA1] =	sst s2  }
0xb: {  	[smem:$0x3FA2] =	sst s3  }
0xc: {  	[smem:$0x3FA3] =	sst s4  }
0xd: {  	[smem:$0x3FA4] =	sst s5  }
0xe: {  	[smem:$0x3FA5] =	sst s6  }
0xf: {  	[smem:$0x3FA6] =	sst s7  }
0x10: {  	[smem:$0x3FA7] =	sst s8  }
0x11: {  	[smem:$0x3FA8] =	sst s9;
	s0 =	simm.s32 @!p0 $0x0  }
0x12: {  	s1 =	sld [smem:$0x3F8E];
	s0 =	simm.s32 @p0 $0x1  }
0x13: {  	[smem:$0x3FA9] =	sst s0;
	s0 =	simm.s32 @!p1 $0x0  }
0x14: {  	s2 =	sld [smem:$0x3F8D];
	s0 =	simm.s32 @p1 $0x1  }
0x15: {  	[smem:$0x3FAA] =	sst s0;
	s0 =	simm.s32 @!p2 $0x0  }
0x16: {  	s3 =	sld [smem:$0x3FDB];
	s0 =	simm.s32 @p2 $0x1  }
0x17: {  	s4 =	simm.s32 $0x1BF5;
	[smem:$0x3FAC] =	sst s0  }
0x18: {  	s0 =	sld [smem:$0x3F8F];
	_ =	swait.ge [sflag:s4], $0x0  }
0x19: {  	s7 =	sld [smem:$0x3F90]  }
0x1a: {  	s8 =	sadd.s32 $0xFFFFE003, lr  }
0x1b: {  	s9 =	sadd.s32 $0xFFFFFEF7, lr;
	s5 =	simm.s32 $0xFFFFFFFF;
	p2 =	slt.u32 s8, $0xFFFFF086  }
0x1c: {  	p1 =	slt.u32 s9, $0xF7A;
	s5 =	simm.s32 @!p2 $0x0  }
0x1d: {  	s5 =	simm.s32 @p1 $0x1;
	p0 =	seq.s32 s7, s2  }
0x1e: {  	s7 =	smul.u32 @!p0 $0xF7A, s2;
	p2 =	seq.s32 @!p0 s5, $0x0  }
0x1f: {  	s9 =	smul.u32 $0xF7A, s1;
	s8 =	simm.s32 @!p0 $0x1BF5;
	p2 =	por !p2, p0  }
0x20: {  	[sflag:s8] =	ssyncset.s32 @!p0 $0xFFFFF086;
	s6 =	sadd.s32 @!p0 s3, s7;
	s7 =	simm.s32 @!p0 $0x108  }
0x21: {  	s3 =	sadd.s32 s3, s9;
	s6 =	sadd.s32 @!p0 $0x88, s6;
	s7 =	simm.s32 @p2 $0x1082  }
0x22: {  	[simem:s7], [sflag:s8] =	dma.local @!p0 [hbm:s6], $0xF7A  }
0x23: {  	s9 =	sor.u32 $0xD0000000, s2;
	s6 =	simm.s32 $0x108;
	_ =	swait.ge @!p0 [sflag:s8], $0x0  }
0x24: {  	s3 =	sadd.s32 $0x88, s3;
	s6 =	simm.s32 @!p1 $0x1082;
	[sflag:s4] =	ssyncset.s32 $0xFFFFF086  }
0x25: {  	[simem:s6], [sflag:s4] =	dma.local [hbm:s3], $0xF7A  }
0x26: {  	[smem:$0x3F90] =	sst s1;
	(tag) =	ssettag s2;
	_ =	strace s9  }
0x27: {  	s1 =	sld [smem:$0x3FA0]  }
0x28: {  	s2 =	sld [smem:$0x3FA1]  }
0x29: {  	s4 =	sld [smem:$0x3FA3]  }
0x2a: {  	p0 =	seq.s32 s5, $0x0;
	s5 =	sld [smem:$0x3FA4]  }
0x2b: {  	s6 =	sld [smem:$0x3FA5]  }
0x2c: {  	s7 =	sld [smem:$0x3FA6]  }
0x2d: {  	s3 =	simm.s32 $0x108;
	s8 =	sld [smem:$0x3FA7]  }
0x2e: {  	s3 =	simm.s32 @!p0 $0x1082;
	s9 =	sld [smem:$0x3FA8]  }
0x2f: {  	lr =	sadd.s32 s0, s3;
	s0 =	sld [smem:$0x3F9F]  }
0x30: {  	s3 =	sld [smem:$0x3FA2]  }
0x31: {  	[smem:$0x3FAB] =	sst s10  }
0x32: {  	s10 =	sld [smem:$0x3FA9];
	_ =	sdelay $0x3  }
0x33: {  	p0 =	seq.s32 s10, $0x1;
	s10 =	sld [smem:$0x3FAB];
	_ =	sdelay $0x3  }
0x34: {  	[smem:$0x3FAB] =	sst s10  }
0x35: {  	s10 =	sld [smem:$0x3FAA];
	_ =	sdelay $0x3  }
0x36: {  	p1 =	seq.s32 s10, $0x1;
	s10 =	sld [smem:$0x3FAB];
	_ =	sdelay $0x3  }
0x37: {  	[smem:$0x3FAB] =	sst s10  }
0x38: {  	s10 =	sld [smem:$0x3FAC]  }
0x39: {  	_ = 	snop;
	(pc) =	sbr.ind lr, $3  }
0x3a: {  	_ = 	snop  }
0x3b: {  	_ = 	snop  }
0x3c: {  	p2 =	seq.s32 s10, $0x1;
	s10 =	sld [smem:$0x3FAB]  }
0x3d: {  	_ =	shalt  }
0x3e: {  	_ =	shalt  }
0x3f: {  	_ =	shalt  }
0x40: {  	_ =	shalt  }
0x41: {  	_ =	shalt  }
0x42: {  	_ =	shalt  }
0x43: {  	_ =	shalt  }
0x44: {  	_ =	shalt  }
0x45: {  	_ =	shalt  }
0x46: {  	_ =	shalt  }
0x47: {  	_ =	shalt  }
0x48: {  	_ =	shalt  }
0x49: {  	_ =	shalt  }
0x4a: {  	_ =	shalt  }
0x4b: {  	_ =	shalt  }
0x4c: {  	_ =	shalt  }
0x4d: {  	_ =	shalt  }
0x4e: {  	_ =	shalt  }
0x4f: {  	_ =	shalt  }
0x50: {  	_ =	shalt  }
0x51: {  	_ =	shalt  }
0x52: {  	_ =	shalt  }
0x53: {  	_ =	shalt  }
0x54: {  	_ =	shalt  }
0x55: {  	_ =	shalt  }
0x56: {  	_ =	shalt  }
0x57: {  	_ =	shalt  }
0x58: {  	_ =	shalt  }
0x59: {  	_ =	shalt  }
0x5a: {  	_ =	shalt  }
0x5b: {  	_ =	shalt  }
0x5c: {  	_ =	shalt  }
0x5d: {  	_ =	shalt  }
0x5e: {  	_ =	shalt  }
0x5f: {  	_ =	shalt  }
0x60: {  	_ =	shalt  }
0x61: {  	_ =	shalt  }
0x62: {  	_ =	shalt  }
0x63: {  	_ =	shalt  }
0x64: {  	_ =	shalt  }
0x65: {  	_ =	shalt  }
0x66: {  	_ =	shalt  }
0x67: {  	_ =	shalt  }
0x68: {  	_ =	shalt  }
0x69: {  	_ =	shalt  }
0x6a: {  	_ =	shalt  }
0x6b: {  	_ =	shalt  }
0x6c: {  	_ =	shalt  }
0x6d: {  	_ =	shalt  }
0x6e: {  	_ =	shalt  }
0x6f: {  	_ =	shalt  }
0x70: {  	_ =	shalt  }
0x71: {  	_ =	shalt  }
0x72: {  	_ =	shalt  }
0x73: {  	_ =	shalt  }
0x74: {  	_ =	shalt  }
0x75: {  	_ =	shalt  }
0x76: {  	_ =	shalt  }
0x77: {  	_ =	shalt  }
0x78: {  	_ =	shalt  }
0x79: {  	_ =	shalt  }
0x7a: {  	_ =	shalt  }
0x7b: {  	_ =	shalt  }
0x7c: {  	_ =	shalt  }
0x7d: {  	_ =	shalt  }
0x7e: {  	_ =	shalt  }
0x7f: {  	_ =	shalt  }
0x80: {  	_ =	shalt  }
0x81: {  	_ =	shalt  }
0x82: {  	_ =	shalt  }
0x83: {  	_ =	shalt  }
0x84: {  	_ =	shalt  }
0x85: {  	_ =	shalt  }
0x86: {  	_ =	shalt  }
0x87: {  	_ =	shalt  }
.Lfunc_end0:
.L_simem_size_0:
called_computation.2_lowered:
.L_overlay_start_0:
0x88: {  	s2 =	sld [smem:$0x3FD9]  }
0x89: {  	s3 =	sld [smem:$0x3FFE];
	_ =	sdelay $0x1  }
0x8a: {  	s1 =	srdreg.scid  }
0x8b: {  	s0 =	sand.u32 $0x1, s1  }
0x8c: {  	s16 =	sshll.u32 s0, $0xA;
	s2 =	sadd.s32 s3, s2  }
0x8d: {  	s2 =	sadd.s32 s2, s16  }
0x8e: {  	[smem:$0x3FB7] =	sst s2  }
0x8f: {  	_ = 	snop  }
0x90: {  	(tm) =	ssettm $0x1  }
0x91: {  	s17 =	sld [smem:$0x3FFB];
	_ =	sdelay $0x3  }
0x92: {  	_ =	strace s17  }
0x93: {  	s2 =	sld [smem:$0x3FFC];
	_ =	sdelay $0x3  }
0x94: {  	_ =	strace s2  }
0x95: {  	s2 =	sld [smem:$0x3FFD];
	_ =	sdelay $0x3  }
0x96: {  	_ =	strace s2  }
0x97: {  	_ =	strace $0x8FFFFFFF  }
0x98: {  	s18 =	sld [smem:$0x3FDB];
	_ =	sdelay $0x1  }
0x99: {  	s19 =	simm.s32 $_scs_section_size  }
0x9a: {  	s4 =	simm.s32 $_size__tile_overlayer_lowered;
	s5 =	simm.s32 $_tile_overlayer_lowered  }
0x9b: {  	s22 =	simm.s32 $0x1BFF;
	s21 =	sshll.u32 s5, $0x1;
	s2 =	sadd.s32 s19, s18  }
0x9c: {  	s6 =	simm.s32 $0x0;
	s20 =	sshll.u32 s4, $0x1;
	s4 =	sadd.s32 s21, s2  }
0x9d: {  	[timem:s6], [sflag:s22] =	dma.local [hbm:s4], s20  }
0x9e: {  	_ =	swait.ge [sflag:s22], s20  }
0x9f: {  	s3 =	ssub.s32 $0x0, s20;
	[sflag:s22] =	ssyncset.done $0x0  }
0xa0: {  	[sflag:s22] =	ssyncadd.s32 s3;
	_ =	sdelay $0x1  }
0xa1: {  	s23 =	simm.s32 $0x1B8B  }
0xa2: {  	_ =	swait.ge [sflag:s23], $0x1  }
0xa3: {  	[sflag:s23] =	ssyncset.done $0x0  }
0xa4: {  	s25 =	simm.s32 $0x1B8E;
	s24 =	sld [smem:$0x3FFE];
	[sflag:s23] =	ssyncadd.s32 $0xFFFFFFFF  }
0xa5: {  	s26 =	simm.s32 $execute0_lowered;
	[smem:$0x3FD2] =	sst s25  }
0xa6: {  	s4 =	sshll.u32 s26, $0x1;
	_ =	strace $0x8000004C;
	[dreg:$0x1] =	wrdreg $0xFFFFFFFF  }
0xa7: {  	s28 =	simm.s32 $_size_execute0_lowered;
	s2 =	sadd.s32 s2, s4;
	[dreg:$0x0] =	wrdreg $0x0  }
0xa8: {  	s4 =	sshll.u32 s28, $0x1;
	[dreg:$0x2] =	wrdreg s2  }
0xa9: {  	[dreg:$0x3] =	wrdreg s4  }
0xaa: {  	[dreg:$0x4] =	wrdreg $0xC0  }
0xab: {  	_ =	task [dreg:s6], $0x5FFFF  }
0xac: {  	[dreg:$0x1] =	wrdreg $0xFFFFFFFF  }
0xad: {  	[dreg:$0x0] =	wrdreg $0x60  }
0xae: {  	[dreg:$0x2] =	wrdreg s24  }
0xaf: {  	[dreg:$0x3] =	wrdreg $0x9  }
0xb0: {  	_ =	task.clear_ibuf [dreg:s6], $0x4FFFF;
	_ =	strace $0x9000004C  }
0xb1: {  	s29 =	simm.s32 $0x9;
	_ =	strace $0x8000004E  }
0xb2: {  	_ =	swait.ge [sflag:s29], $0x1  }
0xb3: {  	[sflag:s29] =	ssyncadd.s32 $0xFFFFFFFF  }
0xb4: {  	_ =	strace $0x9000004E  }
0xb5: {  	_ =	sfence  }
0xb6: {  	s30 =	sld [smem:$0x0];
	_ =	sdelay $0x2  }
0xb7: {  	s31 =	sshll.u32 s1, $0xD;
	s1 =	sshrl.u32 s1, $0x2  }
0xb8: {  	s3 =	sand.u32 $0x4000, s31;
	s1 =	sadd.s32 s1, s30  }
0xb9: {  	s0 =	sor.u32 s3, s0;
	s1 =	sshll.u32 s1, $0x11  }
0xba: {  	s0 =	sor.u32 s1, s0  }
0xbb: {  	s0 =	sadd.s32 $0x8F2B, s0  }
0xbc: {  	[sflag:s0] =	ssyncadd.remote.s32 $0x1  }
0xbd: {  	_ =	sfence.sel $0xFFFF  }
0xbe: {  	[dreg:$0x0] =	wrdreg $0xFFFFFFFF;
	(pc) =	sbr.abs _section_cstart, $3  }
0xbf: {  	[dreg:$0x1] =	wrdreg $0xFFFFFFFF  }
0xc0: {  	_ =	task.clear_ibuf [dreg:s6], $0x2FFFF;
	_ =	strace $0x9FFFFFFF  }
0xc1: {  	(tm) =	ssettm $0x7FFFFFFF  }
tec
execute0_lowered:
.L_overlay_start_1:
0x0: {  	(tag) =	ssettag $0x1  }
0x1: {  	s1 =	srdreg.scid  }
0x2: {  	s0 =	rddreg [dreg:$0x0];
	s3 =	sand.u32 $0x1, s1  }
0x3: {  	s2 =	simm.s32 $0x0;
	s4 =	stileid.u32;
	s1 =	sshll.u32 s3, $0x4  }
0x4: {  	[smem:$0x7FF] =	sst s2;
	s6 =	sadd.s32 $0xB2E00, s0;
	s1 =	sor.u32 s4, s1  }
0x5: {  	_ =	strace $0x8000004D;
	s4 =	sshll.u32 s1, $0x7;
	s8 =	smul.u32 $0x2800, s1  }
0x6: {  	s9 =	sshll.u32 s1, $0x3;
	s31 =	smul.u32 $0x14000, s1;
	p5 =	seq.s32 s1, $0x1F  }
0x7: {  	s7 =	sadd.s32 s4, s0;
	s4 =	sadd.s32 $0x14F200, s0;
	s11 =	sor.u32 $0x1, s9  }
0x8: {  	s13 =	sor.u32 $0x2, s9;
	s5 =	sadd.s32 $0xAFE00, s7;
	s14 =	sadd.s32 $0xAEE00, s7  }
0x9: {  	s15 =	sadd.s32 s6, s8;
	s10 =	smul.u32 $0x500, s11;
	[dreg:$0x2] =	wrdreg s5  }
0xa: {  	s16 =	sadd.s32 s4, s8;
	s18 =	smul.u32 $0x500, s13;
	[dreg:$0x3] =	wrdreg s14  }
0xb: {  	s8 =	sor.u32 $0x4, s9;
	s11 =	smul.u32 $0x2800, s11;
	[dreg:$0x4] =	wrdreg s15  }
0xc: {  	[dreg:$0x5] =	wrdreg s16;
	s5 =	sor.u32 $0x3, s9;
	s17 =	sadd.s32 s6, s10  }
0xd: {  	s14 =	smul.u32 $0x500, s8;
	s10 =	sadd.s32 s4, s10;
	[dreg:$0x6] =	wrdreg s17  }
0xe: {  	p3 =	sgt.u32 s8, $0xF9;
	s19 =	sadd.s32 s6, s18;
	[dreg:$0x7] =	wrdreg s10  }
0xf: {  	s12 =	smul.u32 $0x500, s5;
	s20 =	sadd.s32 s4, s18;
	[dreg:$0x8] =	wrdreg s19  }
0x10: {  	s11 =	sshrl.u32 s11, $0x3;
	p4 =	sgt.u32 s5, $0xF9;
	[dreg:$0x9] =	wrdreg s20  }
0x11: {  	s10 =	sor.u32 $0x5, s9;
	s22 =	sadd.s32 s6, s14;
	s14 =	sadd.s32 s4, s14  }
0x12: {  	s20 =	sadd.s32 $0x4E200, s11;
	s15 =	smul.u32 $0x500, s10;
	[dreg:$0xc] =	wrdreg s22  }
0x13: {  	s21 =	sadd.s32 s6, s12;
	[dreg:$0xd] =	wrdreg s14;
	s14 =	sshllo.u32 s1, $0x3  }
0x14: {  	s12 =	sadd.s32 s4, s12;
	s22 =	smul.u32 $0x2800, s13;
	[dreg:$0xa] =	wrdreg s21  }
0x15: {  	s1 =	simm.s32 $0x50;
	p2 =	sgt.u32 s10, $0xF9;
	[dreg:$0xb] =	wrdreg s12  }
0x16: {  	s12 =	sor.u32 $0x6, s9;
	s26 =	smul.u32 $0x500, s14;
	s21 =	sadd.s32 s6, s20  }
0x17: {  	p0 =	sgt.u32 s14, $0xF9;
	s23 =	sadd.s32 s6, s15;
	[dreg:$0x18] =	wrdreg s21  }
0x18: {  	s16 =	smul.u32 $0x500, s12;
	s24 =	sadd.s32 s4, s15;
	[dreg:$0xe] =	wrdreg s23  }
0x19: {  	s15 =	sshrl.u32 s31, $0x3;
	[dreg:$0xf] =	wrdreg s24;
	s29 =	sadd.s32 s6, s26  }
0x1a: {  	s21 =	smul.u32 $0x2800, s14;
	s30 =	sadd.s32 s4, s26;
	[dreg:$0x12] =	wrdreg s29  }
0x1b: {  	p1 =	sgt.u32 s12, $0xF9;
	s23 =	sadd.s32 s4, s20;
	[dreg:$0x13] =	wrdreg s30  }
0x1c: {  	s17 =	sadd.s32 $0x4E200, s15;
	s25 =	sadd.s32 s6, s16;
	[dreg:$0x19] =	wrdreg s23  }
0x1d: {  	s24 =	sshrl.u32 s22, $0x3;
	s28 =	sadd.s32 s4, s16;
	[dreg:$0x10] =	wrdreg s25  }
0x1e: {  	s16 =	sadd.s32 $0xB0E00, s7;
	s7 =	sadd.s32 $0xB1E00, s7;
	[dreg:$0x11] =	wrdreg s28  }
0x1f: {  	s18 =	sadd.s32 s6, s17;
	s19 =	sadd.s32 s4, s17;
	[dreg:$0x14] =	wrdreg s16  }
0x20: {  	s26 =	sadd.s32 $0x4E200, s24;
	[dreg:$0x15] =	wrdreg s7;
	s25 =	smul.u32 $0x2800, s5  }
0x21: {  	s24 =	sshrl.u32 s21, $0x3;
	[dreg:$0x16] =	wrdreg s18;
	s28 =	smul.u32 $0x2800, s8  }
0x22: {  	s21 =	simm.s32 $0x480;
	[dreg:$0x17] =	wrdreg s19;
	s16 =	smul.u32 $0x2800, s10  }
0x23: {  	s9 =	sadd.s32 s6, s26;
	s7 =	sadd.s32 s4, s26;
	s19 =	smul.u32 $0x2800, s12  }
0x24: {  	s26 =	sadd.s32 $0x4E200, s24;
	s5 =	simm.s32 $0x4;
	[dreg:$0x1a] =	wrdreg s9  }
0x25: {  	[dreg:$0x1b] =	wrdreg s7;
	s11 =	sshrl.u32 s25, $0x3;
	s31 =	sshrl.u32 s28, $0x3  }
0x26: {  	s18 =	sshrl.u32 s16, $0x3;
	s28 =	ssub.s32 $0x2, s3;
	s3 =	sadd.s32 $0x2600, s0  }
0x27: {  	s16 =	simm.s32 $0x400;
	s29 =	sadd.s32 $0x4E200, s11;
	s13 =	sadd.s32 $0x4E200, s31  }
0x28: {  	s20 =	sadd.s32 $0x4E200, s18;
	s11 =	sshrl.u32 s19, $0x3;
	s18 =	simm.s32 $0x80  }
0x29: {  	s19 =	rddreg [dreg:$0x2];
	s30 =	sadd.s32 s6, s29;
	s9 =	sadd.s32 s4, s29  }
0x2a: {  	s15 =	sadd.s32 s6, s13;
	s17 =	sadd.s32 s4, s13;
	s7 =	sadd.s32 s4, s20  }
0x2b: {  	s22 =	sadd.s32 $0x4E200, s11;
	[dreg:$0x1c] =	wrdreg s30;
	s30 =	sshrl.u32 s28, $0x1  }
0x2c: {  	s29 =	sadd.s32 s6, s26;
	[dreg:$0x1d] =	wrdreg s9;
	s31 =	ssub.s32 s28, s30  }
0x2d: {  	s13 =	simm.s32 $0x2;
	[dreg:$0x1e] =	wrdreg s15;
	s0 =	smax.u32 s31, $0x1  }
0x2e: {  	[dreg:$0x1f] =	wrdreg s17;
	s9 =	sadd.s32 s6, s20;
	s0 =	sadd.s32 $0xFFFFFFFF, s0  }
0x2f: {  	[smem:$0x7F9] =	sst s7;
	s23 =	sadd.s32 s6, s22;
	p6 =	sne.s32 s0, $0x0  }
.Ltmp0:
0x30: {  	s25 =	sadd.s32 s4, s22;
	[smem:$0x7FC] =	sst s29;
	(pc) =	sbr.rel @!p6 .LBB2_1-.Ltmp0, $4  }
0x31: {  	s4 =	sadd.s32 s4, s26;
	s15 =	simm.s32 $0x800;
	[smem:$0x7F8] =	sst s9  }
0x32: {  	s7 =	simm.s32 $0x3000;
	s6 =	simm.s32 $0x8000;
	[smem:$0x7FA] =	sst s23  }
0x33: {  	s20 =	simm.s32 $0x1;
	s17 =	simm.s32 $0x3;
	[smem:$0x7FB] =	sst s25  }
0x34: {  	[smem:$0x7FD] =	sst s4;
	s4 =	simm.s32 $0x5;
	s9 =	simm.s32 $0x5800  }
0x35: {  	[tilespmem:s2], [sflag:$0x5] =	stream.linear.gather [hbm4b:s19+s2], $0x400, $0x38;
	[tilespmem:$0xA800] =	vst v63  }
0x36: {  	_ =	swait.ge [sflag:s4], $0x400  }
0x37: {  	[smem:$0x7F5] =	sst s0;
	[sflag:s4] =	ssyncset.done $0x0  }
0x38: {  	s28 =	rddreg [dreg:$0x3];
	[sflag:s4] =	ssyncadd.s32 $0xFFFFFC00  }
0x39: {  	[tilespmem:s16], [sflag:$0x5] =	stream.linear.gather [hbm4b:s28+s2], $0x400, $0x38;
	[tilespmem:$0xA800] =	vst v63  }
0x3a: {  	_ =	swait.ge [sflag:s4], $0x400  }
0x3b: {  	[sflag:s4] =	ssyncset.done $0x0  }
0x3c: {  	[sflag:s4] =	ssyncadd.s32 $0xFFFFFC00  }
0x3d: {  	[tilespmem:s15], [sflag:$0x1] =	stream.indirect.gather [hbm4b:s3+s1], $0x80, s2, s1, $0xb8;
	[tilespmem:$0xA800] =	vst v63  }
0x3e: {  	_ = 	snop  }
0x3f: {  	[tilespmem:s9], [sflag:$0x3] =	stream.indirect.gather [hbm4b:s3+s1], $0x80, s16, s1, $0xb8;
	[tilespmem:$0xA800] =	vst v63  }
0x40: {  	_ = 	snop  }
0x41: {  	[tilespmem:s7], [sflag:$0x2] =	stream.indirect.gather [hbm4b:s3+s1], $0x80, s18, s1, $0xb8;
	[tilespmem:$0xA800] =	vst v63  }
0x42: {  	_ = 	snop  }
0x43: {  	[tilespmem:s6], [sflag:$0x4] =	stream.indirect.gather [hbm4b:s3+s1], $0x80, s21, s1, $0xb8;
	[tilespmem:$0xA800] =	vst v63  }
0x44: {  	_ =	swait.ge [sflag:s20], $0x2800  }
0x45: {  	[sflag:s20] =	ssyncset.done $0x0  }
0x46: {  	[sflag:s20] =	ssyncadd.s32 $0xFFFFD800  }
0x47: {  	_ =	swait.ge [sflag:s17], $0x2800  }
0x48: {  	[sflag:s17] =	ssyncset.done $0x0  }
0x49: {  	s29 =	rddreg [dreg:$0x4];
	[sflag:s17] =	ssyncadd.s32 $0xFFFFD800  }
0x4a: {  	[hbm4b:s29+s2] =	stream.linear.scatter [tilespmem:s15], [sflag:$0x5], $0x2800, $0x38;
	[tilespmem:$0xA800] =	vst v63  }
0x4b: {  	_ =	swait.ge [sflag:s4], $0x2800  }
0x4c: {  	[sflag:s4] =	ssyncset.done $0x0  }
0x4d: {  	s30 =	rddreg [dreg:$0x5];
	[sflag:s4] =	ssyncadd.s32 $0xFFFFD800  }
0x4e: {  	[hbm4b:s30+s2] =	stream.linear.scatter [tilespmem:s9], [sflag:$0x5], $0x2800, $0x38;
	[tilespmem:$0xA800] =	vst v63  }
0x4f: {  	_ =	swait.ge [sflag:s4], $0x2800  }
0x50: {  	s8 =	simm.s32 @!p5 $0x100;
	[sflag:s4] =	ssyncset.done $0x0  }
0x51: {  	s0 =	simm.s32 @!p5 $0x800;
	s1 =	simm.s32 @!p5 $0x50;
	[sflag:s4] =	ssyncadd.s32 $0xFFFFD800  }
0x52: {  	[tilespmem:s0], [sflag:$0x1] =	stream.indirect.gather @!p5 [hbm4b:s3+s1], $0x80, s8, s1, $0xb8;
	[tilespmem:$0xA800] =	vst v63  }
0x53: {  	s9 =	simm.s32 @!p5 $0x500;
	s0 =	simm.s32 @!p5 $0x5800  }
0x54: {  	[tilespmem:s0], [sflag:$0x3] =	stream.indirect.gather @!p5 [hbm4b:s3+s1], $0x80, s9, s1, $0xb8;
	[tilespmem:$0xA800] =	vst v63  }
0x55: {  	_ =	swait.ge [sflag:s13], $0x2800  }
0x56: {  	[sflag:s13] =	ssyncset.done $0x0  }
0x57: {  	[sflag:s13] =	ssyncadd.s32 $0xFFFFD800  }
0x58: {  	_ =	swait.ge [sflag:s5], $0x2800  }
0x59: {  	[sflag:s5] =	ssyncset.done $0x0  }
0x5a: {  	s31 =	rddreg [dreg:$0x6];
	[sflag:s5] =	ssyncadd.s32 $0xFFFFD800  }
0x5b: {  	[hbm4b:s31+s2] =	stream.linear.scatter [tilespmem:s7], [sflag:$0x5], $0x2800, $0x38;
	[tilespmem:$0xA800] =	vst v63  }
0x5c: {  	_ =	swait.ge [sflag:s4], $0x2800  }
0x5d: {  	[sflag:s4] =	ssyncset.done $0x0  }
0x5e: {  	s5 =	rddreg [dreg:$0x7];
	[sflag:s4] =	ssyncadd.s32 $0xFFFFD800  }
0x5f: {  	[hbm4b:s5+s2] =	stream.linear.scatter [tilespmem:s6], [sflag:$0x5], $0x2800, $0x38;
	[tilespmem:$0xA800] =	vst v63  }
0x60: {  	_ =	swait.ge [sflag:s4], $0x2800  }
0x61: {  	s0 =	simm.s32 @!p4 $0x3000;
	[sflag:s4] =	ssyncset.done $0x0  }
0x62: {  	s2 =	simm.s32 @!p4 $0x50;
	s5 =	simm.s32 @!p4 $0x180;
	[sflag:s4] =	ssyncadd.s32 $0xFFFFD800  }
0x63: {  	[tilespmem:s0], [sflag:$0x2] =	stream.indirect.gather @!p4 [hbm4b:s3+s2], $0x80, s5, s2, $0xb8;
	[tilespmem:$0xA800] =	vst v63  }
0x64: {  	s7 =	simm.s32 @!p4 $0x580;
	s6 =	simm.s32 @!p5 $0x1;
	s0 =	simm.s32 @!p4 $0x8000  }
0x65: {  	[tilespmem:s0], [sflag:$0x4] =	stream.indirect.gather @!p4 [hbm4b:s3+s2], $0x80, s7, s2, $0xb8;
	[tilespmem:$0xA800] =	vst v63  }
0x66: {  	_ =	swait.ge @!p5 [sflag:s6], $0x2800  }
0x67: {  	[sflag:s6] =	ssyncset.done @!p5 $0x0  }
0x68: {  	[sflag:s6] =	ssyncadd.s32 @!p5 $0xFFFFD800;
	s6 =	simm.s32 @!p5 $0x3  }
0x69: {  	_ =	swait.ge @!p5 [sflag:s6], $0x2800  }
0x6a: {  	s14 =	simm.s32 @!p5 $0x5;
	s8 =	simm.s32 @!p5 $0x800;
	[sflag:s6] =	ssyncset.done @!p5 $0x0  }
0x6b: {  	s0 =	rddreg [dreg:$0x8];
	[sflag:s6] =	ssyncadd.s32 @!p5 $0xFFFFD800;
	s6 =	simm.s32 @!p5 $0x0  }
0x6c: {  	[hbm4b:s0+s6] =	stream.linear.scatter @!p5 [tilespmem:s8], [sflag:$0x5], $0x2800, $0x38;
	[tilespmem:$0xA800] =	vst v63  }
0x6d: {  	_ =	swait.ge @!p5 [sflag:s14], $0x2800  }
0x6e: {  	[sflag:s14] =	ssyncset.done @!p5 $0x0  }
0x6f: {  	s1 =	simm.s32 @!p5 $0x5800;
	s0 =	rddreg [dreg:$0x9];
	[sflag:s14] =	ssyncadd.s32 @!p5 $0xFFFFD800  }
0x70: {  	[hbm4b:s0+s6] =	stream.linear.scatter @!p5 [tilespmem:s1], [sflag:$0x5], $0x2800, $0x38;
	[tilespmem:$0xA800] =	vst v63  }
0x71: {  	_ =	swait.ge @!p5 [sflag:s14], $0x2800  }
0x72: {  	s0 =	simm.s32 @!p3 $0x800;
	[sflag:s14] =	ssyncset.done @!p5 $0x0  }
0x73: {  	s1 =	simm.s32 @!p3 $0x50;
	s6 =	simm.s32 @!p3 $0x200;
	[sflag:s14] =	ssyncadd.s32 @!p5 $0xFFFFD800  }
0x74: {  	[tilespmem:s0], [sflag:$0x1] =	stream.indirect.gather @!p3 [hbm4b:s3+s1], $0x80, s6, s1, $0xb8;
	[tilespmem:$0xA800] =	vst v63  }
0x75: {  	s7 =	simm.s32 @!p4 $0x2;
	s8 =	simm.s32 @!p3 $0x600;
	s0 =	simm.s32 @!p3 $0x5800  }
0x76: {  	[tilespmem:s0], [sflag:$0x3] =	stream.indirect.gather @!p3 [hbm4b:s3+s1], $0x80, s8, s1, $0xb8;
	[tilespmem:$0xA800] =	vst v63  }
0x77: {  	_ =	swait.ge @!p4 [sflag:s7], $0x2800  }
0x78: {  	[sflag:s7] =	ssyncset.done @!p4 $0x0  }
0x79: {  	[sflag:s7] =	ssyncadd.s32 @!p4 $0xFFFFD800;
	s7 =	simm.s32 @!p4 $0x4  }
0x7a: {  	_ =	swait.ge @!p4 [sflag:s7], $0x2800  }
0x7b: {  	s17 =	simm.s32 @!p4 $0x5;
	s5 =	simm.s32 @!p4 $0x3000;
	[sflag:s7] =	ssyncset.done @!p4 $0x0  }
0x7c: {  	s0 =	rddreg [dreg:$0xa];
	[sflag:s7] =	ssyncadd.s32 @!p4 $0xFFFFD800;
	s7 =	simm.s32 @!p4 $0x0  }
0x7d: {  	[hbm4b:s0+s7] =	stream.linear.scatter @!p4 [tilespmem:s5], [sflag:$0x5], $0x2800, $0x38;
	[tilespmem:$0xA800] =	vst v63  }
0x7e: {  	_ =	swait.ge @!p4 [sflag:s17], $0x2800  }
0x7f: {  	[sflag:s17] =	ssyncset.done @!p4 $0x0  }
0x80: {  	s2 =	simm.s32 @!p4 $0x8000;
	s0 =	rddreg [dreg:$0xb];
	[sflag:s17] =	ssyncadd.s32 @!p4 $0xFFFFD800  }
0x81: {  	[hbm4b:s0+s7] =	stream.linear.scatter @!p4 [tilespmem:s2], [sflag:$0x5], $0x2800, $0x38;
	[tilespmem:$0xA800] =	vst v63  }
0x82: {  	_ =	swait.ge @!p4 [sflag:s17], $0x2800  }
0x83: {  	s5 =	simm.s32 @!p2 $0x280;
	[sflag:s17] =	ssyncset.done @!p4 $0x0  }
0x84: {  	s0 =	simm.s32 @!p2 $0x3000;
	s2 =	simm.s32 @!p2 $0x50;
	[sflag:s17] =	ssyncadd.s32 @!p4 $0xFFFFD800  }
0x85: {  	[tilespmem:s0], [sflag:$0x2] =	stream.indirect.gather @!p2 [hbm4b:s3+s2], $0x80, s5, s2, $0xb8;
	[tilespmem:$0xA800] =	vst v63  }
0x86: {  	s7 =	simm.s32 @!p2 $0x680;
	s0 =	simm.s32 @!p2 $0x8000  }
0x87: {  	[tilespmem:s0], [sflag:$0x4] =	stream.indirect.gather @!p2 [hbm4b:s3+s2], $0x80, s7, s2, $0xb8;
	[tilespmem:$0xA800] =	vst v63  }
0x88: {  	s0 =	simm.s32 @!p3 $0x1  }
0x89: {  	_ =	swait.ge @!p3 [sflag:s0], $0x2800  }
0x8a: {  	[sflag:s0] =	ssyncset.done @!p3 $0x0  }
0x8b: {  	s30 =	simm.s32 @!p3 $0x3;
	[sflag:s0] =	ssyncadd.s32 @!p3 $0xFFFFD800  }
0x8c: {  	_ =	swait.ge @!p3 [sflag:s30], $0x2800  }
0x8d: {  	s15 =	simm.s32 @!p3 $0x5;
	s6 =	simm.s32 @!p3 $0x800;
	[sflag:s30] =	ssyncset.done @!p3 $0x0  }
0x8e: {  	s7 =	simm.s32 @!p3 $0x0;
	s0 =	rddreg [dreg:$0xc];
	[sflag:s30] =	ssyncadd.s32 @!p3 $0xFFFFD800  }
0x8f: {  	[hbm4b:s0+s7] =	stream.linear.scatter @!p3 [tilespmem:s6], [sflag:$0x5], $0x2800, $0x38;
	[tilespmem:$0xA800] =	vst v63  }
0x90: {  	_ =	swait.ge @!p3 [sflag:s15], $0x2800  }
0x91: {  	[sflag:s15] =	ssyncset.done @!p3 $0x0  }
0x92: {  	s1 =	simm.s32 @!p3 $0x5800;
	s0 =	rddreg [dreg:$0xd];
	[sflag:s15] =	ssyncadd.s32 @!p3 $0xFFFFD800  }
0x93: {  	[hbm4b:s0+s7] =	stream.linear.scatter @!p3 [tilespmem:s1], [sflag:$0x5], $0x2800, $0x38;
	[tilespmem:$0xA800] =	vst v63  }
0x94: {  	_ =	swait.ge @!p3 [sflag:s15], $0x2800  }
0x95: {  	s6 =	simm.s32 @!p1 $0x300;
	[sflag:s15] =	ssyncset.done @!p3 $0x0  }
0x96: {  	s0 =	simm.s32 @!p1 $0x800;
	s1 =	simm.s32 @!p1 $0x50;
	[sflag:s15] =	ssyncadd.s32 @!p3 $0xFFFFD800  }
0x97: {  	[tilespmem:s0], [sflag:$0x1] =	stream.indirect.gather @!p1 [hbm4b:s3+s1], $0x80, s6, s1, $0xb8;
	[tilespmem:$0xA800] =	vst v63  }
0x98: {  	s26 =	simm.s32 @!p2 $0x2;
	s6 =	simm.s32 @!p1 $0x700;
	s0 =	simm.s32 @!p1 $0x5800  }
0x99: {  	[tilespmem:s0], [sflag:$0x3] =	stream.indirect.gather @!p1 [hbm4b:s3+s1], $0x80, s6, s1, $0xb8;
	[tilespmem:$0xA800] =	vst v63  }
0x9a: {  	_ =	swait.ge @!p2 [sflag:s26], $0x2800  }
0x9b: {  	[sflag:s26] =	ssyncset.done @!p2 $0x0  }
0x9c: {  	s29 =	simm.s32 @!p2 $0x4;
	[sflag:s26] =	ssyncadd.s32 @!p2 $0xFFFFD800  }
0x9d: {  	_ =	swait.ge @!p2 [sflag:s29], $0x2800  }
0x9e: {  	s8 =	simm.s32 @!p2 $0x0;
	s5 =	simm.s32 @!p2 $0x3000;
	[sflag:s29] =	ssyncset.done @!p2 $0x0  }
0x9f: {  	s6 =	simm.s32 @!p2 $0x5;
	s0 =	rddreg [dreg:$0xe];
	[sflag:s29] =	ssyncadd.s32 @!p2 $0xFFFFD800  }
0xa0: {  	[hbm4b:s0+s8] =	stream.linear.scatter @!p2 [tilespmem:s5], [sflag:$0x5], $0x2800, $0x38;
	[tilespmem:$0xA800] =	vst v63  }
0xa1: {  	_ =	swait.ge @!p2 [sflag:s6], $0x2800  }
0xa2: {  	[sflag:s6] =	ssyncset.done @!p2 $0x0  }
0xa3: {  	s2 =	simm.s32 @!p2 $0x8000;
	s5 =	rddreg [dreg:$0xf];
	[sflag:s6] =	ssyncadd.s32 @!p2 $0xFFFFD800  }
0xa4: {  	[hbm4b:s5+s8] =	stream.linear.scatter @!p2 [tilespmem:s2], [sflag:$0x5], $0x2800, $0x38;
	[tilespmem:$0xA800] =	vst v63  }
0xa5: {  	_ =	swait.ge @!p2 [sflag:s6], $0x2800  }
0xa6: {  	s0 =	simm.s32 @!p0 $0x3000;
	[sflag:s6] =	ssyncset.done @!p2 $0x0  }
0xa7: {  	s5 =	simm.s32 @!p0 $0x50;
	s2 =	simm.s32 @!p0 $0x380;
	[sflag:s6] =	ssyncadd.s32 @!p2 $0xFFFFD800  }
0xa8: {  	[tilespmem:s0], [sflag:$0x2] =	stream.indirect.gather @!p0 [hbm4b:s3+s5], $0x80, s2, s5, $0xb8;
	[tilespmem:$0xA800] =	vst v63  }
0xa9: {  	s25 =	simm.s32 @!p1 $0x1;
	s8 =	simm.s32 @!p0 $0x780;
	s0 =	simm.s32 @!p0 $0x8000  }
0xaa: {  	[tilespmem:s0], [sflag:$0x4] =	stream.indirect.gather @!p0 [hbm4b:s3+s5], $0x80, s8, s5, $0xb8;
	[tilespmem:$0xA800] =	vst v63  }
0xab: {  	_ =	swait.ge @!p1 [sflag:s25], $0x2800  }
0xac: {  	[sflag:s25] =	ssyncset.done @!p1 $0x0  }
0xad: {  	s24 =	simm.s32 @!p1 $0x3;
	[sflag:s25] =	ssyncadd.s32 @!p1 $0xFFFFD800  }
0xae: {  	_ =	swait.ge @!p1 [sflag:s24], $0x2800  }
0xaf: {  	s7 =	simm.s32 @!p1 $0x800;
	[sflag:s24] =	ssyncset.done @!p1 $0x0  }
0xb0: {  	s0 =	simm.s32 @!p1 $0x0;
	s12 =	rddreg [dreg:$0x10];
	[sflag:s24] =	ssyncadd.s32 @!p1 $0xFFFFD800  }
0xb1: {  	[hbm4b:s12+s0] =	stream.linear.scatter @!p1 [tilespmem:s7], [sflag:$0x5], $0x2800, $0x38;
	[tilespmem:$0xA800] =	vst v63  }
0xb2: {  	s12 =	simm.s32 @!p1 $0x5  }
0xb3: {  	_ =	swait.ge @!p1 [sflag:s12], $0x2800  }
0xb4: {  	[sflag:s12] =	ssyncset.done @!p1 $0x0  }
0xb5: {  	s1 =	simm.s32 @!p1 $0x5800;
	s8 =	rddreg [dreg:$0x11];
	[sflag:s12] =	ssyncadd.s32 @!p1 $0xFFFFD800  }
0xb6: {  	[hbm4b:s8+s0] =	stream.linear.scatter @!p1 [tilespmem:s1], [sflag:$0x5], $0x2800, $0x38;
	[tilespmem:$0xA800] =	vst v63  }
0xb7: {  	_ =	swait.ge @!p1 [sflag:s12], $0x2800  }
0xb8: {  	[sflag:s12] =	ssyncset.done @!p1 $0x0  }
0xb9: {  	s23 =	simm.s32 @!p0 $0x2;
	[sflag:s12] =	ssyncadd.s32 @!p1 $0xFFFFD800  }
0xba: {  	_ =	swait.ge @!p0 [sflag:s23], $0x2800  }
0xbb: {  	[sflag:s23] =	ssyncset.done @!p0 $0x0  }
0xbc: {  	s21 =	simm.s32 @!p0 $0x4;
	[sflag:s23] =	ssyncadd.s32 @!p0 $0xFFFFD800  }
0xbd: {  	_ =	swait.ge @!p0 [sflag:s21], $0x2800  }
0xbe: {  	s22 =	simm.s32 @!p0 $0x5;
	s2 =	simm.s32 @!p0 $0x3000;
	[sflag:s21] =	ssyncset.done @!p0 $0x0  }
0xbf: {  	s0 =	simm.s32 @!p0 $0x0;
	s19 =	rddreg [dreg:$0x12];
	[sflag:s21] =	ssyncadd.s32 @!p0 $0xFFFFD800  }
0xc0: {  	[hbm4b:s19+s0] =	stream.linear.scatter @!p0 [tilespmem:s2], [sflag:$0x5], $0x2800, $0x38;
	[tilespmem:$0xA800] =	vst v63  }
0xc1: {  	_ =	swait.ge @!p0 [sflag:s22], $0x2800  }
0xc2: {  	s28 =	simm.s32 @!p0 $0x8000;
	[sflag:s22] =	ssyncset.done @!p0 $0x0  }
0xc3: {  	s7 =	simm.s32 @!p0 $0x0;
	s19 =	rddreg [dreg:$0x13];
	[sflag:s22] =	ssyncadd.s32 @!p0 $0xFFFFD800  }
0xc4: {  	[hbm4b:s19+s7] =	stream.linear.scatter @!p0 [tilespmem:s28], [sflag:$0x5], $0x2800, $0x38;
	[tilespmem:$0xA800] =	vst v63  }
0xc5: {  	_ =	swait.ge @!p0 [sflag:s22], $0x2800  }
0xc6: {  	[sflag:s22] =	ssyncset.done @!p0 $0x0  }
0xc7: {  	s31 =	simm.s32 $0x0;
	s7 =	rddreg [dreg:$0x14];
	[sflag:s22] =	ssyncadd.s32 @!p0 $0xFFFFD800  }
0xc8: {  	[tilespmem:s31], [sflag:$0x5] =	stream.linear.gather [hbm4b:s7+s31], $0x400, $0x38;
	[tilespmem:$0xA800] =	vst v63  }
0xc9: {  	_ =	swait.ge [sflag:s4], $0x400  }
0xca: {  	[sflag:s4] =	ssyncset.done $0x0  }
0xcb: {  	s5 =	simm.s32 $0x400;
	s28 =	rddreg [dreg:$0x15];
	[sflag:s4] =	ssyncadd.s32 $0xFFFFFC00  }
0xcc: {  	[tilespmem:s5], [sflag:$0x5] =	stream.linear.gather [hbm4b:s28+s31], $0x400, $0x38;
	[tilespmem:$0xA800] =	vst v63  }
0xcd: {  	_ =	swait.ge [sflag:s4], $0x400  }
0xce: {  	[sflag:s4] =	ssyncset.done $0x0  }
0xcf: {  	s9 =	simm.s32 $0x800;
	s0 =	simm.s32 $0x50;
	[sflag:s4] =	ssyncadd.s32 $0xFFFFFC00  }
0xd0: {  	[tilespmem:s9], [sflag:$0x1] =	stream.indirect.gather [hbm4b:s3+s0], $0x80, s31, s0, $0xb8;
	[tilespmem:$0xA800] =	vst v63  }
0xd1: {  	s11 =	simm.s32 $0x5800  }
0xd2: {  	[tilespmem:s11], [sflag:$0x3] =	stream.indirect.gather [hbm4b:s3+s0], $0x80, s5, s0, $0xb8;
	[tilespmem:$0xA800] =	vst v63  }
0xd3: {  	s18 =	simm.s32 $0x3000;
	s13 =	simm.s32 $0x80  }
0xd4: {  	[tilespmem:s18], [sflag:$0x2] =	stream.indirect.gather [hbm4b:s3+s0], $0x80, s13, s0, $0xb8;
	[tilespmem:$0xA800] =	vst v63  }
0xd5: {  	s16 =	simm.s32 $0x480;
	s20 =	simm.s32 $0x8000;
	s1 =	simm.s32 $0x1  }
0xd6: {  	[tilespmem:s20], [sflag:$0x4] =	stream.indirect.gather [hbm4b:s3+s0], $0x80, s16, s0, $0xb8;
	[tilespmem:$0xA800] =	vst v63  }
0xd7: {  	_ =	swait.ge [sflag:s1], $0x2800  }
0xd8: {  	[sflag:s1] =	ssyncset.done $0x0  }
0xd9: {  	s2 =	simm.s32 $0x3;
	[sflag:s1] =	ssyncadd.s32 $0xFFFFD800  }
0xda: {  	_ =	swait.ge [sflag:s2], $0x2800  }
0xdb: {  	[sflag:s2] =	ssyncset.done $0x0  }
0xdc: {  	s7 =	rddreg [dreg:$0x16];
	[sflag:s2] =	ssyncadd.s32 $0xFFFFD800  }
0xdd: {  	[hbm4b:s7+s31] =	stream.linear.scatter [tilespmem:s9], [sflag:$0x5], $0x2800, $0x38;
	[tilespmem:$0xA800] =	vst v63  }
0xde: {  	_ =	swait.ge [sflag:s4], $0x2800  }
0xdf: {  	[sflag:s4] =	ssyncset.done $0x0  }
0xe0: {  	s13 =	rddreg [dreg:$0x17];
	[sflag:s4] =	ssyncadd.s32 $0xFFFFD800  }
0xe1: {  	[hbm4b:s13+s31] =	stream.linear.scatter [tilespmem:s11], [sflag:$0x5], $0x2800, $0x38;
	[tilespmem:$0xA800] =	vst v63  }
0xe2: {  	_ =	swait.ge [sflag:s4], $0x2800  }
0xe3: {  	s0 =	simm.s32 @!p5 $0x100;
	[sflag:s4] =	ssyncset.done $0x0  }
0xe4: {  	s1 =	simm.s32 @!p5 $0x800;
	s2 =	simm.s32 @!p5 $0x50;
	[sflag:s4] =	ssyncadd.s32 $0xFFFFD800  }
0xe5: {  	[tilespmem:s1], [sflag:$0x1] =	stream.indirect.gather @!p5 [hbm4b:s3+s2], $0x80, s0, s2, $0xb8;
	[tilespmem:$0xA800] =	vst v63  }
0xe6: {  	s8 =	simm.s32 $0x2;
	s5 =	simm.s32 @!p5 $0x500;
	s0 =	simm.s32 @!p5 $0x5800  }
0xe7: {  	[tilespmem:s0], [sflag:$0x3] =	stream.indirect.gather @!p5 [hbm4b:s3+s2], $0x80, s5, s2, $0xb8;
	[tilespmem:$0xA800] =	vst v63  }
0xe8: {  	_ =	swait.ge [sflag:s8], $0x2800  }
0xe9: {  	[sflag:s8] =	ssyncset.done $0x0  }
0xea: {  	s10 =	simm.s32 $0x4;
	[sflag:s8] =	ssyncadd.s32 $0xFFFFD800  }
0xeb: {  	_ =	swait.ge [sflag:s10], $0x2800  }
0xec: {  	[sflag:s10] =	ssyncset.done $0x0  }
0xed: {  	s16 =	rddreg [dreg:$0x18];
	[sflag:s10] =	ssyncadd.s32 $0xFFFFD800  }
0xee: {  	[hbm4b:s16+s31] =	stream.linear.scatter [tilespmem:s18], [sflag:$0x5], $0x2800, $0x38;
	[tilespmem:$0xA800] =	vst v63  }
0xef: {  	_ =	swait.ge [sflag:s4], $0x2800  }
0xf0: {  	[sflag:s4] =	ssyncset.done $0x0  }
0xf1: {  	s28 =	rddreg [dreg:$0x19];
	[sflag:s4] =	ssyncadd.s32 $0xFFFFD800  }
0xf2: {  	[hbm4b:s28+s31] =	stream.linear.scatter [tilespmem:s20], [sflag:$0x5], $0x2800, $0x38;
	[tilespmem:$0xA800] =	vst v63  }
0xf3: {  	_ =	swait.ge [sflag:s4], $0x2800  }
0xf4: {  	s7 =	simm.s32 @!p4 $0x50;
	[sflag:s4] =	ssyncset.done $0x0  }
0xf5: {  	s5 =	simm.s32 @!p4 $0x3000;
	s2 =	simm.s32 @!p4 $0x180;
	[sflag:s4] =	ssyncadd.s32 $0xFFFFD800  }
0xf6: {  	[tilespmem:s5], [sflag:$0x2] =	stream.indirect.gather @!p4 [hbm4b:s3+s7], $0x80, s2, s7, $0xb8;
	[tilespmem:$0xA800] =	vst v63  }
0xf7: {  	s8 =	simm.s32 @!p4 $0x580;
	s2 =	simm.s32 @!p4 $0x8000  }
0xf8: {  	[tilespmem:s2], [sflag:$0x4] =	stream.indirect.gather @!p4 [hbm4b:s3+s7], $0x80, s8, s7, $0xb8;
	[tilespmem:$0xA800] =	vst v63  }
0xf9: {  	s7 =	simm.s32 @!p5 $0x1  }
0xfa: {  	_ =	swait.ge @!p5 [sflag:s7], $0x2800  }
0xfb: {  	[sflag:s7] =	ssyncset.done @!p5 $0x0  }
0xfc: {  	[sflag:s7] =	ssyncadd.s32 @!p5 $0xFFFFD800;
	s7 =	simm.s32 @!p5 $0x3  }
0xfd: {  	_ =	swait.ge @!p5 [sflag:s7], $0x2800  }
0xfe: {  	[sflag:s7] =	ssyncset.done @!p5 $0x0  }
0xff: {  	s19 =	rddreg [dreg:$0x1a];
	[sflag:s7] =	ssyncadd.s32 @!p5 $0xFFFFD800;
	s7 =	simm.s32 @!p5 $0x0  }
0x100: {  	[hbm4b:s19+s7] =	stream.linear.scatter @!p5 [tilespmem:s1], [sflag:$0x5], $0x2800, $0x38;
	[tilespmem:$0xA800] =	vst v63  }
0x101: {  	_ =	swait.ge @!p5 [sflag:s14], $0x2800  }
0x102: {  	[sflag:s14] =	ssyncset.done @!p5 $0x0  }
0x103: {  	s19 =	rddreg [dreg:$0x1b];
	[sflag:s14] =	ssyncadd.s32 @!p5 $0xFFFFD800  }
0x104: {  	[hbm4b:s19+s7] =	stream.linear.scatter @!p5 [tilespmem:s0], [sflag:$0x5], $0x2800, $0x38;
	[tilespmem:$0xA800] =	vst v63  }
0x105: {  	_ =	swait.ge @!p5 [sflag:s14], $0x2800  }
0x106: {  	s1 =	simm.s32 @!p3 $0x800;
	[sflag:s14] =	ssyncset.done @!p5 $0x0  }
0x107: {  	s0 =	simm.s32 @!p3 $0x200;
	s7 =	simm.s32 @!p3 $0x50;
	[sflag:s14] =	ssyncadd.s32 @!p5 $0xFFFFD800  }
0x108: {  	[tilespmem:s1], [sflag:$0x1] =	stream.indirect.gather @!p3 [hbm4b:s3+s7], $0x80, s0, s7, $0xb8;
	[tilespmem:$0xA800] =	vst v63  }
0x109: {  	s8 =	simm.s32 @!p3 $0x600;
	s0 =	simm.s32 @!p3 $0x5800  }
0x10a: {  	[tilespmem:s0], [sflag:$0x3] =	stream.indirect.gather @!p3 [hbm4b:s3+s7], $0x80, s8, s7, $0xb8;
	[tilespmem:$0xA800] =	vst v63  }
0x10b: {  	s7 =	simm.s32 @!p4 $0x2  }
0x10c: {  	_ =	swait.ge @!p4 [sflag:s7], $0x2800  }
0x10d: {  	[sflag:s7] =	ssyncset.done @!p4 $0x0  }
0x10e: {  	[sflag:s7] =	ssyncadd.s32 @!p4 $0xFFFFD800;
	s7 =	simm.s32 @!p4 $0x4  }
0x10f: {  	_ =	swait.ge @!p4 [sflag:s7], $0x2800  }
0x110: {  	[sflag:s7] =	ssyncset.done @!p4 $0x0  }
0x111: {  	s19 =	rddreg [dreg:$0x1c];
	[sflag:s7] =	ssyncadd.s32 @!p4 $0xFFFFD800;
	s7 =	simm.s32 @!p4 $0x0  }
0x112: {  	[hbm4b:s19+s7] =	stream.linear.scatter @!p4 [tilespmem:s5], [sflag:$0x5], $0x2800, $0x38;
	[tilespmem:$0xA800] =	vst v63  }
0x113: {  	_ =	swait.ge @!p4 [sflag:s17], $0x2800  }
0x114: {  	[sflag:s17] =	ssyncset.done @!p4 $0x0  }
0x115: {  	s19 =	rddreg [dreg:$0x1d];
	[sflag:s17] =	ssyncadd.s32 @!p4 $0xFFFFD800  }
0x116: {  	[hbm4b:s19+s7] =	stream.linear.scatter @!p4 [tilespmem:s2], [sflag:$0x5], $0x2800, $0x38;
	[tilespmem:$0xA800] =	vst v63  }
0x117: {  	_ =	swait.ge @!p4 [sflag:s17], $0x2800  }
0x118: {  	s5 =	simm.s32 @!p2 $0x3000;
	[sflag:s17] =	ssyncset.done @!p4 $0x0  }
0x119: {  	s2 =	simm.s32 @!p2 $0x280;
	s7 =	simm.s32 @!p2 $0x50;
	[sflag:s17] =	ssyncadd.s32 @!p4 $0xFFFFD800  }
0x11a: {  	[tilespmem:s5], [sflag:$0x2] =	stream.indirect.gather @!p2 [hbm4b:s3+s7], $0x80, s2, s7, $0xb8;
	[tilespmem:$0xA800] =	vst v63  }
0x11b: {  	s8 =	simm.s32 @!p2 $0x680;
	s2 =	simm.s32 @!p2 $0x8000  }
0x11c: {  	[tilespmem:s2], [sflag:$0x4] =	stream.indirect.gather @!p2 [hbm4b:s3+s7], $0x80, s8, s7, $0xb8;
	[tilespmem:$0xA800] =	vst v63  }
0x11d: {  	s7 =	simm.s32 @!p3 $0x1  }
0x11e: {  	_ =	swait.ge @!p3 [sflag:s7], $0x2800  }
0x11f: {  	[sflag:s7] =	ssyncset.done @!p3 $0x0  }
0x120: {  	[sflag:s7] =	ssyncadd.s32 @!p3 $0xFFFFD800  }
0x121: {  	_ =	swait.ge @!p3 [sflag:s30], $0x2800  }
0x122: {  	[sflag:s30] =	ssyncset.done @!p3 $0x0  }
0x123: {  	s7 =	simm.s32 @!p3 $0x0;
	s19 =	rddreg [dreg:$0x1e];
	[sflag:s30] =	ssyncadd.s32 @!p3 $0xFFFFD800  }
0x124: {  	[hbm4b:s19+s7] =	stream.linear.scatter @!p3 [tilespmem:s1], [sflag:$0x5], $0x2800, $0x38;
	[tilespmem:$0xA800] =	vst v63  }
0x125: {  	_ =	swait.ge @!p3 [sflag:s15], $0x2800  }
0x126: {  	[sflag:s15] =	ssyncset.done @!p3 $0x0  }
0x127: {  	s19 =	rddreg [dreg:$0x1f];
	[sflag:s15] =	ssyncadd.s32 @!p3 $0xFFFFD800  }
0x128: {  	[hbm4b:s19+s7] =	stream.linear.scatter @!p3 [tilespmem:s0], [sflag:$0x5], $0x2800, $0x38;
	[tilespmem:$0xA800] =	vst v63  }
0x129: {  	_ =	swait.ge @!p3 [sflag:s15], $0x2800  }
0x12a: {  	s1 =	simm.s32 @!p1 $0x800;
	[sflag:s15] =	ssyncset.done @!p3 $0x0  }
0x12b: {  	s0 =	simm.s32 @!p1 $0x300;
	s7 =	simm.s32 @!p1 $0x50;
	[sflag:s15] =	ssyncadd.s32 @!p3 $0xFFFFD800  }
0x12c: {  	[tilespmem:s1], [sflag:$0x1] =	stream.indirect.gather @!p1 [hbm4b:s3+s7], $0x80, s0, s7, $0xb8;
	[tilespmem:$0xA800] =	vst v63  }
0x12d: {  	s8 =	simm.s32 @!p1 $0x700;
	s0 =	simm.s32 @!p1 $0x5800  }
0x12e: {  	[tilespmem:s0], [sflag:$0x3] =	stream.indirect.gather @!p1 [hbm4b:s3+s7], $0x80, s8, s7, $0xb8;
	[tilespmem:$0xA800] =	vst v63  }
0x12f: {  	_ =	swait.ge @!p2 [sflag:s26], $0x2800  }
0x130: {  	[sflag:s26] =	ssyncset.done @!p2 $0x0  }
0x131: {  	[sflag:s26] =	ssyncadd.s32 @!p2 $0xFFFFD800  }
0x132: {  	_ =	swait.ge @!p2 [sflag:s29], $0x2800  }
0x133: {  	s19 =	sld [smem:$0x7F8]  }
0x134: {  	[sflag:s29] =	ssyncset.done @!p2 $0x0  }
0x135: {  	s7 =	simm.s32 @!p2 $0x0;
	[sflag:s29] =	ssyncadd.s32 @!p2 $0xFFFFD800  }
0x136: {  	[hbm4b:s19+s7] =	stream.linear.scatter @!p2 [tilespmem:s5], [sflag:$0x5], $0x2800, $0x38;
	[tilespmem:$0xA800] =	vst v63  }
0x137: {  	_ =	swait.ge @!p2 [sflag:s6], $0x2800  }
0x138: {  	s19 =	sld [smem:$0x7F9]  }
0x139: {  	[sflag:s6] =	ssyncset.done @!p2 $0x0  }
0x13a: {  	[sflag:s6] =	ssyncadd.s32 @!p2 $0xFFFFD800  }
0x13b: {  	[hbm4b:s19+s7] =	stream.linear.scatter @!p2 [tilespmem:s2], [sflag:$0x5], $0x2800, $0x38;
	[tilespmem:$0xA800] =	vst v63  }
0x13c: {  	_ =	swait.ge @!p2 [sflag:s6], $0x2800  }
0x13d: {  	s5 =	simm.s32 @!p0 $0x3000;
	[sflag:s6] =	ssyncset.done @!p2 $0x0  }
0x13e: {  	s2 =	simm.s32 @!p0 $0x380;
	[sflag:s6] =	ssyncadd.s32 @!p2 $0xFFFFD800;
	s6 =	simm.s32 @!p0 $0x50  }
0x13f: {  	[tilespmem:s5], [sflag:$0x2] =	stream.indirect.gather @!p0 [hbm4b:s3+s6], $0x80, s2, s6, $0xb8;
	[tilespmem:$0xA800] =	vst v63  }
0x140: {  	s7 =	simm.s32 @!p0 $0x780;
	s2 =	simm.s32 @!p0 $0x8000  }
0x141: {  	[tilespmem:s2], [sflag:$0x4] =	stream.indirect.gather @!p0 [hbm4b:s3+s6], $0x80, s7, s6, $0xb8;
	[tilespmem:$0xA800] =	vst v63  }
0x142: {  	_ =	swait.ge @!p1 [sflag:s25], $0x2800  }
0x143: {  	[sflag:s25] =	ssyncset.done @!p1 $0x0  }
0x144: {  	[sflag:s25] =	ssyncadd.s32 @!p1 $0xFFFFD800  }
0x145: {  	_ =	swait.ge @!p1 [sflag:s24], $0x2800  }
0x146: {  	s19 =	sld [smem:$0x7FA]  }
0x147: {  	[sflag:s24] =	ssyncset.done @!p1 $0x0  }
0x148: {  	s6 =	simm.s32 @!p1 $0x0;
	[sflag:s24] =	ssyncadd.s32 @!p1 $0xFFFFD800  }
0x149: {  	[hbm4b:s19+s6] =	stream.linear.scatter @!p1 [tilespmem:s1], [sflag:$0x5], $0x2800, $0x38;
	[tilespmem:$0xA800] =	vst v63  }
0x14a: {  	_ =	swait.ge @!p1 [sflag:s12], $0x2800  }
0x14b: {  	s19 =	sld [smem:$0x7FB]  }
0x14c: {  	[sflag:s12] =	ssyncset.done @!p1 $0x0  }
0x14d: {  	[sflag:s12] =	ssyncadd.s32 @!p1 $0xFFFFD800  }
0x14e: {  	[hbm4b:s19+s6] =	stream.linear.scatter @!p1 [tilespmem:s0], [sflag:$0x5], $0x2800, $0x38;
	[tilespmem:$0xA800] =	vst v63  }
0x14f: {  	_ =	swait.ge @!p1 [sflag:s12], $0x2800  }
0x150: {  	[sflag:s12] =	ssyncset.done @!p1 $0x0  }
0x151: {  	[sflag:s12] =	ssyncadd.s32 @!p1 $0xFFFFD800  }
0x152: {  	_ =	swait.ge @!p0 [sflag:s23], $0x2800  }
0x153: {  	[sflag:s23] =	ssyncset.done @!p0 $0x0  }
0x154: {  	[sflag:s23] =	ssyncadd.s32 @!p0 $0xFFFFD800  }
0x155: {  	_ =	swait.ge @!p0 [sflag:s21], $0x2800  }
0x156: {  	s19 =	sld [smem:$0x7FC]  }
0x157: {  	[sflag:s21] =	ssyncset.done @!p0 $0x0  }
0x158: {  	s0 =	simm.s32 @!p0 $0x0;
	[sflag:s21] =	ssyncadd.s32 @!p0 $0xFFFFD800  }
0x159: {  	[hbm4b:s19+s0] =	stream.linear.scatter @!p0 [tilespmem:s5], [sflag:$0x5], $0x2800, $0x38;
	[tilespmem:$0xA800] =	vst v63  }
0x15a: {  	_ =	swait.ge @!p0 [sflag:s22], $0x2800  }
0x15b: {  	s19 =	sld [smem:$0x7FD]  }
0x15c: {  	[sflag:s22] =	ssyncset.done @!p0 $0x0;
	s30 =	sld [smem:$0x7F5]  }
0x15d: {  	[sflag:s22] =	ssyncadd.s32 @!p0 $0xFFFFD800  }
0x15e: {  	[hbm4b:s19+s0] =	stream.linear.scatter @!p0 [tilespmem:s2], [sflag:$0x5], $0x2800, $0x38;
	[tilespmem:$0xA800] =	vst v63  }
0x15f: {  	s20 =	sadd.s32 $0xFFFFFFFF, s30  }
0x160: {  	p6 =	sne.s32 s20, $0x0  }
0x161: {  	s0 =	simm.s32 @!p6 $0x0  }
0x162: {  	s0 =	simm.s32 @p6 $0x1  }
0x163: {  	[smem:$0x7F6] =	sst s0  }
0x164: {  	_ =	swait.ge @!p0 [sflag:s22], $0x2800  }
0x165: {  	s31 =	sld [smem:$0x7F6]  }
0x166: {  	p6 =	por $0x1, $0x1  }
0x167: {  	s0 =	simm.s32 @!p6 $0x0  }
0x168: {  	s0 =	simm.s32 @p6 $0x1;
	p6 =	seq.s32 s31, $0x1  }
.Ltmp1:
0x169: {  	_ = 	snop;
	(pc) =	sbr.rel @!p6 .LBB2_5-.Ltmp1, $3  }
0x16a: {  	_ =	sdelay $0x1  }
0x16b: {  	[smem:$0x7F7] =	sst s0  }
0x16c: {  	[sflag:s22] =	ssyncset.done @!p0 $0x0;
	s19 =	rddreg [dreg:$0x2]  }
0x16d: {  	s31 =	simm.s32 $0x5800  }
.LBB2_4:
0x16e: {  	[sflag:s22] =	ssyncadd.s32 @!p0 $0xFFFFD800;
	s1 =	simm.s32 $0x0  }
0x16f: {  	[tilespmem:s1], [sflag:$0x5] =	stream.linear.gather [hbm4b:s19+s1], $0x400, $0x38;
	[tilespmem:$0xA800] =	vst v63  }
0x170: {  	_ =	swait.ge [sflag:s4], $0x400  }
0x171: {  	[sflag:s4] =	ssyncset.done $0x0  }
0x172: {  	s0 =	simm.s32 $0x400;
	s21 =	rddreg [dreg:$0x3];
	[sflag:s4] =	ssyncadd.s32 $0xFFFFFC00  }
0x173: {  	[tilespmem:s0], [sflag:$0x5] =	stream.linear.gather [hbm4b:s21+s1], $0x400, $0x38;
	[tilespmem:$0xA800] =	vst v63  }
0x174: {  	_ =	swait.ge [sflag:s4], $0x400  }
0x175: {  	[sflag:s4] =	ssyncset.done $0x0  }
0x176: {  	s23 =	simm.s32 $0x800;
	s15 =	simm.s32 $0x50;
	[sflag:s4] =	ssyncadd.s32 $0xFFFFFC00  }
0x177: {  	[tilespmem:s23], [sflag:$0x1] =	stream.indirect.gather [hbm4b:s3+s15], $0x80, s1, s15, $0xb8;
	[tilespmem:$0xA800] =	vst v63  }
0x178: {  	s2 =	simm.s32 $0x400;
	s24 =	simm.s32 $0x5800  }
0x179: {  	[tilespmem:s24], [sflag:$0x3] =	stream.indirect.gather [hbm4b:s3+s15], $0x80, s2, s15, $0xb8;
	[tilespmem:$0xA800] =	vst v63  }
0x17a: {  	s25 =	simm.s32 $0x3000;
	s26 =	simm.s32 $0x80  }
0x17b: {  	[tilespmem:s25], [sflag:$0x2] =	stream.indirect.gather [hbm4b:s3+s15], $0x80, s26, s15, $0xb8;
	[tilespmem:$0xA800] =	vst v63  }
0x17c: {  	s28 =	simm.s32 $0x8000;
	s29 =	simm.s32 $0x480;
	s13 =	simm.s32 $0x1  }
0x17d: {  	[tilespmem:s28], [sflag:$0x4] =	stream.indirect.gather [hbm4b:s3+s15], $0x80, s29, s15, $0xb8;
	[tilespmem:$0xA800] =	vst v63  }
0x17e: {  	_ =	swait.ge [sflag:s13], $0x2800  }
0x17f: {  	[sflag:s13] =	ssyncset.done $0x0  }
0x180: {  	s11 =	simm.s32 $0x3;
	[sflag:s13] =	ssyncadd.s32 $0xFFFFD800  }
0x181: {  	_ =	swait.ge [sflag:s11], $0x2800  }
0x182: {  	[sflag:s11] =	ssyncset.done $0x0  }
0x183: {  	s6 =	simm.s32 $0x800;
	s9 =	rddreg [dreg:$0x4];
	[sflag:s11] =	ssyncadd.s32 $0xFFFFD800  }
0x184: {  	[hbm4b:s9+s1] =	stream.linear.scatter [tilespmem:s6], [sflag:$0x5], $0x2800, $0x38;
	[tilespmem:$0xA800] =	vst v63  }
0x185: {  	_ =	swait.ge [sflag:s4], $0x2800  }
0x186: {  	[sflag:s4] =	ssyncset.done $0x0  }
0x187: {  	s5 =	simm.s32 $0x5800;
	s10 =	rddreg [dreg:$0x5];
	[sflag:s4] =	ssyncadd.s32 $0xFFFFD800  }
0x188: {  	[hbm4b:s10+s1] =	stream.linear.scatter [tilespmem:s5], [sflag:$0x5], $0x2800, $0x38;
	[tilespmem:$0xA800] =	vst v63  }
0x189: {  	_ =	swait.ge [sflag:s4], $0x2800  }
0x18a: {  	s0 =	simm.s32 @!p5 $0x800;
	[sflag:s4] =	ssyncset.done $0x0  }
0x18b: {  	s6 =	simm.s32 @!p5 $0x100;
	s5 =	simm.s32 @!p5 $0x50;
	[sflag:s4] =	ssyncadd.s32 $0xFFFFD800  }
0x18c: {  	[tilespmem:s0], [sflag:$0x1] =	stream.indirect.gather @!p5 [hbm4b:s3+s5], $0x80, s6, s5, $0xb8;
	[tilespmem:$0xA800] =	vst v63  }
0x18d: {  	s10 =	simm.s32 $0x2;
	s6 =	simm.s32 @!p5 $0x500;
	s0 =	simm.s32 @!p5 $0x5800  }
0x18e: {  	[tilespmem:s0], [sflag:$0x3] =	stream.indirect.gather @!p5 [hbm4b:s3+s5], $0x80, s6, s5, $0xb8;
	[tilespmem:$0xA800] =	vst v63  }
0x18f: {  	_ =	swait.ge [sflag:s10], $0x2800  }
0x190: {  	[sflag:s10] =	ssyncset.done $0x0  }
0x191: {  	s6 =	simm.s32 $0x4;
	[sflag:s10] =	ssyncadd.s32 $0xFFFFD800  }
0x192: {  	_ =	swait.ge [sflag:s6], $0x2800  }
0x193: {  	[sflag:s6] =	ssyncset.done $0x0  }
0x194: {  	s7 =	simm.s32 $0x3000;
	s12 =	rddreg [dreg:$0x6];
	[sflag:s6] =	ssyncadd.s32 $0xFFFFD800  }
0x195: {  	[hbm4b:s12+s1] =	stream.linear.scatter [tilespmem:s7], [sflag:$0x5], $0x2800, $0x38;
	[tilespmem:$0xA800] =	vst v63  }
0x196: {  	_ =	swait.ge [sflag:s4], $0x2800  }
0x197: {  	[sflag:s4] =	ssyncset.done $0x0  }
0x198: {  	s30 =	simm.s32 $0x8000;
	s14 =	rddreg [dreg:$0x7];
	[sflag:s4] =	ssyncadd.s32 $0xFFFFD800  }
0x199: {  	[hbm4b:s14+s1] =	stream.linear.scatter [tilespmem:s30], [sflag:$0x5], $0x2800, $0x38;
	[tilespmem:$0xA800] =	vst v63  }
0x19a: {  	_ =	swait.ge [sflag:s4], $0x2800  }
0x19b: {  	s2 =	simm.s32 @!p4 $0x50;
	[sflag:s4] =	ssyncset.done $0x0  }
0x19c: {  	s0 =	simm.s32 @!p4 $0x3000;
	s7 =	simm.s32 @!p4 $0x180;
	[sflag:s4] =	ssyncadd.s32 $0xFFFFD800  }
0x19d: {  	[tilespmem:s0], [sflag:$0x2] =	stream.indirect.gather @!p4 [hbm4b:s3+s2], $0x80, s7, s2, $0xb8;
	[tilespmem:$0xA800] =	vst v63  }
0x19e: {  	s26 =	simm.s32 @!p5 $0x1;
	s7 =	simm.s32 @!p4 $0x580;
	s0 =	simm.s32 @!p4 $0x8000  }
0x19f: {  	[tilespmem:s0], [sflag:$0x4] =	stream.indirect.gather @!p4 [hbm4b:s3+s2], $0x80, s7, s2, $0xb8;
	[tilespmem:$0xA800] =	vst v63  }
0x1a0: {  	_ =	swait.ge @!p5 [sflag:s26], $0x2800  }
0x1a1: {  	[sflag:s26] =	ssyncset.done @!p5 $0x0  }
0x1a2: {  	s0 =	simm.s32 @!p5 $0x3;
	[sflag:s26] =	ssyncadd.s32 @!p5 $0xFFFFD800  }
0x1a3: {  	_ =	swait.ge @!p5 [sflag:s0], $0x2800  }
0x1a4: {  	s8 =	simm.s32 @!p5 $0x800;
	s14 =	simm.s32 @!p5 $0x5;
	[sflag:s0] =	ssyncset.done @!p5 $0x0  }
0x1a5: {  	s19 =	rddreg [dreg:$0x8];
	[sflag:s0] =	ssyncadd.s32 @!p5 $0xFFFFD800;
	s0 =	simm.s32 @!p5 $0x0  }
0x1a6: {  	[hbm4b:s19+s0] =	stream.linear.scatter @!p5 [tilespmem:s8], [sflag:$0x5], $0x2800, $0x38;
	[tilespmem:$0xA800] =	vst v63  }
0x1a7: {  	_ =	swait.ge @!p5 [sflag:s14], $0x2800  }
0x1a8: {  	s5 =	simm.s32 @!p5 $0x5800;
	[sflag:s14] =	ssyncset.done @!p5 $0x0  }
0x1a9: {  	s0 =	simm.s32 @!p5 $0x0;
	s19 =	rddreg [dreg:$0x9];
	[sflag:s14] =	ssyncadd.s32 @!p5 $0xFFFFD800  }
0x1aa: {  	[hbm4b:s19+s0] =	stream.linear.scatter @!p5 [tilespmem:s5], [sflag:$0x5], $0x2800, $0x38;
	[tilespmem:$0xA800] =	vst v63  }
0x1ab: {  	_ =	swait.ge @!p5 [sflag:s14], $0x2800  }
0x1ac: {  	s7 =	simm.s32 @!p3 $0x200;
	[sflag:s14] =	ssyncset.done @!p5 $0x0  }
0x1ad: {  	s0 =	simm.s32 @!p3 $0x800;
	s5 =	simm.s32 @!p3 $0x50;
	[sflag:s14] =	ssyncadd.s32 @!p5 $0xFFFFD800  }
0x1ae: {  	[tilespmem:s0], [sflag:$0x1] =	stream.indirect.gather @!p3 [hbm4b:s3+s5], $0x80, s7, s5, $0xb8;
	[tilespmem:$0xA800] =	vst v63  }
0x1af: {  	s7 =	simm.s32 @!p3 $0x600;
	s0 =	simm.s32 @!p3 $0x5800  }
0x1b0: {  	[tilespmem:s0], [sflag:$0x3] =	stream.indirect.gather @!p3 [hbm4b:s3+s5], $0x80, s7, s5, $0xb8;
	[tilespmem:$0xA800] =	vst v63  }
0x1b1: {  	s7 =	simm.s32 @!p4 $0x2  }
0x1b2: {  	_ =	swait.ge @!p4 [sflag:s7], $0x2800  }
0x1b3: {  	[sflag:s7] =	ssyncset.done @!p4 $0x0  }
0x1b4: {  	s0 =	simm.s32 @!p4 $0x4;
	[sflag:s7] =	ssyncadd.s32 @!p4 $0xFFFFD800  }
0x1b5: {  	_ =	swait.ge @!p4 [sflag:s0], $0x2800  }
0x1b6: {  	s17 =	simm.s32 @!p4 $0x5;
	s9 =	simm.s32 @!p4 $0x3000;
	[sflag:s0] =	ssyncset.done @!p4 $0x0  }
0x1b7: {  	s19 =	rddreg [dreg:$0xa];
	[sflag:s0] =	ssyncadd.s32 @!p4 $0xFFFFD800;
	s0 =	simm.s32 @!p4 $0x0  }
0x1b8: {  	[hbm4b:s19+s0] =	stream.linear.scatter @!p4 [tilespmem:s9], [sflag:$0x5], $0x2800, $0x38;
	[tilespmem:$0xA800] =	vst v63  }
0x1b9: {  	_ =	swait.ge @!p4 [sflag:s17], $0x2800  }
0x1ba: {  	s2 =	simm.s32 @!p4 $0x8000;
	[sflag:s17] =	ssyncset.done @!p4 $0x0  }
0x1bb: {  	s0 =	simm.s32 @!p4 $0x0;
	s19 =	rddreg [dreg:$0xb];
	[sflag:s17] =	ssyncadd.s32 @!p4 $0xFFFFD800  }
0x1bc: {  	[hbm4b:s19+s0] =	stream.linear.scatter @!p4 [tilespmem:s2], [sflag:$0x5], $0x2800, $0x38;
	[tilespmem:$0xA800] =	vst v63  }
0x1bd: {  	_ =	swait.ge @!p4 [sflag:s17], $0x2800  }
0x1be: {  	s8 =	simm.s32 @!p2 $0x280;
	[sflag:s17] =	ssyncset.done @!p4 $0x0  }
0x1bf: {  	s0 =	simm.s32 @!p2 $0x3000;
	s2 =	simm.s32 @!p2 $0x50;
	[sflag:s17] =	ssyncadd.s32 @!p4 $0xFFFFD800  }
0x1c0: {  	[tilespmem:s0], [sflag:$0x2] =	stream.indirect.gather @!p2 [hbm4b:s3+s2], $0x80, s8, s2, $0xb8;
	[tilespmem:$0xA800] =	vst v63  }
0x1c1: {  	s9 =	simm.s32 @!p3 $0x1;
	s8 =	simm.s32 @!p2 $0x680;
	s0 =	simm.s32 @!p2 $0x8000  }
0x1c2: {  	[tilespmem:s0], [sflag:$0x4] =	stream.indirect.gather @!p2 [hbm4b:s3+s2], $0x80, s8, s2, $0xb8;
	[tilespmem:$0xA800] =	vst v63  }
0x1c3: {  	_ =	swait.ge @!p3 [sflag:s9], $0x2800  }
0x1c4: {  	[sflag:s9] =	ssyncset.done @!p3 $0x0  }
0x1c5: {  	s30 =	simm.s32 @!p3 $0x3;
	[sflag:s9] =	ssyncadd.s32 @!p3 $0xFFFFD800  }
0x1c6: {  	_ =	swait.ge @!p3 [sflag:s30], $0x2800  }
0x1c7: {  	s12 =	simm.s32 @!p3 $0x800;
	[sflag:s30] =	ssyncset.done @!p3 $0x0  }
0x1c8: {  	s0 =	simm.s32 @!p3 $0x0;
	s19 =	rddreg [dreg:$0xc];
	[sflag:s30] =	ssyncadd.s32 @!p3 $0xFFFFD800  }
0x1c9: {  	[hbm4b:s19+s0] =	stream.linear.scatter @!p3 [tilespmem:s12], [sflag:$0x5], $0x2800, $0x38;
	[tilespmem:$0xA800] =	vst v63  }
0x1ca: {  	s0 =	simm.s32 @!p3 $0x5  }
0x1cb: {  	_ =	swait.ge @!p3 [sflag:s0], $0x2800  }
0x1cc: {  	s5 =	simm.s32 @!p3 $0x5800;
	[sflag:s0] =	ssyncset.done @!p3 $0x0  }
0x1cd: {  	s2 =	simm.s32 @!p3 $0x0;
	s19 =	rddreg [dreg:$0xd];
	[sflag:s0] =	ssyncadd.s32 @!p3 $0xFFFFD800  }
0x1ce: {  	[hbm4b:s19+s2] =	stream.linear.scatter @!p3 [tilespmem:s5], [sflag:$0x5], $0x2800, $0x38;
	[tilespmem:$0xA800] =	vst v63  }
0x1cf: {  	_ =	swait.ge @!p3 [sflag:s0], $0x2800  }
0x1d0: {  	s12 =	simm.s32 @!p1 $0x300;
	[sflag:s0] =	ssyncset.done @!p3 $0x0  }
0x1d1: {  	s2 =	simm.s32 @!p1 $0x800;
	s5 =	simm.s32 @!p1 $0x50;
	[sflag:s0] =	ssyncadd.s32 @!p3 $0xFFFFD800  }
0x1d2: {  	[tilespmem:s2], [sflag:$0x1] =	stream.indirect.gather @!p1 [hbm4b:s3+s5], $0x80, s12, s5, $0xb8;
	[tilespmem:$0xA800] =	vst v63  }
0x1d3: {  	s25 =	simm.s32 @!p2 $0x2;
	s12 =	simm.s32 @!p1 $0x700;
	s2 =	simm.s32 @!p1 $0x5800  }
0x1d4: {  	[tilespmem:s2], [sflag:$0x3] =	stream.indirect.gather @!p1 [hbm4b:s3+s5], $0x80, s12, s5, $0xb8;
	[tilespmem:$0xA800] =	vst v63  }
0x1d5: {  	_ =	swait.ge @!p2 [sflag:s25], $0x2800  }
0x1d6: {  	[sflag:s25] =	ssyncset.done @!p2 $0x0  }
0x1d7: {  	s29 =	simm.s32 @!p2 $0x4;
	[sflag:s25] =	ssyncadd.s32 @!p2 $0xFFFFD800  }
0x1d8: {  	_ =	swait.ge @!p2 [sflag:s29], $0x2800  }
0x1d9: {  	s18 =	simm.s32 @!p2 $0x3000;
	s5 =	simm.s32 @!p2 $0x0;
	[sflag:s29] =	ssyncset.done @!p2 $0x0  }
0x1da: {  	s12 =	simm.s32 @!p2 $0x5;
	s19 =	rddreg [dreg:$0xe];
	[sflag:s29] =	ssyncadd.s32 @!p2 $0xFFFFD800  }
0x1db: {  	[hbm4b:s19+s5] =	stream.linear.scatter @!p2 [tilespmem:s18], [sflag:$0x5], $0x2800, $0x38;
	[tilespmem:$0xA800] =	vst v63  }
0x1dc: {  	_ =	swait.ge @!p2 [sflag:s12], $0x2800  }
0x1dd: {  	s8 =	simm.s32 @!p2 $0x8000;
	[sflag:s12] =	ssyncset.done @!p2 $0x0  }
0x1de: {  	s5 =	simm.s32 @!p2 $0x0;
	s19 =	rddreg [dreg:$0xf];
	[sflag:s12] =	ssyncadd.s32 @!p2 $0xFFFFD800  }
0x1df: {  	[hbm4b:s19+s5] =	stream.linear.scatter @!p2 [tilespmem:s8], [sflag:$0x5], $0x2800, $0x38;
	[tilespmem:$0xA800] =	vst v63  }
0x1e0: {  	_ =	swait.ge @!p2 [sflag:s12], $0x2800  }
0x1e1: {  	s18 =	simm.s32 @!p0 $0x380;
	[sflag:s12] =	ssyncset.done @!p2 $0x0  }
0x1e2: {  	s5 =	simm.s32 @!p0 $0x3000;
	s8 =	simm.s32 @!p0 $0x50;
	[sflag:s12] =	ssyncadd.s32 @!p2 $0xFFFFD800  }
0x1e3: {  	[tilespmem:s5], [sflag:$0x2] =	stream.indirect.gather @!p0 [hbm4b:s3+s8], $0x80, s18, s8, $0xb8;
	[tilespmem:$0xA800] =	vst v63  }
0x1e4: {  	s18 =	simm.s32 @!p0 $0x780;
	s5 =	simm.s32 @!p0 $0x8000  }
0x1e5: {  	[tilespmem:s5], [sflag:$0x4] =	stream.indirect.gather @!p0 [hbm4b:s3+s8], $0x80, s18, s8, $0xb8;
	[tilespmem:$0xA800] =	vst v63  }
0x1e6: {  	s18 =	simm.s32 @!p1 $0x1  }
0x1e7: {  	_ =	swait.ge @!p1 [sflag:s18], $0x2800  }
0x1e8: {  	[sflag:s18] =	ssyncset.done @!p1 $0x0  }
0x1e9: {  	s23 =	simm.s32 @!p1 $0x3;
	[sflag:s18] =	ssyncadd.s32 @!p1 $0xFFFFD800  }
0x1ea: {  	_ =	swait.ge @!p1 [sflag:s23], $0x2800  }
0x1eb: {  	s24 =	simm.s32 @!p1 $0x800;
	s5 =	simm.s32 @!p1 $0x0;
	[sflag:s23] =	ssyncset.done @!p1 $0x0  }
0x1ec: {  	s8 =	simm.s32 @!p1 $0x5;
	s19 =	rddreg [dreg:$0x10];
	[sflag:s23] =	ssyncadd.s32 @!p1 $0xFFFFD800  }
0x1ed: {  	[hbm4b:s19+s5] =	stream.linear.scatter @!p1 [tilespmem:s24], [sflag:$0x5], $0x2800, $0x38;
	[tilespmem:$0xA800] =	vst v63  }
0x1ee: {  	_ =	swait.ge @!p1 [sflag:s8], $0x2800  }
0x1ef: {  	s2 =	simm.s32 @!p1 $0x5800;
	[sflag:s8] =	ssyncset.done @!p1 $0x0  }
0x1f0: {  	s5 =	simm.s32 @!p1 $0x0;
	s19 =	rddreg [dreg:$0x11];
	[sflag:s8] =	ssyncadd.s32 @!p1 $0xFFFFD800  }
0x1f1: {  	[hbm4b:s19+s5] =	stream.linear.scatter @!p1 [tilespmem:s2], [sflag:$0x5], $0x2800, $0x38;
	[tilespmem:$0xA800] =	vst v63  }
0x1f2: {  	_ =	swait.ge @!p1 [sflag:s8], $0x2800  }
0x1f3: {  	[sflag:s8] =	ssyncset.done @!p1 $0x0  }
0x1f4: {  	s2 =	simm.s32 @!p0 $0x2;
	[sflag:s8] =	ssyncadd.s32 @!p1 $0xFFFFD800  }
0x1f5: {  	_ =	swait.ge @!p0 [sflag:s2], $0x2800  }
0x1f6: {  	[sflag:s2] =	ssyncset.done @!p0 $0x0  }
0x1f7: {  	s5 =	simm.s32 @!p0 $0x4;
	[sflag:s2] =	ssyncadd.s32 @!p0 $0xFFFFD800  }
0x1f8: {  	_ =	swait.ge @!p0 [sflag:s5], $0x2800  }
0x1f9: {  	s28 =	simm.s32 @!p0 $0x3000;
	[sflag:s5] =	ssyncset.done @!p0 $0x0  }
0x1fa: {  	s24 =	simm.s32 @!p0 $0x0;
	s19 =	rddreg [dreg:$0x12];
	[sflag:s5] =	ssyncadd.s32 @!p0 $0xFFFFD800  }
0x1fb: {  	[hbm4b:s19+s24] =	stream.linear.scatter @!p0 [tilespmem:s28], [sflag:$0x5], $0x2800, $0x38;
	[tilespmem:$0xA800] =	vst v63  }
0x1fc: {  	_ =	swait.ge @!p0 [sflag:s22], $0x2800  }
0x1fd: {  	s21 =	simm.s32 @!p0 $0x8000;
	[sflag:s22] =	ssyncset.done @!p0 $0x0  }
0x1fe: {  	s28 =	simm.s32 @!p0 $0x0;
	s19 =	rddreg [dreg:$0x13];
	[sflag:s22] =	ssyncadd.s32 @!p0 $0xFFFFD800  }
0x1ff: {  	[hbm4b:s19+s28] =	stream.linear.scatter @!p0 [tilespmem:s21], [sflag:$0x5], $0x2800, $0x38;
	[tilespmem:$0xA800] =	vst v63  }
0x200: {  	_ =	swait.ge @!p0 [sflag:s22], $0x2800  }
0x201: {  	[sflag:s22] =	ssyncset.done @!p0 $0x0  }
0x202: {  	s16 =	rddreg [dreg:$0x14];
	[sflag:s22] =	ssyncadd.s32 @!p0 $0xFFFFD800  }
0x203: {  	[tilespmem:s1], [sflag:$0x5] =	stream.linear.gather [hbm4b:s16+s1], $0x400, $0x38;
	[tilespmem:$0xA800] =	vst v63  }
0x204: {  	_ =	swait.ge [sflag:s4], $0x400  }
0x205: {  	[sflag:s4] =	ssyncset.done $0x0  }
0x206: {  	s24 =	simm.s32 $0x400;
	s21 =	rddreg [dreg:$0x15];
	[sflag:s4] =	ssyncadd.s32 $0xFFFFFC00  }
0x207: {  	[tilespmem:s24], [sflag:$0x5] =	stream.linear.gather [hbm4b:s21+s1], $0x400, $0x38;
	[tilespmem:$0xA800] =	vst v63  }
0x208: {  	_ =	swait.ge [sflag:s4], $0x400  }
0x209: {  	[sflag:s4] =	ssyncset.done $0x0  }
0x20a: {  	s16 =	simm.s32 $0x800;
	[sflag:s4] =	ssyncadd.s32 $0xFFFFFC00  }
0x20b: {  	[tilespmem:s16], [sflag:$0x1] =	stream.indirect.gather [hbm4b:s3+s15], $0x80, s1, s15, $0xb8;
	[tilespmem:$0xA800] =	vst v63  }
0x20c: {  	_ = 	snop  }
0x20d: {  	[tilespmem:s31], [sflag:$0x3] =	stream.indirect.gather [hbm4b:s3+s15], $0x80, s24, s15, $0xb8;
	[tilespmem:$0xA800] =	vst v63  }
0x20e: {  	s21 =	simm.s32 $0x80;
	s24 =	simm.s32 $0x3000  }
0x20f: {  	[tilespmem:s24], [sflag:$0x2] =	stream.indirect.gather [hbm4b:s3+s15], $0x80, s21, s15, $0xb8;
	[tilespmem:$0xA800] =	vst v63  }
0x210: {  	s19 =	simm.s32 $0x480;
	s21 =	simm.s32 $0x8000  }
0x211: {  	[tilespmem:s21], [sflag:$0x4] =	stream.indirect.gather [hbm4b:s3+s15], $0x80, s19, s15, $0xb8;
	[tilespmem:$0xA800] =	vst v63  }
0x212: {  	_ =	swait.ge [sflag:s13], $0x2800  }
0x213: {  	[sflag:s13] =	ssyncset.done $0x0  }
0x214: {  	[sflag:s13] =	ssyncadd.s32 $0xFFFFD800  }
0x215: {  	_ =	swait.ge [sflag:s11], $0x2800  }
0x216: {  	[sflag:s11] =	ssyncset.done $0x0  }
0x217: {  	s13 =	rddreg [dreg:$0x16];
	[sflag:s11] =	ssyncadd.s32 $0xFFFFD800  }
0x218: {  	[hbm4b:s13+s1] =	stream.linear.scatter [tilespmem:s16], [sflag:$0x5], $0x2800, $0x38;
	[tilespmem:$0xA800] =	vst v63  }
0x219: {  	_ =	swait.ge [sflag:s4], $0x2800  }
0x21a: {  	[sflag:s4] =	ssyncset.done $0x0  }
0x21b: {  	s15 =	rddreg [dreg:$0x17];
	[sflag:s4] =	ssyncadd.s32 $0xFFFFD800  }
0x21c: {  	[hbm4b:s15+s1] =	stream.linear.scatter [tilespmem:s31], [sflag:$0x5], $0x2800, $0x38;
	[tilespmem:$0xA800] =	vst v63  }
0x21d: {  	_ =	swait.ge [sflag:s4], $0x2800  }
0x21e: {  	s11 =	simm.s32 @!p5 $0x50;
	[sflag:s4] =	ssyncset.done $0x0  }
0x21f: {  	s13 =	simm.s32 @!p5 $0x100;
	s15 =	simm.s32 @!p5 $0x800;
	[sflag:s4] =	ssyncadd.s32 $0xFFFFD800  }
0x220: {  	[tilespmem:s15], [sflag:$0x1] =	stream.indirect.gather @!p5 [hbm4b:s3+s11], $0x80, s13, s11, $0xb8;
	[tilespmem:$0xA800] =	vst v63  }
0x221: {  	s16 =	simm.s32 @!p5 $0x500;
	s13 =	simm.s32 @!p5 $0x5800  }
0x222: {  	[tilespmem:s13], [sflag:$0x3] =	stream.indirect.gather @!p5 [hbm4b:s3+s11], $0x80, s16, s11, $0xb8;
	[tilespmem:$0xA800] =	vst v63  }
0x223: {  	_ =	swait.ge [sflag:s10], $0x2800  }
0x224: {  	[sflag:s10] =	ssyncset.done $0x0  }
0x225: {  	[sflag:s10] =	ssyncadd.s32 $0xFFFFD800  }
0x226: {  	_ =	swait.ge [sflag:s6], $0x2800  }
0x227: {  	[sflag:s6] =	ssyncset.done $0x0  }
0x228: {  	s16 =	rddreg [dreg:$0x18];
	[sflag:s6] =	ssyncadd.s32 $0xFFFFD800  }
0x229: {  	[hbm4b:s16+s1] =	stream.linear.scatter [tilespmem:s24], [sflag:$0x5], $0x2800, $0x38;
	[tilespmem:$0xA800] =	vst v63  }
0x22a: {  	_ =	swait.ge [sflag:s4], $0x2800  }
0x22b: {  	[sflag:s4] =	ssyncset.done $0x0  }
0x22c: {  	s24 =	rddreg [dreg:$0x19];
	[sflag:s4] =	ssyncadd.s32 $0xFFFFD800  }
0x22d: {  	[hbm4b:s24+s1] =	stream.linear.scatter [tilespmem:s21], [sflag:$0x5], $0x2800, $0x38;
	[tilespmem:$0xA800] =	vst v63  }
0x22e: {  	_ =	swait.ge [sflag:s4], $0x2800  }
0x22f: {  	s6 =	simm.s32 @!p4 $0x50;
	[sflag:s4] =	ssyncset.done $0x0  }
0x230: {  	s21 =	simm.s32 @!p4 $0x3000;
	s1 =	simm.s32 @!p4 $0x180;
	[sflag:s4] =	ssyncadd.s32 $0xFFFFD800  }
0x231: {  	[tilespmem:s21], [sflag:$0x2] =	stream.indirect.gather @!p4 [hbm4b:s3+s6], $0x80, s1, s6, $0xb8;
	[tilespmem:$0xA800] =	vst v63  }
0x232: {  	s10 =	simm.s32 @!p4 $0x8000;
	s1 =	simm.s32 @!p4 $0x580  }
0x233: {  	[tilespmem:s10], [sflag:$0x4] =	stream.indirect.gather @!p4 [hbm4b:s3+s6], $0x80, s1, s6, $0xb8;
	[tilespmem:$0xA800] =	vst v63  }
0x234: {  	_ =	swait.ge @!p5 [sflag:s26], $0x2800  }
0x235: {  	[sflag:s26] =	ssyncset.done @!p5 $0x0  }
0x236: {  	s1 =	simm.s32 @!p5 $0x3;
	[sflag:s26] =	ssyncadd.s32 @!p5 $0xFFFFD800  }
0x237: {  	_ =	swait.ge @!p5 [sflag:s1], $0x2800  }
0x238: {  	[sflag:s1] =	ssyncset.done @!p5 $0x0;
	s1 =	simm.s32 @!p5 $0x3  }
0x239: {  	s6 =	simm.s32 @!p5 $0x0;
	s19 =	rddreg [dreg:$0x1a];
	[sflag:s1] =	ssyncadd.s32 @!p5 $0xFFFFD800  }
0x23a: {  	[hbm4b:s19+s6] =	stream.linear.scatter @!p5 [tilespmem:s15], [sflag:$0x5], $0x2800, $0x38;
	[tilespmem:$0xA800] =	vst v63  }
0x23b: {  	_ =	swait.ge @!p5 [sflag:s14], $0x2800  }
0x23c: {  	[sflag:s14] =	ssyncset.done @!p5 $0x0  }
0x23d: {  	s19 =	rddreg [dreg:$0x1b];
	[sflag:s14] =	ssyncadd.s32 @!p5 $0xFFFFD800  }
0x23e: {  	[hbm4b:s19+s6] =	stream.linear.scatter @!p5 [tilespmem:s13], [sflag:$0x5], $0x2800, $0x38;
	[tilespmem:$0xA800] =	vst v63  }
0x23f: {  	_ =	swait.ge @!p5 [sflag:s14], $0x2800  }
0x240: {  	s1 =	simm.s32 @!p3 $0x200;
	[sflag:s14] =	ssyncset.done @!p5 $0x0  }
0x241: {  	s6 =	simm.s32 @!p3 $0x50;
	s13 =	simm.s32 @!p3 $0x800;
	[sflag:s14] =	ssyncadd.s32 @!p5 $0xFFFFD800  }
0x242: {  	[tilespmem:s13], [sflag:$0x1] =	stream.indirect.gather @!p3 [hbm4b:s3+s6], $0x80, s1, s6, $0xb8;
	[tilespmem:$0xA800] =	vst v63  }
0x243: {  	s11 =	simm.s32 @!p3 $0x5800;
	s1 =	simm.s32 @!p3 $0x600  }
0x244: {  	[tilespmem:s11], [sflag:$0x3] =	stream.indirect.gather @!p3 [hbm4b:s3+s6], $0x80, s1, s6, $0xb8;
	[tilespmem:$0xA800] =	vst v63  }
0x245: {  	_ =	swait.ge @!p4 [sflag:s7], $0x2800  }
0x246: {  	[sflag:s7] =	ssyncset.done @!p4 $0x0  }
0x247: {  	s1 =	simm.s32 @!p4 $0x4;
	[sflag:s7] =	ssyncadd.s32 @!p4 $0xFFFFD800  }
0x248: {  	_ =	swait.ge @!p4 [sflag:s1], $0x2800  }
0x249: {  	[sflag:s1] =	ssyncset.done @!p4 $0x0;
	s1 =	simm.s32 @!p4 $0x4  }
0x24a: {  	s6 =	simm.s32 @!p4 $0x0;
	s19 =	rddreg [dreg:$0x1c];
	[sflag:s1] =	ssyncadd.s32 @!p4 $0xFFFFD800  }
0x24b: {  	[hbm4b:s19+s6] =	stream.linear.scatter @!p4 [tilespmem:s21], [sflag:$0x5], $0x2800, $0x38;
	[tilespmem:$0xA800] =	vst v63  }
0x24c: {  	_ =	swait.ge @!p4 [sflag:s17], $0x2800  }
0x24d: {  	[sflag:s17] =	ssyncset.done @!p4 $0x0  }
0x24e: {  	s19 =	rddreg [dreg:$0x1d];
	[sflag:s17] =	ssyncadd.s32 @!p4 $0xFFFFD800  }
0x24f: {  	[hbm4b:s19+s6] =	stream.linear.scatter @!p4 [tilespmem:s10], [sflag:$0x5], $0x2800, $0x38;
	[tilespmem:$0xA800] =	vst v63  }
0x250: {  	_ =	swait.ge @!p4 [sflag:s17], $0x2800  }
0x251: {  	s14 =	simm.s32 @!p2 $0x3000;
	[sflag:s17] =	ssyncset.done @!p4 $0x0  }
0x252: {  	s1 =	simm.s32 @!p2 $0x280;
	s6 =	simm.s32 @!p2 $0x50;
	[sflag:s17] =	ssyncadd.s32 @!p4 $0xFFFFD800  }
0x253: {  	[tilespmem:s14], [sflag:$0x2] =	stream.indirect.gather @!p2 [hbm4b:s3+s6], $0x80, s1, s6, $0xb8;
	[tilespmem:$0xA800] =	vst v63  }
0x254: {  	s10 =	simm.s32 @!p2 $0x8000;
	s1 =	simm.s32 @!p2 $0x680  }
0x255: {  	[tilespmem:s10], [sflag:$0x4] =	stream.indirect.gather @!p2 [hbm4b:s3+s6], $0x80, s1, s6, $0xb8;
	[tilespmem:$0xA800] =	vst v63  }
0x256: {  	_ =	swait.ge @!p3 [sflag:s9], $0x2800  }
0x257: {  	[sflag:s9] =	ssyncset.done @!p3 $0x0  }
0x258: {  	[sflag:s9] =	ssyncadd.s32 @!p3 $0xFFFFD800  }
0x259: {  	_ =	swait.ge @!p3 [sflag:s30], $0x2800  }
0x25a: {  	[sflag:s30] =	ssyncset.done @!p3 $0x0  }
0x25b: {  	s6 =	simm.s32 @!p3 $0x0;
	s19 =	rddreg [dreg:$0x1e];
	[sflag:s30] =	ssyncadd.s32 @!p3 $0xFFFFD800  }
0x25c: {  	[hbm4b:s19+s6] =	stream.linear.scatter @!p3 [tilespmem:s13], [sflag:$0x5], $0x2800, $0x38;
	[tilespmem:$0xA800] =	vst v63  }
0x25d: {  	_ =	swait.ge @!p3 [sflag:s0], $0x2800  }
0x25e: {  	[sflag:s0] =	ssyncset.done @!p3 $0x0  }
0x25f: {  	s19 =	rddreg [dreg:$0x1f];
	[sflag:s0] =	ssyncadd.s32 @!p3 $0xFFFFD800  }
0x260: {  	[hbm4b:s19+s6] =	stream.linear.scatter @!p3 [tilespmem:s11], [sflag:$0x5], $0x2800, $0x38;
	[tilespmem:$0xA800] =	vst v63  }
0x261: {  	_ =	swait.ge @!p3 [sflag:s0], $0x2800  }
0x262: {  	s7 =	simm.s32 @!p1 $0x800;
	[sflag:s0] =	ssyncset.done @!p3 $0x0  }
0x263: {  	s6 =	simm.s32 @!p1 $0x50;
	[sflag:s0] =	ssyncadd.s32 @!p3 $0xFFFFD800;
	s0 =	simm.s32 @!p1 $0x300  }
0x264: {  	[tilespmem:s7], [sflag:$0x1] =	stream.indirect.gather @!p1 [hbm4b:s3+s6], $0x80, s0, s6, $0xb8;
	[tilespmem:$0xA800] =	vst v63  }
0x265: {  	s1 =	simm.s32 @!p1 $0x700;
	s0 =	simm.s32 @!p1 $0x5800  }
0x266: {  	[tilespmem:s0], [sflag:$0x3] =	stream.indirect.gather @!p1 [hbm4b:s3+s6], $0x80, s1, s6, $0xb8;
	[tilespmem:$0xA800] =	vst v63  }
0x267: {  	_ =	swait.ge @!p2 [sflag:s25], $0x2800  }
0x268: {  	[sflag:s25] =	ssyncset.done @!p2 $0x0  }
0x269: {  	[sflag:s25] =	ssyncadd.s32 @!p2 $0xFFFFD800  }
0x26a: {  	_ =	swait.ge @!p2 [sflag:s29], $0x2800  }
0x26b: {  	s19 =	sld [smem:$0x7F8]  }
0x26c: {  	[sflag:s29] =	ssyncset.done @!p2 $0x0  }
0x26d: {  	s6 =	simm.s32 @!p2 $0x0;
	[sflag:s29] =	ssyncadd.s32 @!p2 $0xFFFFD800  }
0x26e: {  	[hbm4b:s19+s6] =	stream.linear.scatter @!p2 [tilespmem:s14], [sflag:$0x5], $0x2800, $0x38;
	[tilespmem:$0xA800] =	vst v63  }
0x26f: {  	_ =	swait.ge @!p2 [sflag:s12], $0x2800  }
0x270: {  	s19 =	sld [smem:$0x7F9]  }
0x271: {  	[sflag:s12] =	ssyncset.done @!p2 $0x0  }
0x272: {  	[sflag:s12] =	ssyncadd.s32 @!p2 $0xFFFFD800  }
0x273: {  	[hbm4b:s19+s6] =	stream.linear.scatter @!p2 [tilespmem:s10], [sflag:$0x5], $0x2800, $0x38;
	[tilespmem:$0xA800] =	vst v63  }
0x274: {  	_ =	swait.ge @!p2 [sflag:s12], $0x2800  }
0x275: {  	s9 =	simm.s32 @!p0 $0x3000;
	[sflag:s12] =	ssyncset.done @!p2 $0x0  }
0x276: {  	s1 =	simm.s32 @!p0 $0x380;
	s10 =	simm.s32 @!p0 $0x50;
	[sflag:s12] =	ssyncadd.s32 @!p2 $0xFFFFD800  }
0x277: {  	[tilespmem:s9], [sflag:$0x2] =	stream.indirect.gather @!p0 [hbm4b:s3+s10], $0x80, s1, s10, $0xb8;
	[tilespmem:$0xA800] =	vst v63  }
0x278: {  	s6 =	simm.s32 @!p0 $0x8000;
	s1 =	simm.s32 @!p0 $0x780  }
0x279: {  	[tilespmem:s6], [sflag:$0x4] =	stream.indirect.gather @!p0 [hbm4b:s3+s10], $0x80, s1, s10, $0xb8;
	[tilespmem:$0xA800] =	vst v63  }
0x27a: {  	_ =	swait.ge @!p1 [sflag:s18], $0x2800  }
0x27b: {  	[sflag:s18] =	ssyncset.done @!p1 $0x0  }
0x27c: {  	[sflag:s18] =	ssyncadd.s32 @!p1 $0xFFFFD800  }
0x27d: {  	_ =	swait.ge @!p1 [sflag:s23], $0x2800  }
0x27e: {  	s19 =	sld [smem:$0x7FA]  }
0x27f: {  	[sflag:s23] =	ssyncset.done @!p1 $0x0  }
0x280: {  	s10 =	simm.s32 @!p1 $0x0;
	[sflag:s23] =	ssyncadd.s32 @!p1 $0xFFFFD800  }
0x281: {  	[hbm4b:s19+s10] =	stream.linear.scatter @!p1 [tilespmem:s7], [sflag:$0x5], $0x2800, $0x38;
	[tilespmem:$0xA800] =	vst v63  }
0x282: {  	_ =	swait.ge @!p1 [sflag:s8], $0x2800  }
0x283: {  	s19 =	sld [smem:$0x7FB]  }
0x284: {  	[sflag:s8] =	ssyncset.done @!p1 $0x0  }
0x285: {  	[sflag:s8] =	ssyncadd.s32 @!p1 $0xFFFFD800  }
0x286: {  	[hbm4b:s19+s10] =	stream.linear.scatter @!p1 [tilespmem:s0], [sflag:$0x5], $0x2800, $0x38;
	[tilespmem:$0xA800] =	vst v63  }
0x287: {  	_ =	swait.ge @!p1 [sflag:s8], $0x2800  }
0x288: {  	[sflag:s8] =	ssyncset.done @!p1 $0x0  }
0x289: {  	[sflag:s8] =	ssyncadd.s32 @!p1 $0xFFFFD800  }
0x28a: {  	_ =	swait.ge @!p0 [sflag:s2], $0x2800  }
0x28b: {  	[sflag:s2] =	ssyncset.done @!p0 $0x0  }
0x28c: {  	[sflag:s2] =	ssyncadd.s32 @!p0 $0xFFFFD800  }
0x28d: {  	_ =	swait.ge @!p0 [sflag:s5], $0x2800  }
0x28e: {  	s19 =	sld [smem:$0x7FC]  }
0x28f: {  	[sflag:s5] =	ssyncset.done @!p0 $0x0  }
0x290: {  	[sflag:s5] =	ssyncadd.s32 @!p0 $0xFFFFD800  }
0x291: {  	[hbm4b:s19+s28] =	stream.linear.scatter @!p0 [tilespmem:s9], [sflag:$0x5], $0x2800, $0x38;
	[tilespmem:$0xA800] =	vst v63  }
0x292: {  	s20 =	sadd.s32 $0xFFFFFFFF, s20;
	_ =	swait.ge @!p0 [sflag:s22], $0x2800  }
0x293: {  	p6 =	sne.s32 s20, $0x0;
	s19 =	sld [smem:$0x7FD]  }
.Ltmp2:
0x294: {  	[sflag:s22] =	ssyncset.done @!p0 $0x0;
	(pc) =	sbr.rel @p6 .LBB2_4-.Ltmp2, $4  }
0x295: {  	[sflag:s22] =	ssyncadd.s32 @!p0 $0xFFFFD800  }
0x296: {  	[hbm4b:s19+s28] =	stream.linear.scatter @!p0 [tilespmem:s6], [sflag:$0x5], $0x2800, $0x38;
	[tilespmem:$0xA800] =	vst v63  }
0x297: {  	_ =	swait.ge @!p0 [sflag:s22], $0x2800  }
0x298: {  	s19 =	rddreg [dreg:$0x2];
	[sflag:s22] =	ssyncset.done @!p0 $0x0  }
.LBB2_5:
0x299: {  	s0 =	sld [smem:$0x7F7];
	_ =	sdelay $0x2  }
0x29a: {  	p6 =	seq.s32 s0, $0x1  }
0x29b: {  	p6 =	por p0, !p6  }
0x29c: {  	s10 =	simm.s32 $0x0;
	[sflag:s22] =	ssyncadd.s32 @!p6 $0xFFFFD800  }
0x29d: {  	[tilespmem:s10], [sflag:$0x5] =	stream.linear.gather [hbm4b:s19+s10], $0x400, $0x38;
	[tilespmem:$0xA800] =	vst v63  }
0x29e: {  	_ =	swait.ge [sflag:s4], $0x400  }
0x29f: {  	[sflag:s4] =	ssyncset.done $0x0  }
0x2a0: {  	s1 =	simm.s32 $0x400;
	s18 =	rddreg [dreg:$0x3];
	[sflag:s4] =	ssyncadd.s32 $0xFFFFFC00  }
0x2a1: {  	[tilespmem:s1], [sflag:$0x5] =	stream.linear.gather [hbm4b:s18+s10], $0x400, $0x38;
	[tilespmem:$0xA800] =	vst v63  }
0x2a2: {  	_ =	swait.ge [sflag:s4], $0x400  }
0x2a3: {  	[sflag:s4] =	ssyncset.done $0x0  }
0x2a4: {  	s8 =	simm.s32 $0x800;
	s11 =	simm.s32 $0x50;
	[sflag:s4] =	ssyncadd.s32 $0xFFFFFC00  }
0x2a5: {  	[tilespmem:s8], [sflag:$0x1] =	stream.indirect.gather [hbm4b:s3+s11], $0x80, s10, s11, $0xb8;
	[tilespmem:$0xA800] =	vst v63  }
0x2a6: {  	s19 =	simm.s32 $0x5800  }
0x2a7: {  	[tilespmem:s19], [sflag:$0x3] =	stream.indirect.gather [hbm4b:s3+s11], $0x80, s1, s11, $0xb8;
	[tilespmem:$0xA800] =	vst v63  }
0x2a8: {  	s20 =	simm.s32 $0x3000;
	s21 =	simm.s32 $0x80  }
0x2a9: {  	[tilespmem:s20], [sflag:$0x2] =	stream.indirect.gather [hbm4b:s3+s11], $0x80, s21, s11, $0xb8;
	[tilespmem:$0xA800] =	vst v63  }
0x2aa: {  	s23 =	simm.s32 $0x480;
	s29 =	simm.s32 $0x1;
	s22 =	simm.s32 $0x8000  }
0x2ab: {  	[tilespmem:s22], [sflag:$0x4] =	stream.indirect.gather [hbm4b:s3+s11], $0x80, s23, s11, $0xb8;
	[tilespmem:$0xA800] =	vst v63  }
0x2ac: {  	_ =	swait.ge [sflag:s29], $0x2800  }
0x2ad: {  	[sflag:s29] =	ssyncset.done $0x0  }
0x2ae: {  	s31 =	simm.s32 $0x3;
	[sflag:s29] =	ssyncadd.s32 $0xFFFFD800  }
0x2af: {  	_ =	swait.ge [sflag:s31], $0x2800  }
0x2b0: {  	[sflag:s31] =	ssyncset.done $0x0  }
0x2b1: {  	s25 =	rddreg [dreg:$0x4];
	[sflag:s31] =	ssyncadd.s32 $0xFFFFD800  }
0x2b2: {  	[hbm4b:s25+s10] =	stream.linear.scatter [tilespmem:s8], [sflag:$0x5], $0x2800, $0x38;
	[tilespmem:$0xA800] =	vst v63  }
0x2b3: {  	_ =	swait.ge [sflag:s4], $0x2800  }
0x2b4: {  	[sflag:s4] =	ssyncset.done $0x0  }
0x2b5: {  	s5 =	simm.s32 $0x5800;
	s26 =	rddreg [dreg:$0x5];
	[sflag:s4] =	ssyncadd.s32 $0xFFFFD800  }
0x2b6: {  	[hbm4b:s26+s10] =	stream.linear.scatter [tilespmem:s5], [sflag:$0x5], $0x2800, $0x38;
	[tilespmem:$0xA800] =	vst v63  }
0x2b7: {  	_ =	swait.ge [sflag:s4], $0x2800  }
0x2b8: {  	s2 =	simm.s32 @!p5 $0x100;
	[sflag:s4] =	ssyncset.done $0x0  }
0x2b9: {  	s0 =	simm.s32 @!p5 $0x800;
	s5 =	simm.s32 @!p5 $0x50;
	[sflag:s4] =	ssyncadd.s32 $0xFFFFD800  }
0x2ba: {  	[tilespmem:s0], [sflag:$0x1] =	stream.indirect.gather @!p5 [hbm4b:s3+s5], $0x80, s2, s5, $0xb8;
	[tilespmem:$0xA800] =	vst v63  }
0x2bb: {  	s13 =	simm.s32 $0x2;
	s2 =	simm.s32 @!p5 $0x500;
	s0 =	simm.s32 @!p5 $0x5800  }
0x2bc: {  	[tilespmem:s0], [sflag:$0x3] =	stream.indirect.gather @!p5 [hbm4b:s3+s5], $0x80, s2, s5, $0xb8;
	[tilespmem:$0xA800] =	vst v63  }
0x2bd: {  	_ =	swait.ge [sflag:s13], $0x2800  }
0x2be: {  	[sflag:s13] =	ssyncset.done $0x0  }
0x2bf: {  	s25 =	simm.s32 $0x4;
	[sflag:s13] =	ssyncadd.s32 $0xFFFFD800  }
0x2c0: {  	_ =	swait.ge [sflag:s25], $0x2800  }
0x2c1: {  	[sflag:s25] =	ssyncset.done $0x0  }
0x2c2: {  	s6 =	simm.s32 $0x3000;
	s28 =	rddreg [dreg:$0x6];
	[sflag:s25] =	ssyncadd.s32 $0xFFFFD800  }
0x2c3: {  	[hbm4b:s28+s10] =	stream.linear.scatter [tilespmem:s6], [sflag:$0x5], $0x2800, $0x38;
	[tilespmem:$0xA800] =	vst v63  }
0x2c4: {  	_ =	swait.ge [sflag:s4], $0x2800  }
0x2c5: {  	[sflag:s4] =	ssyncset.done $0x0  }
0x2c6: {  	s24 =	simm.s32 $0x8000;
	s30 =	rddreg [dreg:$0x7];
	[sflag:s4] =	ssyncadd.s32 $0xFFFFD800  }
0x2c7: {  	[hbm4b:s30+s10] =	stream.linear.scatter [tilespmem:s24], [sflag:$0x5], $0x2800, $0x38;
	[tilespmem:$0xA800] =	vst v63  }
0x2c8: {  	_ =	swait.ge [sflag:s4], $0x2800  }
0x2c9: {  	s1 =	simm.s32 @!p4 $0x50;
	[sflag:s4] =	ssyncset.done $0x0  }
0x2ca: {  	s0 =	simm.s32 @!p4 $0x3000;
	s2 =	simm.s32 @!p4 $0x180;
	[sflag:s4] =	ssyncadd.s32 $0xFFFFD800  }
0x2cb: {  	[tilespmem:s0], [sflag:$0x2] =	stream.indirect.gather @!p4 [hbm4b:s3+s1], $0x80, s2, s1, $0xb8;
	[tilespmem:$0xA800] =	vst v63  }
0x2cc: {  	s26 =	simm.s32 @!p5 $0x1;
	s2 =	simm.s32 @!p4 $0x580;
	s0 =	simm.s32 @!p4 $0x8000  }
0x2cd: {  	[tilespmem:s0], [sflag:$0x4] =	stream.indirect.gather @!p4 [hbm4b:s3+s1], $0x80, s2, s1, $0xb8;
	[tilespmem:$0xA800] =	vst v63  }
0x2ce: {  	_ =	swait.ge @!p5 [sflag:s26], $0x2800  }
0x2cf: {  	[sflag:s26] =	ssyncset.done @!p5 $0x0  }
0x2d0: {  	s28 =	simm.s32 @!p5 $0x3;
	[sflag:s26] =	ssyncadd.s32 @!p5 $0xFFFFD800  }
0x2d1: {  	_ =	swait.ge @!p5 [sflag:s28], $0x2800  }
0x2d2: {  	s22 =	simm.s32 @!p5 $0x5;
	s8 =	simm.s32 @!p5 $0x800;
	[sflag:s28] =	ssyncset.done @!p5 $0x0  }
0x2d3: {  	s2 =	simm.s32 @!p5 $0x0;
	s0 =	rddreg [dreg:$0x8];
	[sflag:s28] =	ssyncadd.s32 @!p5 $0xFFFFD800  }
0x2d4: {  	[hbm4b:s0+s2] =	stream.linear.scatter @!p5 [tilespmem:s8], [sflag:$0x5], $0x2800, $0x38;
	[tilespmem:$0xA800] =	vst v63  }
0x2d5: {  	_ =	swait.ge @!p5 [sflag:s22], $0x2800  }
0x2d6: {  	[sflag:s22] =	ssyncset.done @!p5 $0x0  }
0x2d7: {  	s5 =	simm.s32 @!p5 $0x5800;
	s0 =	rddreg [dreg:$0x9];
	[sflag:s22] =	ssyncadd.s32 @!p5 $0xFFFFD800  }
0x2d8: {  	[hbm4b:s0+s2] =	stream.linear.scatter @!p5 [tilespmem:s5], [sflag:$0x5], $0x2800, $0x38;
	[tilespmem:$0xA800] =	vst v63  }
0x2d9: {  	_ =	swait.ge @!p5 [sflag:s22], $0x2800  }
0x2da: {  	s0 =	simm.s32 @!p3 $0x800;
	[sflag:s22] =	ssyncset.done @!p5 $0x0  }
0x2db: {  	s2 =	simm.s32 @!p3 $0x50;
	s5 =	simm.s32 @!p3 $0x200;
	[sflag:s22] =	ssyncadd.s32 @!p5 $0xFFFFD800  }
0x2dc: {  	[tilespmem:s0], [sflag:$0x1] =	stream.indirect.gather @!p3 [hbm4b:s3+s2], $0x80, s5, s2, $0xb8;
	[tilespmem:$0xA800] =	vst v63  }
0x2dd: {  	s23 =	simm.s32 @!p4 $0x2;
	s5 =	simm.s32 @!p3 $0x600;
	s0 =	simm.s32 @!p3 $0x5800  }
0x2de: {  	[tilespmem:s0], [sflag:$0x3] =	stream.indirect.gather @!p3 [hbm4b:s3+s2], $0x80, s5, s2, $0xb8;
	[tilespmem:$0xA800] =	vst v63  }
0x2df: {  	_ =	swait.ge @!p4 [sflag:s23], $0x2800  }
0x2e0: {  	[sflag:s23] =	ssyncset.done @!p4 $0x0  }
0x2e1: {  	s24 =	simm.s32 @!p4 $0x4;
	[sflag:s23] =	ssyncadd.s32 @!p4 $0xFFFFD800  }
0x2e2: {  	_ =	swait.ge @!p4 [sflag:s24], $0x2800  }
0x2e3: {  	s6 =	simm.s32 @!p4 $0x3000;
	s30 =	simm.s32 @!p4 $0x5;
	[sflag:s24] =	ssyncset.done @!p4 $0x0  }
0x2e4: {  	s2 =	simm.s32 @!p4 $0x0;
	s0 =	rddreg [dreg:$0xa];
	[sflag:s24] =	ssyncadd.s32 @!p4 $0xFFFFD800  }
0x2e5: {  	[hbm4b:s0+s2] =	stream.linear.scatter @!p4 [tilespmem:s6], [sflag:$0x5], $0x2800, $0x38;
	[tilespmem:$0xA800] =	vst v63  }
0x2e6: {  	_ =	swait.ge @!p4 [sflag:s30], $0x2800  }
0x2e7: {  	[sflag:s30] =	ssyncset.done @!p4 $0x0  }
0x2e8: {  	s1 =	simm.s32 @!p4 $0x8000;
	s0 =	rddreg [dreg:$0xb];
	[sflag:s30] =	ssyncadd.s32 @!p4 $0xFFFFD800  }
0x2e9: {  	[hbm4b:s0+s2] =	stream.linear.scatter @!p4 [tilespmem:s1], [sflag:$0x5], $0x2800, $0x38;
	[tilespmem:$0xA800] =	vst v63  }
0x2ea: {  	_ =	swait.ge @!p4 [sflag:s30], $0x2800  }
0x2eb: {  	s0 =	simm.s32 @!p2 $0x3000;
	[sflag:s30] =	ssyncset.done @!p4 $0x0  }
0x2ec: {  	s1 =	simm.s32 @!p2 $0x50;
	s2 =	simm.s32 @!p2 $0x280;
	[sflag:s30] =	ssyncadd.s32 @!p4 $0xFFFFD800  }
0x2ed: {  	[tilespmem:s0], [sflag:$0x2] =	stream.indirect.gather @!p2 [hbm4b:s3+s1], $0x80, s2, s1, $0xb8;
	[tilespmem:$0xA800] =	vst v63  }
0x2ee: {  	s21 =	simm.s32 @!p3 $0x1;
	s2 =	simm.s32 @!p2 $0x680;
	s0 =	simm.s32 @!p2 $0x8000  }
0x2ef: {  	[tilespmem:s0], [sflag:$0x4] =	stream.indirect.gather @!p2 [hbm4b:s3+s1], $0x80, s2, s1, $0xb8;
	[tilespmem:$0xA800] =	vst v63  }
0x2f0: {  	_ =	swait.ge @!p3 [sflag:s21], $0x2800  }
0x2f1: {  	[sflag:s21] =	ssyncset.done @!p3 $0x0  }
0x2f2: {  	s20 =	simm.s32 @!p3 $0x3;
	[sflag:s21] =	ssyncadd.s32 @!p3 $0xFFFFD800  }
0x2f3: {  	_ =	swait.ge @!p3 [sflag:s20], $0x2800  }
0x2f4: {  	s9 =	simm.s32 @!p3 $0x5;
	s8 =	simm.s32 @!p3 $0x800;
	[sflag:s20] =	ssyncset.done @!p3 $0x0  }
0x2f5: {  	s2 =	simm.s32 @!p3 $0x0;
	s0 =	rddreg [dreg:$0xc];
	[sflag:s20] =	ssyncadd.s32 @!p3 $0xFFFFD800  }
0x2f6: {  	[hbm4b:s0+s2] =	stream.linear.scatter @!p3 [tilespmem:s8], [sflag:$0x5], $0x2800, $0x38;
	[tilespmem:$0xA800] =	vst v63  }
0x2f7: {  	_ =	swait.ge @!p3 [sflag:s9], $0x2800  }
0x2f8: {  	[sflag:s9] =	ssyncset.done @!p3 $0x0  }
0x2f9: {  	s5 =	simm.s32 @!p3 $0x5800;
	s0 =	rddreg [dreg:$0xd];
	[sflag:s9] =	ssyncadd.s32 @!p3 $0xFFFFD800  }
0x2fa: {  	[hbm4b:s0+s2] =	stream.linear.scatter @!p3 [tilespmem:s5], [sflag:$0x5], $0x2800, $0x38;
	[tilespmem:$0xA800] =	vst v63  }
0x2fb: {  	_ =	swait.ge @!p3 [sflag:s9], $0x2800  }
0x2fc: {  	s0 =	simm.s32 @!p1 $0x800;
	[sflag:s9] =	ssyncset.done @!p3 $0x0  }
0x2fd: {  	s2 =	simm.s32 @!p1 $0x50;
	s5 =	simm.s32 @!p1 $0x300;
	[sflag:s9] =	ssyncadd.s32 @!p3 $0xFFFFD800  }
0x2fe: {  	[tilespmem:s0], [sflag:$0x1] =	stream.indirect.gather @!p1 [hbm4b:s3+s2], $0x80, s5, s2, $0xb8;
	[tilespmem:$0xA800] =	vst v63  }
0x2ff: {  	s7 =	simm.s32 @!p1 $0x700;
	s18 =	simm.s32 @!p2 $0x2;
	s0 =	simm.s32 @!p1 $0x5800  }
0x300: {  	[tilespmem:s0], [sflag:$0x3] =	stream.indirect.gather @!p1 [hbm4b:s3+s2], $0x80, s7, s2, $0xb8;
	[tilespmem:$0xA800] =	vst v63  }
0x301: {  	_ =	swait.ge @!p2 [sflag:s18], $0x2800  }
0x302: {  	[sflag:s18] =	ssyncset.done @!p2 $0x0  }
0x303: {  	s19 =	simm.s32 @!p2 $0x4;
	[sflag:s18] =	ssyncadd.s32 @!p2 $0xFFFFD800  }
0x304: {  	_ =	swait.ge @!p2 [sflag:s19], $0x2800  }
0x305: {  	s6 =	simm.s32 @!p2 $0x3000;
	s8 =	simm.s32 @!p2 $0x5;
	[sflag:s19] =	ssyncset.done @!p2 $0x0  }
0x306: {  	s7 =	simm.s32 @!p2 $0x0;
	s0 =	rddreg [dreg:$0xe];
	[sflag:s19] =	ssyncadd.s32 @!p2 $0xFFFFD800  }
0x307: {  	[hbm4b:s0+s7] =	stream.linear.scatter @!p2 [tilespmem:s6], [sflag:$0x5], $0x2800, $0x38;
	[tilespmem:$0xA800] =	vst v63  }
0x308: {  	_ =	swait.ge @!p2 [sflag:s8], $0x2800  }
0x309: {  	[sflag:s8] =	ssyncset.done @!p2 $0x0  }
0x30a: {  	s1 =	simm.s32 @!p2 $0x8000;
	s0 =	rddreg [dreg:$0xf];
	[sflag:s8] =	ssyncadd.s32 @!p2 $0xFFFFD800  }
0x30b: {  	[hbm4b:s0+s7] =	stream.linear.scatter @!p2 [tilespmem:s1], [sflag:$0x5], $0x2800, $0x38;
	[tilespmem:$0xA800] =	vst v63  }
0x30c: {  	_ =	swait.ge @!p2 [sflag:s8], $0x2800  }
0x30d: {  	s6 =	simm.s32 @!p0 $0x380;
	[sflag:s8] =	ssyncset.done @!p2 $0x0  }
0x30e: {  	s0 =	simm.s32 @!p0 $0x3000;
	s1 =	simm.s32 @!p0 $0x50;
	[sflag:s8] =	ssyncadd.s32 @!p2 $0xFFFFD800  }
0x30f: {  	[tilespmem:s0], [sflag:$0x2] =	stream.indirect.gather @!p0 [hbm4b:s3+s1], $0x80, s6, s1, $0xb8;
	[tilespmem:$0xA800] =	vst v63  }
0x310: {  	s17 =	simm.s32 @!p1 $0x1;
	s7 =	simm.s32 @!p0 $0x780;
	s0 =	simm.s32 @!p0 $0x8000  }
0x311: {  	[tilespmem:s0], [sflag:$0x4] =	stream.indirect.gather @!p0 [hbm4b:s3+s1], $0x80, s7, s1, $0xb8;
	[tilespmem:$0xA800] =	vst v63  }
0x312: {  	_ =	swait.ge @!p1 [sflag:s17], $0x2800  }
0x313: {  	[sflag:s17] =	ssyncset.done @!p1 $0x0  }
0x314: {  	s16 =	simm.s32 @!p1 $0x3;
	[sflag:s17] =	ssyncadd.s32 @!p1 $0xFFFFD800  }
0x315: {  	_ =	swait.ge @!p1 [sflag:s16], $0x2800  }
0x316: {  	s12 =	simm.s32 @!p1 $0x0;
	s5 =	simm.s32 @!p1 $0x800;
	[sflag:s16] =	ssyncset.done @!p1 $0x0  }
0x317: {  	s7 =	simm.s32 @!p1 $0x5;
	s0 =	rddreg [dreg:$0x10];
	[sflag:s16] =	ssyncadd.s32 @!p1 $0xFFFFD800  }
0x318: {  	[hbm4b:s0+s12] =	stream.linear.scatter @!p1 [tilespmem:s5], [sflag:$0x5], $0x2800, $0x38;
	[tilespmem:$0xA800] =	vst v63  }
0x319: {  	_ =	swait.ge @!p1 [sflag:s7], $0x2800  }
0x31a: {  	[sflag:s7] =	ssyncset.done @!p1 $0x0  }
0x31b: {  	s2 =	simm.s32 @!p1 $0x5800;
	s0 =	rddreg [dreg:$0x11];
	[sflag:s7] =	ssyncadd.s32 @!p1 $0xFFFFD800  }
0x31c: {  	[hbm4b:s0+s12] =	stream.linear.scatter @!p1 [tilespmem:s2], [sflag:$0x5], $0x2800, $0x38;
	[tilespmem:$0xA800] =	vst v63  }
0x31d: {  	_ =	swait.ge @!p1 [sflag:s7], $0x2800  }
0x31e: {  	[sflag:s7] =	ssyncset.done @!p1 $0x0  }
0x31f: {  	s15 =	simm.s32 @!p0 $0x2;
	[sflag:s7] =	ssyncadd.s32 @!p1 $0xFFFFD800  }
0x320: {  	_ =	swait.ge @!p0 [sflag:s15], $0x2800  }
0x321: {  	[sflag:s15] =	ssyncset.done @!p0 $0x0  }
0x322: {  	s14 =	simm.s32 @!p0 $0x4;
	[sflag:s15] =	ssyncadd.s32 @!p0 $0xFFFFD800  }
0x323: {  	_ =	swait.ge @!p0 [sflag:s14], $0x2800  }
0x324: {  	s6 =	simm.s32 @!p0 $0x3000;
	[sflag:s14] =	ssyncset.done @!p0 $0x0  }
0x325: {  	s2 =	simm.s32 @!p0 $0x0;
	s0 =	rddreg [dreg:$0x12];
	[sflag:s14] =	ssyncadd.s32 @!p0 $0xFFFFD800  }
0x326: {  	[hbm4b:s0+s2] =	stream.linear.scatter @!p0 [tilespmem:s6], [sflag:$0x5], $0x2800, $0x38;
	[tilespmem:$0xA800] =	vst v63  }
0x327: {  	s6 =	simm.s32 @!p0 $0x5  }
0x328: {  	_ =	swait.ge @!p0 [sflag:s6], $0x2800  }
0x329: {  	[sflag:s6] =	ssyncset.done @!p0 $0x0  }
0x32a: {  	s1 =	simm.s32 @!p0 $0x8000;
	s0 =	rddreg [dreg:$0x13];
	[sflag:s6] =	ssyncadd.s32 @!p0 $0xFFFFD800  }
0x32b: {  	[hbm4b:s0+s2] =	stream.linear.scatter @!p0 [tilespmem:s1], [sflag:$0x5], $0x2800, $0x38;
	[tilespmem:$0xA800] =	vst v63  }
0x32c: {  	_ =	swait.ge @!p0 [sflag:s6], $0x2800  }
0x32d: {  	[sflag:s6] =	ssyncset.done @!p0 $0x0  }
0x32e: {  	s2 =	rddreg [dreg:$0x14];
	[sflag:s6] =	ssyncadd.s32 @!p0 $0xFFFFD800  }
0x32f: {  	[tilespmem:s10], [sflag:$0x5] =	stream.linear.gather [hbm4b:s2+s10], $0x400, $0x38;
	[tilespmem:$0xA800] =	vst v63  }
0x330: {  	_ =	swait.ge [sflag:s4], $0x400  }
0x331: {  	[sflag:s4] =	ssyncset.done $0x0  }
0x332: {  	s12 =	simm.s32 $0x400;
	s5 =	rddreg [dreg:$0x15];
	[sflag:s4] =	ssyncadd.s32 $0xFFFFFC00  }
0x333: {  	[tilespmem:s12], [sflag:$0x5] =	stream.linear.gather [hbm4b:s5+s10], $0x400, $0x38;
	[tilespmem:$0xA800] =	vst v63  }
0x334: {  	_ =	swait.ge [sflag:s4], $0x400  }
0x335: {  	[sflag:s4] =	ssyncset.done $0x0  }
0x336: {  	s2 =	simm.s32 $0x800;
	[sflag:s4] =	ssyncadd.s32 $0xFFFFFC00  }
0x337: {  	[tilespmem:s2], [sflag:$0x1] =	stream.indirect.gather [hbm4b:s3+s11], $0x80, s10, s11, $0xb8;
	[tilespmem:$0xA800] =	vst v63  }
0x338: {  	s5 =	simm.s32 $0x5800  }
0x339: {  	[tilespmem:s5], [sflag:$0x3] =	stream.indirect.gather [hbm4b:s3+s11], $0x80, s12, s11, $0xb8;
	[tilespmem:$0xA800] =	vst v63  }
0x33a: {  	s1 =	simm.s32 $0x3000;
	s12 =	simm.s32 $0x80  }
0x33b: {  	[tilespmem:s1], [sflag:$0x2] =	stream.indirect.gather [hbm4b:s3+s11], $0x80, s12, s11, $0xb8;
	[tilespmem:$0xA800] =	vst v63  }
0x33c: {  	s0 =	simm.s32 $0x480;
	s12 =	simm.s32 $0x8000  }
0x33d: {  	[tilespmem:s12], [sflag:$0x4] =	stream.indirect.gather [hbm4b:s3+s11], $0x80, s0, s11, $0xb8;
	[tilespmem:$0xA800] =	vst v63  }
0x33e: {  	_ =	swait.ge [sflag:s29], $0x2800  }
0x33f: {  	[sflag:s29] =	ssyncset.done $0x0  }
0x340: {  	[sflag:s29] =	ssyncadd.s32 $0xFFFFD800  }
0x341: {  	_ =	swait.ge [sflag:s31], $0x2800  }
0x342: {  	[sflag:s31] =	ssyncset.done $0x0  }
0x343: {  	s29 =	rddreg [dreg:$0x16];
	[sflag:s31] =	ssyncadd.s32 $0xFFFFD800  }
0x344: {  	[hbm4b:s29+s10] =	stream.linear.scatter [tilespmem:s2], [sflag:$0x5], $0x2800, $0x38;
	[tilespmem:$0xA800] =	vst v63  }
0x345: {  	_ =	swait.ge [sflag:s4], $0x2800  }
0x346: {  	[sflag:s4] =	ssyncset.done $0x0  }
0x347: {  	s11 =	rddreg [dreg:$0x17];
	[sflag:s4] =	ssyncadd.s32 $0xFFFFD800  }
0x348: {  	[hbm4b:s11+s10] =	stream.linear.scatter [tilespmem:s5], [sflag:$0x5], $0x2800, $0x38;
	[tilespmem:$0xA800] =	vst v63  }
0x349: {  	_ =	swait.ge [sflag:s4], $0x2800  }
0x34a: {  	s0 =	simm.s32 @!p5 $0x100;
	[sflag:s4] =	ssyncset.done $0x0  }
0x34b: {  	s11 =	simm.s32 @!p5 $0x800;
	s5 =	simm.s32 @!p5 $0x50;
	[sflag:s4] =	ssyncadd.s32 $0xFFFFD800  }
0x34c: {  	[tilespmem:s11], [sflag:$0x1] =	stream.indirect.gather @!p5 [hbm4b:s3+s5], $0x80, s0, s5, $0xb8;
	[tilespmem:$0xA800] =	vst v63  }
0x34d: {  	s2 =	simm.s32 @!p5 $0x5800;
	s0 =	simm.s32 @!p5 $0x500  }
0x34e: {  	[tilespmem:s2], [sflag:$0x3] =	stream.indirect.gather @!p5 [hbm4b:s3+s5], $0x80, s0, s5, $0xb8;
	[tilespmem:$0xA800] =	vst v63  }
0x34f: {  	_ =	swait.ge [sflag:s13], $0x2800  }
0x350: {  	[sflag:s13] =	ssyncset.done $0x0  }
0x351: {  	[sflag:s13] =	ssyncadd.s32 $0xFFFFD800  }
0x352: {  	_ =	swait.ge [sflag:s25], $0x2800  }
0x353: {  	[sflag:s25] =	ssyncset.done $0x0  }
0x354: {  	s13 =	rddreg [dreg:$0x18];
	[sflag:s25] =	ssyncadd.s32 $0xFFFFD800  }
0x355: {  	[hbm4b:s13+s10] =	stream.linear.scatter [tilespmem:s1], [sflag:$0x5], $0x2800, $0x38;
	[tilespmem:$0xA800] =	vst v63  }
0x356: {  	_ =	swait.ge [sflag:s4], $0x2800  }
0x357: {  	[sflag:s4] =	ssyncset.done $0x0  }
0x358: {  	s29 =	rddreg [dreg:$0x19];
	[sflag:s4] =	ssyncadd.s32 $0xFFFFD800  }
0x359: {  	[hbm4b:s29+s10] =	stream.linear.scatter [tilespmem:s12], [sflag:$0x5], $0x2800, $0x38;
	[tilespmem:$0xA800] =	vst v63  }
0x35a: {  	_ =	swait.ge [sflag:s4], $0x2800  }
0x35b: {  	s0 =	simm.s32 @!p4 $0x180;
	[sflag:s4] =	ssyncset.done $0x0  }
0x35c: {  	s1 =	simm.s32 @!p4 $0x50;
	[sflag:s4] =	ssyncadd.s32 $0xFFFFD800;
	s4 =	simm.s32 @!p4 $0x3000  }
0x35d: {  	[tilespmem:s4], [sflag:$0x2] =	stream.indirect.gather @!p4 [hbm4b:s3+s1], $0x80, s0, s1, $0xb8;
	[tilespmem:$0xA800] =	vst v63  }
0x35e: {  	s13 =	simm.s32 @!p4 $0x8000;
	s0 =	simm.s32 @!p4 $0x580  }
0x35f: {  	[tilespmem:s13], [sflag:$0x4] =	stream.indirect.gather @!p4 [hbm4b:s3+s1], $0x80, s0, s1, $0xb8;
	[tilespmem:$0xA800] =	vst v63  }
0x360: {  	_ =	swait.ge @!p5 [sflag:s26], $0x2800  }
0x361: {  	[sflag:s26] =	ssyncset.done @!p5 $0x0  }
0x362: {  	[sflag:s26] =	ssyncadd.s32 @!p5 $0xFFFFD800  }
0x363: {  	_ =	swait.ge @!p5 [sflag:s28], $0x2800  }
0x364: {  	[sflag:s28] =	ssyncset.done @!p5 $0x0  }
0x365: {  	s1 =	simm.s32 @!p5 $0x0;
	s0 =	rddreg [dreg:$0x1a];
	[sflag:s28] =	ssyncadd.s32 @!p5 $0xFFFFD800  }
0x366: {  	[hbm4b:s0+s1] =	stream.linear.scatter @!p5 [tilespmem:s11], [sflag:$0x5], $0x2800, $0x38;
	[tilespmem:$0xA800] =	vst v63  }
0x367: {  	_ =	swait.ge @!p5 [sflag:s22], $0x2800  }
0x368: {  	[sflag:s22] =	ssyncset.done @!p5 $0x0  }
0x369: {  	s0 =	rddreg [dreg:$0x1b];
	[sflag:s22] =	ssyncadd.s32 @!p5 $0xFFFFD800  }
0x36a: {  	[hbm4b:s0+s1] =	stream.linear.scatter @!p5 [tilespmem:s2], [sflag:$0x5], $0x2800, $0x38;
	[tilespmem:$0xA800] =	vst v63  }
0x36b: {  	_ =	swait.ge @!p5 [sflag:s22], $0x2800  }
0x36c: {  	s5 =	simm.s32 @!p3 $0x800;
	[sflag:s22] =	ssyncset.done @!p5 $0x0  }
0x36d: {  	s0 =	simm.s32 @!p3 $0x200;
	s1 =	simm.s32 @!p3 $0x50;
	[sflag:s22] =	ssyncadd.s32 @!p5 $0xFFFFD800  }
0x36e: {  	[tilespmem:s5], [sflag:$0x1] =	stream.indirect.gather @!p3 [hbm4b:s3+s1], $0x80, s0, s1, $0xb8;
	[tilespmem:$0xA800] =	vst v63  }
0x36f: {  	s2 =	simm.s32 @!p3 $0x5800;
	s0 =	simm.s32 @!p3 $0x600  }
0x370: {  	[tilespmem:s2], [sflag:$0x3] =	stream.indirect.gather @!p3 [hbm4b:s3+s1], $0x80, s0, s1, $0xb8;
	[tilespmem:$0xA800] =	vst v63  }
0x371: {  	_ =	swait.ge @!p4 [sflag:s23], $0x2800  }
0x372: {  	[sflag:s23] =	ssyncset.done @!p4 $0x0  }
0x373: {  	[sflag:s23] =	ssyncadd.s32 @!p4 $0xFFFFD800  }
0x374: {  	_ =	swait.ge @!p4 [sflag:s24], $0x2800  }
0x375: {  	[sflag:s24] =	ssyncset.done @!p4 $0x0  }
0x376: {  	s1 =	simm.s32 @!p4 $0x0;
	s0 =	rddreg [dreg:$0x1c];
	[sflag:s24] =	ssyncadd.s32 @!p4 $0xFFFFD800  }
0x377: {  	[hbm4b:s0+s1] =	stream.linear.scatter @!p4 [tilespmem:s4], [sflag:$0x5], $0x2800, $0x38;
	[tilespmem:$0xA800] =	vst v63  }
0x378: {  	_ =	swait.ge @!p4 [sflag:s30], $0x2800  }
0x379: {  	[sflag:s30] =	ssyncset.done @!p4 $0x0  }
0x37a: {  	s0 =	rddreg [dreg:$0x1d];
	[sflag:s30] =	ssyncadd.s32 @!p4 $0xFFFFD800  }
0x37b: {  	[hbm4b:s0+s1] =	stream.linear.scatter @!p4 [tilespmem:s13], [sflag:$0x5], $0x2800, $0x38;
	[tilespmem:$0xA800] =	vst v63  }
0x37c: {  	_ =	swait.ge @!p4 [sflag:s30], $0x2800  }
0x37d: {  	s10 =	simm.s32 @!p2 $0x50;
	[sflag:s30] =	ssyncset.done @!p4 $0x0  }
0x37e: {  	s4 =	simm.s32 @!p2 $0x3000;
	s0 =	simm.s32 @!p2 $0x280;
	[sflag:s30] =	ssyncadd.s32 @!p4 $0xFFFFD800  }
0x37f: {  	[tilespmem:s4], [sflag:$0x2] =	stream.indirect.gather @!p2 [hbm4b:s3+s10], $0x80, s0, s10, $0xb8;
	[tilespmem:$0xA800] =	vst v63  }
0x380: {  	s1 =	simm.s32 @!p2 $0x8000;
	s0 =	simm.s32 @!p2 $0x680  }
0x381: {  	[tilespmem:s1], [sflag:$0x4] =	stream.indirect.gather @!p2 [hbm4b:s3+s10], $0x80, s0, s10, $0xb8;
	[tilespmem:$0xA800] =	vst v63  }
0x382: {  	_ =	swait.ge @!p3 [sflag:s21], $0x2800  }
0x383: {  	[sflag:s21] =	ssyncset.done @!p3 $0x0  }
0x384: {  	[sflag:s21] =	ssyncadd.s32 @!p3 $0xFFFFD800  }
0x385: {  	_ =	swait.ge @!p3 [sflag:s20], $0x2800  }
0x386: {  	[sflag:s20] =	ssyncset.done @!p3 $0x0  }
0x387: {  	s10 =	simm.s32 @!p3 $0x0;
	s0 =	rddreg [dreg:$0x1e];
	[sflag:s20] =	ssyncadd.s32 @!p3 $0xFFFFD800  }
0x388: {  	[hbm4b:s0+s10] =	stream.linear.scatter @!p3 [tilespmem:s5], [sflag:$0x5], $0x2800, $0x38;
	[tilespmem:$0xA800] =	vst v63  }
0x389: {  	_ =	swait.ge @!p3 [sflag:s9], $0x2800  }
0x38a: {  	[sflag:s9] =	ssyncset.done @!p3 $0x0  }
0x38b: {  	s0 =	rddreg [dreg:$0x1f];
	[sflag:s9] =	ssyncadd.s32 @!p3 $0xFFFFD800  }
0x38c: {  	[hbm4b:s0+s10] =	stream.linear.scatter @!p3 [tilespmem:s2], [sflag:$0x5], $0x2800, $0x38;
	[tilespmem:$0xA800] =	vst v63  }
0x38d: {  	_ =	swait.ge @!p3 [sflag:s9], $0x2800  }
0x38e: {  	s5 =	simm.s32 @!p1 $0x800;
	[sflag:s9] =	ssyncset.done @!p3 $0x0  }
0x38f: {  	s0 =	simm.s32 @!p1 $0x300;
	[sflag:s9] =	ssyncadd.s32 @!p3 $0xFFFFD800;
	s9 =	simm.s32 @!p1 $0x50  }
0x390: {  	[tilespmem:s5], [sflag:$0x1] =	stream.indirect.gather @!p1 [hbm4b:s3+s9], $0x80, s0, s9, $0xb8;
	[tilespmem:$0xA800] =	vst v63  }
0x391: {  	s2 =	simm.s32 @!p1 $0x5800;
	s0 =	simm.s32 @!p1 $0x700  }
0x392: {  	[tilespmem:s2], [sflag:$0x3] =	stream.indirect.gather @!p1 [hbm4b:s3+s9], $0x80, s0, s9, $0xb8;
	[tilespmem:$0xA800] =	vst v63  }
0x393: {  	_ =	swait.ge @!p2 [sflag:s18], $0x2800  }
0x394: {  	[sflag:s18] =	ssyncset.done @!p2 $0x0  }
0x395: {  	[sflag:s18] =	ssyncadd.s32 @!p2 $0xFFFFD800  }
0x396: {  	_ =	swait.ge @!p2 [sflag:s19], $0x2800  }
0x397: {  	s0 =	sld [smem:$0x7F8]  }
0x398: {  	[sflag:s19] =	ssyncset.done @!p2 $0x0  }
0x399: {  	s9 =	simm.s32 @!p2 $0x0;
	[sflag:s19] =	ssyncadd.s32 @!p2 $0xFFFFD800  }
0x39a: {  	[hbm4b:s0+s9] =	stream.linear.scatter @!p2 [tilespmem:s4], [sflag:$0x5], $0x2800, $0x38;
	[tilespmem:$0xA800] =	vst v63  }
0x39b: {  	_ =	swait.ge @!p2 [sflag:s8], $0x2800  }
0x39c: {  	s0 =	sld [smem:$0x7F9]  }
0x39d: {  	[sflag:s8] =	ssyncset.done @!p2 $0x0  }
0x39e: {  	[sflag:s8] =	ssyncadd.s32 @!p2 $0xFFFFD800  }
0x39f: {  	[hbm4b:s0+s9] =	stream.linear.scatter @!p2 [tilespmem:s1], [sflag:$0x5], $0x2800, $0x38;
	[tilespmem:$0xA800] =	vst v63  }
0x3a0: {  	_ =	swait.ge @!p2 [sflag:s8], $0x2800  }
0x3a1: {  	s4 =	simm.s32 @!p0 $0x3000;
	[sflag:s8] =	ssyncset.done @!p2 $0x0  }
0x3a2: {  	s0 =	simm.s32 @!p0 $0x380;
	[sflag:s8] =	ssyncadd.s32 @!p2 $0xFFFFD800;
	s8 =	simm.s32 @!p0 $0x50  }
0x3a3: {  	[tilespmem:s4], [sflag:$0x2] =	stream.indirect.gather @!p0 [hbm4b:s3+s8], $0x80, s0, s8, $0xb8;
	[tilespmem:$0xA800] =	vst v63  }
0x3a4: {  	s1 =	simm.s32 @!p0 $0x8000;
	s0 =	simm.s32 @!p0 $0x780  }
0x3a5: {  	[tilespmem:s1], [sflag:$0x4] =	stream.indirect.gather @!p0 [hbm4b:s3+s8], $0x80, s0, s8, $0xb8;
	[tilespmem:$0xA800] =	vst v63  }
0x3a6: {  	_ =	swait.ge @!p1 [sflag:s17], $0x2800  }
0x3a7: {  	[sflag:s17] =	ssyncset.done @!p1 $0x0  }
0x3a8: {  	[sflag:s17] =	ssyncadd.s32 @!p1 $0xFFFFD800  }
0x3a9: {  	_ =	swait.ge @!p1 [sflag:s16], $0x2800  }
0x3aa: {  	s0 =	sld [smem:$0x7FA]  }
0x3ab: {  	[sflag:s16] =	ssyncset.done @!p1 $0x0  }
0x3ac: {  	s3 =	simm.s32 @!p1 $0x0;
	[sflag:s16] =	ssyncadd.s32 @!p1 $0xFFFFD800  }
0x3ad: {  	[hbm4b:s0+s3] =	stream.linear.scatter @!p1 [tilespmem:s5], [sflag:$0x5], $0x2800, $0x38;
	[tilespmem:$0xA800] =	vst v63  }
0x3ae: {  	_ =	swait.ge @!p1 [sflag:s7], $0x2800  }
0x3af: {  	s0 =	sld [smem:$0x7FB]  }
0x3b0: {  	[sflag:s7] =	ssyncset.done @!p1 $0x0  }
0x3b1: {  	[sflag:s7] =	ssyncadd.s32 @!p1 $0xFFFFD800  }
0x3b2: {  	[hbm4b:s0+s3] =	stream.linear.scatter @!p1 [tilespmem:s2], [sflag:$0x5], $0x2800, $0x38;
	[tilespmem:$0xA800] =	vst v63  }
0x3b3: {  	_ =	swait.ge @!p1 [sflag:s7], $0x2800  }
0x3b4: {  	[sflag:s7] =	ssyncset.done @!p1 $0x0  }
0x3b5: {  	[sflag:s7] =	ssyncadd.s32 @!p1 $0xFFFFD800  }
0x3b6: {  	_ =	swait.ge @!p0 [sflag:s15], $0x2800  }
0x3b7: {  	[sflag:s15] =	ssyncset.done @!p0 $0x0  }
0x3b8: {  	[sflag:s15] =	ssyncadd.s32 @!p0 $0xFFFFD800  }
0x3b9: {  	_ =	swait.ge @!p0 [sflag:s14], $0x2800  }
0x3ba: {  	s0 =	sld [smem:$0x7FC]  }
0x3bb: {  	[sflag:s14] =	ssyncset.done @!p0 $0x0  }
0x3bc: {  	s2 =	simm.s32 @!p0 $0x0;
	[sflag:s14] =	ssyncadd.s32 @!p0 $0xFFFFD800  }
0x3bd: {  	[hbm4b:s0+s2] =	stream.linear.scatter @!p0 [tilespmem:s4], [sflag:$0x5], $0x2800, $0x38;
	[tilespmem:$0xA800] =	vst v63  }
0x3be: {  	_ =	swait.ge @!p0 [sflag:s6], $0x2800  }
0x3bf: {  	s0 =	sld [smem:$0x7FD]  }
0x3c0: {  	[sflag:s6] =	ssyncset.done @!p0 $0x0  }
0x3c1: {  	[sflag:s6] =	ssyncadd.s32 @!p0 $0xFFFFD800  }
0x3c2: {  	[hbm4b:s0+s2] =	stream.linear.scatter @!p0 [tilespmem:s1], [sflag:$0x5], $0x2800, $0x38;
	[tilespmem:$0xA800] =	vst v63  }
0x3c3: {  	_ =	swait.ge @!p0 [sflag:s6], $0x2800  }
0x3c4: {  	[sflag:s6] =	ssyncset.done @!p0 $0x0  }
0x3c5: {  	[sflag:s6] =	ssyncadd.s32 @!p0 $0xFFFFD800  }
0x3c6: {  	_ =	sfence.sel $0x180000  }
0x3c7: {  	[bflag:$0x0] =	sbarrier.arrive $0xFFFF  }
0x3c8: {  	_ =	strace $0x9000004D  }
0x3c9: {  	s31 =	stileid.u32;
	[bflag:$0x2] =	sbarrier.arrive $0xFFFF  }
0x3ca: {  	p0 =	sne.s32 s31, $0x0;
	s0 =	rddreg [dreg:$0x1]  }
0x3cb: {  	s0 =	sadd.s32 @!p0 $0x100000, s0  }
0x3cc: {  	[sflag:s0] =	ssyncadd.tile.s32 @!p0 $0x1;
	_ =	shalt  }
.LBB2_1:
.Ltmp3:
0x3cd: {  	(pc) =	sbr.rel .LBB2_5-.Ltmp3, $4  }
0x3ce: {  	p6 =	por $0x0, $0x0  }
0x3cf: {  	s0 =	simm.s32 @!p6 $0x0  }
0x3d0: {  	s0 =	simm.s32 @p6 $0x1  }
0x3d1: {  	[smem:$0x7F7] =	sst s0  }
.Lfunc_end2:
_tile_overlayer_lowered:
.L_overlay_start_2:
0x3d2: {  	(tag) =	ssettag $0x2  }
0x3d3: {  	s0 =	rddreg [dreg:$0x0];
	s2 =	stileid.u32  }
0x3d4: {  	s1 =	rddreg [dreg:$0x1];
	p0 =	sne.s32 s2, $0x0  }
0x3d5: {  	s3 =	rddreg [dreg:$0x2];
	[bflag:$0x3] =	sbarrier.arrive $0xFFFF;
	s2 =	simm.s32 @!p0 $0x1C05  }
0x3d6: {  	[timem:s3], [sflag:s2] =	dma.local @!p0 [hbm:s0], s1  }
0x3d7: {  	s0 =	simm.s32 @!p0 $0x5  }
0x3d8: {  	_ =	swait.ge @!p0 [sflag:s0], s1  }
0x3d9: {  	s1 =	ssub.s32 @!p0 $0x0, s1;
	[sflag:s0] =	ssyncset.done @!p0 $0x0  }
0x3da: {  	[sflag:s0] =	ssyncadd.s32 @!p0 s1  }
0x3db: {  	[bflag:$0x3] =	sbarrier.arrive $0xFFFF  }
0x3dc: {  	_ =	shalt  }

// kernel: kernel.8.cloned.1.call-start
scs
__scs_entry_jumppad:
0x0: {  	(pc) =	sbr.rel $0x88, $3  }
0x1: {  	(tag) =	ssettag $0x0;
	lr =	simm.s32 $0x1  }
0x2: {  	[smem:$0x3F90] =	sst lr;
	_ =	strace $0xD0000000  }
0x3: {  	_ = 	snop  }
0x4: {  	_ = 	snop  }
0x5: {  	_ = 	snop  }
0x6: {  	_ = 	snop  }
0x7: {  	_ = 	snop  }
__scs_overlays_trampoline_lowered:
0x8: {  	[smem:$0x3F9F] =	sst s0  }
0x9: {  	[smem:$0x3FA0] =	sst s1  }
0xa: {  	[smem:$0x3FA1] =	sst s2  }
0xb: {  	[smem:$0x3FA2] =	sst s3  }
0xc: {  	[smem:$0x3FA3] =	sst s4  }
0xd: {  	[smem:$0x3FA4] =	sst s5  }
0xe: {  	[smem:$0x3FA5] =	sst s6  }
0xf: {  	[smem:$0x3FA6] =	sst s7  }
0x10: {  	[smem:$0x3FA7] =	sst s8  }
0x11: {  	[smem:$0x3FA8] =	sst s9;
	s0 =	simm.s32 @!p0 $0x0  }
0x12: {  	s1 =	sld [smem:$0x3F8E];
	s0 =	simm.s32 @p0 $0x1  }
0x13: {  	[smem:$0x3FA9] =	sst s0;
	s0 =	simm.s32 @!p1 $0x0  }
0x14: {  	s2 =	sld [smem:$0x3F8D];
	s0 =	simm.s32 @p1 $0x1  }
0x15: {  	[smem:$0x3FAA] =	sst s0;
	s0 =	simm.s32 @!p2 $0x0  }
0x16: {  	s3 =	sld [smem:$0x3FDB];
	s0 =	simm.s32 @p2 $0x1  }
0x17: {  	s4 =	simm.s32 $0x1BF5;
	[smem:$0x3FAC] =	sst s0  }
0x18: {  	s0 =	sld [smem:$0x3F8F];
	_ =	swait.ge [sflag:s4], $0x0  }
0x19: {  	s7 =	sld [smem:$0x3F90]  }
0x1a: {  	s8 =	sadd.s32 $0xFFFFE003, lr  }
0x1b: {  	s9 =	sadd.s32 $0xFFFFFEF7, lr;
	s5 =	simm.s32 $0xFFFFFFFF;
	p2 =	slt.u32 s8, $0xFFFFF086  }
0x1c: {  	p1 =	slt.u32 s9, $0xF7A;
	s5 =	simm.s32 @!p2 $0x0  }
0x1d: {  	s5 =	simm.s32 @p1 $0x1;
	p0 =	seq.s32 s7, s2  }
0x1e: {  	s7 =	smul.u32 @!p0 $0xF7A, s2;
	p2 =	seq.s32 @!p0 s5, $0x0  }
0x1f: {  	s9 =	smul.u32 $0xF7A, s1;
	s8 =	simm.s32 @!p0 $0x1BF5;
	p2 =	por !p2, p0  }
0x20: {  	[sflag:s8] =	ssyncset.s32 @!p0 $0xFFFFF086;
	s6 =	sadd.s32 @!p0 s3, s7;
	s7 =	simm.s32 @!p0 $0x108  }
0x21: {  	s3 =	sadd.s32 s3, s9;
	s6 =	sadd.s32 @!p0 $0x88, s6;
	s7 =	simm.s32 @p2 $0x1082  }
0x22: {  	[simem:s7], [sflag:s8] =	dma.local @!p0 [hbm:s6], $0xF7A  }
0x23: {  	s9 =	sor.u32 $0xD0000000, s2;
	s6 =	simm.s32 $0x108;
	_ =	swait.ge @!p0 [sflag:s8], $0x0  }
0x24: {  	s3 =	sadd.s32 $0x88, s3;
	s6 =	simm.s32 @!p1 $0x1082;
	[sflag:s4] =	ssyncset.s32 $0xFFFFF086  }
0x25: {  	[simem:s6], [sflag:s4] =	dma.local [hbm:s3], $0xF7A  }
0x26: {  	[smem:$0x3F90] =	sst s1;
	(tag) =	ssettag s2;
	_ =	strace s9  }
0x27: {  	s1 =	sld [smem:$0x3FA0]  }
0x28: {  	s2 =	sld [smem:$0x3FA1]  }
0x29: {  	s4 =	sld [smem:$0x3FA3]  }
0x2a: {  	p0 =	seq.s32 s5, $0x0;
	s5 =	sld [smem:$0x3FA4]  }
0x2b: {  	s6 =	sld [smem:$0x3FA5]  }
0x2c: {  	s7 =	sld [smem:$0x3FA6]  }
0x2d: {  	s3 =	simm.s32 $0x108;
	s8 =	sld [smem:$0x3FA7]  }
0x2e: {  	s3 =	simm.s32 @!p0 $0x1082;
	s9 =	sld [smem:$0x3FA8]  }
0x2f: {  	lr =	sadd.s32 s0, s3;
	s0 =	sld [smem:$0x3F9F]  }
0x30: {  	s3 =	sld [smem:$0x3FA2]  }
0x31: {  	[smem:$0x3FAB] =	sst s10  }
0x32: {  	s10 =	sld [smem:$0x3FA9];
	_ =	sdelay $0x3  }
0x33: {  	p0 =	seq.s32 s10, $0x1;
	s10 =	sld [smem:$0x3FAB];
	_ =	sdelay $0x3  }
0x34: {  	[smem:$0x3FAB] =	sst s10  }
0x35: {  	s10 =	sld [smem:$0x3FAA];
	_ =	sdelay $0x3  }
0x36: {  	p1 =	seq.s32 s10, $0x1;
	s10 =	sld [smem:$0x3FAB];
	_ =	sdelay $0x3  }
0x37: {  	[smem:$0x3FAB] =	sst s10  }
0x38: {  	s10 =	sld [smem:$0x3FAC]  }
0x39: {  	_ = 	snop;
	(pc) =	sbr.ind lr, $3  }
0x3a: {  	_ = 	snop  }
0x3b: {  	_ = 	snop  }
0x3c: {  	p2 =	seq.s32 s10, $0x1;
	s10 =	sld [smem:$0x3FAB]  }
0x3d: {  	_ =	shalt  }
0x3e: {  	_ =	shalt  }
0x3f: {  	_ =	shalt  }
0x40: {  	_ =	shalt  }
0x41: {  	_ =	shalt  }
0x42: {  	_ =	shalt  }
0x43: {  	_ =	shalt  }
0x44: {  	_ =	shalt  }
0x45: {  	_ =	shalt  }
0x46: {  	_ =	shalt  }
0x47: {  	_ =	shalt  }
0x48: {  	_ =	shalt  }
0x49: {  	_ =	shalt  }
0x4a: {  	_ =	shalt  }
0x4b: {  	_ =	shalt  }
0x4c: {  	_ =	shalt  }
0x4d: {  	_ =	shalt  }
0x4e: {  	_ =	shalt  }
0x4f: {  	_ =	shalt  }
0x50: {  	_ =	shalt  }
0x51: {  	_ =	shalt  }
0x52: {  	_ =	shalt  }
0x53: {  	_ =	shalt  }
0x54: {  	_ =	shalt  }
0x55: {  	_ =	shalt  }
0x56: {  	_ =	shalt  }
0x57: {  	_ =	shalt  }
0x58: {  	_ =	shalt  }
0x59: {  	_ =	shalt  }
0x5a: {  	_ =	shalt  }
0x5b: {  	_ =	shalt  }
0x5c: {  	_ =	shalt  }
0x5d: {  	_ =	shalt  }
0x5e: {  	_ =	shalt  }
0x5f: {  	_ =	shalt  }
0x60: {  	_ =	shalt  }
0x61: {  	_ =	shalt  }
0x62: {  	_ =	shalt  }
0x63: {  	_ =	shalt  }
0x64: {  	_ =	shalt  }
0x65: {  	_ =	shalt  }
0x66: {  	_ =	shalt  }
0x67: {  	_ =	shalt  }
0x68: {  	_ =	shalt  }
0x69: {  	_ =	shalt  }
0x6a: {  	_ =	shalt  }
0x6b: {  	_ =	shalt  }
0x6c: {  	_ =	shalt  }
0x6d: {  	_ =	shalt  }
0x6e: {  	_ =	shalt  }
0x6f: {  	_ =	shalt  }
0x70: {  	_ =	shalt  }
0x71: {  	_ =	shalt  }
0x72: {  	_ =	shalt  }
0x73: {  	_ =	shalt  }
0x74: {  	_ =	shalt  }
0x75: {  	_ =	shalt  }
0x76: {  	_ =	shalt  }
0x77: {  	_ =	shalt  }
0x78: {  	_ =	shalt  }
0x79: {  	_ =	shalt  }
0x7a: {  	_ =	shalt  }
0x7b: {  	_ =	shalt  }
0x7c: {  	_ =	shalt  }
0x7d: {  	_ =	shalt  }
0x7e: {  	_ =	shalt  }
0x7f: {  	_ =	shalt  }
0x80: {  	_ =	shalt  }
0x81: {  	_ =	shalt  }
0x82: {  	_ =	shalt  }
0x83: {  	_ =	shalt  }
0x84: {  	_ =	shalt  }
0x85: {  	_ =	shalt  }
0x86: {  	_ =	shalt  }
0x87: {  	_ =	shalt  }
.Lfunc_end0:
.L_simem_size_0:
called_computation_lowered:
.L_overlay_start_0:
0x88: {  	s2 =	sld [smem:$0x3FD9]  }
0x89: {  	s3 =	sld [smem:$0x3FFE];
	_ =	sdelay $0x1  }
0x8a: {  	s1 =	srdreg.scid  }
0x8b: {  	s0 =	sand.u32 $0x1, s1  }
0x8c: {  	s14 =	sshll.u32 s0, $0xA;
	s2 =	sadd.s32 s3, s2  }
0x8d: {  	s2 =	sadd.s32 s2, s14  }
0x8e: {  	[smem:$0x3FB7] =	sst s2  }
0x8f: {  	_ = 	snop  }
0x90: {  	s2 =	sld [smem:$0x3FD0];
	_ =	sdelay $0x2  }
0x91: {  	s4 =	simm.s32 $0xA;
	s5 =	simm.s32 $0x10;
	s15 =	sld [smem:$0x3FC9]  }
0x92: {  	[smem:s5], [sflag:s4] =	dma.local [hbm:s2], $0x1  }
0x93: {  	_ =	swait.eq [sflag:s4], $0x1  }
0x94: {  	[sflag:s4] =	ssyncset.done $0x0  }
0x95: {  	[sflag:s4] =	ssyncadd.s32 $0xFFFFFFFF  }
0x96: {  	s16 =	sld [smem:$0x11];
	(tm) =	ssettm $0x1  }
0x97: {  	s17 =	sld [smem:$0x3FFB];
	_ =	sdelay $0x3  }
0x98: {  	_ =	strace s17  }
0x99: {  	s4 =	sld [smem:$0x3FFC];
	_ =	sdelay $0x3  }
0x9a: {  	_ =	strace s4  }
0x9b: {  	s4 =	sld [smem:$0x3FFD];
	_ =	sdelay $0x3  }
0x9c: {  	_ =	strace s4  }
0x9d: {  	_ =	strace $0x8FFFFFFF  }
0x9e: {  	s18 =	sld [smem:$0x3FDB];
	_ =	sdelay $0x1  }
0x9f: {  	s19 =	simm.s32 $_scs_section_size  }
0xa0: {  	s6 =	simm.s32 $_size__tile_overlayer_lowered;
	s7 =	simm.s32 $_tile_overlayer_lowered  }
0xa1: {  	s22 =	simm.s32 $0x1BFF;
	s21 =	sshll.u32 s7, $0x1;
	s4 =	sadd.s32 s19, s18  }
0xa2: {  	s8 =	simm.s32 $0x0;
	s20 =	sshll.u32 s6, $0x1;
	s6 =	sadd.s32 s21, s4  }
0xa3: {  	[timem:s8], [sflag:s22] =	dma.local [hbm:s6], s20  }
0xa4: {  	_ =	swait.ge [sflag:s22], s20  }
0xa5: {  	s5 =	ssub.s32 $0x0, s20;
	[sflag:s22] =	ssyncset.done $0x0  }
0xa6: {  	[sflag:s22] =	ssyncadd.s32 s5;
	_ =	sdelay $0x1  }
0xa7: {  	s23 =	simm.s32 $0x1B8B  }
0xa8: {  	_ =	swait.ge [sflag:s23], $0x1  }
0xa9: {  	[sflag:s23] =	ssyncset.done $0x0  }
0xaa: {  	s25 =	simm.s32 $0x1B8E;
	s24 =	sld [smem:$0x3FFE];
	[sflag:s23] =	ssyncadd.s32 $0xFFFFFFFF  }
0xab: {  	s26 =	simm.s32 $execute0_lowered;
	[smem:$0x3FD2] =	sst s25  }
0xac: {  	s6 =	sshll.u32 s26, $0x1;
	_ =	strace $0x80000046;
	[dreg:$0x1] =	wrdreg $0xFFFFFFFF  }
0xad: {  	s28 =	simm.s32 $_size_execute0_lowered;
	s4 =	sadd.s32 s4, s6;
	[dreg:$0x0] =	wrdreg $0x0  }
0xae: {  	s6 =	sshll.u32 s28, $0x1;
	[dreg:$0x2] =	wrdreg s4  }
0xaf: {  	[dreg:$0x3] =	wrdreg s6  }
0xb0: {  	[dreg:$0x4] =	wrdreg $0xC0  }
0xb1: {  	_ =	task [dreg:s8], $0x5FFFF  }
0xb2: {  	[dreg:$0x1] =	wrdreg $0xFFFFFFFF  }
0xb3: {  	[dreg:$0x0] =	wrdreg $0x60  }
0xb4: {  	[dreg:$0x2] =	wrdreg s15  }
0xb5: {  	[dreg:$0x3] =	wrdreg s24  }
0xb6: {  	[dreg:$0x4] =	wrdreg s16  }
0xb7: {  	[dreg:$0x5] =	wrdreg $0xC0000  }
0xb8: {  	[dreg:$0x6] =	wrdreg $0x9  }
0xb9: {  	_ =	task.clear_ibuf [dreg:s8], $0x7FFFF;
	_ =	strace $0x90000046  }
0xba: {  	s29 =	simm.s32 $0x9;
	_ =	strace $0x80000048  }
0xbb: {  	_ =	swait.ge [sflag:s29], $0x1  }
0xbc: {  	[sflag:s29] =	ssyncadd.s32 $0xFFFFFFFF  }
0xbd: {  	_ =	strace $0x90000048  }
0xbe: {  	_ =	sfence  }
0xbf: {  	s30 =	sld [smem:$0x0];
	_ =	sdelay $0x2  }
0xc0: {  	s31 =	sshll.u32 s1, $0xD;
	s1 =	sshrl.u32 s1, $0x2  }
0xc1: {  	s3 =	sand.u32 $0x4000, s31;
	s1 =	sadd.s32 s1, s30  }
0xc2: {  	s0 =	sor.u32 s3, s0;
	s1 =	sshll.u32 s1, $0x11  }
0xc3: {  	s0 =	sor.u32 s1, s0  }
0xc4: {  	s0 =	sadd.s32 $0x8F2B, s0  }
0xc5: {  	[sflag:s0] =	ssyncadd.remote.s32 $0x1  }
0xc6: {  	_ =	sfence.sel $0xFFFF  }
0xc7: {  	[dreg:$0x0] =	wrdreg $0xFFFFFFFF;
	(pc) =	sbr.abs _section_cstart, $3  }
0xc8: {  	[dreg:$0x1] =	wrdreg $0xFFFFFFFF  }
0xc9: {  	_ =	task.clear_ibuf [dreg:s8], $0x2FFFF;
	_ =	strace $0x9FFFFFFF  }
0xca: {  	(tm) =	ssettm $0x7FFFFFFF  }
0xcb: {  	_ =	shalt  }
tec
execute0_lowered:
.L_overlay_start_1:
0x0: {  	(tag) =	ssettag $0x1  }
0x1: {  	s1 =	rddreg [dreg:$0x0]  }
0x2: {  	s0 =	rddreg [dreg:$0x1]  }
0x3: {  	s3 =	rddreg [dreg:$0x3]  }
0x4: {  	s4 =	srdreg.scid;
	s5 =	simm.s32 $0x0;
	s2 =	stileid.u32  }
0x5: {  	s16 =	simm.s32 $0x9800;
	s17 =	simm.s32 $0x1000;
	s18 =	simm.s32 $0x50  }
0x6: {  	s19 =	simm.s32 $0x2000;
	s28 =	simm.s32 $0x1C00;
	s29 =	simm.s32 $0x400  }
0x7: {  	s30 =	simm.s32 $0x0;
	s9 =	sand.u32 $0x1, s4;
	[smem:$0x7FF] =	sst s5  }
0x8: {  	s12 =	smul.u32 $0x14000, s2;
	s7 =	sadd.s32 $0x2600, s0;
	s14 =	sshll.u32 s2, $0x7  }
0x9: {  	s21 =	smul.u32 $0x50000, s2;
	s31 =	sshll.u32 s2, $0x6;
	s6 =	sshll.u32 s9, $0x4  }
0xa: {  	_ =	strace $0x80000047;
	s10 =	smul.u32 $0x140000, s9;
	s20 =	sand.u32 $0x380, s14  }
0xb: {  	s9 =	ssub.s32 $0x2, s9;
	s11 =	sor.u32 s2, s6;
	s6 =	sadd.s32 $0x16600, s0  }
0xc: {  	s24 =	sshrl.u32 s9, $0x1;
	s25 =	sshrl.u32 s21, $0x2;
	s21 =	simm.s32 $0x4800  }
0xd: {  	s8 =	sshrl.u32 s11, $0x3;
	s10 =	sadd.s32 s12, s10;
	s26 =	ssub.s32 s9, s24  }
0xe: {  	s15 =	sadd.s32 s25, s3;
	s9 =	sor.u32 $0x1C04, s31;
	s24 =	simm.s32 $0x1  }
0xf: {  	s25 =	simm.s32 $0x2;
	s13 =	smul.u32 $0x14000, s8;
	s8 =	sadd.s32 $0x2A600, s0  }
0x10: {  	s10 =	sshrl.u32 s10, $0x3;
	s14 =	sshrl.u32 s15, $0x3;
	s15 =	simm.s32 $0x4  }
0x11: {  	s22 =	sadd.s32 s10, s0;
	s10 =	smul.u32 $0x5000, s11;
	s12 =	sor.u32 s20, s13  }
0x12: {  	s11 =	sadd.s32 $0x2CE00, s22;
	s13 =	smax.u32 s26, $0x1;
	s23 =	sshrl.u32 s12, $0x3  }
0x13: {  	s20 =	simm.s32 $0x80;
	s22 =	simm.s32 $0x100;
	s0 =	sadd.s32 s23, s0  }
0x14: {  	v0 =	vimm.f32 $1.000000000e+00;
	s26 =	simm.s32 $0x3;
	s23 =	simm.s32 $0x7000;
	s12 =	sadd.s32 $0x7CE00, s0  }
.LBB2_1:
0x15: {  	[spmem:s14], [sflag:s9] =	dma.local [hbm:s8], $0x2800  }
0x16: {  	_ =	swait.ge [sflag:s15], $0x2800  }
0x17: {  	[sflag:s15] =	ssyncset.done $0x0  }
0x18: {  	[sflag:s15] =	ssyncadd.s32 $0xFFFFD800  }
0x19: {  	s0 =	rddreg [dreg:$0x2]  }
0x1a: {  	[tilespmem:s16], [sflag:$0x4] =	stream.linear.gather [hbm4b:s0+s5], $0x2800, $0x38;
	v63 =	vld [tilespmem:$0x0]  }
0x1b: {  	_ =	swait.ge [sflag:s15], $0x2800  }
0x1c: {  	[sflag:s15] =	ssyncset.done $0x0  }
0x1d: {  	[sflag:s15] =	ssyncadd.s32 $0xFFFFD800  }
0x1e: {  	s31 =	simm.s32 $0x0;
	[bflag:$0x0] =	sbarrier.arrive $0xFFFF  }
.LBB2_2:
0x1f: {  	s0 =	sshll.u32 s31, $0xC  }
0x20: {  	s0 =	sadd.s32 s10, s0  }
0x21: {  	s4 =	sshrl.u32 s0, $0x3  }
0x22: {  	s0 =	simm.s32 $0x0;
	s2 =	sadd.s32 s6, s4  }
0x23: {  	[tilespmem:s0], [sflag:$0x4] =	stream.linear.gather [hbm4b:s2+s0], $0xC80, $0x38;
	v63 =	vld [tilespmem:$0x0]  }
0x24: {  	_ =	swait.ge [sflag:s15], $0xC80  }
0x25: {  	[sflag:s15] =	ssyncset.done $0x0  }
0x26: {  	s4 =	sadd.s32 s7, s4;
	[sflag:s15] =	ssyncadd.s32 $0xFFFFF380  }
0x27: {  	[tilespmem:s17], [sflag:$0x4] =	stream.linear.gather [hbm4b:s4+s0], $0xC80, $0x38;
	v63 =	vld [tilespmem:$0x0]  }
0x28: {  	_ =	swait.ge [sflag:s15], $0xC80  }
0x29: {  	[sflag:s15] =	ssyncset.done $0x0  }
0x2a: {  	[sflag:s15] =	ssyncadd.s32 $0xFFFFF380  }
0x2b: {  	[tilespmem:s19], [sflag:$0x1] =	stream.indirect.gather [hbm4b:s1+s18], $0x80, s0, s18, $0xb8;
	v63 =	vld [tilespmem:$0x0]  }
0x2c: {  	_ = 	snop  }
0x2d: {  	[tilespmem:s21], [sflag:$0x2] =	stream.indirect.gather [hbm4b:s1+s18], $0x80, s20, s18, $0xb8;
	v63 =	vld [tilespmem:$0x0]  }
0x2e: {  	_ = 	snop  }
0x2f: {  	[tilespmem:s23], [sflag:$0x3] =	stream.indirect.gather [hbm4b:s1+s18], $0x80, s22, s18, $0xb8;
	v63 =	vld [tilespmem:$0x0]  }
.LBB2_3:
0x30: {  	_ =	swait.ge [sflag:s24], $0x2800  }
0x31: {  	[sflag:s24] =	ssyncset.done $0x0  }
0x32: {  	s2 =	sshra.s32 s0, $0x2;
	[sflag:s24] =	ssyncadd.s32 $0xFFFFD800  }
0x33: {  	v1 =	vld [tilespmem:s2+$0x1000];
	_ =	sdelay $0x7  }
0x34: {  	[tilespmem:v1+s16+$0x0] =	vst.idx.add.f32.msk $0xffff, v0  }
0x35: {  	v1 =	vld [tilespmem:s2+$0x1010];
	_ =	sdelay $0x7  }
0x36: {  	[tilespmem:v1+s16+$0x0] =	vst.idx.add.f32.msk $0xffff, v0  }
0x37: {  	v1 =	vld [tilespmem:s2+$0x1020];
	_ =	sdelay $0x7  }
0x38: {  	[tilespmem:v1+s16+$0x0] =	vst.idx.add.f32.msk $0xffff, v0  }
0x39: {  	v1 =	vld [tilespmem:s2+$0x1030];
	_ =	sdelay $0x7  }
0x3a: {  	[tilespmem:v1+s16+$0x0] =	vst.idx.add.f32.msk $0xffff, v0  }
0x3b: {  	v1 =	vld [tilespmem:s2+$0x1040];
	_ =	sdelay $0x7  }
0x3c: {  	s4 =	sadd.s32 $0x1000, s2;
	[tilespmem:v1+s16+$0x0] =	vst.idx.add.f32.msk $0xffff, v0  }
0x3d: {  	[spmem:s3] =	stream.indirect.scatter.add.f32 [tilespmem:s19], [sflag:$0x4], $0x80, s4, s18, $0xb8;
	v63 =	vld [tilespmem:$0x0]  }
0x3e: {  	_ =	swait.ge [sflag:s15], $0x2800  }
0x3f: {  	[sflag:s15] =	ssyncset.done $0x0  }
0x40: {  	s4 =	sadd.s32 $0x180, s2;
	[sflag:s15] =	ssyncadd.s32 $0xFFFFD800  }
0x41: {  	[tilespmem:s19], [sflag:$0x1] =	stream.indirect.gather [hbm4b:s1+s18], $0x80, s4, s18, $0xb8;
	v63 =	vld [tilespmem:$0x0]  }
0x42: {  	_ =	swait.ge [sflag:s25], $0x2800  }
0x43: {  	[sflag:s25] =	ssyncset.done $0x0  }
0x44: {  	[sflag:s25] =	ssyncadd.s32 $0xFFFFD800  }
0x45: {  	v1 =	vld [tilespmem:s2+$0x1080];
	_ =	sdelay $0x7  }
0x46: {  	[tilespmem:v1+s16+$0x0] =	vst.idx.add.f32.msk $0xffff, v0  }
0x47: {  	v1 =	vld [tilespmem:s2+$0x1090];
	_ =	sdelay $0x7  }
0x48: {  	[tilespmem:v1+s16+$0x0] =	vst.idx.add.f32.msk $0xffff, v0  }
0x49: {  	v1 =	vld [tilespmem:s2+$0x10A0];
	_ =	sdelay $0x7  }
0x4a: {  	[tilespmem:v1+s16+$0x0] =	vst.idx.add.f32.msk $0xffff, v0  }
0x4b: {  	v1 =	vld [tilespmem:s2+$0x10B0];
	_ =	sdelay $0x7  }
0x4c: {  	[tilespmem:v1+s16+$0x0] =	vst.idx.add.f32.msk $0xffff, v0  }
0x4d: {  	v1 =	vld [tilespmem:s2+$0x10C0];
	_ =	sdelay $0x7  }
0x4e: {  	s4 =	sadd.s32 $0x1080, s2;
	[tilespmem:v1+s16+$0x0] =	vst.idx.add.f32.msk $0xffff, v0  }
0x4f: {  	[spmem:s3] =	stream.indirect.scatter.add.f32 [tilespmem:s21], [sflag:$0x4], $0x80, s4, s18, $0xb8;
	v63 =	vld [tilespmem:$0x0]  }
0x50: {  	_ =	swait.ge [sflag:s15], $0x2800  }
0x51: {  	[sflag:s15] =	ssyncset.done $0x0  }
0x52: {  	s4 =	sadd.s32 $0x200, s2;
	[sflag:s15] =	ssyncadd.s32 $0xFFFFD800  }
0x53: {  	[tilespmem:s21], [sflag:$0x2] =	stream.indirect.gather [hbm4b:s1+s18], $0x80, s4, s18, $0xb8;
	v63 =	vld [tilespmem:$0x0]  }
0x54: {  	_ =	swait.ge [sflag:s26], $0x2800  }
0x55: {  	[sflag:s26] =	ssyncset.done $0x0  }
0x56: {  	[sflag:s26] =	ssyncadd.s32 $0xFFFFD800  }
0x57: {  	v1 =	vld [tilespmem:s2+$0x1100];
	_ =	sdelay $0x7  }
0x58: {  	[tilespmem:v1+s16+$0x0] =	vst.idx.add.f32.msk $0xffff, v0  }
0x59: {  	v1 =	vld [tilespmem:s2+$0x1110];
	_ =	sdelay $0x7  }
0x5a: {  	[tilespmem:v1+s16+$0x0] =	vst.idx.add.f32.msk $0xffff, v0  }
0x5b: {  	v1 =	vld [tilespmem:s2+$0x1120];
	_ =	sdelay $0x7  }
0x5c: {  	[tilespmem:v1+s16+$0x0] =	vst.idx.add.f32.msk $0xffff, v0  }
0x5d: {  	v1 =	vld [tilespmem:s2+$0x1130];
	_ =	sdelay $0x7  }
0x5e: {  	[tilespmem:v1+s16+$0x0] =	vst.idx.add.f32.msk $0xffff, v0  }
0x5f: {  	v1 =	vld [tilespmem:s2+$0x1140];
	_ =	sdelay $0x6  }
0x60: {  	s0 =	sadd.s32 $0x600, s0  }
0x61: {  	p0 =	sne.s32 s0, $0x2A00;
	s4 =	sadd.s32 $0x1100, s2;
	[tilespmem:v1+s16+$0x0] =	vst.idx.add.f32.msk $0xffff, v0  }
0x62: {  	[spmem:s3] =	stream.indirect.scatter.add.f32 [tilespmem:s23], [sflag:$0x4], $0x80, s4, s18, $0xb8;
	v63 =	vld [tilespmem:$0x0]  }
.Ltmp0:
0x63: {  	_ = 	snop;
	(pc) =	sbr.rel @p0 .LBB2_3-.Ltmp0, $4  }
0x64: {  	_ =	swait.ge [sflag:s15], $0x2800  }
0x65: {  	[sflag:s15] =	ssyncset.done $0x0  }
0x66: {  	s2 =	sadd.s32 $0x280, s2;
	[sflag:s15] =	ssyncadd.s32 $0xFFFFD800  }
0x67: {  	[tilespmem:s23], [sflag:$0x3] =	stream.indirect.gather [hbm4b:s1+s18], $0x80, s2, s18, $0xb8;
	v63 =	vld [tilespmem:$0x0]  }
0x68: {  	_ =	swait.ge [sflag:s24], $0x2800  }
0x69: {  	[sflag:s24] =	ssyncset.done $0x0  }
0x6a: {  	s0 =	sshra.s32 s0, $0x2;
	[sflag:s24] =	ssyncadd.s32 $0xFFFFD800  }
0x6b: {  	v1 =	vld [tilespmem:s0+$0x1000];
	_ =	sdelay $0x7  }
0x6c: {  	[tilespmem:v1+s16+$0x0] =	vst.idx.add.f32.msk $0xffff, v0  }
0x6d: {  	v1 =	vld [tilespmem:s0+$0x1010];
	_ =	sdelay $0x7  }
0x6e: {  	[tilespmem:v1+s16+$0x0] =	vst.idx.add.f32.msk $0xffff, v0  }
0x6f: {  	v1 =	vld [tilespmem:s0+$0x1020];
	_ =	sdelay $0x7  }
0x70: {  	[tilespmem:v1+s16+$0x0] =	vst.idx.add.f32.msk $0xffff, v0  }
0x71: {  	v1 =	vld [tilespmem:s0+$0x1030];
	_ =	sdelay $0x7  }
0x72: {  	[tilespmem:v1+s16+$0x0] =	vst.idx.add.f32.msk $0xffff, v0  }
0x73: {  	v1 =	vld [tilespmem:s0+$0x1040];
	_ =	sdelay $0x7  }
0x74: {  	s2 =	sadd.s32 $0x1000, s0;
	[tilespmem:v1+s16+$0x0] =	vst.idx.add.f32.msk $0xffff, v0  }
0x75: {  	[spmem:s3] =	stream.indirect.scatter.add.f32 [tilespmem:s19], [sflag:$0x4], $0x80, s2, s18, $0xb8;
	v63 =	vld [tilespmem:$0x0]  }
0x76: {  	_ =	swait.ge [sflag:s15], $0x2800  }
0x77: {  	[sflag:s15] =	ssyncset.done $0x0  }
0x78: {  	s4 =	sadd.s32 $0x180, s0;
	[sflag:s15] =	ssyncadd.s32 $0xFFFFD800  }
0x79: {  	[tilespmem:s19], [sflag:$0x1] =	stream.indirect.gather [hbm4b:s1+s18], $0x80, s4, s18, $0xb8;
	v63 =	vld [tilespmem:$0x0]  }
0x7a: {  	_ =	swait.ge [sflag:s25], $0x2800  }
0x7b: {  	[sflag:s25] =	ssyncset.done $0x0  }
0x7c: {  	[sflag:s25] =	ssyncadd.s32 $0xFFFFD800  }
0x7d: {  	v1 =	vld [tilespmem:s0+$0x1080];
	_ =	sdelay $0x7  }
0x7e: {  	[tilespmem:v1+s16+$0x0] =	vst.idx.add.f32.msk $0xffff, v0  }
0x7f: {  	v1 =	vld [tilespmem:s0+$0x1090];
	_ =	sdelay $0x7  }
0x80: {  	[tilespmem:v1+s16+$0x0] =	vst.idx.add.f32.msk $0xffff, v0  }
0x81: {  	v1 =	vld [tilespmem:s0+$0x10A0];
	_ =	sdelay $0x7  }
0x82: {  	[tilespmem:v1+s16+$0x0] =	vst.idx.add.f32.msk $0xffff, v0  }
0x83: {  	v1 =	vld [tilespmem:s0+$0x10B0];
	_ =	sdelay $0x7  }
0x84: {  	[tilespmem:v1+s16+$0x0] =	vst.idx.add.f32.msk $0xffff, v0  }
0x85: {  	v1 =	vld [tilespmem:s0+$0x10C0];
	_ =	sdelay $0x7  }
0x86: {  	s4 =	sadd.s32 $0x1080, s0;
	[tilespmem:v1+s16+$0x0] =	vst.idx.add.f32.msk $0xffff, v0  }
0x87: {  	[spmem:s3] =	stream.indirect.scatter.add.f32 [tilespmem:s21], [sflag:$0x4], $0x80, s4, s18, $0xb8;
	v63 =	vld [tilespmem:$0x0]  }
0x88: {  	_ =	swait.ge [sflag:s15], $0x2800  }
0x89: {  	[sflag:s15] =	ssyncset.done $0x0  }
0x8a: {  	[sflag:s15] =	ssyncadd.s32 $0xFFFFD800  }
0x8b: {  	_ =	swait.ge [sflag:s26], $0x2800  }
0x8c: {  	[sflag:s26] =	ssyncset.done $0x0  }
0x8d: {  	[sflag:s26] =	ssyncadd.s32 $0xFFFFD800  }
0x8e: {  	v1 =	vld [tilespmem:s0+$0x1100];
	_ =	sdelay $0x7  }
0x8f: {  	[tilespmem:v1+s16+$0x0] =	vst.idx.add.f32.msk $0xffff, v0  }
0x90: {  	v1 =	vld [tilespmem:s0+$0x1110];
	_ =	sdelay $0x7  }
0x91: {  	[tilespmem:v1+s16+$0x0] =	vst.idx.add.f32.msk $0xffff, v0  }
0x92: {  	v1 =	vld [tilespmem:s0+$0x1120];
	_ =	sdelay $0x7  }
0x93: {  	[tilespmem:v1+s16+$0x0] =	vst.idx.add.f32.msk $0xffff, v0  }
0x94: {  	v1 =	vld [tilespmem:s0+$0x1130];
	_ =	sdelay $0x7  }
0x95: {  	[tilespmem:v1+s16+$0x0] =	vst.idx.add.f32.msk $0xffff, v0  }
0x96: {  	v1 =	vld [tilespmem:s0+$0x1140];
	_ =	sdelay $0x7  }
0x97: {  	s0 =	sadd.s32 $0x1100, s0;
	[tilespmem:v1+s16+$0x0] =	vst.idx.add.f32.msk $0xffff, v0  }
0x98: {  	[spmem:s3] =	stream.indirect.scatter.add.f32 [tilespmem:s23], [sflag:$0x4], $0x80, s0, s18, $0xb8;
	v63 =	vld [tilespmem:$0x0]  }
0x99: {  	_ =	swait.ge [sflag:s15], $0x2800  }
0x9a: {  	[sflag:s15] =	ssyncset.done $0x0  }
0x9b: {  	[sflag:s15] =	ssyncadd.s32 $0xFFFFD800  }
0x9c: {  	_ =	swait.ge [sflag:s24], $0x2800  }
0x9d: {  	[sflag:s24] =	ssyncset.done $0x0  }
0x9e: {  	[sflag:s24] =	ssyncadd.s32 $0xFFFFD800  }
0x9f: {  	v1 =	vld [tilespmem:$0x1C00];
	_ =	sdelay $0x7  }
0xa0: {  	[tilespmem:v1+s16+$0x0] =	vst.idx.add.f32.msk $0xffff, v0  }
0xa1: {  	v1 =	vld [tilespmem:$0x1C10];
	_ =	sdelay $0x7  }
0xa2: {  	[tilespmem:v1+s16+$0x0] =	vst.idx.add.f32.msk $0xffff, v0  }
0xa3: {  	v1 =	vld [tilespmem:$0x1C20];
	_ =	sdelay $0x7  }
0xa4: {  	[tilespmem:v1+s16+$0x0] =	vst.idx.add.f32.msk $0xffff, v0  }
0xa5: {  	v1 =	vld [tilespmem:$0x1C30];
	_ =	sdelay $0x7  }
0xa6: {  	[tilespmem:v1+s16+$0x0] =	vst.idx.add.f32.msk $0xffff, v0  }
0xa7: {  	v1 =	vld [tilespmem:$0x1C40];
	_ =	sdelay $0x5  }
0xa8: {  	s31 =	sadd.s32 $0x1, s31  }
0xa9: {  	p0 =	sne.s32 s31, $0x5  }
.Ltmp1:
0xaa: {  	[tilespmem:v1+s16+$0x0] =	vst.idx.add.f32.msk $0xffff, v0;
	(pc) =	sbr.rel @p0 .LBB2_2-.Ltmp1, $4  }
0xab: {  	[spmem:s3] =	stream.indirect.scatter.add.f32 [tilespmem:s19], [sflag:$0x4], $0x80, s28, s18, $0xb8;
	v63 =	vld [tilespmem:$0x0]  }
0xac: {  	_ =	swait.ge [sflag:s15], $0x2800  }
0xad: {  	[sflag:s15] =	ssyncset.done $0x0  }
0xae: {  	[sflag:s15] =	ssyncadd.s32 $0xFFFFD800  }
0xaf: {  	[bflag:$0x0] =	sbarrier.arrive $0xFFFF  }
0xb0: {  	[hbm:s11], [sflag:s9] =	dma.local [spmem:s14], $0x2800  }
0xb1: {  	s30 =	sadd.s32 $0x1, s30;
	_ =	swait.ge [sflag:s15], $0x2800  }
0xb2: {  	p0 =	sne.s32 s30, s13;
	[sflag:s15] =	ssyncset.done $0x0  }
.Ltmp2:
0xb3: {  	[sflag:s15] =	ssyncadd.s32 $0xFFFFD800;
	(pc) =	sbr.rel @p0 .LBB2_1-.Ltmp2, $4  }
0xb4: {  	[hbm4b:s12+s20] =	stream.strided.scatter [tilespmem:s16], [sflag:$0x4], $0x2800, s29, s20, $0x38;
	v63 =	vld [tilespmem:$0x0]  }
0xb5: {  	_ =	swait.ge [sflag:s15], $0x2800  }
0xb6: {  	[sflag:s15] =	ssyncset.done $0x0  }
0xb7: {  	[sflag:s15] =	ssyncadd.s32 $0xFFFFD800  }
0xb8: {  	_ =	sfence.sel $0x180000  }
0xb9: {  	[bflag:$0x0] =	sbarrier.arrive $0xFFFF  }
0xba: {  	_ =	strace $0x90000047  }
0xbb: {  	s0 =	stileid.u32;
	[bflag:$0x2] =	sbarrier.arrive $0xFFFF  }
0xbc: {  	p0 =	sne.s32 s0, $0x0;
	s0 =	rddreg [dreg:$0x4]  }
0xbd: {  	s0 =	sadd.s32 @!p0 $0x100000, s0  }
0xbe: {  	[sflag:s0] =	ssyncadd.tile.s32 @!p0 $0x1;
	_ =	shalt  }
.Lfunc_end2:
_tile_overlayer_lowered:
.L_overlay_start_2:
0xbf: {  	(tag) =	ssettag $0x2  }
0xc0: {  	s0 =	rddreg [dreg:$0x0];
	s2 =	stileid.u32  }
0xc1: {  	s1 =	rddreg [dreg:$0x1];
	p0 =	sne.s32 s2, $0x0  }
0xc2: {  	s3 =	rddreg [dreg:$0x2];
	[bflag:$0x3] =	sbarrier.arrive $0xFFFF;
	s2 =	simm.s32 @!p0 $0x1C04  }
0xc3: {  	[timem:s3], [sflag:s2] =	dma.local @!p0 [hbm:s0], s1  }
0xc4: {  	s0 =	simm.s32 @!p0 $0x4  }
0xc5: {  	_ =	swait.ge @!p0 [sflag:s0], s1  }
0xc6: {  	s1 =	ssub.s32 @!p0 $0x0, s1;
	[sflag:s0] =	ssyncset.done @!p0 $0x0  }
0xc7: {  	[sflag:s0] =	ssyncadd.s32 @!p0 s1  }
0xc8: {  	[bflag:$0x3] =	sbarrier.arrive $0xFFFF  }
0xc9: {  	_ =	shalt  }

</sc_bundles>
